<compile_context>
chip_gen: v7x
topology: tpu7x:2x2x1
jax: 0.10.2.dev20260603
libtpu: 0.0.44.dev20260713+nightly
codegen_flags: <defaults>
</compile_context>

<pallas_src>
import functools

import jax
import jax.numpy as jnp
from jax import lax
from jax.experimental import pallas as pl
from jax.experimental.pallas import tpu as pltpu
from jax.experimental.pallas import tpu_sc as plsc

N = 10000
D = 128
H = D // 2
NPAD = 10240
ZROW = 10000
TRASH = 10200
E = 320000
EPAD = 327680
CHUNK = 128
NROWS_E = EPAD // CHUNK
NCA = NROWS_E // 16
NCB = NROWS_E // 32
RPT = NPAD // 16

_MESH = plsc.VectorSubcoreMesh(core_axis_name="c", subcore_axis_name="s")


NB = 4


def _edge_sweep(tbl_hbm, idxs, idxd, rows, acc, sems, nchunks):
    ngroups = nchunks // NB
    for b in range(NB):
        pltpu.async_copy(tbl_hbm.at[idxs.at[b]], rows.at[b], sems[b])

    def body(g, carry):
        for b in range(NB):
            j = g * NB + b
            pltpu.make_async_copy(tbl_hbm.at[idxs.at[j]], rows.at[b],
                                  sems[b]).wait()
            pltpu.sync_copy(rows.at[b], acc.at[idxd.at[j]], add=True)
            pltpu.async_copy(tbl_hbm.at[idxs.at[j + NB]], rows.at[b], sems[b])
        return carry
    lax.fori_loop(0, ngroups - 1, body, 0)

    for b in range(NB):
        j = (ngroups - 1) * NB + b
        pltpu.make_async_copy(tbl_hbm.at[idxs.at[j]], rows.at[b],
                              sems[b]).wait()
        pltpu.sync_copy(rows.at[b], acc.at[idxd.at[j]], add=True)


@functools.partial(
    pl.kernel,
    out_type=jax.ShapeDtypeStruct((2, NPAD), jnp.float32),
    mesh=_MESH,
    scratch_types=[
        pltpu.VMEM((NCB, CHUNK), jnp.int32),
        pltpu.VMEM((CHUNK,), jnp.float32),
        pltpu.VMEM((RPT,), jnp.float32),
        pltpu.VMEM_SHARED((NPAD,), jnp.float32),
    ],
)
def _deg_kernel(dst_hbm, out_hbm, idxd, ones, zbuf, deg_sh):
    c = lax.axis_index("c")
    s = lax.axis_index("s")
    w = c * 16 + s

    def fill_ones(i, carry):
        ones[pl.ds(i * 16, 16)] = jnp.full((16,), 1.0, jnp.float32)
        return carry
    lax.fori_loop(0, CHUNK // 16, fill_ones, 0)

    def fill_zeros(i, carry):
        zbuf[pl.ds(i * 16, 16)] = jnp.zeros((16,), jnp.float32)
        return carry
    lax.fori_loop(0, RPT // 16, fill_zeros, 0)

    pltpu.sync_copy(zbuf, deg_sh.at[pl.ds(s * RPT, RPT)])
    pltpu.sync_copy(dst_hbm.at[pl.ds(w * NCB, NCB)], idxd)
    plsc.subcore_barrier()

    def body(j, carry):
        pltpu.sync_copy(ones, deg_sh.at[idxd.at[j]], add=True)
        return carry
    lax.fori_loop(0, NCB, body, 0)

    plsc.subcore_barrier()
    pltpu.sync_copy(deg_sh.at[pl.ds(s * RPT, RPT)],
                    out_hbm.at[c, pl.ds(s * RPT, RPT)])


@functools.partial(
    pl.kernel,
    out_type=jax.ShapeDtypeStruct((2, NPAD, H), jnp.float32),
    mesh=_MESH,
    scratch_types=[
        pltpu.VMEM((NCA, CHUNK), jnp.int32),
        pltpu.VMEM((NCA, CHUNK), jnp.int32),
        pltpu.VMEM((NB, CHUNK, H), jnp.float32),
        pltpu.VMEM_SHARED((NPAD, H), jnp.float32),
        pltpu.SemaphoreType.DMA,
        pltpu.SemaphoreType.DMA,
        pltpu.SemaphoreType.DMA,
        pltpu.SemaphoreType.DMA,
    ],
    compiler_params=pltpu.CompilerParams(use_tc_tiling_on_sc=False),
)
def _sweep_kernel(tbla_hbm, tblb_hbm, src_hbm, dst_hbm, zeros_hbm, out_hbm,
                  idxs, idxd, rows, acc, sem0, sem1, sem2, sem3):
    sems = (sem0, sem1, sem2, sem3)
    c = lax.axis_index("c")
    s = lax.axis_index("s")
    rslc = pl.ds(s * RPT, RPT)
    pltpu.sync_copy(zeros_hbm.at[rslc], acc.at[rslc])
    pltpu.sync_copy(src_hbm.at[pl.ds(s * NCA, NCA)], idxs)
    pltpu.sync_copy(dst_hbm.at[pl.ds(s * NCA, NCA)], idxd)
    plsc.subcore_barrier()

    @pl.when(c == 0)
    def _():
        _edge_sweep(tbla_hbm, idxs, idxd, rows, acc, sems, NCA)

    @pl.when(c == 1)
    def _():
        _edge_sweep(tblb_hbm, idxs, idxd, rows, acc, sems, NCA)

    plsc.subcore_barrier()
    pltpu.sync_copy(acc.at[rslc], out_hbm.at[c, rslc])


BLK = 1024
GRID = NPAD // BLK
_CONTRACT = (((1,), (1,)), ((), ()))


def _tc1_body(lat_ref, cond_ref, wz_ref, wc_ref, d0_ref, d1_ref,
              hs1a_ref, hs1b_ref, hs2a_ref, hs2b_ref, dinv_ref):
    deg = d0_ref[...] + d1_ref[...] + 1.0
    dinv = lax.rsqrt(deg)
    h1 = lax.dot_general(lat_ref[...], wz_ref[...], _CONTRACT,
                         preferred_element_type=jnp.float32) * dinv
    h2 = lax.dot_general(cond_ref[...], wc_ref[...], _CONTRACT,
                         preferred_element_type=jnp.float32) * dinv
    hs1a_ref[...] = h1[:, :H]
    hs1b_ref[...] = h1[:, H:]
    hs2a_ref[...] = h2[:, :H]
    hs2b_ref[...] = h2[:, H:]
    dinv_ref[...] = dinv


_half_out = jax.ShapeDtypeStruct((NPAD, H), jnp.float32)
_half_spec = pl.BlockSpec((BLK, H), lambda i: (i, 0))
_full_spec = pl.BlockSpec((BLK, D), lambda i: (i, 0))
_col_spec = pl.BlockSpec((BLK, 1), lambda i: (i, 0))

_tc1 = pl.pallas_call(
    _tc1_body,
    grid=(GRID,),
    in_specs=[
        _full_spec,
        _full_spec,
        pl.BlockSpec((D, D), lambda i: (0, 0)),
        pl.BlockSpec((D, D), lambda i: (0, 0)),
        _col_spec,
        _col_spec,
    ],
    out_specs=[_half_spec, _half_spec, _half_spec, _half_spec, _col_spec],
    out_shape=[_half_out, _half_out, _half_out, _half_out,
               jax.ShapeDtypeStruct((NPAD, 1), jnp.float32)],
)


def _tc2_body(za_ref, zb_ref, ca_ref, cb_ref, hs1a_ref, hs1b_ref,
              hs2a_ref, hs2b_ref, dinv_ref, bz_ref, bc_ref, wo_ref,
              hs3a_ref, hs3b_ref):
    dinv = dinv_ref[...]
    accz = jnp.concatenate([za_ref[...] + hs1a_ref[...],
                            zb_ref[...] + hs1b_ref[...]], axis=1)
    accc = jnp.concatenate([ca_ref[...] + hs2a_ref[...],
                            cb_ref[...] + hs2b_ref[...]], axis=1)
    z2h = jnp.tanh(accz * dinv + bz_ref[...])
    c2h = jnp.tanh(accc * dinv + bc_ref[...])
    wo = wo_ref[...]
    h3 = (lax.dot_general(z2h, wo[:, :D], _CONTRACT,
                          preferred_element_type=jnp.float32)
          + lax.dot_general(c2h, wo[:, D:], _CONTRACT,
                            preferred_element_type=jnp.float32)) * dinv
    hs3a_ref[...] = h3[:, :H]
    hs3b_ref[...] = h3[:, H:]


_tc2 = pl.pallas_call(
    _tc2_body,
    grid=(GRID,),
    in_specs=[
        _half_spec, _half_spec, _half_spec, _half_spec,
        _half_spec, _half_spec, _half_spec, _half_spec,
        _col_spec,
        pl.BlockSpec((1, D), lambda i: (0, 0)),
        pl.BlockSpec((1, D), lambda i: (0, 0)),
        pl.BlockSpec((D, 2 * D), lambda i: (0, 0)),
    ],
    out_specs=[_half_spec, _half_spec],
    out_shape=[_half_out, _half_out],
)


def _tc3_body(oa_ref, ob_ref, hs3a_ref, hs3b_ref, dinv_ref, bo_ref, out_ref):
    dinv = dinv_ref[...]
    acc = jnp.concatenate([oa_ref[...] + hs3a_ref[...],
                           ob_ref[...] + hs3b_ref[...]], axis=1)
    out_ref[...] = acc * dinv + bo_ref[...]


_tc3 = pl.pallas_call(
    _tc3_body,
    grid=(GRID,),
    in_specs=[
        _half_spec, _half_spec, _half_spec, _half_spec,
        _col_spec,
        pl.BlockSpec((1, D), lambda i: (0, 0)),
    ],
    out_specs=_full_spec,
    out_shape=jax.ShapeDtypeStruct((NPAD, D), jnp.float32),
)


def kernel(latent, condition, edge_index, Wz, bz, Wc, bc, Wo, bo):
    ei = edge_index.astype(jnp.int32)
    src2d = jnp.concatenate(
        [ei[0], jnp.full((EPAD - E,), ZROW, jnp.int32)]).reshape(NROWS_E, CHUNK)
    dst2d = jnp.concatenate(
        [ei[1], jnp.full((EPAD - E,), TRASH, jnp.int32)]).reshape(NROWS_E, CHUNK)
    latp = jnp.pad(latent, ((0, NPAD - N), (0, 0)))
    condp = jnp.pad(condition, ((0, NPAD - N), (0, 0)))
    zeros_nh = jnp.zeros((NPAD, H), jnp.float32)

    degp = _deg_kernel(dst2d)
    d0 = degp[0].reshape(NPAD, 1)
    d1 = degp[1].reshape(NPAD, 1)

    hs1a, hs1b, hs2a, hs2b, dinv = _tc1(latp, condp, Wz, Wc, d0, d1)
    accZ = _sweep_kernel(hs1a, hs1b, src2d, dst2d, zeros_nh)
    accC = _sweep_kernel(hs2a, hs2b, src2d, dst2d, zeros_nh)
    hs3a, hs3b = _tc2(accZ[0], accZ[1], accC[0], accC[1],
                      hs1a, hs1b, hs2a, hs2b, dinv,
                      bz.reshape(1, D), bc.reshape(1, D), Wo)
    accO = _sweep_kernel(hs3a, hs3b, src2d, dst2d, zeros_nh)
    out = _tc3(accO[0], accO[1], hs3a, hs3b, dinv, bo.reshape(1, D))
    return out[:N]

# --- scband reference (transcript-rebuilt; emitter-appended) ---
"""Pipeline reference for scband-separate-hidden-pradadecoder-369367188155 (READ-ONLY COPY).

The authoritative reference and input builder live on the scoring server;
editing this copy changes nothing except your own understanding.
"""

import jax, jax.numpy as jnp
import numpy as np

N_NODES = 10000
N_EDGES = 320000
LATENT_DIM = 128
COND_DIM = 128
HIDDEN_DIM = 128
OUT_DIM = 128


def glorot(key, shape):
    fan_in, fan_out = shape[1], shape[0]
    limit = jnp.sqrt(6.0 / (fan_in + fan_out))
    return jax.random.uniform(key, shape, minval=-limit, maxval=limit, dtype=jnp.float32)


def setup_inputs(seed: int = 0) -> dict:
    key = jax.random.key(seed)
    ks = jax.random.split(key, 10)
    latent = jax.random.normal(ks[0], (N_NODES, LATENT_DIM), dtype=jnp.float32)
    condition = jax.random.normal(ks[1], (N_NODES, COND_DIM), dtype=jnp.float32)
    edge_index = jax.random.randint(ks[2], (2, N_EDGES), 0, N_NODES, dtype=jnp.int64)
    # GCNConv params (PyG convention: lin.weight is [out, in], bias [out])
    Wz = glorot(ks[3], (HIDDEN_DIM, LATENT_DIM))
    bz = jnp.zeros((HIDDEN_DIM,), dtype=jnp.float32)
    Wc = glorot(ks[4], (HIDDEN_DIM, COND_DIM))
    bc = jnp.zeros((HIDDEN_DIM,), dtype=jnp.float32)
    Wo = glorot(ks[5], (OUT_DIM, 2 * HIDDEN_DIM))
    bo = jnp.zeros((OUT_DIM,), dtype=jnp.float32)
    return {"latent": latent, "condition": condition, "edge_index": edge_index,
            "Wz": Wz, "bz": bz, "Wc": Wc, "bc": bc, "Wo": Wo, "bo": bo}


def gcn_conv(x, src, dst, norm, W, b, num_nodes):
    # x' = W x  (lin), then propagate: out[dst] += norm * x'[src], then + bias
    h = x @ W.T
    msg = h[src] * norm[:, None]
    out = jnp.zeros((num_nodes, h.shape[1]), dtype=h.dtype).at[dst].add(msg)
    return out + b


def _norm_and_loops(edge_index, num_nodes):
    # add_self_loops=True + symmetric gcn_norm (deg^-0.5 on both ends)
    loop = jnp.arange(num_nodes, dtype=edge_index.dtype)
    src = jnp.concatenate([edge_index[0], loop])
    dst = jnp.concatenate([edge_index[1], loop])
    deg = jnp.zeros((num_nodes,), dtype=jnp.float32).at[dst].add(1.0)
    deg_inv_sqrt = jnp.where(deg > 0, 1.0 / jnp.sqrt(deg), 0.0)
    norm = deg_inv_sqrt[src] * deg_inv_sqrt[dst]
    return src, dst, norm


def reference(latent, condition, edge_index, Wz, bz, Wc, bc, Wo, bo):
    num_nodes = latent.shape[0]
    src, dst, norm = _norm_and_loops(edge_index, num_nodes)
    z2h = jnp.tanh(gcn_conv(latent, src, dst, norm, Wz, bz, num_nodes))
    c2h = jnp.tanh(gcn_conv(condition, src, dst, norm, Wc, bc, num_nodes))
    h = jnp.concatenate([z2h, c2h], axis=1)
    out = gcn_conv(h, src, dst, norm, Wo, bo, num_nodes)
    return out

if __name__ == "__main__":
    import jax
    _d = setup_inputs()
    print(jax.jit(kernel)(*tuple(_d.values())))

</pallas_src>

<mosaic_0001>
#map = affine_map<(d0, d1) -> (0, 0)>
#map1 = affine_map<(d0, d1) -> (0, 0, 0)>
module attributes {stable_mosaic.version = 14 : i64} {
  func.func @_sweep_kernel(%arg0: i32, %arg1: i32, %arg2: memref<10240x64xf32, #tpu.memory_space<hbm>>, %arg3: memref<10240x64xf32, #tpu.memory_space<hbm>>, %arg4: memref<2560x128xi32, #tpu.memory_space<hbm>>, %arg5: memref<2560x128xi32, #tpu.memory_space<hbm>>, %arg6: memref<10240x64xf32, #tpu.memory_space<hbm>>, %arg7: memref<2x10240x64xf32, #tpu.memory_space<hbm>>, %arg8: memref<160x128xi32, #tpu.memory_space<vmem>>, %arg9: memref<160x128xi32, #tpu.memory_space<vmem>>, %arg10: memref<4x128x64xf32, #tpu.memory_space<vmem>>, %arg11: memref<10240x64xf32, #tpu.memory_space<vmem_shared>>, %arg12: memref<!tpu.dma_semaphore, #tpu.memory_space<semaphore_mem>>, %arg13: memref<!tpu.dma_semaphore, #tpu.memory_space<semaphore_mem>>, %arg14: memref<!tpu.dma_semaphore, #tpu.memory_space<semaphore_mem>>, %arg15: memref<!tpu.dma_semaphore, #tpu.memory_space<semaphore_mem>>) attributes {dimension_semantics = [#tpu.dimension_semantics<core_parallel>, #tpu.dimension_semantics<subcore_parallel>], iteration_bounds = array<i64: 2, 16>, scalar_prefetch = 0 : i64, scratch_operands = 8 : i64, tpu.core_type = #tpu.core_type<sc_vector_subcore>, window_params = [{transform_indices = #map}, {transform_indices = #map}, {transform_indices = #map}, {transform_indices = #map}, {transform_indices = #map}, {transform_indices = #map1}]} {
    %mul3A = arith.constant 640 : i32
    %mul3A_0 = arith.muli %arg1, %mul3A : i32
    "tpu.region"() ({
      %run_scoped3A = tpu.sem_alloc : memref<!tpu.dma_semaphore, #tpu.memory_space<semaphore_mem>>
      %dma_start3A = arith.constant 0 : i32
      %dma_start3A_13 = tpu.memref_slice %arg11[%mul3A_0, %dma_start3A] : memref<10240x64xf32, #tpu.memory_space<vmem_shared>> -> memref<640x64xf32, #tpu.memory_space<vmem_shared>>
      %dma_start3A_14 = arith.constant 0 : i32
      %dma_start3A_15 = tpu.memref_slice %arg6[%mul3A_0, %dma_start3A_14] : memref<10240x64xf32, #tpu.memory_space<hbm>> -> memref<640x64xf32, #tpu.memory_space<hbm>>
      tpu.enqueue_dma source(%dma_start3A_15 : memref<640x64xf32, #tpu.memory_space<hbm>>) target(%dma_start3A_13 : memref<640x64xf32, #tpu.memory_space<vmem_shared>>) target_semaphore(%run_scoped3A : memref<!tpu.dma_semaphore, #tpu.memory_space<semaphore_mem>>)
      %dma_wait3A = arith.constant 0 : i32
      %dma_wait3A_16 = tpu.memref_slice %arg11[%mul3A_0, %dma_wait3A] : memref<10240x64xf32, #tpu.memory_space<vmem_shared>> -> memref<640x64xf32, #tpu.memory_space<vmem_shared>>
      %dma_wait3A_17 = arith.constant 0 : i32
      %dma_wait3A_18 = tpu.memref_slice %arg6[%mul3A_0, %dma_wait3A_17] : memref<10240x64xf32, #tpu.memory_space<hbm>> -> memref<640x64xf32, #tpu.memory_space<hbm>>
      tpu.wait_dma2 semaphore(%run_scoped3A : memref<!tpu.dma_semaphore, #tpu.memory_space<semaphore_mem>>) src(%dma_wait3A_18 : memref<640x64xf32, #tpu.memory_space<hbm>>) dst(%dma_wait3A_16 : memref<640x64xf32, #tpu.memory_space<vmem_shared>>)
      tpu.yield
    }) : () -> ()
    %mul3A_1 = arith.constant 160 : i32
    %mul3A_2 = arith.muli %arg1, %mul3A_1 : i32
    "tpu.region"() ({
      %run_scoped3A = tpu.sem_alloc : memref<!tpu.dma_semaphore, #tpu.memory_space<semaphore_mem>>
      %dma_start3A = arith.constant 0 : i32
      %dma_start3A_13 = tpu.memref_slice %arg4[%mul3A_2, %dma_start3A] : memref<2560x128xi32, #tpu.memory_space<hbm>> -> memref<160x128xi32, #tpu.memory_space<hbm>>
      %dma_start3A_14 = arith.constant 0 : i32
      %dma_start3A_15 = tpu.memref_slice %arg4[%mul3A_2, %dma_start3A_14] : memref<2560x128xi32, #tpu.memory_space<hbm>> -> memref<160x128xi32, #tpu.memory_space<hbm>>
      tpu.enqueue_dma source(%dma_start3A_15 : memref<160x128xi32, #tpu.memory_space<hbm>>) target(%arg8 : memref<160x128xi32, #tpu.memory_space<vmem>>) target_semaphore(%run_scoped3A : memref<!tpu.dma_semaphore, #tpu.memory_space<semaphore_mem>>)
      %dma_wait3A = arith.constant 0 : i32
      %dma_wait3A_16 = tpu.memref_slice %arg4[%mul3A_2, %dma_wait3A] : memref<2560x128xi32, #tpu.memory_space<hbm>> -> memref<160x128xi32, #tpu.memory_space<hbm>>
      %dma_wait3A_17 = arith.constant 0 : i32
      %dma_wait3A_18 = tpu.memref_slice %arg4[%mul3A_2, %dma_wait3A_17] : memref<2560x128xi32, #tpu.memory_space<hbm>> -> memref<160x128xi32, #tpu.memory_space<hbm>>
      tpu.wait_dma2 semaphore(%run_scoped3A : memref<!tpu.dma_semaphore, #tpu.memory_space<semaphore_mem>>) src(%dma_wait3A_18 : memref<160x128xi32, #tpu.memory_space<hbm>>) dst(%arg8 : memref<160x128xi32, #tpu.memory_space<vmem>>)
      tpu.yield
    }) : () -> ()
    %mul3A_3 = arith.constant 160 : i32
    %mul3A_4 = arith.muli %arg1, %mul3A_3 : i32
    "tpu.region"() ({
      %run_scoped3A = tpu.sem_alloc : memref<!tpu.dma_semaphore, #tpu.memory_space<semaphore_mem>>
      %dma_start3A = arith.constant 0 : i32
      %dma_start3A_13 = tpu.memref_slice %arg5[%mul3A_4, %dma_start3A] : memref<2560x128xi32, #tpu.memory_space<hbm>> -> memref<160x128xi32, #tpu.memory_space<hbm>>
      %dma_start3A_14 = arith.constant 0 : i32
      %dma_start3A_15 = tpu.memref_slice %arg5[%mul3A_4, %dma_start3A_14] : memref<2560x128xi32, #tpu.memory_space<hbm>> -> memref<160x128xi32, #tpu.memory_space<hbm>>
      tpu.enqueue_dma source(%dma_start3A_15 : memref<160x128xi32, #tpu.memory_space<hbm>>) target(%arg9 : memref<160x128xi32, #tpu.memory_space<vmem>>) target_semaphore(%run_scoped3A : memref<!tpu.dma_semaphore, #tpu.memory_space<semaphore_mem>>)
      %dma_wait3A = arith.constant 0 : i32
      %dma_wait3A_16 = tpu.memref_slice %arg5[%mul3A_4, %dma_wait3A] : memref<2560x128xi32, #tpu.memory_space<hbm>> -> memref<160x128xi32, #tpu.memory_space<hbm>>
      %dma_wait3A_17 = arith.constant 0 : i32
      %dma_wait3A_18 = tpu.memref_slice %arg5[%mul3A_4, %dma_wait3A_17] : memref<2560x128xi32, #tpu.memory_space<hbm>> -> memref<160x128xi32, #tpu.memory_space<hbm>>
      tpu.wait_dma2 semaphore(%run_scoped3A : memref<!tpu.dma_semaphore, #tpu.memory_space<semaphore_mem>>) src(%dma_wait3A_18 : memref<160x128xi32, #tpu.memory_space<hbm>>) dst(%arg9 : memref<160x128xi32, #tpu.memory_space<vmem>>)
      tpu.yield
    }) : () -> ()
    %barrier3A = arith.constant 0 : index
    tpu.barrier barrier_id(%barrier3A)
    %eq3A = arith.constant 0 : i32
    %eq3A_5 = arith.cmpi eq, %arg0, %eq3A : i32
    %convert_element_type3A = arith.extui %eq3A_5 : i1 to i32
    %cond3A = arith.constant 0 : i32
    %cond3A_6 = arith.cmpi ne, %convert_element_type3A, %cond3A : i32
    scf.if %cond3A_6 {
      %dma_start3A = arith.constant 0 : i32
      %dma_start3A_13 = arith.constant 0 : i32
      %dma_start3A_14 = arith.constant 0 : i32
      %dma_start3A_15 = arith.constant 0 : i32
      %dma_start3A_16 = tpu.memref_slice %arg10[%dma_start3A_13, %dma_start3A_14, %dma_start3A_15] : memref<4x128x64xf32, #tpu.memory_space<vmem>> -> memref<1x128x64xf32, #tpu.memory_space<vmem>>
      %dma_start3A_17 = tpu.memref_squeeze %dma_start3A_16 : memref<1x128x64xf32, #tpu.memory_space<vmem>> -> memref<128x64xf32, #tpu.memory_space<vmem>>
      %dma_start3A_18 = arith.constant 0 : i32
      %dma_start3A_19 = tpu.memref_slice %arg8[%dma_start3A, %dma_start3A_18] : memref<160x128xi32, #tpu.memory_space<vmem>> -> memref<1x128xi32, #tpu.memory_space<vmem>>
      %dma_start3A_20 = tpu.memref_squeeze %dma_start3A_19 : memref<1x128xi32, #tpu.memory_space<vmem>> -> memref<128xi32, #tpu.memory_space<vmem>>
      %dma_start3A_21 = arith.constant 0 : i32
      %dma_start3A_22 = arith.constant 0 : i32
      %dma_start3A_23 = tpu.memref_slice %arg2[%dma_start3A_21, %dma_start3A_22] : memref<10240x64xf32, #tpu.memory_space<hbm>> -> memref<10240x64xf32, #tpu.memory_space<hbm>>
      tpu.enqueue_indirect_dma source(%dma_start3A_23 : memref<10240x64xf32, #tpu.memory_space<hbm>>) target(%dma_start3A_17 : memref<128x64xf32, #tpu.memory_space<vmem>>) offsets(%dma_start3A_20 : memref<128xi32, #tpu.memory_space<vmem>>) semaphore(%arg12 : memref<!tpu.dma_semaphore, #tpu.memory_space<semaphore_mem>>)
      %dma_start3A_24 = arith.constant 1 : i32
      %dma_start3A_25 = arith.constant 1 : i32
      %dma_start3A_26 = arith.constant 0 : i32
      %dma_start3A_27 = arith.constant 0 : i32
      %dma_start3A_28 = tpu.memref_slice %arg10[%dma_start3A_25, %dma_start3A_26, %dma_start3A_27] : memref<4x128x64xf32, #tpu.memory_space<vmem>> -> memref<1x128x64xf32, #tpu.memory_space<vmem>>
      %dma_start3A_29 = tpu.memref_squeeze %dma_start3A_28 : memref<1x128x64xf32, #tpu.memory_space<vmem>> -> memref<128x64xf32, #tpu.memory_space<vmem>>
      %dma_start3A_30 = arith.constant 0 : i32
      %dma_start3A_31 = tpu.memref_slice %arg8[%dma_start3A_24, %dma_start3A_30] : memref<160x128xi32, #tpu.memory_space<vmem>> -> memref<1x128xi32, #tpu.memory_space<vmem>>
      %dma_start3A_32 = tpu.memref_squeeze %dma_start3A_31 : memref<1x128xi32, #tpu.memory_space<vmem>> -> memref<128xi32, #tpu.memory_space<vmem>>
      %dma_start3A_33 = arith.constant 0 : i32
      %dma_start3A_34 = arith.constant 0 : i32
      %dma_start3A_35 = tpu.memref_slice %arg2[%dma_start3A_33, %dma_start3A_34] : memref<10240x64xf32, #tpu.memory_space<hbm>> -> memref<10240x64xf32, #tpu.memory_space<hbm>>
      tpu.enqueue_indirect_dma source(%dma_start3A_35 : memref<10240x64xf32, #tpu.memory_space<hbm>>) target(%dma_start3A_29 : memref<128x64xf32, #tpu.memory_space<vmem>>) offsets(%dma_start3A_32 : memref<128xi32, #tpu.memory_space<vmem>>) semaphore(%arg13 : memref<!tpu.dma_semaphore, #tpu.memory_space<semaphore_mem>>)
      %dma_start3A_36 = arith.constant 2 : i32
      %dma_start3A_37 = arith.constant 2 : i32
      %dma_start3A_38 = arith.constant 0 : i32
      %dma_start3A_39 = arith.constant 0 : i32
      %dma_start3A_40 = tpu.memref_slice %arg10[%dma_start3A_37, %dma_start3A_38, %dma_start3A_39] : memref<4x128x64xf32, #tpu.memory_space<vmem>> -> memref<1x128x64xf32, #tpu.memory_space<vmem>>
      %dma_start3A_41 = tpu.memref_squeeze %dma_start3A_40 : memref<1x128x64xf32, #tpu.memory_space<vmem>> -> memref<128x64xf32, #tpu.memory_space<vmem>>
      %dma_start3A_42 = arith.constant 0 : i32
      %dma_start3A_43 = tpu.memref_slice %arg8[%dma_start3A_36, %dma_start3A_42] : memref<160x128xi32, #tpu.memory_space<vmem>> -> memref<1x128xi32, #tpu.memory_space<vmem>>
      %dma_start3A_44 = tpu.memref_squeeze %dma_start3A_43 : memref<1x128xi32, #tpu.memory_space<vmem>> -> memref<128xi32, #tpu.memory_space<vmem>>
      %dma_start3A_45 = arith.constant 0 : i32
      %dma_start3A_46 = arith.constant 0 : i32
      %dma_start3A_47 = tpu.memref_slice %arg2[%dma_start3A_45, %dma_start3A_46] : memref<10240x64xf32, #tpu.memory_space<hbm>> -> memref<10240x64xf32, #tpu.memory_space<hbm>>
      tpu.enqueue_indirect_dma source(%dma_start3A_47 : memref<10240x64xf32, #tpu.memory_space<hbm>>) target(%dma_start3A_41 : memref<128x64xf32, #tpu.memory_space<vmem>>) offsets(%dma_start3A_44 : memref<128xi32, #tpu.memory_space<vmem>>) semaphore(%arg14 : memref<!tpu.dma_semaphore, #tpu.memory_space<semaphore_mem>>)
      %dma_start3A_48 = arith.constant 3 : i32
      %dma_start3A_49 = arith.constant 3 : i32
      %dma_start3A_50 = arith.constant 0 : i32
      %dma_start3A_51 = arith.constant 0 : i32
      %dma_start3A_52 = tpu.memref_slice %arg10[%dma_start3A_49, %dma_start3A_50, %dma_start3A_51] : memref<4x128x64xf32, #tpu.memory_space<vmem>> -> memref<1x128x64xf32, #tpu.memory_space<vmem>>
      %dma_start3A_53 = tpu.memref_squeeze %dma_start3A_52 : memref<1x128x64xf32, #tpu.memory_space<vmem>> -> memref<128x64xf32, #tpu.memory_space<vmem>>
      %dma_start3A_54 = arith.constant 0 : i32
      %dma_start3A_55 = tpu.memref_slice %arg8[%dma_start3A_48, %dma_start3A_54] : memref<160x128xi32, #tpu.memory_space<vmem>> -> memref<1x128xi32, #tpu.memory_space<vmem>>
      %dma_start3A_56 = tpu.memref_squeeze %dma_start3A_55 : memref<1x128xi32, #tpu.memory_space<vmem>> -> memref<128xi32, #tpu.memory_space<vmem>>
      %dma_start3A_57 = arith.constant 0 : i32
      %dma_start3A_58 = arith.constant 0 : i32
      %dma_start3A_59 = tpu.memref_slice %arg2[%dma_start3A_57, %dma_start3A_58] : memref<10240x64xf32, #tpu.memory_space<hbm>> -> memref<10240x64xf32, #tpu.memory_space<hbm>>
      tpu.enqueue_indirect_dma source(%dma_start3A_59 : memref<10240x64xf32, #tpu.memory_space<hbm>>) target(%dma_start3A_53 : memref<128x64xf32, #tpu.memory_space<vmem>>) offsets(%dma_start3A_56 : memref<128xi32, #tpu.memory_space<vmem>>) semaphore(%arg15 : memref<!tpu.dma_semaphore, #tpu.memory_space<semaphore_mem>>)
      %scan3A = arith.constant 0 : i32
      %scan3A_60 = arith.constant 0 : i32
      %scan3A_61 = arith.constant 39 : i32
      %scan3A_62 = arith.addi %scan3A_60, %scan3A_61 : i32
      %scan3A_63 = arith.constant 1 : i32
      scf.for %scan3A_119 = %scan3A_60 to %scan3A_62 step %scan3A_63  : i32 {
        %mul3A_120 = arith.constant 4 : i32
        %mul3A_121 = arith.muli %scan3A_119, %mul3A_120 : i32
        %add3A = arith.constant 0 : i32
        %add3A_122 = arith.addi %mul3A_121, %add3A : i32
        %dma_wait3A_123 = arith.constant 0 : i32
        %dma_wait3A_124 = arith.constant 0 : i32
        %dma_wait3A_125 = arith.constant 0 : i32
        %dma_wait3A_126 = tpu.memref_slice %arg10[%dma_wait3A_123, %dma_wait3A_124, %dma_wait3A_125] : memref<4x128x64xf32, #tpu.memory_space<vmem>> -> memref<1x128x64xf32, #tpu.memory_space<vmem>>
        %dma_wait3A_127 = tpu.memref_squeeze %dma_wait3A_126 : memref<1x128x64xf32, #tpu.memory_space<vmem>> -> memref<128x64xf32, #tpu.memory_space<vmem>>
        %dma_wait3A_128 = arith.constant 0 : i32
        %dma_wait3A_129 = tpu.memref_slice %arg8[%add3A_122, %dma_wait3A_128] : memref<160x128xi32, #tpu.memory_space<vmem>> -> memref<1x128xi32, #tpu.memory_space<vmem>>
        %dma_wait3A_130 = tpu.memref_squeeze %dma_wait3A_129 : memref<1x128xi32, #tpu.memory_space<vmem>> -> memref<128xi32, #tpu.memory_space<vmem>>
        %dma_wait3A_131 = arith.constant 0 : i32
        %dma_wait3A_132 = arith.constant 0 : i32
        %dma_wait3A_133 = tpu.memref_slice %arg2[%dma_wait3A_131, %dma_wait3A_132] : memref<10240x64xf32, #tpu.memory_space<hbm>> -> memref<10240x64xf32, #tpu.memory_space<hbm>>
        tpu.wait_indirect_dma semaphore(%arg12 : memref<!tpu.dma_semaphore, #tpu.memory_space<semaphore_mem>>) src(%dma_wait3A_133 : memref<10240x64xf32, #tpu.memory_space<hbm>>) dst(%dma_wait3A_127 : memref<128x64xf32, #tpu.memory_space<vmem>>)
        %run_scoped3A_134 = arith.constant 0 : i32
        "tpu.region"() ({
          %run_scoped3A_235 = tpu.sem_alloc : memref<!tpu.dma_semaphore, #tpu.memory_space<semaphore_mem>>
          %dma_start3A_236 = arith.constant 0 : i32
          %dma_start3A_237 = arith.constant 0 : i32
          %dma_start3A_238 = tpu.memref_slice %arg10[%run_scoped3A_134, %dma_start3A_236, %dma_start3A_237] : memref<4x128x64xf32, #tpu.memory_space<vmem>> -> memref<1x128x64xf32, #tpu.memory_space<vmem>>
          %dma_start3A_239 = tpu.memref_squeeze %dma_start3A_238 : memref<1x128x64xf32, #tpu.memory_space<vmem>> -> memref<128x64xf32, #tpu.memory_space<vmem>>
          %dma_start3A_240 = arith.constant 0 : i32
          %dma_start3A_241 = tpu.memref_slice %arg9[%add3A_122, %dma_start3A_240] : memref<160x128xi32, #tpu.memory_space<vmem>> -> memref<1x128xi32, #tpu.memory_space<vmem>>
          %dma_start3A_242 = tpu.memref_squeeze %dma_start3A_241 : memref<1x128xi32, #tpu.memory_space<vmem>> -> memref<128xi32, #tpu.memory_space<vmem>>
          %dma_start3A_243 = arith.constant 0 : i32
          %dma_start3A_244 = arith.constant 0 : i32
          %dma_start3A_245 = tpu.memref_slice %arg11[%dma_start3A_243, %dma_start3A_244] : memref<10240x64xf32, #tpu.memory_space<vmem_shared>> -> memref<10240x64xf32, #tpu.memory_space<vmem_shared>>
          tpu.enqueue_indirect_dma source(%dma_start3A_239 : memref<128x64xf32, #tpu.memory_space<vmem>>) target(%dma_start3A_245 : memref<10240x64xf32, #tpu.memory_space<vmem_shared>>) offsets(%dma_start3A_242 : memref<128xi32, #tpu.memory_space<vmem>>) semaphore(%run_scoped3A_235 : memref<!tpu.dma_semaphore, #tpu.memory_space<semaphore_mem>>) {add = true}
          %dma_wait3A_246 = arith.constant 0 : i32
          %dma_wait3A_247 = arith.constant 0 : i32
          %dma_wait3A_248 = tpu.memref_slice %arg10[%run_scoped3A_134, %dma_wait3A_246, %dma_wait3A_247] : memref<4x128x64xf32, #tpu.memory_space<vmem>> -> memref<1x128x64xf32, #tpu.memory_space<vmem>>
          %dma_wait3A_249 = tpu.memref_squeeze %dma_wait3A_248 : memref<1x128x64xf32, #tpu.memory_space<vmem>> -> memref<128x64xf32, #tpu.memory_space<vmem>>
          %dma_wait3A_250 = arith.constant 0 : i32
          %dma_wait3A_251 = tpu.memref_slice %arg9[%add3A_122, %dma_wait3A_250] : memref<160x128xi32, #tpu.memory_space<vmem>> -> memref<1x128xi32, #tpu.memory_space<vmem>>
          %dma_wait3A_252 = tpu.memref_squeeze %dma_wait3A_251 : memref<1x128xi32, #tpu.memory_space<vmem>> -> memref<128xi32, #tpu.memory_space<vmem>>
          %dma_wait3A_253 = arith.constant 0 : i32
          %dma_wait3A_254 = arith.constant 0 : i32
          %dma_wait3A_255 = tpu.memref_slice %arg11[%dma_wait3A_253, %dma_wait3A_254] : memref<10240x64xf32, #tpu.memory_space<vmem_shared>> -> memref<10240x64xf32, #tpu.memory_space<vmem_shared>>
          tpu.wait_indirect_dma semaphore(%run_scoped3A_235 : memref<!tpu.dma_semaphore, #tpu.memory_space<semaphore_mem>>) src(%dma_wait3A_249 : memref<128x64xf32, #tpu.memory_space<vmem>>) dst(%dma_wait3A_255 : memref<10240x64xf32, #tpu.memory_space<vmem_shared>>)
          tpu.yield
        }) : () -> ()
        %add3A_135 = arith.constant 4 : i32
        %add3A_136 = arith.addi %add3A_122, %add3A_135 : i32
        %dma_start3A_137 = arith.constant 0 : i32
        %dma_start3A_138 = arith.constant 0 : i32
        %dma_start3A_139 = arith.constant 0 : i32
        %dma_start3A_140 = tpu.memref_slice %arg10[%dma_start3A_137, %dma_start3A_138, %dma_start3A_139] : memref<4x128x64xf32, #tpu.memory_space<vmem>> -> memref<1x128x64xf32, #tpu.memory_space<vmem>>
        %dma_start3A_141 = tpu.memref_squeeze %dma_start3A_140 : memref<1x128x64xf32, #tpu.memory_space<vmem>> -> memref<128x64xf32, #tpu.memory_space<vmem>>
        %dma_start3A_142 = arith.constant 0 : i32
        %dma_start3A_143 = tpu.memref_slice %arg8[%add3A_136, %dma_start3A_142] : memref<160x128xi32, #tpu.memory_space<vmem>> -> memref<1x128xi32, #tpu.memory_space<vmem>>
        %dma_start3A_144 = tpu.memref_squeeze %dma_start3A_143 : memref<1x128xi32, #tpu.memory_space<vmem>> -> memref<128xi32, #tpu.memory_space<vmem>>
        %dma_start3A_145 = arith.constant 0 : i32
        %dma_start3A_146 = arith.constant 0 : i32
        %dma_start3A_147 = tpu.memref_slice %arg2[%dma_start3A_145, %dma_start3A_146] : memref<10240x64xf32, #tpu.memory_space<hbm>> -> memref<10240x64xf32, #tpu.memory_space<hbm>>
        tpu.enqueue_indirect_dma source(%dma_start3A_147 : memref<10240x64xf32, #tpu.memory_space<hbm>>) target(%dma_start3A_141 : memref<128x64xf32, #tpu.memory_space<vmem>>) offsets(%dma_start3A_144 : memref<128xi32, #tpu.memory_space<vmem>>) semaphore(%arg12 : memref<!tpu.dma_semaphore, #tpu.memory_space<semaphore_mem>>)
        %mul3A_148 = arith.constant 4 : i32
        %mul3A_149 = arith.muli %scan3A_119, %mul3A_148 : i32
        %add3A_150 = arith.constant 1 : i32
        %add3A_151 = arith.addi %mul3A_149, %add3A_150 : i32
        %dma_wait3A_152 = arith.constant 1 : i32
        %dma_wait3A_153 = arith.constant 0 : i32
        %dma_wait3A_154 = arith.constant 0 : i32
        %dma_wait3A_155 = tpu.memref_slice %arg10[%dma_wait3A_152, %dma_wait3A_153, %dma_wait3A_154] : memref<4x128x64xf32, #tpu.memory_space<vmem>> -> memref<1x128x64xf32, #tpu.memory_space<vmem>>
        %dma_wait3A_156 = tpu.memref_squeeze %dma_wait3A_155 : memref<1x128x64xf32, #tpu.memory_space<vmem>> -> memref<128x64xf32, #tpu.memory_space<vmem>>
        %dma_wait3A_157 = arith.constant 0 : i32
        %dma_wait3A_158 = tpu.memref_slice %arg8[%add3A_151, %dma_wait3A_157] : memref<160x128xi32, #tpu.memory_space<vmem>> -> memref<1x128xi32, #tpu.memory_space<vmem>>
        %dma_wait3A_159 = tpu.memref_squeeze %dma_wait3A_158 : memref<1x128xi32, #tpu.memory_space<vmem>> -> memref<128xi32, #tpu.memory_space<vmem>>
        %dma_wait3A_160 = arith.constant 0 : i32
        %dma_wait3A_161 = arith.constant 0 : i32
        %dma_wait3A_162 = tpu.memref_slice %arg2[%dma_wait3A_160, %dma_wait3A_161] : memref<10240x64xf32, #tpu.memory_space<hbm>> -> memref<10240x64xf32, #tpu.memory_space<hbm>>
        tpu.wait_indirect_dma semaphore(%arg13 : memref<!tpu.dma_semaphore, #tpu.memory_space<semaphore_mem>>) src(%dma_wait3A_162 : memref<10240x64xf32, #tpu.memory_space<hbm>>) dst(%dma_wait3A_156 : memref<128x64xf32, #tpu.memory_space<vmem>>)
        %run_scoped3A_163 = arith.constant 1 : i32
        "tpu.region"() ({
          %run_scoped3A_235 = tpu.sem_alloc : memref<!tpu.dma_semaphore, #tpu.memory_space<semaphore_mem>>
          %dma_start3A_236 = arith.constant 0 : i32
          %dma_start3A_237 = arith.constant 0 : i32
          %dma_start3A_238 = tpu.memref_slice %arg10[%run_scoped3A_163, %dma_start3A_236, %dma_start3A_237] : memref<4x128x64xf32, #tpu.memory_space<vmem>> -> memref<1x128x64xf32, #tpu.memory_space<vmem>>
          %dma_start3A_239 = tpu.memref_squeeze %dma_start3A_238 : memref<1x128x64xf32, #tpu.memory_space<vmem>> -> memref<128x64xf32, #tpu.memory_space<vmem>>
          %dma_start3A_240 = arith.constant 0 : i32
          %dma_start3A_241 = tpu.memref_slice %arg9[%add3A_151, %dma_start3A_240] : memref<160x128xi32, #tpu.memory_space<vmem>> -> memref<1x128xi32, #tpu.memory_space<vmem>>
          %dma_start3A_242 = tpu.memref_squeeze %dma_start3A_241 : memref<1x128xi32, #tpu.memory_space<vmem>> -> memref<128xi32, #tpu.memory_space<vmem>>
          %dma_start3A_243 = arith.constant 0 : i32
          %dma_start3A_244 = arith.constant 0 : i32
          %dma_start3A_245 = tpu.memref_slice %arg11[%dma_start3A_243, %dma_start3A_244] : memref<10240x64xf32, #tpu.memory_space<vmem_shared>> -> memref<10240x64xf32, #tpu.memory_space<vmem_shared>>
          tpu.enqueue_indirect_dma source(%dma_start3A_239 : memref<128x64xf32, #tpu.memory_space<vmem>>) target(%dma_start3A_245 : memref<10240x64xf32, #tpu.memory_space<vmem_shared>>) offsets(%dma_start3A_242 : memref<128xi32, #tpu.memory_space<vmem>>) semaphore(%run_scoped3A_235 : memref<!tpu.dma_semaphore, #tpu.memory_space<semaphore_mem>>) {add = true}
          %dma_wait3A_246 = arith.constant 0 : i32
          %dma_wait3A_247 = arith.constant 0 : i32
          %dma_wait3A_248 = tpu.memref_slice %arg10[%run_scoped3A_163, %dma_wait3A_246, %dma_wait3A_247] : memref<4x128x64xf32, #tpu.memory_space<vmem>> -> memref<1x128x64xf32, #tpu.memory_space<vmem>>
          %dma_wait3A_249 = tpu.memref_squeeze %dma_wait3A_248 : memref<1x128x64xf32, #tpu.memory_space<vmem>> -> memref<128x64xf32, #tpu.memory_space<vmem>>
          %dma_wait3A_250 = arith.constant 0 : i32
          %dma_wait3A_251 = tpu.memref_slice %arg9[%add3A_151, %dma_wait3A_250] : memref<160x128xi32, #tpu.memory_space<vmem>> -> memref<1x128xi32, #tpu.memory_space<vmem>>
          %dma_wait3A_252 = tpu.memref_squeeze %dma_wait3A_251 : memref<1x128xi32, #tpu.memory_space<vmem>> -> memref<128xi32, #tpu.memory_space<vmem>>
          %dma_wait3A_253 = arith.constant 0 : i32
          %dma_wait3A_254 = arith.constant 0 : i32
          %dma_wait3A_255 = tpu.memref_slice %arg11[%dma_wait3A_253, %dma_wait3A_254] : memref<10240x64xf32, #tpu.memory_space<vmem_shared>> -> memref<10240x64xf32, #tpu.memory_space<vmem_shared>>
          tpu.wait_indirect_dma semaphore(%run_scoped3A_235 : memref<!tpu.dma_semaphore, #tpu.memory_space<semaphore_mem>>) src(%dma_wait3A_249 : memref<128x64xf32, #tpu.memory_space<vmem>>) dst(%dma_wait3A_255 : memref<10240x64xf32, #tpu.memory_space<vmem_shared>>)
          tpu.yield
        }) : () -> ()
        %add3A_164 = arith.constant 4 : i32
        %add3A_165 = arith.addi %add3A_151, %add3A_164 : i32
        %dma_start3A_166 = arith.constant 1 : i32
        %dma_start3A_167 = arith.constant 0 : i32
        %dma_start3A_168 = arith.constant 0 : i32
        %dma_start3A_169 = tpu.memref_slice %arg10[%dma_start3A_166, %dma_start3A_167, %dma_start3A_168] : memref<4x128x64xf32, #tpu.memory_space<vmem>> -> memref<1x128x64xf32, #tpu.memory_space<vmem>>
        %dma_start3A_170 = tpu.memref_squeeze %dma_start3A_169 : memref<1x128x64xf32, #tpu.memory_space<vmem>> -> memref<128x64xf32, #tpu.memory_space<vmem>>
        %dma_start3A_171 = arith.constant 0 : i32
        %dma_start3A_172 = tpu.memref_slice %arg8[%add3A_165, %dma_start3A_171] : memref<160x128xi32, #tpu.memory_space<vmem>> -> memref<1x128xi32, #tpu.memory_space<vmem>>
        %dma_start3A_173 = tpu.memref_squeeze %dma_start3A_172 : memref<1x128xi32, #tpu.memory_space<vmem>> -> memref<128xi32, #tpu.memory_space<vmem>>
        %dma_start3A_174 = arith.constant 0 : i32
        %dma_start3A_175 = arith.constant 0 : i32
        %dma_start3A_176 = tpu.memref_slice %arg2[%dma_start3A_174, %dma_start3A_175] : memref<10240x64xf32, #tpu.memory_space<hbm>> -> memref<10240x64xf32, #tpu.memory_space<hbm>>
        tpu.enqueue_indirect_dma source(%dma_start3A_176 : memref<10240x64xf32, #tpu.memory_space<hbm>>) target(%dma_start3A_170 : memref<128x64xf32, #tpu.memory_space<vmem>>) offsets(%dma_start3A_173 : memref<128xi32, #tpu.memory_space<vmem>>) semaphore(%arg13 : memref<!tpu.dma_semaphore, #tpu.memory_space<semaphore_mem>>)
        %mul3A_177 = arith.constant 4 : i32
        %mul3A_178 = arith.muli %scan3A_119, %mul3A_177 : i32
        %add3A_179 = arith.constant 2 : i32
        %add3A_180 = arith.addi %mul3A_178, %add3A_179 : i32
        %dma_wait3A_181 = arith.constant 2 : i32
        %dma_wait3A_182 = arith.constant 0 : i32
        %dma_wait3A_183 = arith.constant 0 : i32
        %dma_wait3A_184 = tpu.memref_slice %arg10[%dma_wait3A_181, %dma_wait3A_182, %dma_wait3A_183] : memref<4x128x64xf32, #tpu.memory_space<vmem>> -> memref<1x128x64xf32, #tpu.memory_space<vmem>>
        %dma_wait3A_185 = tpu.memref_squeeze %dma_wait3A_184 : memref<1x128x64xf32, #tpu.memory_space<vmem>> -> memref<128x64xf32, #tpu.memory_space<vmem>>
        %dma_wait3A_186 = arith.constant 0 : i32
        %dma_wait3A_187 = tpu.memref_slice %arg8[%add3A_180, %dma_wait3A_186] : memref<160x128xi32, #tpu.memory_space<vmem>> -> memref<1x128xi32, #tpu.memory_space<vmem>>
        %dma_wait3A_188 = tpu.memref_squeeze %dma_wait3A_187 : memref<1x128xi32, #tpu.memory_space<vmem>> -> memref<128xi32, #tpu.memory_space<vmem>>
        %dma_wait3A_189 = arith.constant 0 : i32
        %dma_wait3A_190 = arith.constant 0 : i32
        %dma_wait3A_191 = tpu.memref_slice %arg2[%dma_wait3A_189, %dma_wait3A_190] : memref<10240x64xf32, #tpu.memory_space<hbm>> -> memref<10240x64xf32, #tpu.memory_space<hbm>>
        tpu.wait_indirect_dma semaphore(%arg14 : memref<!tpu.dma_semaphore, #tpu.memory_space<semaphore_mem>>) src(%dma_wait3A_191 : memref<10240x64xf32, #tpu.memory_space<hbm>>) dst(%dma_wait3A_185 : memref<128x64xf32, #tpu.memory_space<vmem>>)
        %run_scoped3A_192 = arith.constant 2 : i32
        "tpu.region"() ({
          %run_scoped3A_235 = tpu.sem_alloc : memref<!tpu.dma_semaphore, #tpu.memory_space<semaphore_mem>>
          %dma_start3A_236 = arith.constant 0 : i32
          %dma_start3A_237 = arith.constant 0 : i32
          %dma_start3A_238 = tpu.memref_slice %arg10[%run_scoped3A_192, %dma_start3A_236, %dma_start3A_237] : memref<4x128x64xf32, #tpu.memory_space<vmem>> -> memref<1x128x64xf32, #tpu.memory_space<vmem>>
          %dma_start3A_239 = tpu.memref_squeeze %dma_start3A_238 : memref<1x128x64xf32, #tpu.memory_space<vmem>> -> memref<128x64xf32, #tpu.memory_space<vmem>>
          %dma_start3A_240 = arith.constant 0 : i32
          %dma_start3A_241 = tpu.memref_slice %arg9[%add3A_180, %dma_start3A_240] : memref<160x128xi32, #tpu.memory_space<vmem>> -> memref<1x128xi32, #tpu.memory_space<vmem>>
          %dma_start3A_242 = tpu.memref_squeeze %dma_start3A_241 : memref<1x128xi32, #tpu.memory_space<vmem>> -> memref<128xi32, #tpu.memory_space<vmem>>
          %dma_start3A_243 = arith.constant 0 : i32
          %dma_start3A_244 = arith.constant 0 : i32
          %dma_start3A_245 = tpu.memref_slice %arg11[%dma_start3A_243, %dma_start3A_244] : memref<10240x64xf32, #tpu.memory_space<vmem_shared>> -> memref<10240x64xf32, #tpu.memory_space<vmem_shared>>
          tpu.enqueue_indirect_dma source(%dma_start3A_239 : memref<128x64xf32, #tpu.memory_space<vmem>>) target(%dma_start3A_245 : memref<10240x64xf32, #tpu.memory_space<vmem_shared>>) offsets(%dma_start3A_242 : memref<128xi32, #tpu.memory_space<vmem>>) semaphore(%run_scoped3A_235 : memref<!tpu.dma_semaphore, #tpu.memory_space<semaphore_mem>>) {add = true}
          %dma_wait3A_246 = arith.constant 0 : i32
          %dma_wait3A_247 = arith.constant 0 : i32
          %dma_wait3A_248 = tpu.memref_slice %arg10[%run_scoped3A_192, %dma_wait3A_246, %dma_wait3A_247] : memref<4x128x64xf32, #tpu.memory_space<vmem>> -> memref<1x128x64xf32, #tpu.memory_space<vmem>>
          %dma_wait3A_249 = tpu.memref_squeeze %dma_wait3A_248 : memref<1x128x64xf32, #tpu.memory_space<vmem>> -> memref<128x64xf32, #tpu.memory_space<vmem>>
          %dma_wait3A_250 = arith.constant 0 : i32
          %dma_wait3A_251 = tpu.memref_slice %arg9[%add3A_180, %dma_wait3A_250] : memref<160x128xi32, #tpu.memory_space<vmem>> -> memref<1x128xi32, #tpu.memory_space<vmem>>
          %dma_wait3A_252 = tpu.memref_squeeze %dma_wait3A_251 : memref<1x128xi32, #tpu.memory_space<vmem>> -> memref<128xi32, #tpu.memory_space<vmem>>
          %dma_wait3A_253 = arith.constant 0 : i32
          %dma_wait3A_254 = arith.constant 0 : i32
          %dma_wait3A_255 = tpu.memref_slice %arg11[%dma_wait3A_253, %dma_wait3A_254] : memref<10240x64xf32, #tpu.memory_space<vmem_shared>> -> memref<10240x64xf32, #tpu.memory_space<vmem_shared>>
          tpu.wait_indirect_dma semaphore(%run_scoped3A_235 : memref<!tpu.dma_semaphore, #tpu.memory_space<semaphore_mem>>) src(%dma_wait3A_249 : memref<128x64xf32, #tpu.memory_space<vmem>>) dst(%dma_wait3A_255 : memref<10240x64xf32, #tpu.memory_space<vmem_shared>>)
          tpu.yield
        }) : () -> ()
        %add3A_193 = arith.constant 4 : i32
        %add3A_194 = arith.addi %add3A_180, %add3A_193 : i32
        %dma_start3A_195 = arith.constant 2 : i32
        %dma_start3A_196 = arith.constant 0 : i32
        %dma_start3A_197 = arith.constant 0 : i32
        %dma_start3A_198 = tpu.memref_slice %arg10[%dma_start3A_195, %dma_start3A_196, %dma_start3A_197] : memref<4x128x64xf32, #tpu.memory_space<vmem>> -> memref<1x128x64xf32, #tpu.memory_space<vmem>>
        %dma_start3A_199 = tpu.memref_squeeze %dma_start3A_198 : memref<1x128x64xf32, #tpu.memory_space<vmem>> -> memref<128x64xf32, #tpu.memory_space<vmem>>
        %dma_start3A_200 = arith.constant 0 : i32
        %dma_start3A_201 = tpu.memref_slice %arg8[%add3A_194, %dma_start3A_200] : memref<160x128xi32, #tpu.memory_space<vmem>> -> memref<1x128xi32, #tpu.memory_space<vmem>>
        %dma_start3A_202 = tpu.memref_squeeze %dma_start3A_201 : memref<1x128xi32, #tpu.memory_space<vmem>> -> memref<128xi32, #tpu.memory_space<vmem>>
        %dma_start3A_203 = arith.constant 0 : i32
        %dma_start3A_204 = arith.constant 0 : i32
        %dma_start3A_205 = tpu.memref_slice %arg2[%dma_start3A_203, %dma_start3A_204] : memref<10240x64xf32, #tpu.memory_space<hbm>> -> memref<10240x64xf32, #tpu.memory_space<hbm>>
        tpu.enqueue_indirect_dma source(%dma_start3A_205 : memref<10240x64xf32, #tpu.memory_space<hbm>>) target(%dma_start3A_199 : memref<128x64xf32, #tpu.memory_space<vmem>>) offsets(%dma_start3A_202 : memref<128xi32, #tpu.memory_space<vmem>>) semaphore(%arg14 : memref<!tpu.dma_semaphore, #tpu.memory_space<semaphore_mem>>)
        %mul3A_206 = arith.constant 4 : i32
        %mul3A_207 = arith.muli %scan3A_119, %mul3A_206 : i32
        %add3A_208 = arith.constant 3 : i32
        %add3A_209 = arith.addi %mul3A_207, %add3A_208 : i32
        %dma_wait3A_210 = arith.constant 3 : i32
        %dma_wait3A_211 = arith.constant 0 : i32
        %dma_wait3A_212 = arith.constant 0 : i32
        %dma_wait3A_213 = tpu.memref_slice %arg10[%dma_wait3A_210, %dma_wait3A_211, %dma_wait3A_212] : memref<4x128x64xf32, #tpu.memory_space<vmem>> -> memref<1x128x64xf32, #tpu.memory_space<vmem>>
        %dma_wait3A_214 = tpu.memref_squeeze %dma_wait3A_213 : memref<1x128x64xf32, #tpu.memory_space<vmem>> -> memref<128x64xf32, #tpu.memory_space<vmem>>
        %dma_wait3A_215 = arith.constant 0 : i32
        %dma_wait3A_216 = tpu.memref_slice %arg8[%add3A_209, %dma_wait3A_215] : memref<160x128xi32, #tpu.memory_space<vmem>> -> memref<1x128xi32, #tpu.memory_space<vmem>>
        %dma_wait3A_217 = tpu.memref_squeeze %dma_wait3A_216 : memref<1x128xi32, #tpu.memory_space<vmem>> -> memref<128xi32, #tpu.memory_space<vmem>>
        %dma_wait3A_218 = arith.constant 0 : i32
        %dma_wait3A_219 = arith.constant 0 : i32
        %dma_wait3A_220 = tpu.memref_slice %arg2[%dma_wait3A_218, %dma_wait3A_219] : memref<10240x64xf32, #tpu.memory_space<hbm>> -> memref<10240x64xf32, #tpu.memory_space<hbm>>
        tpu.wait_indirect_dma semaphore(%arg15 : memref<!tpu.dma_semaphore, #tpu.memory_space<semaphore_mem>>) src(%dma_wait3A_220 : memref<10240x64xf32, #tpu.memory_space<hbm>>) dst(%dma_wait3A_214 : memref<128x64xf32, #tpu.memory_space<vmem>>)
        %run_scoped3A_221 = arith.constant 3 : i32
        "tpu.region"() ({
          %run_scoped3A_235 = tpu.sem_alloc : memref<!tpu.dma_semaphore, #tpu.memory_space<semaphore_mem>>
          %dma_start3A_236 = arith.constant 0 : i32
          %dma_start3A_237 = arith.constant 0 : i32
          %dma_start3A_238 = tpu.memref_slice %arg10[%run_scoped3A_221, %dma_start3A_236, %dma_start3A_237] : memref<4x128x64xf32, #tpu.memory_space<vmem>> -> memref<1x128x64xf32, #tpu.memory_space<vmem>>
          %dma_start3A_239 = tpu.memref_squeeze %dma_start3A_238 : memref<1x128x64xf32, #tpu.memory_space<vmem>> -> memref<128x64xf32, #tpu.memory_space<vmem>>
          %dma_start3A_240 = arith.constant 0 : i32
          %dma_start3A_241 = tpu.memref_slice %arg9[%add3A_209, %dma_start3A_240] : memref<160x128xi32, #tpu.memory_space<vmem>> -> memref<1x128xi32, #tpu.memory_space<vmem>>
          %dma_start3A_242 = tpu.memref_squeeze %dma_start3A_241 : memref<1x128xi32, #tpu.memory_space<vmem>> -> memref<128xi32, #tpu.memory_space<vmem>>
          %dma_start3A_243 = arith.constant 0 : i32
          %dma_start3A_244 = arith.constant 0 : i32
          %dma_start3A_245 = tpu.memref_slice %arg11[%dma_start3A_243, %dma_start3A_244] : memref<10240x64xf32, #tpu.memory_space<vmem_shared>> -> memref<10240x64xf32, #tpu.memory_space<vmem_shared>>
          tpu.enqueue_indirect_dma source(%dma_start3A_239 : memref<128x64xf32, #tpu.memory_space<vmem>>) target(%dma_start3A_245 : memref<10240x64xf32, #tpu.memory_space<vmem_shared>>) offsets(%dma_start3A_242 : memref<128xi32, #tpu.memory_space<vmem>>) semaphore(%run_scoped3A_235 : memref<!tpu.dma_semaphore, #tpu.memory_space<semaphore_mem>>) {add = true}
          %dma_wait3A_246 = arith.constant 0 : i32
          %dma_wait3A_247 = arith.constant 0 : i32
          %dma_wait3A_248 = tpu.memref_slice %arg10[%run_scoped3A_221, %dma_wait3A_246, %dma_wait3A_247] : memref<4x128x64xf32, #tpu.memory_space<vmem>> -> memref<1x128x64xf32, #tpu.memory_space<vmem>>
          %dma_wait3A_249 = tpu.memref_squeeze %dma_wait3A_248 : memref<1x128x64xf32, #tpu.memory_space<vmem>> -> memref<128x64xf32, #tpu.memory_space<vmem>>
          %dma_wait3A_250 = arith.constant 0 : i32
          %dma_wait3A_251 = tpu.memref_slice %arg9[%add3A_209, %dma_wait3A_250] : memref<160x128xi32, #tpu.memory_space<vmem>> -> memref<1x128xi32, #tpu.memory_space<vmem>>
          %dma_wait3A_252 = tpu.memref_squeeze %dma_wait3A_251 : memref<1x128xi32, #tpu.memory_space<vmem>> -> memref<128xi32, #tpu.memory_space<vmem>>
          %dma_wait3A_253 = arith.constant 0 : i32
          %dma_wait3A_254 = arith.constant 0 : i32
          %dma_wait3A_255 = tpu.memref_slice %arg11[%dma_wait3A_253, %dma_wait3A_254] : memref<10240x64xf32, #tpu.memory_space<vmem_shared>> -> memref<10240x64xf32, #tpu.memory_space<vmem_shared>>
          tpu.wait_indirect_dma semaphore(%run_scoped3A_235 : memref<!tpu.dma_semaphore, #tpu.memory_space<semaphore_mem>>) src(%dma_wait3A_249 : memref<128x64xf32, #tpu.memory_space<vmem>>) dst(%dma_wait3A_255 : memref<10240x64xf32, #tpu.memory_space<vmem_shared>>)
          tpu.yield
        }) : () -> ()
        %add3A_222 = arith.constant 4 : i32
        %add3A_223 = arith.addi %add3A_209, %add3A_222 : i32
        %dma_start3A_224 = arith.constant 3 : i32
        %dma_start3A_225 = arith.constant 0 : i32
        %dma_start3A_226 = arith.constant 0 : i32
        %dma_start3A_227 = tpu.memref_slice %arg10[%dma_start3A_224, %dma_start3A_225, %dma_start3A_226] : memref<4x128x64xf32, #tpu.memory_space<vmem>> -> memref<1x128x64xf32, #tpu.memory_space<vmem>>
        %dma_start3A_228 = tpu.memref_squeeze %dma_start3A_227 : memref<1x128x64xf32, #tpu.memory_space<vmem>> -> memref<128x64xf32, #tpu.memory_space<vmem>>
        %dma_start3A_229 = arith.constant 0 : i32
        %dma_start3A_230 = tpu.memref_slice %arg8[%add3A_223, %dma_start3A_229] : memref<160x128xi32, #tpu.memory_space<vmem>> -> memref<1x128xi32, #tpu.memory_space<vmem>>
        %dma_start3A_231 = tpu.memref_squeeze %dma_start3A_230 : memref<1x128xi32, #tpu.memory_space<vmem>> -> memref<128xi32, #tpu.memory_space<vmem>>
        %dma_start3A_232 = arith.constant 0 : i32
        %dma_start3A_233 = arith.constant 0 : i32
        %dma_start3A_234 = tpu.memref_slice %arg2[%dma_start3A_232, %dma_start3A_233] : memref<10240x64xf32, #tpu.memory_space<hbm>> -> memref<10240x64xf32, #tpu.memory_space<hbm>>
        tpu.enqueue_indirect_dma source(%dma_start3A_234 : memref<10240x64xf32, #tpu.memory_space<hbm>>) target(%dma_start3A_228 : memref<128x64xf32, #tpu.memory_space<vmem>>) offsets(%dma_start3A_231 : memref<128xi32, #tpu.memory_space<vmem>>) semaphore(%arg15 : memref<!tpu.dma_semaphore, #tpu.memory_space<semaphore_mem>>)
      }
      %scan3A_64 = arith.constant 39 : i32
      %dma_wait3A = arith.constant 156 : i32
      %dma_wait3A_65 = arith.constant 0 : i32
      %dma_wait3A_66 = arith.constant 0 : i32
      %dma_wait3A_67 = arith.constant 0 : i32
      %dma_wait3A_68 = tpu.memref_slice %arg10[%dma_wait3A_65, %dma_wait3A_66, %dma_wait3A_67] : memref<4x128x64xf32, #tpu.memory_space<vmem>> -> memref<1x128x64xf32, #tpu.memory_space<vmem>>
      %dma_wait3A_69 = tpu.memref_squeeze %dma_wait3A_68 : memref<1x128x64xf32, #tpu.memory_space<vmem>> -> memref<128x64xf32, #tpu.memory_space<vmem>>
      %dma_wait3A_70 = arith.constant 0 : i32
      %dma_wait3A_71 = tpu.memref_slice %arg8[%dma_wait3A, %dma_wait3A_70] : memref<160x128xi32, #tpu.memory_space<vmem>> -> memref<1x128xi32, #tpu.memory_space<vmem>>
      %dma_wait3A_72 = tpu.memref_squeeze %dma_wait3A_71 : memref<1x128xi32, #tpu.memory_space<vmem>> -> memref<128xi32, #tpu.memory_space<vmem>>
      %dma_wait3A_73 = arith.constant 0 : i32
      %dma_wait3A_74 = arith.constant 0 : i32
      %dma_wait3A_75 = tpu.memref_slice %arg2[%dma_wait3A_73, %dma_wait3A_74] : memref<10240x64xf32, #tpu.memory_space<hbm>> -> memref<10240x64xf32, #tpu.memory_space<hbm>>
      tpu.wait_indirect_dma semaphore(%arg12 : memref<!tpu.dma_semaphore, #tpu.memory_space<semaphore_mem>>) src(%dma_wait3A_75 : memref<10240x64xf32, #tpu.memory_space<hbm>>) dst(%dma_wait3A_69 : memref<128x64xf32, #tpu.memory_space<vmem>>)
      %run_scoped3A = arith.constant 0 : i32
      %run_scoped3A_76 = arith.constant 156 : i32
      "tpu.region"() ({
        %run_scoped3A_119 = tpu.sem_alloc : memref<!tpu.dma_semaphore, #tpu.memory_space<semaphore_mem>>
        %dma_start3A_120 = arith.constant 0 : i32
        %dma_start3A_121 = arith.constant 0 : i32
        %dma_start3A_122 = tpu.memref_slice %arg10[%run_scoped3A, %dma_start3A_120, %dma_start3A_121] : memref<4x128x64xf32, #tpu.memory_space<vmem>> -> memref<1x128x64xf32, #tpu.memory_space<vmem>>
        %dma_start3A_123 = tpu.memref_squeeze %dma_start3A_122 : memref<1x128x64xf32, #tpu.memory_space<vmem>> -> memref<128x64xf32, #tpu.memory_space<vmem>>
        %dma_start3A_124 = arith.constant 0 : i32
        %dma_start3A_125 = tpu.memref_slice %arg9[%run_scoped3A_76, %dma_start3A_124] : memref<160x128xi32, #tpu.memory_space<vmem>> -> memref<1x128xi32, #tpu.memory_space<vmem>>
        %dma_start3A_126 = tpu.memref_squeeze %dma_start3A_125 : memref<1x128xi32, #tpu.memory_space<vmem>> -> memref<128xi32, #tpu.memory_space<vmem>>
        %dma_start3A_127 = arith.constant 0 : i32
        %dma_start3A_128 = arith.constant 0 : i32
        %dma_start3A_129 = tpu.memref_slice %arg11[%dma_start3A_127, %dma_start3A_128] : memref<10240x64xf32, #tpu.memory_space<vmem_shared>> -> memref<10240x64xf32, #tpu.memory_space<vmem_shared>>
        tpu.enqueue_indirect_dma source(%dma_start3A_123 : memref<128x64xf32, #tpu.memory_space<vmem>>) target(%dma_start3A_129 : memref<10240x64xf32, #tpu.memory_space<vmem_shared>>) offsets(%dma_start3A_126 : memref<128xi32, #tpu.memory_space<vmem>>) semaphore(%run_scoped3A_119 : memref<!tpu.dma_semaphore, #tpu.memory_space<semaphore_mem>>) {add = true}
        %dma_wait3A_130 = arith.constant 0 : i32
        %dma_wait3A_131 = arith.constant 0 : i32
        %dma_wait3A_132 = tpu.memref_slice %arg10[%run_scoped3A, %dma_wait3A_130, %dma_wait3A_131] : memref<4x128x64xf32, #tpu.memory_space<vmem>> -> memref<1x128x64xf32, #tpu.memory_space<vmem>>
        %dma_wait3A_133 = tpu.memref_squeeze %dma_wait3A_132 : memref<1x128x64xf32, #tpu.memory_space<vmem>> -> memref<128x64xf32, #tpu.memory_space<vmem>>
        %dma_wait3A_134 = arith.constant 0 : i32
        %dma_wait3A_135 = tpu.memref_slice %arg9[%run_scoped3A_76, %dma_wait3A_134] : memref<160x128xi32, #tpu.memory_space<vmem>> -> memref<1x128xi32, #tpu.memory_space<vmem>>
        %dma_wait3A_136 = tpu.memref_squeeze %dma_wait3A_135 : memref<1x128xi32, #tpu.memory_space<vmem>> -> memref<128xi32, #tpu.memory_space<vmem>>
        %dma_wait3A_137 = arith.constant 0 : i32
        %dma_wait3A_138 = arith.constant 0 : i32
        %dma_wait3A_139 = tpu.memref_slice %arg11[%dma_wait3A_137, %dma_wait3A_138] : memref<10240x64xf32, #tpu.memory_space<vmem_shared>> -> memref<10240x64xf32, #tpu.memory_space<vmem_shared>>
        tpu.wait_indirect_dma semaphore(%run_scoped3A_119 : memref<!tpu.dma_semaphore, #tpu.memory_space<semaphore_mem>>) src(%dma_wait3A_133 : memref<128x64xf32, #tpu.memory_space<vmem>>) dst(%dma_wait3A_139 : memref<10240x64xf32, #tpu.memory_space<vmem_shared>>)
        tpu.yield
      }) : () -> ()
      %dma_wait3A_77 = arith.constant 157 : i32
      %dma_wait3A_78 = arith.constant 1 : i32
      %dma_wait3A_79 = arith.constant 0 : i32
      %dma_wait3A_80 = arith.constant 0 : i32
      %dma_wait3A_81 = tpu.memref_slice %arg10[%dma_wait3A_78, %dma_wait3A_79, %dma_wait3A_80] : memref<4x128x64xf32, #tpu.memory_space<vmem>> -> memref<1x128x64xf32, #tpu.memory_space<vmem>>
      %dma_wait3A_82 = tpu.memref_squeeze %dma_wait3A_81 : memref<1x128x64xf32, #tpu.memory_space<vmem>> -> memref<128x64xf32, #tpu.memory_space<vmem>>
      %dma_wait3A_83 = arith.constant 0 : i32
      %dma_wait3A_84 = tpu.memref_slice %arg8[%dma_wait3A_77, %dma_wait3A_83] : memref<160x128xi32, #tpu.memory_space<vmem>> -> memref<1x128xi32, #tpu.memory_space<vmem>>
      %dma_wait3A_85 = tpu.memref_squeeze %dma_wait3A_84 : memref<1x128xi32, #tpu.memory_space<vmem>> -> memref<128xi32, #tpu.memory_space<vmem>>
      %dma_wait3A_86 = arith.constant 0 : i32
      %dma_wait3A_87 = arith.constant 0 : i32
      %dma_wait3A_88 = tpu.memref_slice %arg2[%dma_wait3A_86, %dma_wait3A_87] : memref<10240x64xf32, #tpu.memory_space<hbm>> -> memref<10240x64xf32, #tpu.memory_space<hbm>>
      tpu.wait_indirect_dma semaphore(%arg13 : memref<!tpu.dma_semaphore, #tpu.memory_space<semaphore_mem>>) src(%dma_wait3A_88 : memref<10240x64xf32, #tpu.memory_space<hbm>>) dst(%dma_wait3A_82 : memref<128x64xf32, #tpu.memory_space<vmem>>)
      %run_scoped3A_89 = arith.constant 1 : i32
      %run_scoped3A_90 = arith.constant 157 : i32
      "tpu.region"() ({
        %run_scoped3A_119 = tpu.sem_alloc : memref<!tpu.dma_semaphore, #tpu.memory_space<semaphore_mem>>
        %dma_start3A_120 = arith.constant 0 : i32
        %dma_start3A_121 = arith.constant 0 : i32
        %dma_start3A_122 = tpu.memref_slice %arg10[%run_scoped3A_89, %dma_start3A_120, %dma_start3A_121] : memref<4x128x64xf32, #tpu.memory_space<vmem>> -> memref<1x128x64xf32, #tpu.memory_space<vmem>>
        %dma_start3A_123 = tpu.memref_squeeze %dma_start3A_122 : memref<1x128x64xf32, #tpu.memory_space<vmem>> -> memref<128x64xf32, #tpu.memory_space<vmem>>
        %dma_start3A_124 = arith.constant 0 : i32
        %dma_start3A_125 = tpu.memref_slice %arg9[%run_scoped3A_90, %dma_start3A_124] : memref<160x128xi32, #tpu.memory_space<vmem>> -> memref<1x128xi32, #tpu.memory_space<vmem>>
        %dma_start3A_126 = tpu.memref_squeeze %dma_start3A_125 : memref<1x128xi32, #tpu.memory_space<vmem>> -> memref<128xi32, #tpu.memory_space<vmem>>
        %dma_start3A_127 = arith.constant 0 : i32
        %dma_start3A_128 = arith.constant 0 : i32
        %dma_start3A_129 = tpu.memref_slice %arg11[%dma_start3A_127, %dma_start3A_128] : memref<10240x64xf32, #tpu.memory_space<vmem_shared>> -> memref<10240x64xf32, #tpu.memory_space<vmem_shared>>
        tpu.enqueue_indirect_dma source(%dma_start3A_123 : memref<128x64xf32, #tpu.memory_space<vmem>>) target(%dma_start3A_129 : memref<10240x64xf32, #tpu.memory_space<vmem_shared>>) offsets(%dma_start3A_126 : memref<128xi32, #tpu.memory_space<vmem>>) semaphore(%run_scoped3A_119 : memref<!tpu.dma_semaphore, #tpu.memory_space<semaphore_mem>>) {add = true}
        %dma_wait3A_130 = arith.constant 0 : i32
        %dma_wait3A_131 = arith.constant 0 : i32
        %dma_wait3A_132 = tpu.memref_slice %arg10[%run_scoped3A_89, %dma_wait3A_130, %dma_wait3A_131] : memref<4x128x64xf32, #tpu.memory_space<vmem>> -> memref<1x128x64xf32, #tpu.memory_space<vmem>>
        %dma_wait3A_133 = tpu.memref_squeeze %dma_wait3A_132 : memref<1x128x64xf32, #tpu.memory_space<vmem>> -> memref<128x64xf32, #tpu.memory_space<vmem>>
        %dma_wait3A_134 = arith.constant 0 : i32
        %dma_wait3A_135 = tpu.memref_slice %arg9[%run_scoped3A_90, %dma_wait3A_134] : memref<160x128xi32, #tpu.memory_space<vmem>> -> memref<1x128xi32, #tpu.memory_space<vmem>>
        %dma_wait3A_136 = tpu.memref_squeeze %dma_wait3A_135 : memref<1x128xi32, #tpu.memory_space<vmem>> -> memref<128xi32, #tpu.memory_space<vmem>>
        %dma_wait3A_137 = arith.constant 0 : i32
        %dma_wait3A_138 = arith.constant 0 : i32
        %dma_wait3A_139 = tpu.memref_slice %arg11[%dma_wait3A_137, %dma_wait3A_138] : memref<10240x64xf32, #tpu.memory_space<vmem_shared>> -> memref<10240x64xf32, #tpu.memory_space<vmem_shared>>
        tpu.wait_indirect_dma semaphore(%run_scoped3A_119 : memref<!tpu.dma_semaphore, #tpu.memory_space<semaphore_mem>>) src(%dma_wait3A_133 : memref<128x64xf32, #tpu.memory_space<vmem>>) dst(%dma_wait3A_139 : memref<10240x64xf32, #tpu.memory_space<vmem_shared>>)
        tpu.yield
      }) : () -> ()
      %dma_wait3A_91 = arith.constant 158 : i32
      %dma_wait3A_92 = arith.constant 2 : i32
      %dma_wait3A_93 = arith.constant 0 : i32
      %dma_wait3A_94 = arith.constant 0 : i32
      %dma_wait3A_95 = tpu.memref_slice %arg10[%dma_wait3A_92, %dma_wait3A_93, %dma_wait3A_94] : memref<4x128x64xf32, #tpu.memory_space<vmem>> -> memref<1x128x64xf32, #tpu.memory_space<vmem>>
      %dma_wait3A_96 = tpu.memref_squeeze %dma_wait3A_95 : memref<1x128x64xf32, #tpu.memory_space<vmem>> -> memref<128x64xf32, #tpu.memory_space<vmem>>
      %dma_wait3A_97 = arith.constant 0 : i32
      %dma_wait3A_98 = tpu.memref_slice %arg8[%dma_wait3A_91, %dma_wait3A_97] : memref<160x128xi32, #tpu.memory_space<vmem>> -> memref<1x128xi32, #tpu.memory_space<vmem>>
      %dma_wait3A_99 = tpu.memref_squeeze %dma_wait3A_98 : memref<1x128xi32, #tpu.memory_space<vmem>> -> memref<128xi32, #tpu.memory_space<vmem>>
      %dma_wait3A_100 = arith.constant 0 : i32
      %dma_wait3A_101 = arith.constant 0 : i32
      %dma_wait3A_102 = tpu.memref_slice %arg2[%dma_wait3A_100, %dma_wait3A_101] : memref<10240x64xf32, #tpu.memory_space<hbm>> -> memref<10240x64xf32, #tpu.memory_space<hbm>>
      tpu.wait_indirect_dma semaphore(%arg14 : memref<!tpu.dma_semaphore, #tpu.memory_space<semaphore_mem>>) src(%dma_wait3A_102 : memref<10240x64xf32, #tpu.memory_space<hbm>>) dst(%dma_wait3A_96 : memref<128x64xf32, #tpu.memory_space<vmem>>)
      %run_scoped3A_103 = arith.constant 2 : i32
      %run_scoped3A_104 = arith.constant 158 : i32
      "tpu.region"() ({
        %run_scoped3A_119 = tpu.sem_alloc : memref<!tpu.dma_semaphore, #tpu.memory_space<semaphore_mem>>
        %dma_start3A_120 = arith.constant 0 : i32
        %dma_start3A_121 = arith.constant 0 : i32
        %dma_start3A_122 = tpu.memref_slice %arg10[%run_scoped3A_103, %dma_start3A_120, %dma_start3A_121] : memref<4x128x64xf32, #tpu.memory_space<vmem>> -> memref<1x128x64xf32, #tpu.memory_space<vmem>>
        %dma_start3A_123 = tpu.memref_squeeze %dma_start3A_122 : memref<1x128x64xf32, #tpu.memory_space<vmem>> -> memref<128x64xf32, #tpu.memory_space<vmem>>
        %dma_start3A_124 = arith.constant 0 : i32
        %dma_start3A_125 = tpu.memref_slice %arg9[%run_scoped3A_104, %dma_start3A_124] : memref<160x128xi32, #tpu.memory_space<vmem>> -> memref<1x128xi32, #tpu.memory_space<vmem>>
        %dma_start3A_126 = tpu.memref_squeeze %dma_start3A_125 : memref<1x128xi32, #tpu.memory_space<vmem>> -> memref<128xi32, #tpu.memory_space<vmem>>
        %dma_start3A_127 = arith.constant 0 : i32
        %dma_start3A_128 = arith.constant 0 : i32
        %dma_start3A_129 = tpu.memref_slice %arg11[%dma_start3A_127, %dma_start3A_128] : memref<10240x64xf32, #tpu.memory_space<vmem_shared>> -> memref<10240x64xf32, #tpu.memory_space<vmem_shared>>
        tpu.enqueue_indirect_dma source(%dma_start3A_123 : memref<128x64xf32, #tpu.memory_space<vmem>>) target(%dma_start3A_129 : memref<10240x64xf32, #tpu.memory_space<vmem_shared>>) offsets(%dma_start3A_126 : memref<128xi32, #tpu.memory_space<vmem>>) semaphore(%run_scoped3A_119 : memref<!tpu.dma_semaphore, #tpu.memory_space<semaphore_mem>>) {add = true}
        %dma_wait3A_130 = arith.constant 0 : i32
        %dma_wait3A_131 = arith.constant 0 : i32
        %dma_wait3A_132 = tpu.memref_slice %arg10[%run_scoped3A_103, %dma_wait3A_130, %dma_wait3A_131] : memref<4x128x64xf32, #tpu.memory_space<vmem>> -> memref<1x128x64xf32, #tpu.memory_space<vmem>>
        %dma_wait3A_133 = tpu.memref_squeeze %dma_wait3A_132 : memref<1x128x64xf32, #tpu.memory_space<vmem>> -> memref<128x64xf32, #tpu.memory_space<vmem>>
        %dma_wait3A_134 = arith.constant 0 : i32
        %dma_wait3A_135 = tpu.memref_slice %arg9[%run_scoped3A_104, %dma_wait3A_134] : memref<160x128xi32, #tpu.memory_space<vmem>> -> memref<1x128xi32, #tpu.memory_space<vmem>>
        %dma_wait3A_136 = tpu.memref_squeeze %dma_wait3A_135 : memref<1x128xi32, #tpu.memory_space<vmem>> -> memref<128xi32, #tpu.memory_space<vmem>>
        %dma_wait3A_137 = arith.constant 0 : i32
        %dma_wait3A_138 = arith.constant 0 : i32
        %dma_wait3A_139 = tpu.memref_slice %arg11[%dma_wait3A_137, %dma_wait3A_138] : memref<10240x64xf32, #tpu.memory_space<vmem_shared>> -> memref<10240x64xf32, #tpu.memory_space<vmem_shared>>
        tpu.wait_indirect_dma semaphore(%run_scoped3A_119 : memref<!tpu.dma_semaphore, #tpu.memory_space<semaphore_mem>>) src(%dma_wait3A_133 : memref<128x64xf32, #tpu.memory_space<vmem>>) dst(%dma_wait3A_139 : memref<10240x64xf32, #tpu.memory_space<vmem_shared>>)
        tpu.yield
      }) : () -> ()
      %dma_wait3A_105 = arith.constant 159 : i32
      %dma_wait3A_106 = arith.constant 3 : i32
      %dma_wait3A_107 = arith.constant 0 : i32
      %dma_wait3A_108 = arith.constant 0 : i32
      %dma_wait3A_109 = tpu.memref_slice %arg10[%dma_wait3A_106, %dma_wait3A_107, %dma_wait3A_108] : memref<4x128x64xf32, #tpu.memory_space<vmem>> -> memref<1x128x64xf32, #tpu.memory_space<vmem>>
      %dma_wait3A_110 = tpu.memref_squeeze %dma_wait3A_109 : memref<1x128x64xf32, #tpu.memory_space<vmem>> -> memref<128x64xf32, #tpu.memory_space<vmem>>
      %dma_wait3A_111 = arith.constant 0 : i32
      %dma_wait3A_112 = tpu.memref_slice %arg8[%dma_wait3A_105, %dma_wait3A_111] : memref<160x128xi32, #tpu.memory_space<vmem>> -> memref<1x128xi32, #tpu.memory_space<vmem>>
      %dma_wait3A_113 = tpu.memref_squeeze %dma_wait3A_112 : memref<1x128xi32, #tpu.memory_space<vmem>> -> memref<128xi32, #tpu.memory_space<vmem>>
      %dma_wait3A_114 = arith.constant 0 : i32
      %dma_wait3A_115 = arith.constant 0 : i32
      %dma_wait3A_116 = tpu.memref_slice %arg2[%dma_wait3A_114, %dma_wait3A_115] : memref<10240x64xf32, #tpu.memory_space<hbm>> -> memref<10240x64xf32, #tpu.memory_space<hbm>>
      tpu.wait_indirect_dma semaphore(%arg15 : memref<!tpu.dma_semaphore, #tpu.memory_space<semaphore_mem>>) src(%dma_wait3A_116 : memref<10240x64xf32, #tpu.memory_space<hbm>>) dst(%dma_wait3A_110 : memref<128x64xf32, #tpu.memory_space<vmem>>)
      %run_scoped3A_117 = arith.constant 3 : i32
      %run_scoped3A_118 = arith.constant 159 : i32
      "tpu.region"() ({
        %run_scoped3A_119 = tpu.sem_alloc : memref<!tpu.dma_semaphore, #tpu.memory_space<semaphore_mem>>
        %dma_start3A_120 = arith.constant 0 : i32
        %dma_start3A_121 = arith.constant 0 : i32
        %dma_start3A_122 = tpu.memref_slice %arg10[%run_scoped3A_117, %dma_start3A_120, %dma_start3A_121] : memref<4x128x64xf32, #tpu.memory_space<vmem>> -> memref<1x128x64xf32, #tpu.memory_space<vmem>>
        %dma_start3A_123 = tpu.memref_squeeze %dma_start3A_122 : memref<1x128x64xf32, #tpu.memory_space<vmem>> -> memref<128x64xf32, #tpu.memory_space<vmem>>
        %dma_start3A_124 = arith.constant 0 : i32
        %dma_start3A_125 = tpu.memref_slice %arg9[%run_scoped3A_118, %dma_start3A_124] : memref<160x128xi32, #tpu.memory_space<vmem>> -> memref<1x128xi32, #tpu.memory_space<vmem>>
        %dma_start3A_126 = tpu.memref_squeeze %dma_start3A_125 : memref<1x128xi32, #tpu.memory_space<vmem>> -> memref<128xi32, #tpu.memory_space<vmem>>
        %dma_start3A_127 = arith.constant 0 : i32
        %dma_start3A_128 = arith.constant 0 : i32
        %dma_start3A_129 = tpu.memref_slice %arg11[%dma_start3A_127, %dma_start3A_128] : memref<10240x64xf32, #tpu.memory_space<vmem_shared>> -> memref<10240x64xf32, #tpu.memory_space<vmem_shared>>
        tpu.enqueue_indirect_dma source(%dma_start3A_123 : memref<128x64xf32, #tpu.memory_space<vmem>>) target(%dma_start3A_129 : memref<10240x64xf32, #tpu.memory_space<vmem_shared>>) offsets(%dma_start3A_126 : memref<128xi32, #tpu.memory_space<vmem>>) semaphore(%run_scoped3A_119 : memref<!tpu.dma_semaphore, #tpu.memory_space<semaphore_mem>>) {add = true}
        %dma_wait3A_130 = arith.constant 0 : i32
        %dma_wait3A_131 = arith.constant 0 : i32
        %dma_wait3A_132 = tpu.memref_slice %arg10[%run_scoped3A_117, %dma_wait3A_130, %dma_wait3A_131] : memref<4x128x64xf32, #tpu.memory_space<vmem>> -> memref<1x128x64xf32, #tpu.memory_space<vmem>>
        %dma_wait3A_133 = tpu.memref_squeeze %dma_wait3A_132 : memref<1x128x64xf32, #tpu.memory_space<vmem>> -> memref<128x64xf32, #tpu.memory_space<vmem>>
        %dma_wait3A_134 = arith.constant 0 : i32
        %dma_wait3A_135 = tpu.memref_slice %arg9[%run_scoped3A_118, %dma_wait3A_134] : memref<160x128xi32, #tpu.memory_space<vmem>> -> memref<1x128xi32, #tpu.memory_space<vmem>>
        %dma_wait3A_136 = tpu.memref_squeeze %dma_wait3A_135 : memref<1x128xi32, #tpu.memory_space<vmem>> -> memref<128xi32, #tpu.memory_space<vmem>>
        %dma_wait3A_137 = arith.constant 0 : i32
        %dma_wait3A_138 = arith.constant 0 : i32
        %dma_wait3A_139 = tpu.memref_slice %arg11[%dma_wait3A_137, %dma_wait3A_138] : memref<10240x64xf32, #tpu.memory_space<vmem_shared>> -> memref<10240x64xf32, #tpu.memory_space<vmem_shared>>
        tpu.wait_indirect_dma semaphore(%run_scoped3A_119 : memref<!tpu.dma_semaphore, #tpu.memory_space<semaphore_mem>>) src(%dma_wait3A_133 : memref<128x64xf32, #tpu.memory_space<vmem>>) dst(%dma_wait3A_139 : memref<10240x64xf32, #tpu.memory_space<vmem_shared>>)
        tpu.yield
      }) : () -> ()
    } else {
    }
    %eq3A_7 = arith.constant 1 : i32
    %eq3A_8 = arith.cmpi eq, %arg0, %eq3A_7 : i32
    %convert_element_type3A_9 = arith.extui %eq3A_8 : i1 to i32
    %cond3A_10 = arith.constant 0 : i32
    %cond3A_11 = arith.cmpi ne, %convert_element_type3A_9, %cond3A_10 : i32
    scf.if %cond3A_11 {
      %dma_start3A = arith.constant 0 : i32
      %dma_start3A_13 = arith.constant 0 : i32
      %dma_start3A_14 = arith.constant 0 : i32
      %dma_start3A_15 = arith.constant 0 : i32
      %dma_start3A_16 = tpu.memref_slice %arg10[%dma_start3A_13, %dma_start3A_14, %dma_start3A_15] : memref<4x128x64xf32, #tpu.memory_space<vmem>> -> memref<1x128x64xf32, #tpu.memory_space<vmem>>
      %dma_start3A_17 = tpu.memref_squeeze %dma_start3A_16 : memref<1x128x64xf32, #tpu.memory_space<vmem>> -> memref<128x64xf32, #tpu.memory_space<vmem>>
      %dma_start3A_18 = arith.constant 0 : i32
      %dma_start3A_19 = tpu.memref_slice %arg8[%dma_start3A, %dma_start3A_18] : memref<160x128xi32, #tpu.memory_space<vmem>> -> memref<1x128xi32, #tpu.memory_space<vmem>>
      %dma_start3A_20 = tpu.memref_squeeze %dma_start3A_19 : memref<1x128xi32, #tpu.memory_space<vmem>> -> memref<128xi32, #tpu.memory_space<vmem>>
      %dma_start3A_21 = arith.constant 0 : i32
      %dma_start3A_22 = arith.constant 0 : i32
      %dma_start3A_23 = tpu.memref_slice %arg3[%dma_start3A_21, %dma_start3A_22] : memref<10240x64xf32, #tpu.memory_space<hbm>> -> memref<10240x64xf32, #tpu.memory_space<hbm>>
      tpu.enqueue_indirect_dma source(%dma_start3A_23 : memref<10240x64xf32, #tpu.memory_space<hbm>>) target(%dma_start3A_17 : memref<128x64xf32, #tpu.memory_space<vmem>>) offsets(%dma_start3A_20 : memref<128xi32, #tpu.memory_space<vmem>>) semaphore(%arg12 : memref<!tpu.dma_semaphore, #tpu.memory_space<semaphore_mem>>)
      %dma_start3A_24 = arith.constant 1 : i32
      %dma_start3A_25 = arith.constant 1 : i32
      %dma_start3A_26 = arith.constant 0 : i32
      %dma_start3A_27 = arith.constant 0 : i32
      %dma_start3A_28 = tpu.memref_slice %arg10[%dma_start3A_25, %dma_start3A_26, %dma_start3A_27] : memref<4x128x64xf32, #tpu.memory_space<vmem>> -> memref<1x128x64xf32, #tpu.memory_space<vmem>>
      %dma_start3A_29 = tpu.memref_squeeze %dma_start3A_28 : memref<1x128x64xf32, #tpu.memory_space<vmem>> -> memref<128x64xf32, #tpu.memory_space<vmem>>
      %dma_start3A_30 = arith.constant 0 : i32
      %dma_start3A_31 = tpu.memref_slice %arg8[%dma_start3A_24, %dma_start3A_30] : memref<160x128xi32, #tpu.memory_space<vmem>> -> memref<1x128xi32, #tpu.memory_space<vmem>>
      %dma_start3A_32 = tpu.memref_squeeze %dma_start3A_31 : memref<1x128xi32, #tpu.memory_space<vmem>> -> memref<128xi32, #tpu.memory_space<vmem>>
      %dma_start3A_33 = arith.constant 0 : i32
      %dma_start3A_34 = arith.constant 0 : i32
      %dma_start3A_35 = tpu.memref_slice %arg3[%dma_start3A_33, %dma_start3A_34] : memref<10240x64xf32, #tpu.memory_space<hbm>> -> memref<10240x64xf32, #tpu.memory_space<hbm>>
      tpu.enqueue_indirect_dma source(%dma_start3A_35 : memref<10240x64xf32, #tpu.memory_space<hbm>>) target(%dma_start3A_29 : memref<128x64xf32, #tpu.memory_space<vmem>>) offsets(%dma_start3A_32 : memref<128xi32, #tpu.memory_space<vmem>>) semaphore(%arg13 : memref<!tpu.dma_semaphore, #tpu.memory_space<semaphore_mem>>)
      %dma_start3A_36 = arith.constant 2 : i32
      %dma_start3A_37 = arith.constant 2 : i32
      %dma_start3A_38 = arith.constant 0 : i32
      %dma_start3A_39 = arith.constant 0 : i32
      %dma_start3A_40 = tpu.memref_slice %arg10[%dma_start3A_37, %dma_start3A_38, %dma_start3A_39] : memref<4x128x64xf32, #tpu.memory_space<vmem>> -> memref<1x128x64xf32, #tpu.memory_space<vmem>>
      %dma_start3A_41 = tpu.memref_squeeze %dma_start3A_40 : memref<1x128x64xf32, #tpu.memory_space<vmem>> -> memref<128x64xf32, #tpu.memory_space<vmem>>
      %dma_start3A_42 = arith.constant 0 : i32
      %dma_start3A_43 = tpu.memref_slice %arg8[%dma_start3A_36, %dma_start3A_42] : memref<160x128xi32, #tpu.memory_space<vmem>> -> memref<1x128xi32, #tpu.memory_space<vmem>>
      %dma_start3A_44 = tpu.memref_squeeze %dma_start3A_43 : memref<1x128xi32, #tpu.memory_space<vmem>> -> memref<128xi32, #tpu.memory_space<vmem>>
      %dma_start3A_45 = arith.constant 0 : i32
      %dma_start3A_46 = arith.constant 0 : i32
      %dma_start3A_47 = tpu.memref_slice %arg3[%dma_start3A_45, %dma_start3A_46] : memref<10240x64xf32, #tpu.memory_space<hbm>> -> memref<10240x64xf32, #tpu.memory_space<hbm>>
      tpu.enqueue_indirect_dma source(%dma_start3A_47 : memref<10240x64xf32, #tpu.memory_space<hbm>>) target(%dma_start3A_41 : memref<128x64xf32, #tpu.memory_space<vmem>>) offsets(%dma_start3A_44 : memref<128xi32, #tpu.memory_space<vmem>>) semaphore(%arg14 : memref<!tpu.dma_semaphore, #tpu.memory_space<semaphore_mem>>)
      %dma_start3A_48 = arith.constant 3 : i32
      %dma_start3A_49 = arith.constant 3 : i32
      %dma_start3A_50 = arith.constant 0 : i32
      %dma_start3A_51 = arith.constant 0 : i32
      %dma_start3A_52 = tpu.memref_slice %arg10[%dma_start3A_49, %dma_start3A_50, %dma_start3A_51] : memref<4x128x64xf32, #tpu.memory_space<vmem>> -> memref<1x128x64xf32, #tpu.memory_space<vmem>>
      %dma_start3A_53 = tpu.memref_squeeze %dma_start3A_52 : memref<1x128x64xf32, #tpu.memory_space<vmem>> -> memref<128x64xf32, #tpu.memory_space<vmem>>
      %dma_start3A_54 = arith.constant 0 : i32
      %dma_start3A_55 = tpu.memref_slice %arg8[%dma_start3A_48, %dma_start3A_54] : memref<160x128xi32, #tpu.memory_space<vmem>> -> memref<1x128xi32, #tpu.memory_space<vmem>>
      %dma_start3A_56 = tpu.memref_squeeze %dma_start3A_55 : memref<1x128xi32, #tpu.memory_space<vmem>> -> memref<128xi32, #tpu.memory_space<vmem>>
      %dma_start3A_57 = arith.constant 0 : i32
      %dma_start3A_58 = arith.constant 0 : i32
      %dma_start3A_59 = tpu.memref_slice %arg3[%dma_start3A_57, %dma_start3A_58] : memref<10240x64xf32, #tpu.memory_space<hbm>> -> memref<10240x64xf32, #tpu.memory_space<hbm>>
      tpu.enqueue_indirect_dma source(%dma_start3A_59 : memref<10240x64xf32, #tpu.memory_space<hbm>>) target(%dma_start3A_53 : memref<128x64xf32, #tpu.memory_space<vmem>>) offsets(%dma_start3A_56 : memref<128xi32, #tpu.memory_space<vmem>>) semaphore(%arg15 : memref<!tpu.dma_semaphore, #tpu.memory_space<semaphore_mem>>)
      %scan3A = arith.constant 0 : i32
      %scan3A_60 = arith.constant 0 : i32
      %scan3A_61 = arith.constant 39 : i32
      %scan3A_62 = arith.addi %scan3A_60, %scan3A_61 : i32
      %scan3A_63 = arith.constant 1 : i32
      scf.for %scan3A_119 = %scan3A_60 to %scan3A_62 step %scan3A_63  : i32 {
        %mul3A_120 = arith.constant 4 : i32
        %mul3A_121 = arith.muli %scan3A_119, %mul3A_120 : i32
        %add3A = arith.constant 0 : i32
        %add3A_122 = arith.addi %mul3A_121, %add3A : i32
        %dma_wait3A_123 = arith.constant 0 : i32
        %dma_wait3A_124 = arith.constant 0 : i32
        %dma_wait3A_125 = arith.constant 0 : i32
        %dma_wait3A_126 = tpu.memref_slice %arg10[%dma_wait3A_123, %dma_wait3A_124, %dma_wait3A_125] : memref<4x128x64xf32, #tpu.memory_space<vmem>> -> memref<1x128x64xf32, #tpu.memory_space<vmem>>
        %dma_wait3A_127 = tpu.memref_squeeze %dma_wait3A_126 : memref<1x128x64xf32, #tpu.memory_space<vmem>> -> memref<128x64xf32, #tpu.memory_space<vmem>>
        %dma_wait3A_128 = arith.constant 0 : i32
        %dma_wait3A_129 = tpu.memref_slice %arg8[%add3A_122, %dma_wait3A_128] : memref<160x128xi32, #tpu.memory_space<vmem>> -> memref<1x128xi32, #tpu.memory_space<vmem>>
        %dma_wait3A_130 = tpu.memref_squeeze %dma_wait3A_129 : memref<1x128xi32, #tpu.memory_space<vmem>> -> memref<128xi32, #tpu.memory_space<vmem>>
        %dma_wait3A_131 = arith.constant 0 : i32
        %dma_wait3A_132 = arith.constant 0 : i32
        %dma_wait3A_133 = tpu.memref_slice %arg3[%dma_wait3A_131, %dma_wait3A_132] : memref<10240x64xf32, #tpu.memory_space<hbm>> -> memref<10240x64xf32, #tpu.memory_space<hbm>>
        tpu.wait_indirect_dma semaphore(%arg12 : memref<!tpu.dma_semaphore, #tpu.memory_space<semaphore_mem>>) src(%dma_wait3A_133 : memref<10240x64xf32, #tpu.memory_space<hbm>>) dst(%dma_wait3A_127 : memref<128x64xf32, #tpu.memory_space<vmem>>)
        %run_scoped3A_134 = arith.constant 0 : i32
        "tpu.region"() ({
          %run_scoped3A_235 = tpu.sem_alloc : memref<!tpu.dma_semaphore, #tpu.memory_space<semaphore_mem>>
          %dma_start3A_236 = arith.constant 0 : i32
          %dma_start3A_237 = arith.constant 0 : i32
          %dma_start3A_238 = tpu.memref_slice %arg10[%run_scoped3A_134, %dma_start3A_236, %dma_start3A_237] : memref<4x128x64xf32, #tpu.memory_space<vmem>> -> memref<1x128x64xf32, #tpu.memory_space<vmem>>
          %dma_start3A_239 = tpu.memref_squeeze %dma_start3A_238 : memref<1x128x64xf32, #tpu.memory_space<vmem>> -> memref<128x64xf32, #tpu.memory_space<vmem>>
          %dma_start3A_240 = arith.constant 0 : i32
          %dma_start3A_241 = tpu.memref_slice %arg9[%add3A_122, %dma_start3A_240] : memref<160x128xi32, #tpu.memory_space<vmem>> -> memref<1x128xi32, #tpu.memory_space<vmem>>
          %dma_start3A_242 = tpu.memref_squeeze %dma_start3A_241 : memref<1x128xi32, #tpu.memory_space<vmem>> -> memref<128xi32, #tpu.memory_space<vmem>>
          %dma_start3A_243 = arith.constant 0 : i32
          %dma_start3A_244 = arith.constant 0 : i32
          %dma_start3A_245 = tpu.memref_slice %arg11[%dma_start3A_243, %dma_start3A_244] : memref<10240x64xf32, #tpu.memory_space<vmem_shared>> -> memref<10240x64xf32, #tpu.memory_space<vmem_shared>>
          tpu.enqueue_indirect_dma source(%dma_start3A_239 : memref<128x64xf32, #tpu.memory_space<vmem>>) target(%dma_start3A_245 : memref<10240x64xf32, #tpu.memory_space<vmem_shared>>) offsets(%dma_start3A_242 : memref<128xi32, #tpu.memory_space<vmem>>) semaphore(%run_scoped3A_235 : memref<!tpu.dma_semaphore, #tpu.memory_space<semaphore_mem>>) {add = true}
          %dma_wait3A_246 = arith.constant 0 : i32
          %dma_wait3A_247 = arith.constant 0 : i32
          %dma_wait3A_248 = tpu.memref_slice %arg10[%run_scoped3A_134, %dma_wait3A_246, %dma_wait3A_247] : memref<4x128x64xf32, #tpu.memory_space<vmem>> -> memref<1x128x64xf32, #tpu.memory_space<vmem>>
          %dma_wait3A_249 = tpu.memref_squeeze %dma_wait3A_248 : memref<1x128x64xf32, #tpu.memory_space<vmem>> -> memref<128x64xf32, #tpu.memory_space<vmem>>
          %dma_wait3A_250 = arith.constant 0 : i32
          %dma_wait3A_251 = tpu.memref_slice %arg9[%add3A_122, %dma_wait3A_250] : memref<160x128xi32, #tpu.memory_space<vmem>> -> memref<1x128xi32, #tpu.memory_space<vmem>>
          %dma_wait3A_252 = tpu.memref_squeeze %dma_wait3A_251 : memref<1x128xi32, #tpu.memory_space<vmem>> -> memref<128xi32, #tpu.memory_space<vmem>>
          %dma_wait3A_253 = arith.constant 0 : i32
          %dma_wait3A_254 = arith.constant 0 : i32
          %dma_wait3A_255 = tpu.memref_slice %arg11[%dma_wait3A_253, %dma_wait3A_254] : memref<10240x64xf32, #tpu.memory_space<vmem_shared>> -> memref<10240x64xf32, #tpu.memory_space<vmem_shared>>
          tpu.wait_indirect_dma semaphore(%run_scoped3A_235 : memref<!tpu.dma_semaphore, #tpu.memory_space<semaphore_mem>>) src(%dma_wait3A_249 : memref<128x64xf32, #tpu.memory_space<vmem>>) dst(%dma_wait3A_255 : memref<10240x64xf32, #tpu.memory_space<vmem_shared>>)
          tpu.yield
        }) : () -> ()
        %add3A_135 = arith.constant 4 : i32
        %add3A_136 = arith.addi %add3A_122, %add3A_135 : i32
        %dma_start3A_137 = arith.constant 0 : i32
        %dma_start3A_138 = arith.constant 0 : i32
        %dma_start3A_139 = arith.constant 0 : i32
        %dma_start3A_140 = tpu.memref_slice %arg10[%dma_start3A_137, %dma_start3A_138, %dma_start3A_139] : memref<4x128x64xf32, #tpu.memory_space<vmem>> -> memref<1x128x64xf32, #tpu.memory_space<vmem>>
        %dma_start3A_141 = tpu.memref_squeeze %dma_start3A_140 : memref<1x128x64xf32, #tpu.memory_space<vmem>> -> memref<128x64xf32, #tpu.memory_space<vmem>>
        %dma_start3A_142 = arith.constant 0 : i32
        %dma_start3A_143 = tpu.memref_slice %arg8[%add3A_136, %dma_start3A_142] : memref<160x128xi32, #tpu.memory_space<vmem>> -> memref<1x128xi32, #tpu.memory_space<vmem>>
        %dma_start3A_144 = tpu.memref_squeeze %dma_start3A_143 : memref<1x128xi32, #tpu.memory_space<vmem>> -> memref<128xi32, #tpu.memory_space<vmem>>
        %dma_start3A_145 = arith.constant 0 : i32
        %dma_start3A_146 = arith.constant 0 : i32
        %dma_start3A_147 = tpu.memref_slice %arg3[%dma_start3A_145, %dma_start3A_146] : memref<10240x64xf32, #tpu.memory_space<hbm>> -> memref<10240x64xf32, #tpu.memory_space<hbm>>
        tpu.enqueue_indirect_dma source(%dma_start3A_147 : memref<10240x64xf32, #tpu.memory_space<hbm>>) target(%dma_start3A_141 : memref<128x64xf32, #tpu.memory_space<vmem>>) offsets(%dma_start3A_144 : memref<128xi32, #tpu.memory_space<vmem>>) semaphore(%arg12 : memref<!tpu.dma_semaphore, #tpu.memory_space<semaphore_mem>>)
        %mul3A_148 = arith.constant 4 : i32
        %mul3A_149 = arith.muli %scan3A_119, %mul3A_148 : i32
        %add3A_150 = arith.constant 1 : i32
        %add3A_151 = arith.addi %mul3A_149, %add3A_150 : i32
        %dma_wait3A_152 = arith.constant 1 : i32
        %dma_wait3A_153 = arith.constant 0 : i32
        %dma_wait3A_154 = arith.constant 0 : i32
        %dma_wait3A_155 = tpu.memref_slice %arg10[%dma_wait3A_152, %dma_wait3A_153, %dma_wait3A_154] : memref<4x128x64xf32, #tpu.memory_space<vmem>> -> memref<1x128x64xf32, #tpu.memory_space<vmem>>
        %dma_wait3A_156 = tpu.memref_squeeze %dma_wait3A_155 : memref<1x128x64xf32, #tpu.memory_space<vmem>> -> memref<128x64xf32, #tpu.memory_space<vmem>>
        %dma_wait3A_157 = arith.constant 0 : i32
        %dma_wait3A_158 = tpu.memref_slice %arg8[%add3A_151, %dma_wait3A_157] : memref<160x128xi32, #tpu.memory_space<vmem>> -> memref<1x128xi32, #tpu.memory_space<vmem>>
        %dma_wait3A_159 = tpu.memref_squeeze %dma_wait3A_158 : memref<1x128xi32, #tpu.memory_space<vmem>> -> memref<128xi32, #tpu.memory_space<vmem>>
        %dma_wait3A_160 = arith.constant 0 : i32
        %dma_wait3A_161 = arith.constant 0 : i32
        %dma_wait3A_162 = tpu.memref_slice %arg3[%dma_wait3A_160, %dma_wait3A_161] : memref<10240x64xf32, #tpu.memory_space<hbm>> -> memref<10240x64xf32, #tpu.memory_space<hbm>>
        tpu.wait_indirect_dma semaphore(%arg13 : memref<!tpu.dma_semaphore, #tpu.memory_space<semaphore_mem>>) src(%dma_wait3A_162 : memref<10240x64xf32, #tpu.memory_space<hbm>>) dst(%dma_wait3A_156 : memref<128x64xf32, #tpu.memory_space<vmem>>)
        %run_scoped3A_163 = arith.constant 1 : i32
        "tpu.region"() ({
          %run_scoped3A_235 = tpu.sem_alloc : memref<!tpu.dma_semaphore, #tpu.memory_space<semaphore_mem>>
          %dma_start3A_236 = arith.constant 0 : i32
          %dma_start3A_237 = arith.constant 0 : i32
          %dma_start3A_238 = tpu.memref_slice %arg10[%run_scoped3A_163, %dma_start3A_236, %dma_start3A_237] : memref<4x128x64xf32, #tpu.memory_space<vmem>> -> memref<1x128x64xf32, #tpu.memory_space<vmem>>
          %dma_start3A_239 = tpu.memref_squeeze %dma_start3A_238 : memref<1x128x64xf32, #tpu.memory_space<vmem>> -> memref<128x64xf32, #tpu.memory_space<vmem>>
          %dma_start3A_240 = arith.constant 0 : i32
          %dma_start3A_241 = tpu.memref_slice %arg9[%add3A_151, %dma_start3A_240] : memref<160x128xi32, #tpu.memory_space<vmem>> -> memref<1x128xi32, #tpu.memory_space<vmem>>
          %dma_start3A_242 = tpu.memref_squeeze %dma_start3A_241 : memref<1x128xi32, #tpu.memory_space<vmem>> -> memref<128xi32, #tpu.memory_space<vmem>>
          %dma_start3A_243 = arith.constant 0 : i32
          %dma_start3A_244 = arith.constant 0 : i32
          %dma_start3A_245 = tpu.memref_slice %arg11[%dma_start3A_243, %dma_start3A_244] : memref<10240x64xf32, #tpu.memory_space<vmem_shared>> -> memref<10240x64xf32, #tpu.memory_space<vmem_shared>>
          tpu.enqueue_indirect_dma source(%dma_start3A_239 : memref<128x64xf32, #tpu.memory_space<vmem>>) target(%dma_start3A_245 : memref<10240x64xf32, #tpu.memory_space<vmem_shared>>) offsets(%dma_start3A_242 : memref<128xi32, #tpu.memory_space<vmem>>) semaphore(%run_scoped3A_235 : memref<!tpu.dma_semaphore, #tpu.memory_space<semaphore_mem>>) {add = true}
          %dma_wait3A_246 = arith.constant 0 : i32
          %dma_wait3A_247 = arith.constant 0 : i32
          %dma_wait3A_248 = tpu.memref_slice %arg10[%run_scoped3A_163, %dma_wait3A_246, %dma_wait3A_247] : memref<4x128x64xf32, #tpu.memory_space<vmem>> -> memref<1x128x64xf32, #tpu.memory_space<vmem>>
          %dma_wait3A_249 = tpu.memref_squeeze %dma_wait3A_248 : memref<1x128x64xf32, #tpu.memory_space<vmem>> -> memref<128x64xf32, #tpu.memory_space<vmem>>
          %dma_wait3A_250 = arith.constant 0 : i32
          %dma_wait3A_251 = tpu.memref_slice %arg9[%add3A_151, %dma_wait3A_250] : memref<160x128xi32, #tpu.memory_space<vmem>> -> memref<1x128xi32, #tpu.memory_space<vmem>>
          %dma_wait3A_252 = tpu.memref_squeeze %dma_wait3A_251 : memref<1x128xi32, #tpu.memory_space<vmem>> -> memref<128xi32, #tpu.memory_space<vmem>>
          %dma_wait3A_253 = arith.constant 0 : i32
          %dma_wait3A_254 = arith.constant 0 : i32
          %dma_wait3A_255 = tpu.memref_slice %arg11[%dma_wait3A_253, %dma_wait3A_254] : memref<10240x64xf32, #tpu.memory_space<vmem_shared>> -> memref<10240x64xf32, #tpu.memory_space<vmem_shared>>
          tpu.wait_indirect_dma semaphore(%run_scoped3A_235 : memref<!tpu.dma_semaphore, #tpu.memory_space<semaphore_mem>>) src(%dma_wait3A_249 : memref<128x64xf32, #tpu.memory_space<vmem>>) dst(%dma_wait3A_255 : memref<10240x64xf32, #tpu.memory_space<vmem_shared>>)
          tpu.yield
        }) : () -> ()
        %add3A_164 = arith.constant 4 : i32
        %add3A_165 = arith.addi %add3A_151, %add3A_164 : i32
        %dma_start3A_166 = arith.constant 1 : i32
        %dma_start3A_167 = arith.constant 0 : i32
        %dma_start3A_168 = arith.constant 0 : i32
        %dma_start3A_169 = tpu.memref_slice %arg10[%dma_start3A_166, %dma_start3A_167, %dma_start3A_168] : memref<4x128x64xf32, #tpu.memory_space<vmem>> -> memref<1x128x64xf32, #tpu.memory_space<vmem>>
        %dma_start3A_170 = tpu.memref_squeeze %dma_start3A_169 : memref<1x128x64xf32, #tpu.memory_space<vmem>> -> memref<128x64xf32, #tpu.memory_space<vmem>>
        %dma_start3A_171 = arith.constant 0 : i32
        %dma_start3A_172 = tpu.memref_slice %arg8[%add3A_165, %dma_start3A_171] : memref<160x128xi32, #tpu.memory_space<vmem>> -> memref<1x128xi32, #tpu.memory_space<vmem>>
        %dma_start3A_173 = tpu.memref_squeeze %dma_start3A_172 : memref<1x128xi32, #tpu.memory_space<vmem>> -> memref<128xi32, #tpu.memory_space<vmem>>
        %dma_start3A_174 = arith.constant 0 : i32
        %dma_start3A_175 = arith.constant 0 : i32
        %dma_start3A_176 = tpu.memref_slice %arg3[%dma_start3A_174, %dma_start3A_175] : memref<10240x64xf32, #tpu.memory_space<hbm>> -> memref<10240x64xf32, #tpu.memory_space<hbm>>
        tpu.enqueue_indirect_dma source(%dma_start3A_176 : memref<10240x64xf32, #tpu.memory_space<hbm>>) target(%dma_start3A_170 : memref<128x64xf32, #tpu.memory_space<vmem>>) offsets(%dma_start3A_173 : memref<128xi32, #tpu.memory_space<vmem>>) semaphore(%arg13 : memref<!tpu.dma_semaphore, #tpu.memory_space<semaphore_mem>>)
        %mul3A_177 = arith.constant 4 : i32
        %mul3A_178 = arith.muli %scan3A_119, %mul3A_177 : i32
        %add3A_179 = arith.constant 2 : i32
        %add3A_180 = arith.addi %mul3A_178, %add3A_179 : i32
        %dma_wait3A_181 = arith.constant 2 : i32
        %dma_wait3A_182 = arith.constant 0 : i32
        %dma_wait3A_183 = arith.constant 0 : i32
        %dma_wait3A_184 = tpu.memref_slice %arg10[%dma_wait3A_181, %dma_wait3A_182, %dma_wait3A_183] : memref<4x128x64xf32, #tpu.memory_space<vmem>> -> memref<1x128x64xf32, #tpu.memory_space<vmem>>
        %dma_wait3A_185 = tpu.memref_squeeze %dma_wait3A_184 : memref<1x128x64xf32, #tpu.memory_space<vmem>> -> memref<128x64xf32, #tpu.memory_space<vmem>>
        %dma_wait3A_186 = arith.constant 0 : i32
        %dma_wait3A_187 = tpu.memref_slice %arg8[%add3A_180, %dma_wait3A_186] : memref<160x128xi32, #tpu.memory_space<vmem>> -> memref<1x128xi32, #tpu.memory_space<vmem>>
        %dma_wait3A_188 = tpu.memref_squeeze %dma_wait3A_187 : memref<1x128xi32, #tpu.memory_space<vmem>> -> memref<128xi32, #tpu.memory_space<vmem>>
        %dma_wait3A_189 = arith.constant 0 : i32
        %dma_wait3A_190 = arith.constant 0 : i32
        %dma_wait3A_191 = tpu.memref_slice %arg3[%dma_wait3A_189, %dma_wait3A_190] : memref<10240x64xf32, #tpu.memory_space<hbm>> -> memref<10240x64xf32, #tpu.memory_space<hbm>>
        tpu.wait_indirect_dma semaphore(%arg14 : memref<!tpu.dma_semaphore, #tpu.memory_space<semaphore_mem>>) src(%dma_wait3A_191 : memref<10240x64xf32, #tpu.memory_space<hbm>>) dst(%dma_wait3A_185 : memref<128x64xf32, #tpu.memory_space<vmem>>)
        %run_scoped3A_192 = arith.constant 2 : i32
        "tpu.region"() ({
          %run_scoped3A_235 = tpu.sem_alloc : memref<!tpu.dma_semaphore, #tpu.memory_space<semaphore_mem>>
          %dma_start3A_236 = arith.constant 0 : i32
          %dma_start3A_237 = arith.constant 0 : i32
          %dma_start3A_238 = tpu.memref_slice %arg10[%run_scoped3A_192, %dma_start3A_236, %dma_start3A_237] : memref<4x128x64xf32, #tpu.memory_space<vmem>> -> memref<1x128x64xf32, #tpu.memory_space<vmem>>
          %dma_start3A_239 = tpu.memref_squeeze %dma_start3A_238 : memref<1x128x64xf32, #tpu.memory_space<vmem>> -> memref<128x64xf32, #tpu.memory_space<vmem>>
          %dma_start3A_240 = arith.constant 0 : i32
          %dma_start3A_241 = tpu.memref_slice %arg9[%add3A_180, %dma_start3A_240] : memref<160x128xi32, #tpu.memory_space<vmem>> -> memref<1x128xi32, #tpu.memory_space<vmem>>
          %dma_start3A_242 = tpu.memref_squeeze %dma_start3A_241 : memref<1x128xi32, #tpu.memory_space<vmem>> -> memref<128xi32, #tpu.memory_space<vmem>>
          %dma_start3A_243 = arith.constant 0 : i32
          %dma_start3A_244 = arith.constant 0 : i32
          %dma_start3A_245 = tpu.memref_slice %arg11[%dma_start3A_243, %dma_start3A_244] : memref<10240x64xf32, #tpu.memory_space<vmem_shared>> -> memref<10240x64xf32, #tpu.memory_space<vmem_shared>>
          tpu.enqueue_indirect_dma source(%dma_start3A_239 : memref<128x64xf32, #tpu.memory_space<vmem>>) target(%dma_start3A_245 : memref<10240x64xf32, #tpu.memory_space<vmem_shared>>) offsets(%dma_start3A_242 : memref<128xi32, #tpu.memory_space<vmem>>) semaphore(%run_scoped3A_235 : memref<!tpu.dma_semaphore, #tpu.memory_space<semaphore_mem>>) {add = true}
          %dma_wait3A_246 = arith.constant 0 : i32
          %dma_wait3A_247 = arith.constant 0 : i32
          %dma_wait3A_248 = tpu.memref_slice %arg10[%run_scoped3A_192, %dma_wait3A_246, %dma_wait3A_247] : memref<4x128x64xf32, #tpu.memory_space<vmem>> -> memref<1x128x64xf32, #tpu.memory_space<vmem>>
          %dma_wait3A_249 = tpu.memref_squeeze %dma_wait3A_248 : memref<1x128x64xf32, #tpu.memory_space<vmem>> -> memref<128x64xf32, #tpu.memory_space<vmem>>
          %dma_wait3A_250 = arith.constant 0 : i32
          %dma_wait3A_251 = tpu.memref_slice %arg9[%add3A_180, %dma_wait3A_250] : memref<160x128xi32, #tpu.memory_space<vmem>> -> memref<1x128xi32, #tpu.memory_space<vmem>>
          %dma_wait3A_252 = tpu.memref_squeeze %dma_wait3A_251 : memref<1x128xi32, #tpu.memory_space<vmem>> -> memref<128xi32, #tpu.memory_space<vmem>>
          %dma_wait3A_253 = arith.constant 0 : i32
          %dma_wait3A_254 = arith.constant 0 : i32
          %dma_wait3A_255 = tpu.memref_slice %arg11[%dma_wait3A_253, %dma_wait3A_254] : memref<10240x64xf32, #tpu.memory_space<vmem_shared>> -> memref<10240x64xf32, #tpu.memory_space<vmem_shared>>
          tpu.wait_indirect_dma semaphore(%run_scoped3A_235 : memref<!tpu.dma_semaphore, #tpu.memory_space<semaphore_mem>>) src(%dma_wait3A_249 : memref<128x64xf32, #tpu.memory_space<vmem>>) dst(%dma_wait3A_255 : memref<10240x64xf32, #tpu.memory_space<vmem_shared>>)
          tpu.yield
        }) : () -> ()
        %add3A_193 = arith.constant 4 : i32
        %add3A_194 = arith.addi %add3A_180, %add3A_193 : i32
        %dma_start3A_195 = arith.constant 2 : i32
        %dma_start3A_196 = arith.constant 0 : i32
        %dma_start3A_197 = arith.constant 0 : i32
        %dma_start3A_198 = tpu.memref_slice %arg10[%dma_start3A_195, %dma_start3A_196, %dma_start3A_197] : memref<4x128x64xf32, #tpu.memory_space<vmem>> -> memref<1x128x64xf32, #tpu.memory_space<vmem>>
        %dma_start3A_199 = tpu.memref_squeeze %dma_start3A_198 : memref<1x128x64xf32, #tpu.memory_space<vmem>> -> memref<128x64xf32, #tpu.memory_space<vmem>>
        %dma_start3A_200 = arith.constant 0 : i32
        %dma_start3A_201 = tpu.memref_slice %arg8[%add3A_194, %dma_start3A_200] : memref<160x128xi32, #tpu.memory_space<vmem>> -> memref<1x128xi32, #tpu.memory_space<vmem>>
        %dma_start3A_202 = tpu.memref_squeeze %dma_start3A_201 : memref<1x128xi32, #tpu.memory_space<vmem>> -> memref<128xi32, #tpu.memory_space<vmem>>
        %dma_start3A_203 = arith.constant 0 : i32
        %dma_start3A_204 = arith.constant 0 : i32
        %dma_start3A_205 = tpu.memref_slice %arg3[%dma_start3A_203, %dma_start3A_204] : memref<10240x64xf32, #tpu.memory_space<hbm>> -> memref<10240x64xf32, #tpu.memory_space<hbm>>
        tpu.enqueue_indirect_dma source(%dma_start3A_205 : memref<10240x64xf32, #tpu.memory_space<hbm>>) target(%dma_start3A_199 : memref<128x64xf32, #tpu.memory_space<vmem>>) offsets(%dma_start3A_202 : memref<128xi32, #tpu.memory_space<vmem>>) semaphore(%arg14 : memref<!tpu.dma_semaphore, #tpu.memory_space<semaphore_mem>>)
        %mul3A_206 = arith.constant 4 : i32
        %mul3A_207 = arith.muli %scan3A_119, %mul3A_206 : i32
        %add3A_208 = arith.constant 3 : i32
        %add3A_209 = arith.addi %mul3A_207, %add3A_208 : i32
        %dma_wait3A_210 = arith.constant 3 : i32
        %dma_wait3A_211 = arith.constant 0 : i32
        %dma_wait3A_212 = arith.constant 0 : i32
        %dma_wait3A_213 = tpu.memref_slice %arg10[%dma_wait3A_210, %dma_wait3A_211, %dma_wait3A_212] : memref<4x128x64xf32, #tpu.memory_space<vmem>> -> memref<1x128x64xf32, #tpu.memory_space<vmem>>
        %dma_wait3A_214 = tpu.memref_squeeze %dma_wait3A_213 : memref<1x128x64xf32, #tpu.memory_space<vmem>> -> memref<128x64xf32, #tpu.memory_space<vmem>>
        %dma_wait3A_215 = arith.constant 0 : i32
        %dma_wait3A_216 = tpu.memref_slice %arg8[%add3A_209, %dma_wait3A_215] : memref<160x128xi32, #tpu.memory_space<vmem>> -> memref<1x128xi32, #tpu.memory_space<vmem>>
        %dma_wait3A_217 = tpu.memref_squeeze %dma_wait3A_216 : memref<1x128xi32, #tpu.memory_space<vmem>> -> memref<128xi32, #tpu.memory_space<vmem>>
        %dma_wait3A_218 = arith.constant 0 : i32
        %dma_wait3A_219 = arith.constant 0 : i32
        %dma_wait3A_220 = tpu.memref_slice %arg3[%dma_wait3A_218, %dma_wait3A_219] : memref<10240x64xf32, #tpu.memory_space<hbm>> -> memref<10240x64xf32, #tpu.memory_space<hbm>>
        tpu.wait_indirect_dma semaphore(%arg15 : memref<!tpu.dma_semaphore, #tpu.memory_space<semaphore_mem>>) src(%dma_wait3A_220 : memref<10240x64xf32, #tpu.memory_space<hbm>>) dst(%dma_wait3A_214 : memref<128x64xf32, #tpu.memory_space<vmem>>)
        %run_scoped3A_221 = arith.constant 3 : i32
        "tpu.region"() ({
          %run_scoped3A_235 = tpu.sem_alloc : memref<!tpu.dma_semaphore, #tpu.memory_space<semaphore_mem>>
          %dma_start3A_236 = arith.constant 0 : i32
          %dma_start3A_237 = arith.constant 0 : i32
          %dma_start3A_238 = tpu.memref_slice %arg10[%run_scoped3A_221, %dma_start3A_236, %dma_start3A_237] : memref<4x128x64xf32, #tpu.memory_space<vmem>> -> memref<1x128x64xf32, #tpu.memory_space<vmem>>
          %dma_start3A_239 = tpu.memref_squeeze %dma_start3A_238 : memref<1x128x64xf32, #tpu.memory_space<vmem>> -> memref<128x64xf32, #tpu.memory_space<vmem>>
          %dma_start3A_240 = arith.constant 0 : i32
          %dma_start3A_241 = tpu.memref_slice %arg9[%add3A_209, %dma_start3A_240] : memref<160x128xi32, #tpu.memory_space<vmem>> -> memref<1x128xi32, #tpu.memory_space<vmem>>
          %dma_start3A_242 = tpu.memref_squeeze %dma_start3A_241 : memref<1x128xi32, #tpu.memory_space<vmem>> -> memref<128xi32, #tpu.memory_space<vmem>>
          %dma_start3A_243 = arith.constant 0 : i32
          %dma_start3A_244 = arith.constant 0 : i32
          %dma_start3A_245 = tpu.memref_slice %arg11[%dma_start3A_243, %dma_start3A_244] : memref<10240x64xf32, #tpu.memory_space<vmem_shared>> -> memref<10240x64xf32, #tpu.memory_space<vmem_shared>>
          tpu.enqueue_indirect_dma source(%dma_start3A_239 : memref<128x64xf32, #tpu.memory_space<vmem>>) target(%dma_start3A_245 : memref<10240x64xf32, #tpu.memory_space<vmem_shared>>) offsets(%dma_start3A_242 : memref<128xi32, #tpu.memory_space<vmem>>) semaphore(%run_scoped3A_235 : memref<!tpu.dma_semaphore, #tpu.memory_space<semaphore_mem>>) {add = true}
          %dma_wait3A_246 = arith.constant 0 : i32
          %dma_wait3A_247 = arith.constant 0 : i32
          %dma_wait3A_248 = tpu.memref_slice %arg10[%run_scoped3A_221, %dma_wait3A_246, %dma_wait3A_247] : memref<4x128x64xf32, #tpu.memory_space<vmem>> -> memref<1x128x64xf32, #tpu.memory_space<vmem>>
          %dma_wait3A_249 = tpu.memref_squeeze %dma_wait3A_248 : memref<1x128x64xf32, #tpu.memory_space<vmem>> -> memref<128x64xf32, #tpu.memory_space<vmem>>
          %dma_wait3A_250 = arith.constant 0 : i32
          %dma_wait3A_251 = tpu.memref_slice %arg9[%add3A_209, %dma_wait3A_250] : memref<160x128xi32, #tpu.memory_space<vmem>> -> memref<1x128xi32, #tpu.memory_space<vmem>>
          %dma_wait3A_252 = tpu.memref_squeeze %dma_wait3A_251 : memref<1x128xi32, #tpu.memory_space<vmem>> -> memref<128xi32, #tpu.memory_space<vmem>>
          %dma_wait3A_253 = arith.constant 0 : i32
          %dma_wait3A_254 = arith.constant 0 : i32
          %dma_wait3A_255 = tpu.memref_slice %arg11[%dma_wait3A_253, %dma_wait3A_254] : memref<10240x64xf32, #tpu.memory_space<vmem_shared>> -> memref<10240x64xf32, #tpu.memory_space<vmem_shared>>
          tpu.wait_indirect_dma semaphore(%run_scoped3A_235 : memref<!tpu.dma_semaphore, #tpu.memory_space<semaphore_mem>>) src(%dma_wait3A_249 : memref<128x64xf32, #tpu.memory_space<vmem>>) dst(%dma_wait3A_255 : memref<10240x64xf32, #tpu.memory_space<vmem_shared>>)
          tpu.yield
        }) : () -> ()
        %add3A_222 = arith.constant 4 : i32
        %add3A_223 = arith.addi %add3A_209, %add3A_222 : i32
        %dma_start3A_224 = arith.constant 3 : i32
        %dma_start3A_225 = arith.constant 0 : i32
        %dma_start3A_226 = arith.constant 0 : i32
        %dma_start3A_227 = tpu.memref_slice %arg10[%dma_start3A_224, %dma_start3A_225, %dma_start3A_226] : memref<4x128x64xf32, #tpu.memory_space<vmem>> -> memref<1x128x64xf32, #tpu.memory_space<vmem>>
        %dma_start3A_228 = tpu.memref_squeeze %dma_start3A_227 : memref<1x128x64xf32, #tpu.memory_space<vmem>> -> memref<128x64xf32, #tpu.memory_space<vmem>>
        %dma_start3A_229 = arith.constant 0 : i32
        %dma_start3A_230 = tpu.memref_slice %arg8[%add3A_223, %dma_start3A_229] : memref<160x128xi32, #tpu.memory_space<vmem>> -> memref<1x128xi32, #tpu.memory_space<vmem>>
        %dma_start3A_231 = tpu.memref_squeeze %dma_start3A_230 : memref<1x128xi32, #tpu.memory_space<vmem>> -> memref<128xi32, #tpu.memory_space<vmem>>
        %dma_start3A_232 = arith.constant 0 : i32
        %dma_start3A_233 = arith.constant 0 : i32
        %dma_start3A_234 = tpu.memref_slice %arg3[%dma_start3A_232, %dma_start3A_233] : memref<10240x64xf32, #tpu.memory_space<hbm>> -> memref<10240x64xf32, #tpu.memory_space<hbm>>
        tpu.enqueue_indirect_dma source(%dma_start3A_234 : memref<10240x64xf32, #tpu.memory_space<hbm>>) target(%dma_start3A_228 : memref<128x64xf32, #tpu.memory_space<vmem>>) offsets(%dma_start3A_231 : memref<128xi32, #tpu.memory_space<vmem>>) semaphore(%arg15 : memref<!tpu.dma_semaphore, #tpu.memory_space<semaphore_mem>>)
      }
      %scan3A_64 = arith.constant 39 : i32
      %dma_wait3A = arith.constant 156 : i32
      %dma_wait3A_65 = arith.constant 0 : i32
      %dma_wait3A_66 = arith.constant 0 : i32
      %dma_wait3A_67 = arith.constant 0 : i32
      %dma_wait3A_68 = tpu.memref_slice %arg10[%dma_wait3A_65, %dma_wait3A_66, %dma_wait3A_67] : memref<4x128x64xf32, #tpu.memory_space<vmem>> -> memref<1x128x64xf32, #tpu.memory_space<vmem>>
      %dma_wait3A_69 = tpu.memref_squeeze %dma_wait3A_68 : memref<1x128x64xf32, #tpu.memory_space<vmem>> -> memref<128x64xf32, #tpu.memory_space<vmem>>
      %dma_wait3A_70 = arith.constant 0 : i32
      %dma_wait3A_71 = tpu.memref_slice %arg8[%dma_wait3A, %dma_wait3A_70] : memref<160x128xi32, #tpu.memory_space<vmem>> -> memref<1x128xi32, #tpu.memory_space<vmem>>
      %dma_wait3A_72 = tpu.memref_squeeze %dma_wait3A_71 : memref<1x128xi32, #tpu.memory_space<vmem>> -> memref<128xi32, #tpu.memory_space<vmem>>
      %dma_wait3A_73 = arith.constant 0 : i32
      %dma_wait3A_74 = arith.constant 0 : i32
      %dma_wait3A_75 = tpu.memref_slice %arg3[%dma_wait3A_73, %dma_wait3A_74] : memref<10240x64xf32, #tpu.memory_space<hbm>> -> memref<10240x64xf32, #tpu.memory_space<hbm>>
      tpu.wait_indirect_dma semaphore(%arg12 : memref<!tpu.dma_semaphore, #tpu.memory_space<semaphore_mem>>) src(%dma_wait3A_75 : memref<10240x64xf32, #tpu.memory_space<hbm>>) dst(%dma_wait3A_69 : memref<128x64xf32, #tpu.memory_space<vmem>>)
      %run_scoped3A = arith.constant 0 : i32
      %run_scoped3A_76 = arith.constant 156 : i32
      "tpu.region"() ({
        %run_scoped3A_119 = tpu.sem_alloc : memref<!tpu.dma_semaphore, #tpu.memory_space<semaphore_mem>>
        %dma_start3A_120 = arith.constant 0 : i32
        %dma_start3A_121 = arith.constant 0 : i32
        %dma_start3A_122 = tpu.memref_slice %arg10[%run_scoped3A, %dma_start3A_120, %dma_start3A_121] : memref<4x128x64xf32, #tpu.memory_space<vmem>> -> memref<1x128x64xf32, #tpu.memory_space<vmem>>
        %dma_start3A_123 = tpu.memref_squeeze %dma_start3A_122 : memref<1x128x64xf32, #tpu.memory_space<vmem>> -> memref<128x64xf32, #tpu.memory_space<vmem>>
        %dma_start3A_124 = arith.constant 0 : i32
        %dma_start3A_125 = tpu.memref_slice %arg9[%run_scoped3A_76, %dma_start3A_124] : memref<160x128xi32, #tpu.memory_space<vmem>> -> memref<1x128xi32, #tpu.memory_space<vmem>>
        %dma_start3A_126 = tpu.memref_squeeze %dma_start3A_125 : memref<1x128xi32, #tpu.memory_space<vmem>> -> memref<128xi32, #tpu.memory_space<vmem>>
        %dma_start3A_127 = arith.constant 0 : i32
        %dma_start3A_128 = arith.constant 0 : i32
        %dma_start3A_129 = tpu.memref_slice %arg11[%dma_start3A_127, %dma_start3A_128] : memref<10240x64xf32, #tpu.memory_space<vmem_shared>> -> memref<10240x64xf32, #tpu.memory_space<vmem_shared>>
        tpu.enqueue_indirect_dma source(%dma_start3A_123 : memref<128x64xf32, #tpu.memory_space<vmem>>) target(%dma_start3A_129 : memref<10240x64xf32, #tpu.memory_space<vmem_shared>>) offsets(%dma_start3A_126 : memref<128xi32, #tpu.memory_space<vmem>>) semaphore(%run_scoped3A_119 : memref<!tpu.dma_semaphore, #tpu.memory_space<semaphore_mem>>) {add = true}
        %dma_wait3A_130 = arith.constant 0 : i32
        %dma_wait3A_131 = arith.constant 0 : i32
        %dma_wait3A_132 = tpu.memref_slice %arg10[%run_scoped3A, %dma_wait3A_130, %dma_wait3A_131] : memref<4x128x64xf32, #tpu.memory_space<vmem>> -> memref<1x128x64xf32, #tpu.memory_space<vmem>>
        %dma_wait3A_133 = tpu.memref_squeeze %dma_wait3A_132 : memref<1x128x64xf32, #tpu.memory_space<vmem>> -> memref<128x64xf32, #tpu.memory_space<vmem>>
        %dma_wait3A_134 = arith.constant 0 : i32
        %dma_wait3A_135 = tpu.memref_slice %arg9[%run_scoped3A_76, %dma_wait3A_134] : memref<160x128xi32, #tpu.memory_space<vmem>> -> memref<1x128xi32, #tpu.memory_space<vmem>>
        %dma_wait3A_136 = tpu.memref_squeeze %dma_wait3A_135 : memref<1x128xi32, #tpu.memory_space<vmem>> -> memref<128xi32, #tpu.memory_space<vmem>>
        %dma_wait3A_137 = arith.constant 0 : i32
        %dma_wait3A_138 = arith.constant 0 : i32
        %dma_wait3A_139 = tpu.memref_slice %arg11[%dma_wait3A_137, %dma_wait3A_138] : memref<10240x64xf32, #tpu.memory_space<vmem_shared>> -> memref<10240x64xf32, #tpu.memory_space<vmem_shared>>
        tpu.wait_indirect_dma semaphore(%run_scoped3A_119 : memref<!tpu.dma_semaphore, #tpu.memory_space<semaphore_mem>>) src(%dma_wait3A_133 : memref<128x64xf32, #tpu.memory_space<vmem>>) dst(%dma_wait3A_139 : memref<10240x64xf32, #tpu.memory_space<vmem_shared>>)
        tpu.yield
      }) : () -> ()
      %dma_wait3A_77 = arith.constant 157 : i32
      %dma_wait3A_78 = arith.constant 1 : i32
      %dma_wait3A_79 = arith.constant 0 : i32
      %dma_wait3A_80 = arith.constant 0 : i32
      %dma_wait3A_81 = tpu.memref_slice %arg10[%dma_wait3A_78, %dma_wait3A_79, %dma_wait3A_80] : memref<4x128x64xf32, #tpu.memory_space<vmem>> -> memref<1x128x64xf32, #tpu.memory_space<vmem>>
      %dma_wait3A_82 = tpu.memref_squeeze %dma_wait3A_81 : memref<1x128x64xf32, #tpu.memory_space<vmem>> -> memref<128x64xf32, #tpu.memory_space<vmem>>
      %dma_wait3A_83 = arith.constant 0 : i32
      %dma_wait3A_84 = tpu.memref_slice %arg8[%dma_wait3A_77, %dma_wait3A_83] : memref<160x128xi32, #tpu.memory_space<vmem>> -> memref<1x128xi32, #tpu.memory_space<vmem>>
      %dma_wait3A_85 = tpu.memref_squeeze %dma_wait3A_84 : memref<1x128xi32, #tpu.memory_space<vmem>> -> memref<128xi32, #tpu.memory_space<vmem>>
      %dma_wait3A_86 = arith.constant 0 : i32
      %dma_wait3A_87 = arith.constant 0 : i32
      %dma_wait3A_88 = tpu.memref_slice %arg3[%dma_wait3A_86, %dma_wait3A_87] : memref<10240x64xf32, #tpu.memory_space<hbm>> -> memref<10240x64xf32, #tpu.memory_space<hbm>>
      tpu.wait_indirect_dma semaphore(%arg13 : memref<!tpu.dma_semaphore, #tpu.memory_space<semaphore_mem>>) src(%dma_wait3A_88 : memref<10240x64xf32, #tpu.memory_space<hbm>>) dst(%dma_wait3A_82 : memref<128x64xf32, #tpu.memory_space<vmem>>)
      %run_scoped3A_89 = arith.constant 1 : i32
      %run_scoped3A_90 = arith.constant 157 : i32
      "tpu.region"() ({
        %run_scoped3A_119 = tpu.sem_alloc : memref<!tpu.dma_semaphore, #tpu.memory_space<semaphore_mem>>
        %dma_start3A_120 = arith.constant 0 : i32
        %dma_start3A_121 = arith.constant 0 : i32
        %dma_start3A_122 = tpu.memref_slice %arg10[%run_scoped3A_89, %dma_start3A_120, %dma_start3A_121] : memref<4x128x64xf32, #tpu.memory_space<vmem>> -> memref<1x128x64xf32, #tpu.memory_space<vmem>>
        %dma_start3A_123 = tpu.memref_squeeze %dma_start3A_122 : memref<1x128x64xf32, #tpu.memory_space<vmem>> -> memref<128x64xf32, #tpu.memory_space<vmem>>
        %dma_start3A_124 = arith.constant 0 : i32
        %dma_start3A_125 = tpu.memref_slice %arg9[%run_scoped3A_90, %dma_start3A_124] : memref<160x128xi32, #tpu.memory_space<vmem>> -> memref<1x128xi32, #tpu.memory_space<vmem>>
        %dma_start3A_126 = tpu.memref_squeeze %dma_start3A_125 : memref<1x128xi32, #tpu.memory_space<vmem>> -> memref<128xi32, #tpu.memory_space<vmem>>
        %dma_start3A_127 = arith.constant 0 : i32
        %dma_start3A_128 = arith.constant 0 : i32
        %dma_start3A_129 = tpu.memref_slice %arg11[%dma_start3A_127, %dma_start3A_128] : memref<10240x64xf32, #tpu.memory_space<vmem_shared>> -> memref<10240x64xf32, #tpu.memory_space<vmem_shared>>
        tpu.enqueue_indirect_dma source(%dma_start3A_123 : memref<128x64xf32, #tpu.memory_space<vmem>>) target(%dma_start3A_129 : memref<10240x64xf32, #tpu.memory_space<vmem_shared>>) offsets(%dma_start3A_126 : memref<128xi32, #tpu.memory_space<vmem>>) semaphore(%run_scoped3A_119 : memref<!tpu.dma_semaphore, #tpu.memory_space<semaphore_mem>>) {add = true}
        %dma_wait3A_130 = arith.constant 0 : i32
        %dma_wait3A_131 = arith.constant 0 : i32
        %dma_wait3A_132 = tpu.memref_slice %arg10[%run_scoped3A_89, %dma_wait3A_130, %dma_wait3A_131] : memref<4x128x64xf32, #tpu.memory_space<vmem>> -> memref<1x128x64xf32, #tpu.memory_space<vmem>>
        %dma_wait3A_133 = tpu.memref_squeeze %dma_wait3A_132 : memref<1x128x64xf32, #tpu.memory_space<vmem>> -> memref<128x64xf32, #tpu.memory_space<vmem>>
        %dma_wait3A_134 = arith.constant 0 : i32
        %dma_wait3A_135 = tpu.memref_slice %arg9[%run_scoped3A_90, %dma_wait3A_134] : memref<160x128xi32, #tpu.memory_space<vmem>> -> memref<1x128xi32, #tpu.memory_space<vmem>>
        %dma_wait3A_136 = tpu.memref_squeeze %dma_wait3A_135 : memref<1x128xi32, #tpu.memory_space<vmem>> -> memref<128xi32, #tpu.memory_space<vmem>>
        %dma_wait3A_137 = arith.constant 0 : i32
        %dma_wait3A_138 = arith.constant 0 : i32
        %dma_wait3A_139 = tpu.memref_slice %arg11[%dma_wait3A_137, %dma_wait3A_138] : memref<10240x64xf32, #tpu.memory_space<vmem_shared>> -> memref<10240x64xf32, #tpu.memory_space<vmem_shared>>
        tpu.wait_indirect_dma semaphore(%run_scoped3A_119 : memref<!tpu.dma_semaphore, #tpu.memory_space<semaphore_mem>>) src(%dma_wait3A_133 : memref<128x64xf32, #tpu.memory_space<vmem>>) dst(%dma_wait3A_139 : memref<10240x64xf32, #tpu.memory_space<vmem_shared>>)
        tpu.yield
      }) : () -> ()
      %dma_wait3A_91 = arith.constant 158 : i32
      %dma_wait3A_92 = arith.constant 2 : i32
      %dma_wait3A_93 = arith.constant 0 : i32
      %dma_wait3A_94 = arith.constant 0 : i32
      %dma_wait3A_95 = tpu.memref_slice %arg10[%dma_wait3A_92, %dma_wait3A_93, %dma_wait3A_94] : memref<4x128x64xf32, #tpu.memory_space<vmem>> -> memref<1x128x64xf32, #tpu.memory_space<vmem>>
      %dma_wait3A_96 = tpu.memref_squeeze %dma_wait3A_95 : memref<1x128x64xf32, #tpu.memory_space<vmem>> -> memref<128x64xf32, #tpu.memory_space<vmem>>
      %dma_wait3A_97 = arith.constant 0 : i32
      %dma_wait3A_98 = tpu.memref_slice %arg8[%dma_wait3A_91, %dma_wait3A_97] : memref<160x128xi32, #tpu.memory_space<vmem>> -> memref<1x128xi32, #tpu.memory_space<vmem>>
      %dma_wait3A_99 = tpu.memref_squeeze %dma_wait3A_98 : memref<1x128xi32, #tpu.memory_space<vmem>> -> memref<128xi32, #tpu.memory_space<vmem>>
      %dma_wait3A_100 = arith.constant 0 : i32
      %dma_wait3A_101 = arith.constant 0 : i32
      %dma_wait3A_102 = tpu.memref_slice %arg3[%dma_wait3A_100, %dma_wait3A_101] : memref<10240x64xf32, #tpu.memory_space<hbm>> -> memref<10240x64xf32, #tpu.memory_space<hbm>>
      tpu.wait_indirect_dma semaphore(%arg14 : memref<!tpu.dma_semaphore, #tpu.memory_space<semaphore_mem>>) src(%dma_wait3A_102 : memref<10240x64xf32, #tpu.memory_space<hbm>>) dst(%dma_wait3A_96 : memref<128x64xf32, #tpu.memory_space<vmem>>)
      %run_scoped3A_103 = arith.constant 2 : i32
      %run_scoped3A_104 = arith.constant 158 : i32
      "tpu.region"() ({
        %run_scoped3A_119 = tpu.sem_alloc : memref<!tpu.dma_semaphore, #tpu.memory_space<semaphore_mem>>
        %dma_start3A_120 = arith.constant 0 : i32
        %dma_start3A_121 = arith.constant 0 : i32
        %dma_start3A_122 = tpu.memref_slice %arg10[%run_scoped3A_103, %dma_start3A_120, %dma_start3A_121] : memref<4x128x64xf32, #tpu.memory_space<vmem>> -> memref<1x128x64xf32, #tpu.memory_space<vmem>>
        %dma_start3A_123 = tpu.memref_squeeze %dma_start3A_122 : memref<1x128x64xf32, #tpu.memory_space<vmem>> -> memref<128x64xf32, #tpu.memory_space<vmem>>
        %dma_start3A_124 = arith.constant 0 : i32
        %dma_start3A_125 = tpu.memref_slice %arg9[%run_scoped3A_104, %dma_start3A_124] : memref<160x128xi32, #tpu.memory_space<vmem>> -> memref<1x128xi32, #tpu.memory_space<vmem>>
        %dma_start3A_126 = tpu.memref_squeeze %dma_start3A_125 : memref<1x128xi32, #tpu.memory_space<vmem>> -> memref<128xi32, #tpu.memory_space<vmem>>
        %dma_start3A_127 = arith.constant 0 : i32
        %dma_start3A_128 = arith.constant 0 : i32
        %dma_start3A_129 = tpu.memref_slice %arg11[%dma_start3A_127, %dma_start3A_128] : memref<10240x64xf32, #tpu.memory_space<vmem_shared>> -> memref<10240x64xf32, #tpu.memory_space<vmem_shared>>
        tpu.enqueue_indirect_dma source(%dma_start3A_123 : memref<128x64xf32, #tpu.memory_space<vmem>>) target(%dma_start3A_129 : memref<10240x64xf32, #tpu.memory_space<vmem_shared>>) offsets(%dma_start3A_126 : memref<128xi32, #tpu.memory_space<vmem>>) semaphore(%run_scoped3A_119 : memref<!tpu.dma_semaphore, #tpu.memory_space<semaphore_mem>>) {add = true}
        %dma_wait3A_130 = arith.constant 0 : i32
        %dma_wait3A_131 = arith.constant 0 : i32
        %dma_wait3A_132 = tpu.memref_slice %arg10[%run_scoped3A_103, %dma_wait3A_130, %dma_wait3A_131] : memref<4x128x64xf32, #tpu.memory_space<vmem>> -> memref<1x128x64xf32, #tpu.memory_space<vmem>>
        %dma_wait3A_133 = tpu.memref_squeeze %dma_wait3A_132 : memref<1x128x64xf32, #tpu.memory_space<vmem>> -> memref<128x64xf32, #tpu.memory_space<vmem>>
        %dma_wait3A_134 = arith.constant 0 : i32
        %dma_wait3A_135 = tpu.memref_slice %arg9[%run_scoped3A_104, %dma_wait3A_134] : memref<160x128xi32, #tpu.memory_space<vmem>> -> memref<1x128xi32, #tpu.memory_space<vmem>>
        %dma_wait3A_136 = tpu.memref_squeeze %dma_wait3A_135 : memref<1x128xi32, #tpu.memory_space<vmem>> -> memref<128xi32, #tpu.memory_space<vmem>>
        %dma_wait3A_137 = arith.constant 0 : i32
        %dma_wait3A_138 = arith.constant 0 : i32
        %dma_wait3A_139 = tpu.memref_slice %arg11[%dma_wait3A_137, %dma_wait3A_138] : memref<10240x64xf32, #tpu.memory_space<vmem_shared>> -> memref<10240x64xf32, #tpu.memory_space<vmem_shared>>
        tpu.wait_indirect_dma semaphore(%run_scoped3A_119 : memref<!tpu.dma_semaphore, #tpu.memory_space<semaphore_mem>>) src(%dma_wait3A_133 : memref<128x64xf32, #tpu.memory_space<vmem>>) dst(%dma_wait3A_139 : memref<10240x64xf32, #tpu.memory_space<vmem_shared>>)
        tpu.yield
      }) : () -> ()
      %dma_wait3A_105 = arith.constant 159 : i32
      %dma_wait3A_106 = arith.constant 3 : i32
      %dma_wait3A_107 = arith.constant 0 : i32
      %dma_wait3A_108 = arith.constant 0 : i32
      %dma_wait3A_109 = tpu.memref_slice %arg10[%dma_wait3A_106, %dma_wait3A_107, %dma_wait3A_108] : memref<4x128x64xf32, #tpu.memory_space<vmem>> -> memref<1x128x64xf32, #tpu.memory_space<vmem>>
      %dma_wait3A_110 = tpu.memref_squeeze %dma_wait3A_109 : memref<1x128x64xf32, #tpu.memory_space<vmem>> -> memref<128x64xf32, #tpu.memory_space<vmem>>
      %dma_wait3A_111 = arith.constant 0 : i32
      %dma_wait3A_112 = tpu.memref_slice %arg8[%dma_wait3A_105, %dma_wait3A_111] : memref<160x128xi32, #tpu.memory_space<vmem>> -> memref<1x128xi32, #tpu.memory_space<vmem>>
      %dma_wait3A_113 = tpu.memref_squeeze %dma_wait3A_112 : memref<1x128xi32, #tpu.memory_space<vmem>> -> memref<128xi32, #tpu.memory_space<vmem>>
      %dma_wait3A_114 = arith.constant 0 : i32
      %dma_wait3A_115 = arith.constant 0 : i32
      %dma_wait3A_116 = tpu.memref_slice %arg3[%dma_wait3A_114, %dma_wait3A_115] : memref<10240x64xf32, #tpu.memory_space<hbm>> -> memref<10240x64xf32, #tpu.memory_space<hbm>>
      tpu.wait_indirect_dma semaphore(%arg15 : memref<!tpu.dma_semaphore, #tpu.memory_space<semaphore_mem>>) src(%dma_wait3A_116 : memref<10240x64xf32, #tpu.memory_space<hbm>>) dst(%dma_wait3A_110 : memref<128x64xf32, #tpu.memory_space<vmem>>)
      %run_scoped3A_117 = arith.constant 3 : i32
      %run_scoped3A_118 = arith.constant 159 : i32
      "tpu.region"() ({
        %run_scoped3A_119 = tpu.sem_alloc : memref<!tpu.dma_semaphore, #tpu.memory_space<semaphore_mem>>
        %dma_start3A_120 = arith.constant 0 : i32
        %dma_start3A_121 = arith.constant 0 : i32
        %dma_start3A_122 = tpu.memref_slice %arg10[%run_scoped3A_117, %dma_start3A_120, %dma_start3A_121] : memref<4x128x64xf32, #tpu.memory_space<vmem>> -> memref<1x128x64xf32, #tpu.memory_space<vmem>>
        %dma_start3A_123 = tpu.memref_squeeze %dma_start3A_122 : memref<1x128x64xf32, #tpu.memory_space<vmem>> -> memref<128x64xf32, #tpu.memory_space<vmem>>
        %dma_start3A_124 = arith.constant 0 : i32
        %dma_start3A_125 = tpu.memref_slice %arg9[%run_scoped3A_118, %dma_start3A_124] : memref<160x128xi32, #tpu.memory_space<vmem>> -> memref<1x128xi32, #tpu.memory_space<vmem>>
        %dma_start3A_126 = tpu.memref_squeeze %dma_start3A_125 : memref<1x128xi32, #tpu.memory_space<vmem>> -> memref<128xi32, #tpu.memory_space<vmem>>
        %dma_start3A_127 = arith.constant 0 : i32
        %dma_start3A_128 = arith.constant 0 : i32
        %dma_start3A_129 = tpu.memref_slice %arg11[%dma_start3A_127, %dma_start3A_128] : memref<10240x64xf32, #tpu.memory_space<vmem_shared>> -> memref<10240x64xf32, #tpu.memory_space<vmem_shared>>
        tpu.enqueue_indirect_dma source(%dma_start3A_123 : memref<128x64xf32, #tpu.memory_space<vmem>>) target(%dma_start3A_129 : memref<10240x64xf32, #tpu.memory_space<vmem_shared>>) offsets(%dma_start3A_126 : memref<128xi32, #tpu.memory_space<vmem>>) semaphore(%run_scoped3A_119 : memref<!tpu.dma_semaphore, #tpu.memory_space<semaphore_mem>>) {add = true}
        %dma_wait3A_130 = arith.constant 0 : i32
        %dma_wait3A_131 = arith.constant 0 : i32
        %dma_wait3A_132 = tpu.memref_slice %arg10[%run_scoped3A_117, %dma_wait3A_130, %dma_wait3A_131] : memref<4x128x64xf32, #tpu.memory_space<vmem>> -> memref<1x128x64xf32, #tpu.memory_space<vmem>>
        %dma_wait3A_133 = tpu.memref_squeeze %dma_wait3A_132 : memref<1x128x64xf32, #tpu.memory_space<vmem>> -> memref<128x64xf32, #tpu.memory_space<vmem>>
        %dma_wait3A_134 = arith.constant 0 : i32
        %dma_wait3A_135 = tpu.memref_slice %arg9[%run_scoped3A_118, %dma_wait3A_134] : memref<160x128xi32, #tpu.memory_space<vmem>> -> memref<1x128xi32, #tpu.memory_space<vmem>>
        %dma_wait3A_136 = tpu.memref_squeeze %dma_wait3A_135 : memref<1x128xi32, #tpu.memory_space<vmem>> -> memref<128xi32, #tpu.memory_space<vmem>>
        %dma_wait3A_137 = arith.constant 0 : i32
        %dma_wait3A_138 = arith.constant 0 : i32
        %dma_wait3A_139 = tpu.memref_slice %arg11[%dma_wait3A_137, %dma_wait3A_138] : memref<10240x64xf32, #tpu.memory_space<vmem_shared>> -> memref<10240x64xf32, #tpu.memory_space<vmem_shared>>
        tpu.wait_indirect_dma semaphore(%run_scoped3A_119 : memref<!tpu.dma_semaphore, #tpu.memory_space<semaphore_mem>>) src(%dma_wait3A_133 : memref<128x64xf32, #tpu.memory_space<vmem>>) dst(%dma_wait3A_139 : memref<10240x64xf32, #tpu.memory_space<vmem_shared>>)
        tpu.yield
      }) : () -> ()
    } else {
    }
    %barrier3A_12 = arith.constant 0 : index
    tpu.barrier barrier_id(%barrier3A_12)
    "tpu.region"() ({
      %run_scoped3A = tpu.sem_alloc : memref<!tpu.dma_semaphore, #tpu.memory_space<semaphore_mem>>
      %dma_start3A = arith.constant 0 : i32
      %dma_start3A_13 = tpu.memref_slice %arg7[%arg0, %mul3A_0, %dma_start3A] : memref<2x10240x64xf32, #tpu.memory_space<hbm>> -> memref<1x640x64xf32, #tpu.memory_space<hbm>>
      %dma_start3A_14 = tpu.memref_squeeze %dma_start3A_13 : memref<1x640x64xf32, #tpu.memory_space<hbm>> -> memref<640x64xf32, #tpu.memory_space<hbm>>
      %dma_start3A_15 = arith.constant 0 : i32
      %dma_start3A_16 = tpu.memref_slice %arg11[%mul3A_0, %dma_start3A_15] : memref<10240x64xf32, #tpu.memory_space<vmem_shared>> -> memref<640x64xf32, #tpu.memory_space<vmem_shared>>
      tpu.enqueue_dma source(%dma_start3A_16 : memref<640x64xf32, #tpu.memory_space<vmem_shared>>) target(%dma_start3A_14 : memref<640x64xf32, #tpu.memory_space<hbm>>) target_semaphore(%run_scoped3A : memref<!tpu.dma_semaphore, #tpu.memory_space<semaphore_mem>>)
      %dma_wait3A = arith.constant 0 : i32
      %dma_wait3A_17 = tpu.memref_slice %arg7[%arg0, %mul3A_0, %dma_wait3A] : memref<2x10240x64xf32, #tpu.memory_space<hbm>> -> memref<1x640x64xf32, #tpu.memory_space<hbm>>
      %dma_wait3A_18 = tpu.memref_squeeze %dma_wait3A_17 : memref<1x640x64xf32, #tpu.memory_space<hbm>> -> memref<640x64xf32, #tpu.memory_space<hbm>>
      %dma_wait3A_19 = arith.constant 0 : i32
      %dma_wait3A_20 = tpu.memref_slice %arg11[%mul3A_0, %dma_wait3A_19] : memref<10240x64xf32, #tpu.memory_space<vmem_shared>> -> memref<640x64xf32, #tpu.memory_space<vmem_shared>>
      tpu.wait_dma2 semaphore(%run_scoped3A : memref<!tpu.dma_semaphore, #tpu.memory_space<semaphore_mem>>) src(%dma_wait3A_20 : memref<640x64xf32, #tpu.memory_space<vmem_shared>>) dst(%dma_wait3A_18 : memref<640x64xf32, #tpu.memory_space<hbm>>)
      tpu.yield
    }) : () -> ()
    return
  }
}

#map = affine_map<(d0, d1) -> (0, 0)>
module attributes {stable_mosaic.version = 14 : i64} {
  func.func @_deg_kernel(%arg0: i32, %arg1: i32, %arg2: memref<2560x128xi32, #tpu.memory_space<hbm>>, %arg3: memref<2x10240xf32, #tpu.memory_space<hbm>>, %arg4: memref<80x128xi32, #tpu.memory_space<vmem>>, %arg5: memref<128xf32, #tpu.memory_space<vmem>>, %arg6: memref<640xf32, #tpu.memory_space<vmem>>, %arg7: memref<10240xf32, #tpu.memory_space<vmem_shared>>) attributes {dimension_semantics = [#tpu.dimension_semantics<core_parallel>, #tpu.dimension_semantics<subcore_parallel>], iteration_bounds = array<i64: 2, 16>, scalar_prefetch = 0 : i64, scratch_operands = 4 : i64, tpu.core_type = #tpu.core_type<sc_vector_subcore>, window_params = [{transform_indices = #map}, {transform_indices = #map}]} {
    %mul3A = arith.constant 16 : i32
    %mul3A_0 = arith.muli %arg0, %mul3A : i32
    %add3A = arith.addi %mul3A_0, %arg1 : i32
    %scan3A = arith.constant 0 : i32
    %scan3A_1 = arith.constant 0 : i32
    %scan3A_2 = arith.constant 8 : i32
    %scan3A_3 = arith.addi %scan3A_1, %scan3A_2 : i32
    %scan3A_4 = arith.constant 1 : i32
    scf.for %scan3A_27 = %scan3A_1 to %scan3A_3 step %scan3A_4  : i32 {
      %broadcast_in_dim3A = arith.constant 1.000000e+00 : f32
      %broadcast_in_dim3A_28 = vector.broadcast %broadcast_in_dim3A : f32 to vector<16xf32>
      %mul3A_29 = arith.constant 16 : i32
      %mul3A_30 = arith.muli %scan3A_27, %mul3A_29 : i32
      %swap3A = arith.index_cast %mul3A_30 : i32 to index
      %swap3A_31 = tpu.vector_load %arg5[%swap3A] {strides = array<i32>} : memref<128xf32, #tpu.memory_space<vmem>>, vector<16xf32>,
      %swap3A_32 = vector.shape_cast %swap3A_31 : vector<16xf32> to vector<16xf32>
      %swap3A_33 = vector.shape_cast %broadcast_in_dim3A_28 : vector<16xf32> to vector<16xf32>
      tpu.vector_store %arg5[%swap3A], %swap3A_33 {strides = array<i32>} : memref<128xf32, #tpu.memory_space<vmem>>, vector<16xf32>,
    }
    %scan3A_5 = arith.constant 8 : i32
    %scan3A_6 = arith.constant 0 : i32
    %scan3A_7 = arith.constant 0 : i32
    %scan3A_8 = arith.constant 40 : i32
    %scan3A_9 = arith.addi %scan3A_7, %scan3A_8 : i32
    %scan3A_10 = arith.constant 1 : i32
    scf.for %scan3A_27 = %scan3A_7 to %scan3A_9 step %scan3A_10  : i32 {
      %broadcast_in_dim3A = arith.constant 0.000000e+00 : f32
      %broadcast_in_dim3A_28 = vector.broadcast %broadcast_in_dim3A : f32 to vector<16xf32>
      %mul3A_29 = arith.constant 16 : i32
      %mul3A_30 = arith.muli %scan3A_27, %mul3A_29 : i32
      %swap3A = arith.index_cast %mul3A_30 : i32 to index
      %swap3A_31 = tpu.vector_load %arg6[%swap3A] {strides = array<i32>} : memref<640xf32, #tpu.memory_space<vmem>>, vector<16xf32>,
      %swap3A_32 = vector.shape_cast %swap3A_31 : vector<16xf32> to vector<16xf32>
      %swap3A_33 = vector.shape_cast %broadcast_in_dim3A_28 : vector<16xf32> to vector<16xf32>
      tpu.vector_store %arg6[%swap3A], %swap3A_33 {strides = array<i32>} : memref<640xf32, #tpu.memory_space<vmem>>, vector<16xf32>,
    }
    %scan3A_11 = arith.constant 40 : i32
    %mul3A_12 = arith.constant 640 : i32
    %mul3A_13 = arith.muli %arg1, %mul3A_12 : i32
    "tpu.region"() ({
      %run_scoped3A = tpu.sem_alloc : memref<!tpu.dma_semaphore, #tpu.memory_space<semaphore_mem>>
      %dma_start3A = tpu.memref_slice %arg7[%mul3A_13] : memref<10240xf32, #tpu.memory_space<vmem_shared>> -> memref<640xf32, #tpu.memory_space<vmem_shared>>
      %dma_start3A_27 = tpu.memref_slice %arg7[%mul3A_13] : memref<10240xf32, #tpu.memory_space<vmem_shared>> -> memref<640xf32, #tpu.memory_space<vmem_shared>>
      tpu.enqueue_dma source(%arg6 : memref<640xf32, #tpu.memory_space<vmem>>) target(%dma_start3A_27 : memref<640xf32, #tpu.memory_space<vmem_shared>>) target_semaphore(%run_scoped3A : memref<!tpu.dma_semaphore, #tpu.memory_space<semaphore_mem>>)
      %dma_wait3A = tpu.memref_slice %arg7[%mul3A_13] : memref<10240xf32, #tpu.memory_space<vmem_shared>> -> memref<640xf32, #tpu.memory_space<vmem_shared>>
      %dma_wait3A_28 = tpu.memref_slice %arg7[%mul3A_13] : memref<10240xf32, #tpu.memory_space<vmem_shared>> -> memref<640xf32, #tpu.memory_space<vmem_shared>>
      tpu.wait_dma2 semaphore(%run_scoped3A : memref<!tpu.dma_semaphore, #tpu.memory_space<semaphore_mem>>) src(%arg6 : memref<640xf32, #tpu.memory_space<vmem>>) dst(%dma_wait3A_28 : memref<640xf32, #tpu.memory_space<vmem_shared>>)
      tpu.yield
    }) : () -> ()
    %mul3A_14 = arith.constant 80 : i32
    %mul3A_15 = arith.muli %add3A, %mul3A_14 : i32
    "tpu.region"() ({
      %run_scoped3A = tpu.sem_alloc : memref<!tpu.dma_semaphore, #tpu.memory_space<semaphore_mem>>
      %dma_start3A = arith.constant 0 : i32
      %dma_start3A_27 = tpu.memref_slice %arg2[%mul3A_15, %dma_start3A] : memref<2560x128xi32, #tpu.memory_space<hbm>> -> memref<80x128xi32, #tpu.memory_space<hbm>>
      %dma_start3A_28 = arith.constant 0 : i32
      %dma_start3A_29 = tpu.memref_slice %arg2[%mul3A_15, %dma_start3A_28] : memref<2560x128xi32, #tpu.memory_space<hbm>> -> memref<80x128xi32, #tpu.memory_space<hbm>>
      tpu.enqueue_dma source(%dma_start3A_29 : memref<80x128xi32, #tpu.memory_space<hbm>>) target(%arg4 : memref<80x128xi32, #tpu.memory_space<vmem>>) target_semaphore(%run_scoped3A : memref<!tpu.dma_semaphore, #tpu.memory_space<semaphore_mem>>)
      %dma_wait3A = arith.constant 0 : i32
      %dma_wait3A_30 = tpu.memref_slice %arg2[%mul3A_15, %dma_wait3A] : memref<2560x128xi32, #tpu.memory_space<hbm>> -> memref<80x128xi32, #tpu.memory_space<hbm>>
      %dma_wait3A_31 = arith.constant 0 : i32
      %dma_wait3A_32 = tpu.memref_slice %arg2[%mul3A_15, %dma_wait3A_31] : memref<2560x128xi32, #tpu.memory_space<hbm>> -> memref<80x128xi32, #tpu.memory_space<hbm>>
      tpu.wait_dma2 semaphore(%run_scoped3A : memref<!tpu.dma_semaphore, #tpu.memory_space<semaphore_mem>>) src(%dma_wait3A_32 : memref<80x128xi32, #tpu.memory_space<hbm>>) dst(%arg4 : memref<80x128xi32, #tpu.memory_space<vmem>>)
      tpu.yield
    }) : () -> ()
    %barrier3A = arith.constant 0 : index
    tpu.barrier barrier_id(%barrier3A)
    %scan3A_16 = arith.constant 0 : i32
    %scan3A_17 = arith.constant 0 : i32
    %scan3A_18 = arith.constant 80 : i32
    %scan3A_19 = arith.addi %scan3A_17, %scan3A_18 : i32
    %scan3A_20 = arith.constant 1 : i32
    scf.for %scan3A_27 = %scan3A_17 to %scan3A_19 step %scan3A_20  : i32 {
      "tpu.region"() ({
        %run_scoped3A = tpu.sem_alloc : memref<!tpu.dma_semaphore, #tpu.memory_space<semaphore_mem>>
        %dma_start3A = arith.constant 0 : i32
        %dma_start3A_28 = tpu.memref_slice %arg4[%scan3A_27, %dma_start3A] : memref<80x128xi32, #tpu.memory_space<vmem>> -> memref<1x128xi32, #tpu.memory_space<vmem>>
        %dma_start3A_29 = tpu.memref_squeeze %dma_start3A_28 : memref<1x128xi32, #tpu.memory_space<vmem>> -> memref<128xi32, #tpu.memory_space<vmem>>
        %dma_start3A_30 = arith.constant 0 : i32
        %dma_start3A_31 = tpu.memref_slice %arg7[%dma_start3A_30] : memref<10240xf32, #tpu.memory_space<vmem_shared>> -> memref<10240xf32, #tpu.memory_space<vmem_shared>>
        tpu.enqueue_indirect_dma source(%arg5 : memref<128xf32, #tpu.memory_space<vmem>>) target(%dma_start3A_31 : memref<10240xf32, #tpu.memory_space<vmem_shared>>) offsets(%dma_start3A_29 : memref<128xi32, #tpu.memory_space<vmem>>) semaphore(%run_scoped3A : memref<!tpu.dma_semaphore, #tpu.memory_space<semaphore_mem>>) {add = true}
        %dma_wait3A = arith.constant 0 : i32
        %dma_wait3A_32 = tpu.memref_slice %arg4[%scan3A_27, %dma_wait3A] : memref<80x128xi32, #tpu.memory_space<vmem>> -> memref<1x128xi32, #tpu.memory_space<vmem>>
        %dma_wait3A_33 = tpu.memref_squeeze %dma_wait3A_32 : memref<1x128xi32, #tpu.memory_space<vmem>> -> memref<128xi32, #tpu.memory_space<vmem>>
        %dma_wait3A_34 = arith.constant 0 : i32
        %dma_wait3A_35 = tpu.memref_slice %arg7[%dma_wait3A_34] : memref<10240xf32, #tpu.memory_space<vmem_shared>> -> memref<10240xf32, #tpu.memory_space<vmem_shared>>
        tpu.wait_indirect_dma semaphore(%run_scoped3A : memref<!tpu.dma_semaphore, #tpu.memory_space<semaphore_mem>>) src(%arg5 : memref<128xf32, #tpu.memory_space<vmem>>) dst(%dma_wait3A_35 : memref<10240xf32, #tpu.memory_space<vmem_shared>>)
        tpu.yield
      }) : () -> ()
    }
    %scan3A_21 = arith.constant 80 : i32
    %barrier3A_22 = arith.constant 0 : index
    tpu.barrier barrier_id(%barrier3A_22)
    %mul3A_23 = arith.constant 640 : i32
    %mul3A_24 = arith.muli %arg1, %mul3A_23 : i32
    %mul3A_25 = arith.constant 640 : i32
    %mul3A_26 = arith.muli %arg1, %mul3A_25 : i32
    "tpu.region"() ({
      %run_scoped3A = tpu.sem_alloc : memref<!tpu.dma_semaphore, #tpu.memory_space<semaphore_mem>>
      %dma_start3A = tpu.memref_slice %arg3[%arg0, %mul3A_26] : memref<2x10240xf32, #tpu.memory_space<hbm>> -> memref<1x640xf32, #tpu.memory_space<hbm>>
      %dma_start3A_27 = tpu.memref_squeeze %dma_start3A : memref<1x640xf32, #tpu.memory_space<hbm>> -> memref<640xf32, #tpu.memory_space<hbm>>
      %dma_start3A_28 = tpu.memref_slice %arg7[%mul3A_24] : memref<10240xf32, #tpu.memory_space<vmem_shared>> -> memref<640xf32, #tpu.memory_space<vmem_shared>>
      tpu.enqueue_dma source(%dma_start3A_28 : memref<640xf32, #tpu.memory_space<vmem_shared>>) target(%dma_start3A_27 : memref<640xf32, #tpu.memory_space<hbm>>) target_semaphore(%run_scoped3A : memref<!tpu.dma_semaphore, #tpu.memory_space<semaphore_mem>>)
      %dma_wait3A = tpu.memref_slice %arg3[%arg0, %mul3A_26] : memref<2x10240xf32, #tpu.memory_space<hbm>> -> memref<1x640xf32, #tpu.memory_space<hbm>>
      %dma_wait3A_29 = tpu.memref_squeeze %dma_wait3A : memref<1x640xf32, #tpu.memory_space<hbm>> -> memref<640xf32, #tpu.memory_space<hbm>>
      %dma_wait3A_30 = tpu.memref_slice %arg7[%mul3A_24] : memref<10240xf32, #tpu.memory_space<vmem_shared>> -> memref<640xf32, #tpu.memory_space<vmem_shared>>
      tpu.wait_dma2 semaphore(%run_scoped3A : memref<!tpu.dma_semaphore, #tpu.memory_space<semaphore_mem>>) src(%dma_wait3A_30 : memref<640xf32, #tpu.memory_space<vmem_shared>>) dst(%dma_wait3A_29 : memref<640xf32, #tpu.memory_space<hbm>>)
      tpu.yield
    }) : () -> ()
    return
  }
}

#map = affine_map<(d0, d1) -> (0, 0)>
#map1 = affine_map<(d0, d1) -> (0, 0, 0)>
module attributes {stable_mosaic.version = 14 : i64} {
  func.func @_sweep_kernel(%arg0: i32, %arg1: i32, %arg2: memref<10240x64xf32, #tpu.memory_space<hbm>>, %arg3: memref<10240x64xf32, #tpu.memory_space<hbm>>, %arg4: memref<2560x128xi32, #tpu.memory_space<hbm>>, %arg5: memref<2560x128xi32, #tpu.memory_space<hbm>>, %arg6: memref<10240x64xf32, #tpu.memory_space<hbm>>, %arg7: memref<2x10240x64xf32, #tpu.memory_space<hbm>>, %arg8: memref<160x128xi32, #tpu.memory_space<vmem>>, %arg9: memref<160x128xi32, #tpu.memory_space<vmem>>, %arg10: memref<4x128x64xf32, #tpu.memory_space<vmem>>, %arg11: memref<10240x64xf32, #tpu.memory_space<vmem_shared>>, %arg12: memref<!tpu.dma_semaphore, #tpu.memory_space<semaphore_mem>>, %arg13: memref<!tpu.dma_semaphore, #tpu.memory_space<semaphore_mem>>, %arg14: memref<!tpu.dma_semaphore, #tpu.memory_space<semaphore_mem>>, %arg15: memref<!tpu.dma_semaphore, #tpu.memory_space<semaphore_mem>>) attributes {dimension_semantics = [#tpu.dimension_semantics<core_parallel>, #tpu.dimension_semantics<subcore_parallel>], iteration_bounds = array<i64: 2, 16>, scalar_prefetch = 0 : i64, scratch_operands = 8 : i64, tpu.core_type = #tpu.core_type<sc_vector_subcore>, window_params = [{transform_indices = #map}, {transform_indices = #map}, {transform_indices = #map}, {transform_indices = #map}, {transform_indices = #map}, {transform_indices = #map1}]} {
    %mul3A = arith.constant 640 : i32
    %mul3A_0 = arith.muli %arg1, %mul3A : i32
    "tpu.region"() ({
      %run_scoped3A = tpu.sem_alloc : memref<!tpu.dma_semaphore, #tpu.memory_space<semaphore_mem>>
      %dma_start3A = arith.constant 0 : i32
      %dma_start3A_13 = tpu.memref_slice %arg11[%mul3A_0, %dma_start3A] : memref<10240x64xf32, #tpu.memory_space<vmem_shared>> -> memref<640x64xf32, #tpu.memory_space<vmem_shared>>
      %dma_start3A_14 = arith.constant 0 : i32
      %dma_start3A_15 = tpu.memref_slice %arg6[%mul3A_0, %dma_start3A_14] : memref<10240x64xf32, #tpu.memory_space<hbm>> -> memref<640x64xf32, #tpu.memory_space<hbm>>
      tpu.enqueue_dma source(%dma_start3A_15 : memref<640x64xf32, #tpu.memory_space<hbm>>) target(%dma_start3A_13 : memref<640x64xf32, #tpu.memory_space<vmem_shared>>) target_semaphore(%run_scoped3A : memref<!tpu.dma_semaphore, #tpu.memory_space<semaphore_mem>>)
      %dma_wait3A = arith.constant 0 : i32
      %dma_wait3A_16 = tpu.memref_slice %arg11[%mul3A_0, %dma_wait3A] : memref<10240x64xf32, #tpu.memory_space<vmem_shared>> -> memref<640x64xf32, #tpu.memory_space<vmem_shared>>
      %dma_wait3A_17 = arith.constant 0 : i32
      %dma_wait3A_18 = tpu.memref_slice %arg6[%mul3A_0, %dma_wait3A_17] : memref<10240x64xf32, #tpu.memory_space<hbm>> -> memref<640x64xf32, #tpu.memory_space<hbm>>
      tpu.wait_dma2 semaphore(%run_scoped3A : memref<!tpu.dma_semaphore, #tpu.memory_space<semaphore_mem>>) src(%dma_wait3A_18 : memref<640x64xf32, #tpu.memory_space<hbm>>) dst(%dma_wait3A_16 : memref<640x64xf32, #tpu.memory_space<vmem_shared>>)
      tpu.yield
    }) : () -> ()
    %mul3A_1 = arith.constant 160 : i32
    %mul3A_2 = arith.muli %arg1, %mul3A_1 : i32
    "tpu.region"() ({
      %run_scoped3A = tpu.sem_alloc : memref<!tpu.dma_semaphore, #tpu.memory_space<semaphore_mem>>
      %dma_start3A = arith.constant 0 : i32
      %dma_start3A_13 = tpu.memref_slice %arg4[%mul3A_2, %dma_start3A] : memref<2560x128xi32, #tpu.memory_space<hbm>> -> memref<160x128xi32, #tpu.memory_space<hbm>>
      %dma_start3A_14 = arith.constant 0 : i32
      %dma_start3A_15 = tpu.memref_slice %arg4[%mul3A_2, %dma_start3A_14] : memref<2560x128xi32, #tpu.memory_space<hbm>> -> memref<160x128xi32, #tpu.memory_space<hbm>>
      tpu.enqueue_dma source(%dma_start3A_15 : memref<160x128xi32, #tpu.memory_space<hbm>>) target(%arg8 : memref<160x128xi32, #tpu.memory_space<vmem>>) target_semaphore(%run_scoped3A : memref<!tpu.dma_semaphore, #tpu.memory_space<semaphore_mem>>)
      %dma_wait3A = arith.constant 0 : i32
      %dma_wait3A_16 = tpu.memref_slice %arg4[%mul3A_2, %dma_wait3A] : memref<2560x128xi32, #tpu.memory_space<hbm>> -> memref<160x128xi32, #tpu.memory_space<hbm>>
      %dma_wait3A_17 = arith.constant 0 : i32
      %dma_wait3A_18 = tpu.memref_slice %arg4[%mul3A_2, %dma_wait3A_17] : memref<2560x128xi32, #tpu.memory_space<hbm>> -> memref<160x128xi32, #tpu.memory_space<hbm>>
      tpu.wait_dma2 semaphore(%run_scoped3A : memref<!tpu.dma_semaphore, #tpu.memory_space<semaphore_mem>>) src(%dma_wait3A_18 : memref<160x128xi32, #tpu.memory_space<hbm>>) dst(%arg8 : memref<160x128xi32, #tpu.memory_space<vmem>>)
      tpu.yield
    }) : () -> ()
    %mul3A_3 = arith.constant 160 : i32
    %mul3A_4 = arith.muli %arg1, %mul3A_3 : i32
    "tpu.region"() ({
      %run_scoped3A = tpu.sem_alloc : memref<!tpu.dma_semaphore, #tpu.memory_space<semaphore_mem>>
      %dma_start3A = arith.constant 0 : i32
      %dma_start3A_13 = tpu.memref_slice %arg5[%mul3A_4, %dma_start3A] : memref<2560x128xi32, #tpu.memory_space<hbm>> -> memref<160x128xi32, #tpu.memory_space<hbm>>
      %dma_start3A_14 = arith.constant 0 : i32
      %dma_start3A_15 = tpu.memref_slice %arg5[%mul3A_4, %dma_start3A_14] : memref<2560x128xi32, #tpu.memory_space<hbm>> -> memref<160x128xi32, #tpu.memory_space<hbm>>
      tpu.enqueue_dma source(%dma_start3A_15 : memref<160x128xi32, #tpu.memory_space<hbm>>) target(%arg9 : memref<160x128xi32, #tpu.memory_space<vmem>>) target_semaphore(%run_scoped3A : memref<!tpu.dma_semaphore, #tpu.memory_space<semaphore_mem>>)
      %dma_wait3A = arith.constant 0 : i32
      %dma_wait3A_16 = tpu.memref_slice %arg5[%mul3A_4, %dma_wait3A] : memref<2560x128xi32, #tpu.memory_space<hbm>> -> memref<160x128xi32, #tpu.memory_space<hbm>>
      %dma_wait3A_17 = arith.constant 0 : i32
      %dma_wait3A_18 = tpu.memref_slice %arg5[%mul3A_4, %dma_wait3A_17] : memref<2560x128xi32, #tpu.memory_space<hbm>> -> memref<160x128xi32, #tpu.memory_space<hbm>>
      tpu.wait_dma2 semaphore(%run_scoped3A : memref<!tpu.dma_semaphore, #tpu.memory_space<semaphore_mem>>) src(%dma_wait3A_18 : memref<160x128xi32, #tpu.memory_space<hbm>>) dst(%arg9 : memref<160x128xi32, #tpu.memory_space<vmem>>)
      tpu.yield
    }) : () -> ()
    %barrier3A = arith.constant 0 : index
    tpu.barrier barrier_id(%barrier3A)
    %eq3A = arith.constant 0 : i32
    %eq3A_5 = arith.cmpi eq, %arg0, %eq3A : i32
    %convert_element_type3A = arith.extui %eq3A_5 : i1 to i32
    %cond3A = arith.constant 0 : i32
    %cond3A_6 = arith.cmpi ne, %convert_element_type3A, %cond3A : i32
    scf.if %cond3A_6 {
      %dma_start3A = arith.constant 0 : i32
      %dma_start3A_13 = arith.constant 0 : i32
      %dma_start3A_14 = arith.constant 0 : i32
      %dma_start3A_15 = arith.constant 0 : i32
      %dma_start3A_16 = tpu.memref_slice %arg10[%dma_start3A_13, %dma_start3A_14, %dma_start3A_15] : memref<4x128x64xf32, #tpu.memory_space<vmem>> -> memref<1x128x64xf32, #tpu.memory_space<vmem>>
      %dma_start3A_17 = tpu.memref_squeeze %dma_start3A_16 : memref<1x128x64xf32, #tpu.memory_space<vmem>> -> memref<128x64xf32, #tpu.memory_space<vmem>>
      %dma_start3A_18 = arith.constant 0 : i32
      %dma_start3A_19 = tpu.memref_slice %arg8[%dma_start3A, %dma_start3A_18] : memref<160x128xi32, #tpu.memory_space<vmem>> -> memref<1x128xi32, #tpu.memory_space<vmem>>
      %dma_start3A_20 = tpu.memref_squeeze %dma_start3A_19 : memref<1x128xi32, #tpu.memory_space<vmem>> -> memref<128xi32, #tpu.memory_space<vmem>>
      %dma_start3A_21 = arith.constant 0 : i32
      %dma_start3A_22 = arith.constant 0 : i32
      %dma_start3A_23 = tpu.memref_slice %arg2[%dma_start3A_21, %dma_start3A_22] : memref<10240x64xf32, #tpu.memory_space<hbm>> -> memref<10240x64xf32, #tpu.memory_space<hbm>>
      tpu.enqueue_indirect_dma source(%dma_start3A_23 : memref<10240x64xf32, #tpu.memory_space<hbm>>) target(%dma_start3A_17 : memref<128x64xf32, #tpu.memory_space<vmem>>) offsets(%dma_start3A_20 : memref<128xi32, #tpu.memory_space<vmem>>) semaphore(%arg12 : memref<!tpu.dma_semaphore, #tpu.memory_space<semaphore_mem>>)
      %dma_start3A_24 = arith.constant 1 : i32
      %dma_start3A_25 = arith.constant 1 : i32
      %dma_start3A_26 = arith.constant 0 : i32
      %dma_start3A_27 = arith.constant 0 : i32
      %dma_start3A_28 = tpu.memref_slice %arg10[%dma_start3A_25, %dma_start3A_26, %dma_start3A_27] : memref<4x128x64xf32, #tpu.memory_space<vmem>> -> memref<1x128x64xf32, #tpu.memory_space<vmem>>
      %dma_start3A_29 = tpu.memref_squeeze %dma_start3A_28 : memref<1x128x64xf32, #tpu.memory_space<vmem>> -> memref<128x64xf32, #tpu.memory_space<vmem>>
      %dma_start3A_30 = arith.constant 0 : i32
      %dma_start3A_31 = tpu.memref_slice %arg8[%dma_start3A_24, %dma_start3A_30] : memref<160x128xi32, #tpu.memory_space<vmem>> -> memref<1x128xi32, #tpu.memory_space<vmem>>
      %dma_start3A_32 = tpu.memref_squeeze %dma_start3A_31 : memref<1x128xi32, #tpu.memory_space<vmem>> -> memref<128xi32, #tpu.memory_space<vmem>>
      %dma_start3A_33 = arith.constant 0 : i32
      %dma_start3A_34 = arith.constant 0 : i32
      %dma_start3A_35 = tpu.memref_slice %arg2[%dma_start3A_33, %dma_start3A_34] : memref<10240x64xf32, #tpu.memory_space<hbm>> -> memref<10240x64xf32, #tpu.memory_space<hbm>>
      tpu.enqueue_indirect_dma source(%dma_start3A_35 : memref<10240x64xf32, #tpu.memory_space<hbm>>) target(%dma_start3A_29 : memref<128x64xf32, #tpu.memory_space<vmem>>) offsets(%dma_start3A_32 : memref<128xi32, #tpu.memory_space<vmem>>) semaphore(%arg13 : memref<!tpu.dma_semaphore, #tpu.memory_space<semaphore_mem>>)
      %dma_start3A_36 = arith.constant 2 : i32
      %dma_start3A_37 = arith.constant 2 : i32
      %dma_start3A_38 = arith.constant 0 : i32
      %dma_start3A_39 = arith.constant 0 : i32
      %dma_start3A_40 = tpu.memref_slice %arg10[%dma_start3A_37, %dma_start3A_38, %dma_start3A_39] : memref<4x128x64xf32, #tpu.memory_space<vmem>> -> memref<1x128x64xf32, #tpu.memory_space<vmem>>
      %dma_start3A_41 = tpu.memref_squeeze %dma_start3A_40 : memref<1x128x64xf32, #tpu.memory_space<vmem>> -> memref<128x64xf32, #tpu.memory_space<vmem>>
      %dma_start3A_42 = arith.constant 0 : i32
      %dma_start3A_43 = tpu.memref_slice %arg8[%dma_start3A_36, %dma_start3A_42] : memref<160x128xi32, #tpu.memory_space<vmem>> -> memref<1x128xi32, #tpu.memory_space<vmem>>
      %dma_start3A_44 = tpu.memref_squeeze %dma_start3A_43 : memref<1x128xi32, #tpu.memory_space<vmem>> -> memref<128xi32, #tpu.memory_space<vmem>>
      %dma_start3A_45 = arith.constant 0 : i32
      %dma_start3A_46 = arith.constant 0 : i32
      %dma_start3A_47 = tpu.memref_slice %arg2[%dma_start3A_45, %dma_start3A_46] : memref<10240x64xf32, #tpu.memory_space<hbm>> -> memref<10240x64xf32, #tpu.memory_space<hbm>>
      tpu.enqueue_indirect_dma source(%dma_start3A_47 : memref<10240x64xf32, #tpu.memory_space<hbm>>) target(%dma_start3A_41 : memref<128x64xf32, #tpu.memory_space<vmem>>) offsets(%dma_start3A_44 : memref<128xi32, #tpu.memory_space<vmem>>) semaphore(%arg14 : memref<!tpu.dma_semaphore, #tpu.memory_space<semaphore_mem>>)
      %dma_start3A_48 = arith.constant 3 : i32
      %dma_start3A_49 = arith.constant 3 : i32
      %dma_start3A_50 = arith.constant 0 : i32
      %dma_start3A_51 = arith.constant 0 : i32
      %dma_start3A_52 = tpu.memref_slice %arg10[%dma_start3A_49, %dma_start3A_50, %dma_start3A_51] : memref<4x128x64xf32, #tpu.memory_space<vmem>> -> memref<1x128x64xf32, #tpu.memory_space<vmem>>
      %dma_start3A_53 = tpu.memref_squeeze %dma_start3A_52 : memref<1x128x64xf32, #tpu.memory_space<vmem>> -> memref<128x64xf32, #tpu.memory_space<vmem>>
      %dma_start3A_54 = arith.constant 0 : i32
      %dma_start3A_55 = tpu.memref_slice %arg8[%dma_start3A_48, %dma_start3A_54] : memref<160x128xi32, #tpu.memory_space<vmem>> -> memref<1x128xi32, #tpu.memory_space<vmem>>
      %dma_start3A_56 = tpu.memref_squeeze %dma_start3A_55 : memref<1x128xi32, #tpu.memory_space<vmem>> -> memref<128xi32, #tpu.memory_space<vmem>>
      %dma_start3A_57 = arith.constant 0 : i32
      %dma_start3A_58 = arith.constant 0 : i32
      %dma_start3A_59 = tpu.memref_slice %arg2[%dma_start3A_57, %dma_start3A_58] : memref<10240x64xf32, #tpu.memory_space<hbm>> -> memref<10240x64xf32, #tpu.memory_space<hbm>>
      tpu.enqueue_indirect_dma source(%dma_start3A_59 : memref<10240x64xf32, #tpu.memory_space<hbm>>) target(%dma_start3A_53 : memref<128x64xf32, #tpu.memory_space<vmem>>) offsets(%dma_start3A_56 : memref<128xi32, #tpu.memory_space<vmem>>) semaphore(%arg15 : memref<!tpu.dma_semaphore, #tpu.memory_space<semaphore_mem>>)
      %scan3A = arith.constant 0 : i32
      %scan3A_60 = arith.constant 0 : i32
      %scan3A_61 = arith.constant 39 : i32
      %scan3A_62 = arith.addi %scan3A_60, %scan3A_61 : i32
      %scan3A_63 = arith.constant 1 : i32
      scf.for %scan3A_119 = %scan3A_60 to %scan3A_62 step %scan3A_63  : i32 {
        %mul3A_120 = arith.constant 4 : i32
        %mul3A_121 = arith.muli %scan3A_119, %mul3A_120 : i32
        %add3A = arith.constant 0 : i32
        %add3A_122 = arith.addi %mul3A_121, %add3A : i32
        %dma_wait3A_123 = arith.constant 0 : i32
        %dma_wait3A_124 = arith.constant 0 : i32
        %dma_wait3A_125 = arith.constant 0 : i32
        %dma_wait3A_126 = tpu.memref_slice %arg10[%dma_wait3A_123, %dma_wait3A_124, %dma_wait3A_125] : memref<4x128x64xf32, #tpu.memory_space<vmem>> -> memref<1x128x64xf32, #tpu.memory_space<vmem>>
        %dma_wait3A_127 = tpu.memref_squeeze %dma_wait3A_126 : memref<1x128x64xf32, #tpu.memory_space<vmem>> -> memref<128x64xf32, #tpu.memory_space<vmem>>
        %dma_wait3A_128 = arith.constant 0 : i32
        %dma_wait3A_129 = tpu.memref_slice %arg8[%add3A_122, %dma_wait3A_128] : memref<160x128xi32, #tpu.memory_space<vmem>> -> memref<1x128xi32, #tpu.memory_space<vmem>>
        %dma_wait3A_130 = tpu.memref_squeeze %dma_wait3A_129 : memref<1x128xi32, #tpu.memory_space<vmem>> -> memref<128xi32, #tpu.memory_space<vmem>>
        %dma_wait3A_131 = arith.constant 0 : i32
        %dma_wait3A_132 = arith.constant 0 : i32
        %dma_wait3A_133 = tpu.memref_slice %arg2[%dma_wait3A_131, %dma_wait3A_132] : memref<10240x64xf32, #tpu.memory_space<hbm>> -> memref<10240x64xf32, #tpu.memory_space<hbm>>
        tpu.wait_indirect_dma semaphore(%arg12 : memref<!tpu.dma_semaphore, #tpu.memory_space<semaphore_mem>>) src(%dma_wait3A_133 : memref<10240x64xf32, #tpu.memory_space<hbm>>) dst(%dma_wait3A_127 : memref<128x64xf32, #tpu.memory_space<vmem>>)
        %run_scoped3A_134 = arith.constant 0 : i32
        "tpu.region"() ({
          %run_scoped3A_235 = tpu.sem_alloc : memref<!tpu.dma_semaphore, #tpu.memory_space<semaphore_mem>>
          %dma_start3A_236 = arith.constant 0 : i32
          %dma_start3A_237 = arith.constant 0 : i32
          %dma_start3A_238 = tpu.memref_slice %arg10[%run_scoped3A_134, %dma_start3A_236, %dma_start3A_237] : memref<4x128x64xf32, #tpu.memory_space<vmem>> -> memref<1x128x64xf32, #tpu.memory_space<vmem>>
          %dma_start3A_239 = tpu.memref_squeeze %dma_start3A_238 : memref<1x128x64xf32, #tpu.memory_space<vmem>> -> memref<128x64xf32, #tpu.memory_space<vmem>>
          %dma_start3A_240 = arith.constant 0 : i32
          %dma_start3A_241 = tpu.memref_slice %arg9[%add3A_122, %dma_start3A_240] : memref<160x128xi32, #tpu.memory_space<vmem>> -> memref<1x128xi32, #tpu.memory_space<vmem>>
          %dma_start3A_242 = tpu.memref_squeeze %dma_start3A_241 : memref<1x128xi32, #tpu.memory_space<vmem>> -> memref<128xi32, #tpu.memory_space<vmem>>
          %dma_start3A_243 = arith.constant 0 : i32
          %dma_start3A_244 = arith.constant 0 : i32
          %dma_start3A_245 = tpu.memref_slice %arg11[%dma_start3A_243, %dma_start3A_244] : memref<10240x64xf32, #tpu.memory_space<vmem_shared>> -> memref<10240x64xf32, #tpu.memory_space<vmem_shared>>
          tpu.enqueue_indirect_dma source(%dma_start3A_239 : memref<128x64xf32, #tpu.memory_space<vmem>>) target(%dma_start3A_245 : memref<10240x64xf32, #tpu.memory_space<vmem_shared>>) offsets(%dma_start3A_242 : memref<128xi32, #tpu.memory_space<vmem>>) semaphore(%run_scoped3A_235 : memref<!tpu.dma_semaphore, #tpu.memory_space<semaphore_mem>>) {add = true}
          %dma_wait3A_246 = arith.constant 0 : i32
          %dma_wait3A_247 = arith.constant 0 : i32
          %dma_wait3A_248 = tpu.memref_slice %arg10[%run_scoped3A_134, %dma_wait3A_246, %dma_wait3A_247] : memref<4x128x64xf32, #tpu.memory_space<vmem>> -> memref<1x128x64xf32, #tpu.memory_space<vmem>>
          %dma_wait3A_249 = tpu.memref_squeeze %dma_wait3A_248 : memref<1x128x64xf32, #tpu.memory_space<vmem>> -> memref<128x64xf32, #tpu.memory_space<vmem>>
          %dma_wait3A_250 = arith.constant 0 : i32
          %dma_wait3A_251 = tpu.memref_slice %arg9[%add3A_122, %dma_wait3A_250] : memref<160x128xi32, #tpu.memory_space<vmem>> -> memref<1x128xi32, #tpu.memory_space<vmem>>
          %dma_wait3A_252 = tpu.memref_squeeze %dma_wait3A_251 : memref<1x128xi32, #tpu.memory_space<vmem>> -> memref<128xi32, #tpu.memory_space<vmem>>
          %dma_wait3A_253 = arith.constant 0 : i32
          %dma_wait3A_254 = arith.constant 0 : i32
          %dma_wait3A_255 = tpu.memref_slice %arg11[%dma_wait3A_253, %dma_wait3A_254] : memref<10240x64xf32, #tpu.memory_space<vmem_shared>> -> memref<10240x64xf32, #tpu.memory_space<vmem_shared>>
          tpu.wait_indirect_dma semaphore(%run_scoped3A_235 : memref<!tpu.dma_semaphore, #tpu.memory_space<semaphore_mem>>) src(%dma_wait3A_249 : memref<128x64xf32, #tpu.memory_space<vmem>>) dst(%dma_wait3A_255 : memref<10240x64xf32, #tpu.memory_space<vmem_shared>>)
          tpu.yield
        }) : () -> ()
        %add3A_135 = arith.constant 4 : i32
        %add3A_136 = arith.addi %add3A_122, %add3A_135 : i32
        %dma_start3A_137 = arith.constant 0 : i32
        %dma_start3A_138 = arith.constant 0 : i32
        %dma_start3A_139 = arith.constant 0 : i32
        %dma_start3A_140 = tpu.memref_slice %arg10[%dma_start3A_137, %dma_start3A_138, %dma_start3A_139] : memref<4x128x64xf32, #tpu.memory_space<vmem>> -> memref<1x128x64xf32, #tpu.memory_space<vmem>>
        %dma_start3A_141 = tpu.memref_squeeze %dma_start3A_140 : memref<1x128x64xf32, #tpu.memory_space<vmem>> -> memref<128x64xf32, #tpu.memory_space<vmem>>
        %dma_start3A_142 = arith.constant 0 : i32
        %dma_start3A_143 = tpu.memref_slice %arg8[%add3A_136, %dma_start3A_142] : memref<160x128xi32, #tpu.memory_space<vmem>> -> memref<1x128xi32, #tpu.memory_space<vmem>>
        %dma_start3A_144 = tpu.memref_squeeze %dma_start3A_143 : memref<1x128xi32, #tpu.memory_space<vmem>> -> memref<128xi32, #tpu.memory_space<vmem>>
        %dma_start3A_145 = arith.constant 0 : i32
        %dma_start3A_146 = arith.constant 0 : i32
        %dma_start3A_147 = tpu.memref_slice %arg2[%dma_start3A_145, %dma_start3A_146] : memref<10240x64xf32, #tpu.memory_space<hbm>> -> memref<10240x64xf32, #tpu.memory_space<hbm>>
        tpu.enqueue_indirect_dma source(%dma_start3A_147 : memref<10240x64xf32, #tpu.memory_space<hbm>>) target(%dma_start3A_141 : memref<128x64xf32, #tpu.memory_space<vmem>>) offsets(%dma_start3A_144 : memref<128xi32, #tpu.memory_space<vmem>>) semaphore(%arg12 : memref<!tpu.dma_semaphore, #tpu.memory_space<semaphore_mem>>)
        %mul3A_148 = arith.constant 4 : i32
        %mul3A_149 = arith.muli %scan3A_119, %mul3A_148 : i32
        %add3A_150 = arith.constant 1 : i32
        %add3A_151 = arith.addi %mul3A_149, %add3A_150 : i32
        %dma_wait3A_152 = arith.constant 1 : i32
        %dma_wait3A_153 = arith.constant 0 : i32
        %dma_wait3A_154 = arith.constant 0 : i32
        %dma_wait3A_155 = tpu.memref_slice %arg10[%dma_wait3A_152, %dma_wait3A_153, %dma_wait3A_154] : memref<4x128x64xf32, #tpu.memory_space<vmem>> -> memref<1x128x64xf32, #tpu.memory_space<vmem>>
        %dma_wait3A_156 = tpu.memref_squeeze %dma_wait3A_155 : memref<1x128x64xf32, #tpu.memory_space<vmem>> -> memref<128x64xf32, #tpu.memory_space<vmem>>
        %dma_wait3A_157 = arith.constant 0 : i32
        %dma_wait3A_158 = tpu.memref_slice %arg8[%add3A_151, %dma_wait3A_157] : memref<160x128xi32, #tpu.memory_space<vmem>> -> memref<1x128xi32, #tpu.memory_space<vmem>>
        %dma_wait3A_159 = tpu.memref_squeeze %dma_wait3A_158 : memref<1x128xi32, #tpu.memory_space<vmem>> -> memref<128xi32, #tpu.memory_space<vmem>>
        %dma_wait3A_160 = arith.constant 0 : i32
        %dma_wait3A_161 = arith.constant 0 : i32
        %dma_wait3A_162 = tpu.memref_slice %arg2[%dma_wait3A_160, %dma_wait3A_161] : memref<10240x64xf32, #tpu.memory_space<hbm>> -> memref<10240x64xf32, #tpu.memory_space<hbm>>
        tpu.wait_indirect_dma semaphore(%arg13 : memref<!tpu.dma_semaphore, #tpu.memory_space<semaphore_mem>>) src(%dma_wait3A_162 : memref<10240x64xf32, #tpu.memory_space<hbm>>) dst(%dma_wait3A_156 : memref<128x64xf32, #tpu.memory_space<vmem>>)
        %run_scoped3A_163 = arith.constant 1 : i32
        "tpu.region"() ({
          %run_scoped3A_235 = tpu.sem_alloc : memref<!tpu.dma_semaphore, #tpu.memory_space<semaphore_mem>>
          %dma_start3A_236 = arith.constant 0 : i32
          %dma_start3A_237 = arith.constant 0 : i32
          %dma_start3A_238 = tpu.memref_slice %arg10[%run_scoped3A_163, %dma_start3A_236, %dma_start3A_237] : memref<4x128x64xf32, #tpu.memory_space<vmem>> -> memref<1x128x64xf32, #tpu.memory_space<vmem>>
          %dma_start3A_239 = tpu.memref_squeeze %dma_start3A_238 : memref<1x128x64xf32, #tpu.memory_space<vmem>> -> memref<128x64xf32, #tpu.memory_space<vmem>>
          %dma_start3A_240 = arith.constant 0 : i32
          %dma_start3A_241 = tpu.memref_slice %arg9[%add3A_151, %dma_start3A_240] : memref<160x128xi32, #tpu.memory_space<vmem>> -> memref<1x128xi32, #tpu.memory_space<vmem>>
          %dma_start3A_242 = tpu.memref_squeeze %dma_start3A_241 : memref<1x128xi32, #tpu.memory_space<vmem>> -> memref<128xi32, #tpu.memory_space<vmem>>
          %dma_start3A_243 = arith.constant 0 : i32
          %dma_start3A_244 = arith.constant 0 : i32
          %dma_start3A_245 = tpu.memref_slice %arg11[%dma_start3A_243, %dma_start3A_244] : memref<10240x64xf32, #tpu.memory_space<vmem_shared>> -> memref<10240x64xf32, #tpu.memory_space<vmem_shared>>
          tpu.enqueue_indirect_dma source(%dma_start3A_239 : memref<128x64xf32, #tpu.memory_space<vmem>>) target(%dma_start3A_245 : memref<10240x64xf32, #tpu.memory_space<vmem_shared>>) offsets(%dma_start3A_242 : memref<128xi32, #tpu.memory_space<vmem>>) semaphore(%run_scoped3A_235 : memref<!tpu.dma_semaphore, #tpu.memory_space<semaphore_mem>>) {add = true}
          %dma_wait3A_246 = arith.constant 0 : i32
          %dma_wait3A_247 = arith.constant 0 : i32
          %dma_wait3A_248 = tpu.memref_slice %arg10[%run_scoped3A_163, %dma_wait3A_246, %dma_wait3A_247] : memref<4x128x64xf32, #tpu.memory_space<vmem>> -> memref<1x128x64xf32, #tpu.memory_space<vmem>>
          %dma_wait3A_249 = tpu.memref_squeeze %dma_wait3A_248 : memref<1x128x64xf32, #tpu.memory_space<vmem>> -> memref<128x64xf32, #tpu.memory_space<vmem>>
          %dma_wait3A_250 = arith.constant 0 : i32
          %dma_wait3A_251 = tpu.memref_slice %arg9[%add3A_151, %dma_wait3A_250] : memref<160x128xi32, #tpu.memory_space<vmem>> -> memref<1x128xi32, #tpu.memory_space<vmem>>
          %dma_wait3A_252 = tpu.memref_squeeze %dma_wait3A_251 : memref<1x128xi32, #tpu.memory_space<vmem>> -> memref<128xi32, #tpu.memory_space<vmem>>
          %dma_wait3A_253 = arith.constant 0 : i32
          %dma_wait3A_254 = arith.constant 0 : i32
          %dma_wait3A_255 = tpu.memref_slice %arg11[%dma_wait3A_253, %dma_wait3A_254] : memref<10240x64xf32, #tpu.memory_space<vmem_shared>> -> memref<10240x64xf32, #tpu.memory_space<vmem_shared>>
          tpu.wait_indirect_dma semaphore(%run_scoped3A_235 : memref<!tpu.dma_semaphore, #tpu.memory_space<semaphore_mem>>) src(%dma_wait3A_249 : memref<128x64xf32, #tpu.memory_space<vmem>>) dst(%dma_wait3A_255 : memref<10240x64xf32, #tpu.memory_space<vmem_shared>>)
          tpu.yield
        }) : () -> ()
        %add3A_164 = arith.constant 4 : i32
        %add3A_165 = arith.addi %add3A_151, %add3A_164 : i32
        %dma_start3A_166 = arith.constant 1 : i32
        %dma_start3A_167 = arith.constant 0 : i32
        %dma_start3A_168 = arith.constant 0 : i32
        %dma_start3A_169 = tpu.memref_slice %arg10[%dma_start3A_166, %dma_start3A_167, %dma_start3A_168] : memref<4x128x64xf32, #tpu.memory_space<vmem>> -> memref<1x128x64xf32, #tpu.memory_space<vmem>>
        %dma_start3A_170 = tpu.memref_squeeze %dma_start3A_169 : memref<1x128x64xf32, #tpu.memory_space<vmem>> -> memref<128x64xf32, #tpu.memory_space<vmem>>
        %dma_start3A_171 = arith.constant 0 : i32
        %dma_start3A_172 = tpu.memref_slice %arg8[%add3A_165, %dma_start3A_171] : memref<160x128xi32, #tpu.memory_space<vmem>> -> memref<1x128xi32, #tpu.memory_space<vmem>>
        %dma_start3A_173 = tpu.memref_squeeze %dma_start3A_172 : memref<1x128xi32, #tpu.memory_space<vmem>> -> memref<128xi32, #tpu.memory_space<vmem>>
        %dma_start3A_174 = arith.constant 0 : i32
        %dma_start3A_175 = arith.constant 0 : i32
        %dma_start3A_176 = tpu.memref_slice %arg2[%dma_start3A_174, %dma_start3A_175] : memref<10240x64xf32, #tpu.memory_space<hbm>> -> memref<10240x64xf32, #tpu.memory_space<hbm>>
        tpu.enqueue_indirect_dma source(%dma_start3A_176 : memref<10240x64xf32, #tpu.memory_space<hbm>>) target(%dma_start3A_170 : memref<128x64xf32, #tpu.memory_space<vmem>>) offsets(%dma_start3A_173 : memref<128xi32, #tpu.memory_space<vmem>>) semaphore(%arg13 : memref<!tpu.dma_semaphore, #tpu.memory_space<semaphore_mem>>)
        %mul3A_177 = arith.constant 4 : i32
        %mul3A_178 = arith.muli %scan3A_119, %mul3A_177 : i32
        %add3A_179 = arith.constant 2 : i32
        %add3A_180 = arith.addi %mul3A_178, %add3A_179 : i32
        %dma_wait3A_181 = arith.constant 2 : i32
        %dma_wait3A_182 = arith.constant 0 : i32
        %dma_wait3A_183 = arith.constant 0 : i32
        %dma_wait3A_184 = tpu.memref_slice %arg10[%dma_wait3A_181, %dma_wait3A_182, %dma_wait3A_183] : memref<4x128x64xf32, #tpu.memory_space<vmem>> -> memref<1x128x64xf32, #tpu.memory_space<vmem>>
        %dma_wait3A_185 = tpu.memref_squeeze %dma_wait3A_184 : memref<1x128x64xf32, #tpu.memory_space<vmem>> -> memref<128x64xf32, #tpu.memory_space<vmem>>
        %dma_wait3A_186 = arith.constant 0 : i32
        %dma_wait3A_187 = tpu.memref_slice %arg8[%add3A_180, %dma_wait3A_186] : memref<160x128xi32, #tpu.memory_space<vmem>> -> memref<1x128xi32, #tpu.memory_space<vmem>>
        %dma_wait3A_188 = tpu.memref_squeeze %dma_wait3A_187 : memref<1x128xi32, #tpu.memory_space<vmem>> -> memref<128xi32, #tpu.memory_space<vmem>>
        %dma_wait3A_189 = arith.constant 0 : i32
        %dma_wait3A_190 = arith.constant 0 : i32
        %dma_wait3A_191 = tpu.memref_slice %arg2[%dma_wait3A_189, %dma_wait3A_190] : memref<10240x64xf32, #tpu.memory_space<hbm>> -> memref<10240x64xf32, #tpu.memory_space<hbm>>
        tpu.wait_indirect_dma semaphore(%arg14 : memref<!tpu.dma_semaphore, #tpu.memory_space<semaphore_mem>>) src(%dma_wait3A_191 : memref<10240x64xf32, #tpu.memory_space<hbm>>) dst(%dma_wait3A_185 : memref<128x64xf32, #tpu.memory_space<vmem>>)
        %run_scoped3A_192 = arith.constant 2 : i32
        "tpu.region"() ({
          %run_scoped3A_235 = tpu.sem_alloc : memref<!tpu.dma_semaphore, #tpu.memory_space<semaphore_mem>>
          %dma_start3A_236 = arith.constant 0 : i32
          %dma_start3A_237 = arith.constant 0 : i32
          %dma_start3A_238 = tpu.memref_slice %arg10[%run_scoped3A_192, %dma_start3A_236, %dma_start3A_237] : memref<4x128x64xf32, #tpu.memory_space<vmem>> -> memref<1x128x64xf32, #tpu.memory_space<vmem>>
          %dma_start3A_239 = tpu.memref_squeeze %dma_start3A_238 : memref<1x128x64xf32, #tpu.memory_space<vmem>> -> memref<128x64xf32, #tpu.memory_space<vmem>>
          %dma_start3A_240 = arith.constant 0 : i32
          %dma_start3A_241 = tpu.memref_slice %arg9[%add3A_180, %dma_start3A_240] : memref<160x128xi32, #tpu.memory_space<vmem>> -> memref<1x128xi32, #tpu.memory_space<vmem>>
          %dma_start3A_242 = tpu.memref_squeeze %dma_start3A_241 : memref<1x128xi32, #tpu.memory_space<vmem>> -> memref<128xi32, #tpu.memory_space<vmem>>
          %dma_start3A_243 = arith.constant 0 : i32
          %dma_start3A_244 = arith.constant 0 : i32
          %dma_start3A_245 = tpu.memref_slice %arg11[%dma_start3A_243, %dma_start3A_244] : memref<10240x64xf32, #tpu.memory_space<vmem_shared>> -> memref<10240x64xf32, #tpu.memory_space<vmem_shared>>
          tpu.enqueue_indirect_dma source(%dma_start3A_239 : memref<128x64xf32, #tpu.memory_space<vmem>>) target(%dma_start3A_245 : memref<10240x64xf32, #tpu.memory_space<vmem_shared>>) offsets(%dma_start3A_242 : memref<128xi32, #tpu.memory_space<vmem>>) semaphore(%run_scoped3A_235 : memref<!tpu.dma_semaphore, #tpu.memory_space<semaphore_mem>>) {add = true}
          %dma_wait3A_246 = arith.constant 0 : i32
          %dma_wait3A_247 = arith.constant 0 : i32
          %dma_wait3A_248 = tpu.memref_slice %arg10[%run_scoped3A_192, %dma_wait3A_246, %dma_wait3A_247] : memref<4x128x64xf32, #tpu.memory_space<vmem>> -> memref<1x128x64xf32, #tpu.memory_space<vmem>>
          %dma_wait3A_249 = tpu.memref_squeeze %dma_wait3A_248 : memref<1x128x64xf32, #tpu.memory_space<vmem>> -> memref<128x64xf32, #tpu.memory_space<vmem>>
          %dma_wait3A_250 = arith.constant 0 : i32
          %dma_wait3A_251 = tpu.memref_slice %arg9[%add3A_180, %dma_wait3A_250] : memref<160x128xi32, #tpu.memory_space<vmem>> -> memref<1x128xi32, #tpu.memory_space<vmem>>
          %dma_wait3A_252 = tpu.memref_squeeze %dma_wait3A_251 : memref<1x128xi32, #tpu.memory_space<vmem>> -> memref<128xi32, #tpu.memory_space<vmem>>
          %dma_wait3A_253 = arith.constant 0 : i32
          %dma_wait3A_254 = arith.constant 0 : i32
          %dma_wait3A_255 = tpu.memref_slice %arg11[%dma_wait3A_253, %dma_wait3A_254] : memref<10240x64xf32, #tpu.memory_space<vmem_shared>> -> memref<10240x64xf32, #tpu.memory_space<vmem_shared>>
          tpu.wait_indirect_dma semaphore(%run_scoped3A_235 : memref<!tpu.dma_semaphore, #tpu.memory_space<semaphore_mem>>) src(%dma_wait3A_249 : memref<128x64xf32, #tpu.memory_space<vmem>>) dst(%dma_wait3A_255 : memref<10240x64xf32, #tpu.memory_space<vmem_shared>>)
          tpu.yield
        }) : () -> ()
        %add3A_193 = arith.constant 4 : i32
        %add3A_194 = arith.addi %add3A_180, %add3A_193 : i32
        %dma_start3A_195 = arith.constant 2 : i32
        %dma_start3A_196 = arith.constant 0 : i32
        %dma_start3A_197 = arith.constant 0 : i32
        %dma_start3A_198 = tpu.memref_slice %arg10[%dma_start3A_195, %dma_start3A_196, %dma_start3A_197] : memref<4x128x64xf32, #tpu.memory_space<vmem>> -> memref<1x128x64xf32, #tpu.memory_space<vmem>>
        %dma_start3A_199 = tpu.memref_squeeze %dma_start3A_198 : memref<1x128x64xf32, #tpu.memory_space<vmem>> -> memref<128x64xf32, #tpu.memory_space<vmem>>
        %dma_start3A_200 = arith.constant 0 : i32
        %dma_start3A_201 = tpu.memref_slice %arg8[%add3A_194, %dma_start3A_200] : memref<160x128xi32, #tpu.memory_space<vmem>> -> memref<1x128xi32, #tpu.memory_space<vmem>>
        %dma_start3A_202 = tpu.memref_squeeze %dma_start3A_201 : memref<1x128xi32, #tpu.memory_space<vmem>> -> memref<128xi32, #tpu.memory_space<vmem>>
        %dma_start3A_203 = arith.constant 0 : i32
        %dma_start3A_204 = arith.constant 0 : i32
        %dma_start3A_205 = tpu.memref_slice %arg2[%dma_start3A_203, %dma_start3A_204] : memref<10240x64xf32, #tpu.memory_space<hbm>> -> memref<10240x64xf32, #tpu.memory_space<hbm>>
        tpu.enqueue_indirect_dma source(%dma_start3A_205 : memref<10240x64xf32, #tpu.memory_space<hbm>>) target(%dma_start3A_199 : memref<128x64xf32, #tpu.memory_space<vmem>>) offsets(%dma_start3A_202 : memref<128xi32, #tpu.memory_space<vmem>>) semaphore(%arg14 : memref<!tpu.dma_semaphore, #tpu.memory_space<semaphore_mem>>)
        %mul3A_206 = arith.constant 4 : i32
        %mul3A_207 = arith.muli %scan3A_119, %mul3A_206 : i32
        %add3A_208 = arith.constant 3 : i32
        %add3A_209 = arith.addi %mul3A_207, %add3A_208 : i32
        %dma_wait3A_210 = arith.constant 3 : i32
        %dma_wait3A_211 = arith.constant 0 : i32
        %dma_wait3A_212 = arith.constant 0 : i32
        %dma_wait3A_213 = tpu.memref_slice %arg10[%dma_wait3A_210, %dma_wait3A_211, %dma_wait3A_212] : memref<4x128x64xf32, #tpu.memory_space<vmem>> -> memref<1x128x64xf32, #tpu.memory_space<vmem>>
        %dma_wait3A_214 = tpu.memref_squeeze %dma_wait3A_213 : memref<1x128x64xf32, #tpu.memory_space<vmem>> -> memref<128x64xf32, #tpu.memory_space<vmem>>
        %dma_wait3A_215 = arith.constant 0 : i32
        %dma_wait3A_216 = tpu.memref_slice %arg8[%add3A_209, %dma_wait3A_215] : memref<160x128xi32, #tpu.memory_space<vmem>> -> memref<1x128xi32, #tpu.memory_space<vmem>>
        %dma_wait3A_217 = tpu.memref_squeeze %dma_wait3A_216 : memref<1x128xi32, #tpu.memory_space<vmem>> -> memref<128xi32, #tpu.memory_space<vmem>>
        %dma_wait3A_218 = arith.constant 0 : i32
        %dma_wait3A_219 = arith.constant 0 : i32
        %dma_wait3A_220 = tpu.memref_slice %arg2[%dma_wait3A_218, %dma_wait3A_219] : memref<10240x64xf32, #tpu.memory_space<hbm>> -> memref<10240x64xf32, #tpu.memory_space<hbm>>
        tpu.wait_indirect_dma semaphore(%arg15 : memref<!tpu.dma_semaphore, #tpu.memory_space<semaphore_mem>>) src(%dma_wait3A_220 : memref<10240x64xf32, #tpu.memory_space<hbm>>) dst(%dma_wait3A_214 : memref<128x64xf32, #tpu.memory_space<vmem>>)
        %run_scoped3A_221 = arith.constant 3 : i32
        "tpu.region"() ({
          %run_scoped3A_235 = tpu.sem_alloc : memref<!tpu.dma_semaphore, #tpu.memory_space<semaphore_mem>>
          %dma_start3A_236 = arith.constant 0 : i32
          %dma_start3A_237 = arith.constant 0 : i32
          %dma_start3A_238 = tpu.memref_slice %arg10[%run_scoped3A_221, %dma_start3A_236, %dma_start3A_237] : memref<4x128x64xf32, #tpu.memory_space<vmem>> -> memref<1x128x64xf32, #tpu.memory_space<vmem>>
          %dma_start3A_239 = tpu.memref_squeeze %dma_start3A_238 : memref<1x128x64xf32, #tpu.memory_space<vmem>> -> memref<128x64xf32, #tpu.memory_space<vmem>>
          %dma_start3A_240 = arith.constant 0 : i32
          %dma_start3A_241 = tpu.memref_slice %arg9[%add3A_209, %dma_start3A_240] : memref<160x128xi32, #tpu.memory_space<vmem>> -> memref<1x128xi32, #tpu.memory_space<vmem>>
          %dma_start3A_242 = tpu.memref_squeeze %dma_start3A_241 : memref<1x128xi32, #tpu.memory_space<vmem>> -> memref<128xi32, #tpu.memory_space<vmem>>
          %dma_start3A_243 = arith.constant 0 : i32
          %dma_start3A_244 = arith.constant 0 : i32
          %dma_start3A_245 = tpu.memref_slice %arg11[%dma_start3A_243, %dma_start3A_244] : memref<10240x64xf32, #tpu.memory_space<vmem_shared>> -> memref<10240x64xf32, #tpu.memory_space<vmem_shared>>
          tpu.enqueue_indirect_dma source(%dma_start3A_239 : memref<128x64xf32, #tpu.memory_space<vmem>>) target(%dma_start3A_245 : memref<10240x64xf32, #tpu.memory_space<vmem_shared>>) offsets(%dma_start3A_242 : memref<128xi32, #tpu.memory_space<vmem>>) semaphore(%run_scoped3A_235 : memref<!tpu.dma_semaphore, #tpu.memory_space<semaphore_mem>>) {add = true}
          %dma_wait3A_246 = arith.constant 0 : i32
          %dma_wait3A_247 = arith.constant 0 : i32
          %dma_wait3A_248 = tpu.memref_slice %arg10[%run_scoped3A_221, %dma_wait3A_246, %dma_wait3A_247] : memref<4x128x64xf32, #tpu.memory_space<vmem>> -> memref<1x128x64xf32, #tpu.memory_space<vmem>>
          %dma_wait3A_249 = tpu.memref_squeeze %dma_wait3A_248 : memref<1x128x64xf32, #tpu.memory_space<vmem>> -> memref<128x64xf32, #tpu.memory_space<vmem>>
          %dma_wait3A_250 = arith.constant 0 : i32
          %dma_wait3A_251 = tpu.memref_slice %arg9[%add3A_209, %dma_wait3A_250] : memref<160x128xi32, #tpu.memory_space<vmem>> -> memref<1x128xi32, #tpu.memory_space<vmem>>
          %dma_wait3A_252 = tpu.memref_squeeze %dma_wait3A_251 : memref<1x128xi32, #tpu.memory_space<vmem>> -> memref<128xi32, #tpu.memory_space<vmem>>
          %dma_wait3A_253 = arith.constant 0 : i32
          %dma_wait3A_254 = arith.constant 0 : i32
          %dma_wait3A_255 = tpu.memref_slice %arg11[%dma_wait3A_253, %dma_wait3A_254] : memref<10240x64xf32, #tpu.memory_space<vmem_shared>> -> memref<10240x64xf32, #tpu.memory_space<vmem_shared>>
          tpu.wait_indirect_dma semaphore(%run_scoped3A_235 : memref<!tpu.dma_semaphore, #tpu.memory_space<semaphore_mem>>) src(%dma_wait3A_249 : memref<128x64xf32, #tpu.memory_space<vmem>>) dst(%dma_wait3A_255 : memref<10240x64xf32, #tpu.memory_space<vmem_shared>>)
          tpu.yield
        }) : () -> ()
        %add3A_222 = arith.constant 4 : i32
        %add3A_223 = arith.addi %add3A_209, %add3A_222 : i32
        %dma_start3A_224 = arith.constant 3 : i32
        %dma_start3A_225 = arith.constant 0 : i32
        %dma_start3A_226 = arith.constant 0 : i32
        %dma_start3A_227 = tpu.memref_slice %arg10[%dma_start3A_224, %dma_start3A_225, %dma_start3A_226] : memref<4x128x64xf32, #tpu.memory_space<vmem>> -> memref<1x128x64xf32, #tpu.memory_space<vmem>>
        %dma_start3A_228 = tpu.memref_squeeze %dma_start3A_227 : memref<1x128x64xf32, #tpu.memory_space<vmem>> -> memref<128x64xf32, #tpu.memory_space<vmem>>
        %dma_start3A_229 = arith.constant 0 : i32
        %dma_start3A_230 = tpu.memref_slice %arg8[%add3A_223, %dma_start3A_229] : memref<160x128xi32, #tpu.memory_space<vmem>> -> memref<1x128xi32, #tpu.memory_space<vmem>>
        %dma_start3A_231 = tpu.memref_squeeze %dma_start3A_230 : memref<1x128xi32, #tpu.memory_space<vmem>> -> memref<128xi32, #tpu.memory_space<vmem>>
        %dma_start3A_232 = arith.constant 0 : i32
        %dma_start3A_233 = arith.constant 0 : i32
        %dma_start3A_234 = tpu.memref_slice %arg2[%dma_start3A_232, %dma_start3A_233] : memref<10240x64xf32, #tpu.memory_space<hbm>> -> memref<10240x64xf32, #tpu.memory_space<hbm>>
        tpu.enqueue_indirect_dma source(%dma_start3A_234 : memref<10240x64xf32, #tpu.memory_space<hbm>>) target(%dma_start3A_228 : memref<128x64xf32, #tpu.memory_space<vmem>>) offsets(%dma_start3A_231 : memref<128xi32, #tpu.memory_space<vmem>>) semaphore(%arg15 : memref<!tpu.dma_semaphore, #tpu.memory_space<semaphore_mem>>)
      }
      %scan3A_64 = arith.constant 39 : i32
      %dma_wait3A = arith.constant 156 : i32
      %dma_wait3A_65 = arith.constant 0 : i32
      %dma_wait3A_66 = arith.constant 0 : i32
      %dma_wait3A_67 = arith.constant 0 : i32
      %dma_wait3A_68 = tpu.memref_slice %arg10[%dma_wait3A_65, %dma_wait3A_66, %dma_wait3A_67] : memref<4x128x64xf32, #tpu.memory_space<vmem>> -> memref<1x128x64xf32, #tpu.memory_space<vmem>>
      %dma_wait3A_69 = tpu.memref_squeeze %dma_wait3A_68 : memref<1x128x64xf32, #tpu.memory_space<vmem>> -> memref<128x64xf32, #tpu.memory_space<vmem>>
      %dma_wait3A_70 = arith.constant 0 : i32
      %dma_wait3A_71 = tpu.memref_slice %arg8[%dma_wait3A, %dma_wait3A_70] : memref<160x128xi32, #tpu.memory_space<vmem>> -> memref<1x128xi32, #tpu.memory_space<vmem>>
      %dma_wait3A_72 = tpu.memref_squeeze %dma_wait3A_71 : memref<1x128xi32, #tpu.memory_space<vmem>> -> memref<128xi32, #tpu.memory_space<vmem>>
      %dma_wait3A_73 = arith.constant 0 : i32
      %dma_wait3A_74 = arith.constant 0 : i32
      %dma_wait3A_75 = tpu.memref_slice %arg2[%dma_wait3A_73, %dma_wait3A_74] : memref<10240x64xf32, #tpu.memory_space<hbm>> -> memref<10240x64xf32, #tpu.memory_space<hbm>>
      tpu.wait_indirect_dma semaphore(%arg12 : memref<!tpu.dma_semaphore, #tpu.memory_space<semaphore_mem>>) src(%dma_wait3A_75 : memref<10240x64xf32, #tpu.memory_space<hbm>>) dst(%dma_wait3A_69 : memref<128x64xf32, #tpu.memory_space<vmem>>)
      %run_scoped3A = arith.constant 0 : i32
      %run_scoped3A_76 = arith.constant 156 : i32
      "tpu.region"() ({
        %run_scoped3A_119 = tpu.sem_alloc : memref<!tpu.dma_semaphore, #tpu.memory_space<semaphore_mem>>
        %dma_start3A_120 = arith.constant 0 : i32
        %dma_start3A_121 = arith.constant 0 : i32
        %dma_start3A_122 = tpu.memref_slice %arg10[%run_scoped3A, %dma_start3A_120, %dma_start3A_121] : memref<4x128x64xf32, #tpu.memory_space<vmem>> -> memref<1x128x64xf32, #tpu.memory_space<vmem>>
        %dma_start3A_123 = tpu.memref_squeeze %dma_start3A_122 : memref<1x128x64xf32, #tpu.memory_space<vmem>> -> memref<128x64xf32, #tpu.memory_space<vmem>>
        %dma_start3A_124 = arith.constant 0 : i32
        %dma_start3A_125 = tpu.memref_slice %arg9[%run_scoped3A_76, %dma_start3A_124] : memref<160x128xi32, #tpu.memory_space<vmem>> -> memref<1x128xi32, #tpu.memory_space<vmem>>
        %dma_start3A_126 = tpu.memref_squeeze %dma_start3A_125 : memref<1x128xi32, #tpu.memory_space<vmem>> -> memref<128xi32, #tpu.memory_space<vmem>>
        %dma_start3A_127 = arith.constant 0 : i32
        %dma_start3A_128 = arith.constant 0 : i32
        %dma_start3A_129 = tpu.memref_slice %arg11[%dma_start3A_127, %dma_start3A_128] : memref<10240x64xf32, #tpu.memory_space<vmem_shared>> -> memref<10240x64xf32, #tpu.memory_space<vmem_shared>>
        tpu.enqueue_indirect_dma source(%dma_start3A_123 : memref<128x64xf32, #tpu.memory_space<vmem>>) target(%dma_start3A_129 : memref<10240x64xf32, #tpu.memory_space<vmem_shared>>) offsets(%dma_start3A_126 : memref<128xi32, #tpu.memory_space<vmem>>) semaphore(%run_scoped3A_119 : memref<!tpu.dma_semaphore, #tpu.memory_space<semaphore_mem>>) {add = true}
        %dma_wait3A_130 = arith.constant 0 : i32
        %dma_wait3A_131 = arith.constant 0 : i32
        %dma_wait3A_132 = tpu.memref_slice %arg10[%run_scoped3A, %dma_wait3A_130, %dma_wait3A_131] : memref<4x128x64xf32, #tpu.memory_space<vmem>> -> memref<1x128x64xf32, #tpu.memory_space<vmem>>
        %dma_wait3A_133 = tpu.memref_squeeze %dma_wait3A_132 : memref<1x128x64xf32, #tpu.memory_space<vmem>> -> memref<128x64xf32, #tpu.memory_space<vmem>>
        %dma_wait3A_134 = arith.constant 0 : i32
        %dma_wait3A_135 = tpu.memref_slice %arg9[%run_scoped3A_76, %dma_wait3A_134] : memref<160x128xi32, #tpu.memory_space<vmem>> -> memref<1x128xi32, #tpu.memory_space<vmem>>
        %dma_wait3A_136 = tpu.memref_squeeze %dma_wait3A_135 : memref<1x128xi32, #tpu.memory_space<vmem>> -> memref<128xi32, #tpu.memory_space<vmem>>
        %dma_wait3A_137 = arith.constant 0 : i32
        %dma_wait3A_138 = arith.constant 0 : i32
        %dma_wait3A_139 = tpu.memref_slice %arg11[%dma_wait3A_137, %dma_wait3A_138] : memref<10240x64xf32, #tpu.memory_space<vmem_shared>> -> memref<10240x64xf32, #tpu.memory_space<vmem_shared>>
        tpu.wait_indirect_dma semaphore(%run_scoped3A_119 : memref<!tpu.dma_semaphore, #tpu.memory_space<semaphore_mem>>) src(%dma_wait3A_133 : memref<128x64xf32, #tpu.memory_space<vmem>>) dst(%dma_wait3A_139 : memref<10240x64xf32, #tpu.memory_space<vmem_shared>>)
        tpu.yield
      }) : () -> ()
      %dma_wait3A_77 = arith.constant 157 : i32
      %dma_wait3A_78 = arith.constant 1 : i32
      %dma_wait3A_79 = arith.constant 0 : i32
      %dma_wait3A_80 = arith.constant 0 : i32
      %dma_wait3A_81 = tpu.memref_slice %arg10[%dma_wait3A_78, %dma_wait3A_79, %dma_wait3A_80] : memref<4x128x64xf32, #tpu.memory_space<vmem>> -> memref<1x128x64xf32, #tpu.memory_space<vmem>>
      %dma_wait3A_82 = tpu.memref_squeeze %dma_wait3A_81 : memref<1x128x64xf32, #tpu.memory_space<vmem>> -> memref<128x64xf32, #tpu.memory_space<vmem>>
      %dma_wait3A_83 = arith.constant 0 : i32
      %dma_wait3A_84 = tpu.memref_slice %arg8[%dma_wait3A_77, %dma_wait3A_83] : memref<160x128xi32, #tpu.memory_space<vmem>> -> memref<1x128xi32, #tpu.memory_space<vmem>>
      %dma_wait3A_85 = tpu.memref_squeeze %dma_wait3A_84 : memref<1x128xi32, #tpu.memory_space<vmem>> -> memref<128xi32, #tpu.memory_space<vmem>>
      %dma_wait3A_86 = arith.constant 0 : i32
      %dma_wait3A_87 = arith.constant 0 : i32
      %dma_wait3A_88 = tpu.memref_slice %arg2[%dma_wait3A_86, %dma_wait3A_87] : memref<10240x64xf32, #tpu.memory_space<hbm>> -> memref<10240x64xf32, #tpu.memory_space<hbm>>
      tpu.wait_indirect_dma semaphore(%arg13 : memref<!tpu.dma_semaphore, #tpu.memory_space<semaphore_mem>>) src(%dma_wait3A_88 : memref<10240x64xf32, #tpu.memory_space<hbm>>) dst(%dma_wait3A_82 : memref<128x64xf32, #tpu.memory_space<vmem>>)
      %run_scoped3A_89 = arith.constant 1 : i32
      %run_scoped3A_90 = arith.constant 157 : i32
      "tpu.region"() ({
        %run_scoped3A_119 = tpu.sem_alloc : memref<!tpu.dma_semaphore, #tpu.memory_space<semaphore_mem>>
        %dma_start3A_120 = arith.constant 0 : i32
        %dma_start3A_121 = arith.constant 0 : i32
        %dma_start3A_122 = tpu.memref_slice %arg10[%run_scoped3A_89, %dma_start3A_120, %dma_start3A_121] : memref<4x128x64xf32, #tpu.memory_space<vmem>> -> memref<1x128x64xf32, #tpu.memory_space<vmem>>
        %dma_start3A_123 = tpu.memref_squeeze %dma_start3A_122 : memref<1x128x64xf32, #tpu.memory_space<vmem>> -> memref<128x64xf32, #tpu.memory_space<vmem>>
        %dma_start3A_124 = arith.constant 0 : i32
        %dma_start3A_125 = tpu.memref_slice %arg9[%run_scoped3A_90, %dma_start3A_124] : memref<160x128xi32, #tpu.memory_space<vmem>> -> memref<1x128xi32, #tpu.memory_space<vmem>>
        %dma_start3A_126 = tpu.memref_squeeze %dma_start3A_125 : memref<1x128xi32, #tpu.memory_space<vmem>> -> memref<128xi32, #tpu.memory_space<vmem>>
        %dma_start3A_127 = arith.constant 0 : i32
        %dma_start3A_128 = arith.constant 0 : i32
        %dma_start3A_129 = tpu.memref_slice %arg11[%dma_start3A_127, %dma_start3A_128] : memref<10240x64xf32, #tpu.memory_space<vmem_shared>> -> memref<10240x64xf32, #tpu.memory_space<vmem_shared>>
        tpu.enqueue_indirect_dma source(%dma_start3A_123 : memref<128x64xf32, #tpu.memory_space<vmem>>) target(%dma_start3A_129 : memref<10240x64xf32, #tpu.memory_space<vmem_shared>>) offsets(%dma_start3A_126 : memref<128xi32, #tpu.memory_space<vmem>>) semaphore(%run_scoped3A_119 : memref<!tpu.dma_semaphore, #tpu.memory_space<semaphore_mem>>) {add = true}
        %dma_wait3A_130 = arith.constant 0 : i32
        %dma_wait3A_131 = arith.constant 0 : i32
        %dma_wait3A_132 = tpu.memref_slice %arg10[%run_scoped3A_89, %dma_wait3A_130, %dma_wait3A_131] : memref<4x128x64xf32, #tpu.memory_space<vmem>> -> memref<1x128x64xf32, #tpu.memory_space<vmem>>
        %dma_wait3A_133 = tpu.memref_squeeze %dma_wait3A_132 : memref<1x128x64xf32, #tpu.memory_space<vmem>> -> memref<128x64xf32, #tpu.memory_space<vmem>>
        %dma_wait3A_134 = arith.constant 0 : i32
        %dma_wait3A_135 = tpu.memref_slice %arg9[%run_scoped3A_90, %dma_wait3A_134] : memref<160x128xi32, #tpu.memory_space<vmem>> -> memref<1x128xi32, #tpu.memory_space<vmem>>
        %dma_wait3A_136 = tpu.memref_squeeze %dma_wait3A_135 : memref<1x128xi32, #tpu.memory_space<vmem>> -> memref<128xi32, #tpu.memory_space<vmem>>
        %dma_wait3A_137 = arith.constant 0 : i32
        %dma_wait3A_138 = arith.constant 0 : i32
        %dma_wait3A_139 = tpu.memref_slice %arg11[%dma_wait3A_137, %dma_wait3A_138] : memref<10240x64xf32, #tpu.memory_space<vmem_shared>> -> memref<10240x64xf32, #tpu.memory_space<vmem_shared>>
        tpu.wait_indirect_dma semaphore(%run_scoped3A_119 : memref<!tpu.dma_semaphore, #tpu.memory_space<semaphore_mem>>) src(%dma_wait3A_133 : memref<128x64xf32, #tpu.memory_space<vmem>>) dst(%dma_wait3A_139 : memref<10240x64xf32, #tpu.memory_space<vmem_shared>>)
        tpu.yield
      }) : () -> ()
      %dma_wait3A_91 = arith.constant 158 : i32
      %dma_wait3A_92 = arith.constant 2 : i32
      %dma_wait3A_93 = arith.constant 0 : i32
      %dma_wait3A_94 = arith.constant 0 : i32
      %dma_wait3A_95 = tpu.memref_slice %arg10[%dma_wait3A_92, %dma_wait3A_93, %dma_wait3A_94] : memref<4x128x64xf32, #tpu.memory_space<vmem>> -> memref<1x128x64xf32, #tpu.memory_space<vmem>>
      %dma_wait3A_96 = tpu.memref_squeeze %dma_wait3A_95 : memref<1x128x64xf32, #tpu.memory_space<vmem>> -> memref<128x64xf32, #tpu.memory_space<vmem>>
      %dma_wait3A_97 = arith.constant 0 : i32
      %dma_wait3A_98 = tpu.memref_slice %arg8[%dma_wait3A_91, %dma_wait3A_97] : memref<160x128xi32, #tpu.memory_space<vmem>> -> memref<1x128xi32, #tpu.memory_space<vmem>>
      %dma_wait3A_99 = tpu.memref_squeeze %dma_wait3A_98 : memref<1x128xi32, #tpu.memory_space<vmem>> -> memref<128xi32, #tpu.memory_space<vmem>>
      %dma_wait3A_100 = arith.constant 0 : i32
      %dma_wait3A_101 = arith.constant 0 : i32
      %dma_wait3A_102 = tpu.memref_slice %arg2[%dma_wait3A_100, %dma_wait3A_101] : memref<10240x64xf32, #tpu.memory_space<hbm>> -> memref<10240x64xf32, #tpu.memory_space<hbm>>
      tpu.wait_indirect_dma semaphore(%arg14 : memref<!tpu.dma_semaphore, #tpu.memory_space<semaphore_mem>>) src(%dma_wait3A_102 : memref<10240x64xf32, #tpu.memory_space<hbm>>) dst(%dma_wait3A_96 : memref<128x64xf32, #tpu.memory_space<vmem>>)
      %run_scoped3A_103 = arith.constant 2 : i32
      %run_scoped3A_104 = arith.constant 158 : i32
      "tpu.region"() ({
        %run_scoped3A_119 = tpu.sem_alloc : memref<!tpu.dma_semaphore, #tpu.memory_space<semaphore_mem>>
        %dma_start3A_120 = arith.constant 0 : i32
        %dma_start3A_121 = arith.constant 0 : i32
        %dma_start3A_122 = tpu.memref_slice %arg10[%run_scoped3A_103, %dma_start3A_120, %dma_start3A_121] : memref<4x128x64xf32, #tpu.memory_space<vmem>> -> memref<1x128x64xf32, #tpu.memory_space<vmem>>
        %dma_start3A_123 = tpu.memref_squeeze %dma_start3A_122 : memref<1x128x64xf32, #tpu.memory_space<vmem>> -> memref<128x64xf32, #tpu.memory_space<vmem>>
        %dma_start3A_124 = arith.constant 0 : i32
        %dma_start3A_125 = tpu.memref_slice %arg9[%run_scoped3A_104, %dma_start3A_124] : memref<160x128xi32, #tpu.memory_space<vmem>> -> memref<1x128xi32, #tpu.memory_space<vmem>>
        %dma_start3A_126 = tpu.memref_squeeze %dma_start3A_125 : memref<1x128xi32, #tpu.memory_space<vmem>> -> memref<128xi32, #tpu.memory_space<vmem>>
        %dma_start3A_127 = arith.constant 0 : i32
        %dma_start3A_128 = arith.constant 0 : i32
        %dma_start3A_129 = tpu.memref_slice %arg11[%dma_start3A_127, %dma_start3A_128] : memref<10240x64xf32, #tpu.memory_space<vmem_shared>> -> memref<10240x64xf32, #tpu.memory_space<vmem_shared>>
        tpu.enqueue_indirect_dma source(%dma_start3A_123 : memref<128x64xf32, #tpu.memory_space<vmem>>) target(%dma_start3A_129 : memref<10240x64xf32, #tpu.memory_space<vmem_shared>>) offsets(%dma_start3A_126 : memref<128xi32, #tpu.memory_space<vmem>>) semaphore(%run_scoped3A_119 : memref<!tpu.dma_semaphore, #tpu.memory_space<semaphore_mem>>) {add = true}
        %dma_wait3A_130 = arith.constant 0 : i32
        %dma_wait3A_131 = arith.constant 0 : i32
        %dma_wait3A_132 = tpu.memref_slice %arg10[%run_scoped3A_103, %dma_wait3A_130, %dma_wait3A_131] : memref<4x128x64xf32, #tpu.memory_space<vmem>> -> memref<1x128x64xf32, #tpu.memory_space<vmem>>
        %dma_wait3A_133 = tpu.memref_squeeze %dma_wait3A_132 : memref<1x128x64xf32, #tpu.memory_space<vmem>> -> memref<128x64xf32, #tpu.memory_space<vmem>>
        %dma_wait3A_134 = arith.constant 0 : i32
        %dma_wait3A_135 = tpu.memref_slice %arg9[%run_scoped3A_104, %dma_wait3A_134] : memref<160x128xi32, #tpu.memory_space<vmem>> -> memref<1x128xi32, #tpu.memory_space<vmem>>
        %dma_wait3A_136 = tpu.memref_squeeze %dma_wait3A_135 : memref<1x128xi32, #tpu.memory_space<vmem>> -> memref<128xi32, #tpu.memory_space<vmem>>
        %dma_wait3A_137 = arith.constant 0 : i32
        %dma_wait3A_138 = arith.constant 0 : i32
        %dma_wait3A_139 = tpu.memref_slice %arg11[%dma_wait3A_137, %dma_wait3A_138] : memref<10240x64xf32, #tpu.memory_space<vmem_shared>> -> memref<10240x64xf32, #tpu.memory_space<vmem_shared>>
        tpu.wait_indirect_dma semaphore(%run_scoped3A_119 : memref<!tpu.dma_semaphore, #tpu.memory_space<semaphore_mem>>) src(%dma_wait3A_133 : memref<128x64xf32, #tpu.memory_space<vmem>>) dst(%dma_wait3A_139 : memref<10240x64xf32, #tpu.memory_space<vmem_shared>>)
        tpu.yield
      }) : () -> ()
      %dma_wait3A_105 = arith.constant 159 : i32
      %dma_wait3A_106 = arith.constant 3 : i32
      %dma_wait3A_107 = arith.constant 0 : i32
      %dma_wait3A_108 = arith.constant 0 : i32
      %dma_wait3A_109 = tpu.memref_slice %arg10[%dma_wait3A_106, %dma_wait3A_107, %dma_wait3A_108] : memref<4x128x64xf32, #tpu.memory_space<vmem>> -> memref<1x128x64xf32, #tpu.memory_space<vmem>>
      %dma_wait3A_110 = tpu.memref_squeeze %dma_wait3A_109 : memref<1x128x64xf32, #tpu.memory_space<vmem>> -> memref<128x64xf32, #tpu.memory_space<vmem>>
      %dma_wait3A_111 = arith.constant 0 : i32
      %dma_wait3A_112 = tpu.memref_slice %arg8[%dma_wait3A_105, %dma_wait3A_111] : memref<160x128xi32, #tpu.memory_space<vmem>> -> memref<1x128xi32, #tpu.memory_space<vmem>>
      %dma_wait3A_113 = tpu.memref_squeeze %dma_wait3A_112 : memref<1x128xi32, #tpu.memory_space<vmem>> -> memref<128xi32, #tpu.memory_space<vmem>>
      %dma_wait3A_114 = arith.constant 0 : i32
      %dma_wait3A_115 = arith.constant 0 : i32
      %dma_wait3A_116 = tpu.memref_slice %arg2[%dma_wait3A_114, %dma_wait3A_115] : memref<10240x64xf32, #tpu.memory_space<hbm>> -> memref<10240x64xf32, #tpu.memory_space<hbm>>
      tpu.wait_indirect_dma semaphore(%arg15 : memref<!tpu.dma_semaphore, #tpu.memory_space<semaphore_mem>>) src(%dma_wait3A_116 : memref<10240x64xf32, #tpu.memory_space<hbm>>) dst(%dma_wait3A_110 : memref<128x64xf32, #tpu.memory_space<vmem>>)
      %run_scoped3A_117 = arith.constant 3 : i32
      %run_scoped3A_118 = arith.constant 159 : i32
      "tpu.region"() ({
        %run_scoped3A_119 = tpu.sem_alloc : memref<!tpu.dma_semaphore, #tpu.memory_space<semaphore_mem>>
        %dma_start3A_120 = arith.constant 0 : i32
        %dma_start3A_121 = arith.constant 0 : i32
        %dma_start3A_122 = tpu.memref_slice %arg10[%run_scoped3A_117, %dma_start3A_120, %dma_start3A_121] : memref<4x128x64xf32, #tpu.memory_space<vmem>> -> memref<1x128x64xf32, #tpu.memory_space<vmem>>
        %dma_start3A_123 = tpu.memref_squeeze %dma_start3A_122 : memref<1x128x64xf32, #tpu.memory_space<vmem>> -> memref<128x64xf32, #tpu.memory_space<vmem>>
        %dma_start3A_124 = arith.constant 0 : i32
        %dma_start3A_125 = tpu.memref_slice %arg9[%run_scoped3A_118, %dma_start3A_124] : memref<160x128xi32, #tpu.memory_space<vmem>> -> memref<1x128xi32, #tpu.memory_space<vmem>>
        %dma_start3A_126 = tpu.memref_squeeze %dma_start3A_125 : memref<1x128xi32, #tpu.memory_space<vmem>> -> memref<128xi32, #tpu.memory_space<vmem>>
        %dma_start3A_127 = arith.constant 0 : i32
        %dma_start3A_128 = arith.constant 0 : i32
        %dma_start3A_129 = tpu.memref_slice %arg11[%dma_start3A_127, %dma_start3A_128] : memref<10240x64xf32, #tpu.memory_space<vmem_shared>> -> memref<10240x64xf32, #tpu.memory_space<vmem_shared>>
        tpu.enqueue_indirect_dma source(%dma_start3A_123 : memref<128x64xf32, #tpu.memory_space<vmem>>) target(%dma_start3A_129 : memref<10240x64xf32, #tpu.memory_space<vmem_shared>>) offsets(%dma_start3A_126 : memref<128xi32, #tpu.memory_space<vmem>>) semaphore(%run_scoped3A_119 : memref<!tpu.dma_semaphore, #tpu.memory_space<semaphore_mem>>) {add = true}
        %dma_wait3A_130 = arith.constant 0 : i32
        %dma_wait3A_131 = arith.constant 0 : i32
        %dma_wait3A_132 = tpu.memref_slice %arg10[%run_scoped3A_117, %dma_wait3A_130, %dma_wait3A_131] : memref<4x128x64xf32, #tpu.memory_space<vmem>> -> memref<1x128x64xf32, #tpu.memory_space<vmem>>
        %dma_wait3A_133 = tpu.memref_squeeze %dma_wait3A_132 : memref<1x128x64xf32, #tpu.memory_space<vmem>> -> memref<128x64xf32, #tpu.memory_space<vmem>>
        %dma_wait3A_134 = arith.constant 0 : i32
        %dma_wait3A_135 = tpu.memref_slice %arg9[%run_scoped3A_118, %dma_wait3A_134] : memref<160x128xi32, #tpu.memory_space<vmem>> -> memref<1x128xi32, #tpu.memory_space<vmem>>
        %dma_wait3A_136 = tpu.memref_squeeze %dma_wait3A_135 : memref<1x128xi32, #tpu.memory_space<vmem>> -> memref<128xi32, #tpu.memory_space<vmem>>
        %dma_wait3A_137 = arith.constant 0 : i32
        %dma_wait3A_138 = arith.constant 0 : i32
        %dma_wait3A_139 = tpu.memref_slice %arg11[%dma_wait3A_137, %dma_wait3A_138] : memref<10240x64xf32, #tpu.memory_space<vmem_shared>> -> memref<10240x64xf32, #tpu.memory_space<vmem_shared>>
        tpu.wait_indirect_dma semaphore(%run_scoped3A_119 : memref<!tpu.dma_semaphore, #tpu.memory_space<semaphore_mem>>) src(%dma_wait3A_133 : memref<128x64xf32, #tpu.memory_space<vmem>>) dst(%dma_wait3A_139 : memref<10240x64xf32, #tpu.memory_space<vmem_shared>>)
        tpu.yield
      }) : () -> ()
    } else {
    }
    %eq3A_7 = arith.constant 1 : i32
    %eq3A_8 = arith.cmpi eq, %arg0, %eq3A_7 : i32
    %convert_element_type3A_9 = arith.extui %eq3A_8 : i1 to i32
    %cond3A_10 = arith.constant 0 : i32
    %cond3A_11 = arith.cmpi ne, %convert_element_type3A_9, %cond3A_10 : i32
    scf.if %cond3A_11 {
      %dma_start3A = arith.constant 0 : i32
      %dma_start3A_13 = arith.constant 0 : i32
      %dma_start3A_14 = arith.constant 0 : i32
      %dma_start3A_15 = arith.constant 0 : i32
      %dma_start3A_16 = tpu.memref_slice %arg10[%dma_start3A_13, %dma_start3A_14, %dma_start3A_15] : memref<4x128x64xf32, #tpu.memory_space<vmem>> -> memref<1x128x64xf32, #tpu.memory_space<vmem>>
      %dma_start3A_17 = tpu.memref_squeeze %dma_start3A_16 : memref<1x128x64xf32, #tpu.memory_space<vmem>> -> memref<128x64xf32, #tpu.memory_space<vmem>>
      %dma_start3A_18 = arith.constant 0 : i32
      %dma_start3A_19 = tpu.memref_slice %arg8[%dma_start3A, %dma_start3A_18] : memref<160x128xi32, #tpu.memory_space<vmem>> -> memref<1x128xi32, #tpu.memory_space<vmem>>
      %dma_start3A_20 = tpu.memref_squeeze %dma_start3A_19 : memref<1x128xi32, #tpu.memory_space<vmem>> -> memref<128xi32, #tpu.memory_space<vmem>>
      %dma_start3A_21 = arith.constant 0 : i32
      %dma_start3A_22 = arith.constant 0 : i32
      %dma_start3A_23 = tpu.memref_slice %arg3[%dma_start3A_21, %dma_start3A_22] : memref<10240x64xf32, #tpu.memory_space<hbm>> -> memref<10240x64xf32, #tpu.memory_space<hbm>>
      tpu.enqueue_indirect_dma source(%dma_start3A_23 : memref<10240x64xf32, #tpu.memory_space<hbm>>) target(%dma_start3A_17 : memref<128x64xf32, #tpu.memory_space<vmem>>) offsets(%dma_start3A_20 : memref<128xi32, #tpu.memory_space<vmem>>) semaphore(%arg12 : memref<!tpu.dma_semaphore, #tpu.memory_space<semaphore_mem>>)
      %dma_start3A_24 = arith.constant 1 : i32
      %dma_start3A_25 = arith.constant 1 : i32
      %dma_start3A_26 = arith.constant 0 : i32
      %dma_start3A_27 = arith.constant 0 : i32
      %dma_start3A_28 = tpu.memref_slice %arg10[%dma_start3A_25, %dma_start3A_26, %dma_start3A_27] : memref<4x128x64xf32, #tpu.memory_space<vmem>> -> memref<1x128x64xf32, #tpu.memory_space<vmem>>
      %dma_start3A_29 = tpu.memref_squeeze %dma_start3A_28 : memref<1x128x64xf32, #tpu.memory_space<vmem>> -> memref<128x64xf32, #tpu.memory_space<vmem>>
      %dma_start3A_30 = arith.constant 0 : i32
      %dma_start3A_31 = tpu.memref_slice %arg8[%dma_start3A_24, %dma_start3A_30] : memref<160x128xi32, #tpu.memory_space<vmem>> -> memref<1x128xi32, #tpu.memory_space<vmem>>
      %dma_start3A_32 = tpu.memref_squeeze %dma_start3A_31 : memref<1x128xi32, #tpu.memory_space<vmem>> -> memref<128xi32, #tpu.memory_space<vmem>>
      %dma_start3A_33 = arith.constant 0 : i32
      %dma_start3A_34 = arith.constant 0 : i32
      %dma_start3A_35 = tpu.memref_slice %arg3[%dma_start3A_33, %dma_start3A_34] : memref<10240x64xf32, #tpu.memory_space<hbm>> -> memref<10240x64xf32, #tpu.memory_space<hbm>>
      tpu.enqueue_indirect_dma source(%dma_start3A_35 : memref<10240x64xf32, #tpu.memory_space<hbm>>) target(%dma_start3A_29 : memref<128x64xf32, #tpu.memory_space<vmem>>) offsets(%dma_start3A_32 : memref<128xi32, #tpu.memory_space<vmem>>) semaphore(%arg13 : memref<!tpu.dma_semaphore, #tpu.memory_space<semaphore_mem>>)
      %dma_start3A_36 = arith.constant 2 : i32
      %dma_start3A_37 = arith.constant 2 : i32
      %dma_start3A_38 = arith.constant 0 : i32
      %dma_start3A_39 = arith.constant 0 : i32
      %dma_start3A_40 = tpu.memref_slice %arg10[%dma_start3A_37, %dma_start3A_38, %dma_start3A_39] : memref<4x128x64xf32, #tpu.memory_space<vmem>> -> memref<1x128x64xf32, #tpu.memory_space<vmem>>
      %dma_start3A_41 = tpu.memref_squeeze %dma_start3A_40 : memref<1x128x64xf32, #tpu.memory_space<vmem>> -> memref<128x64xf32, #tpu.memory_space<vmem>>
      %dma_start3A_42 = arith.constant 0 : i32
      %dma_start3A_43 = tpu.memref_slice %arg8[%dma_start3A_36, %dma_start3A_42] : memref<160x128xi32, #tpu.memory_space<vmem>> -> memref<1x128xi32, #tpu.memory_space<vmem>>
      %dma_start3A_44 = tpu.memref_squeeze %dma_start3A_43 : memref<1x128xi32, #tpu.memory_space<vmem>> -> memref<128xi32, #tpu.memory_space<vmem>>
      %dma_start3A_45 = arith.constant 0 : i32
      %dma_start3A_46 = arith.constant 0 : i32
      %dma_start3A_47 = tpu.memref_slice %arg3[%dma_start3A_45, %dma_start3A_46] : memref<10240x64xf32, #tpu.memory_space<hbm>> -> memref<10240x64xf32, #tpu.memory_space<hbm>>
      tpu.enqueue_indirect_dma source(%dma_start3A_47 : memref<10240x64xf32, #tpu.memory_space<hbm>>) target(%dma_start3A_41 : memref<128x64xf32, #tpu.memory_space<vmem>>) offsets(%dma_start3A_44 : memref<128xi32, #tpu.memory_space<vmem>>) semaphore(%arg14 : memref<!tpu.dma_semaphore, #tpu.memory_space<semaphore_mem>>)
      %dma_start3A_48 = arith.constant 3 : i32
      %dma_start3A_49 = arith.constant 3 : i32
      %dma_start3A_50 = arith.constant 0 : i32
      %dma_start3A_51 = arith.constant 0 : i32
      %dma_start3A_52 = tpu.memref_slice %arg10[%dma_start3A_49, %dma_start3A_50, %dma_start3A_51] : memref<4x128x64xf32, #tpu.memory_space<vmem>> -> memref<1x128x64xf32, #tpu.memory_space<vmem>>
      %dma_start3A_53 = tpu.memref_squeeze %dma_start3A_52 : memref<1x128x64xf32, #tpu.memory_space<vmem>> -> memref<128x64xf32, #tpu.memory_space<vmem>>
      %dma_start3A_54 = arith.constant 0 : i32
      %dma_start3A_55 = tpu.memref_slice %arg8[%dma_start3A_48, %dma_start3A_54] : memref<160x128xi32, #tpu.memory_space<vmem>> -> memref<1x128xi32, #tpu.memory_space<vmem>>
      %dma_start3A_56 = tpu.memref_squeeze %dma_start3A_55 : memref<1x128xi32, #tpu.memory_space<vmem>> -> memref<128xi32, #tpu.memory_space<vmem>>
      %dma_start3A_57 = arith.constant 0 : i32
      %dma_start3A_58 = arith.constant 0 : i32
      %dma_start3A_59 = tpu.memref_slice %arg3[%dma_start3A_57, %dma_start3A_58] : memref<10240x64xf32, #tpu.memory_space<hbm>> -> memref<10240x64xf32, #tpu.memory_space<hbm>>
      tpu.enqueue_indirect_dma source(%dma_start3A_59 : memref<10240x64xf32, #tpu.memory_space<hbm>>) target(%dma_start3A_53 : memref<128x64xf32, #tpu.memory_space<vmem>>) offsets(%dma_start3A_56 : memref<128xi32, #tpu.memory_space<vmem>>) semaphore(%arg15 : memref<!tpu.dma_semaphore, #tpu.memory_space<semaphore_mem>>)
      %scan3A = arith.constant 0 : i32
      %scan3A_60 = arith.constant 0 : i32
      %scan3A_61 = arith.constant 39 : i32
      %scan3A_62 = arith.addi %scan3A_60, %scan3A_61 : i32
      %scan3A_63 = arith.constant 1 : i32
      scf.for %scan3A_119 = %scan3A_60 to %scan3A_62 step %scan3A_63  : i32 {
        %mul3A_120 = arith.constant 4 : i32
        %mul3A_121 = arith.muli %scan3A_119, %mul3A_120 : i32
        %add3A = arith.constant 0 : i32
        %add3A_122 = arith.addi %mul3A_121, %add3A : i32
        %dma_wait3A_123 = arith.constant 0 : i32
        %dma_wait3A_124 = arith.constant 0 : i32
        %dma_wait3A_125 = arith.constant 0 : i32
        %dma_wait3A_126 = tpu.memref_slice %arg10[%dma_wait3A_123, %dma_wait3A_124, %dma_wait3A_125] : memref<4x128x64xf32, #tpu.memory_space<vmem>> -> memref<1x128x64xf32, #tpu.memory_space<vmem>>
        %dma_wait3A_127 = tpu.memref_squeeze %dma_wait3A_126 : memref<1x128x64xf32, #tpu.memory_space<vmem>> -> memref<128x64xf32, #tpu.memory_space<vmem>>
        %dma_wait3A_128 = arith.constant 0 : i32
        %dma_wait3A_129 = tpu.memref_slice %arg8[%add3A_122, %dma_wait3A_128] : memref<160x128xi32, #tpu.memory_space<vmem>> -> memref<1x128xi32, #tpu.memory_space<vmem>>
        %dma_wait3A_130 = tpu.memref_squeeze %dma_wait3A_129 : memref<1x128xi32, #tpu.memory_space<vmem>> -> memref<128xi32, #tpu.memory_space<vmem>>
        %dma_wait3A_131 = arith.constant 0 : i32
        %dma_wait3A_132 = arith.constant 0 : i32
        %dma_wait3A_133 = tpu.memref_slice %arg3[%dma_wait3A_131, %dma_wait3A_132] : memref<10240x64xf32, #tpu.memory_space<hbm>> -> memref<10240x64xf32, #tpu.memory_space<hbm>>
        tpu.wait_indirect_dma semaphore(%arg12 : memref<!tpu.dma_semaphore, #tpu.memory_space<semaphore_mem>>) src(%dma_wait3A_133 : memref<10240x64xf32, #tpu.memory_space<hbm>>) dst(%dma_wait3A_127 : memref<128x64xf32, #tpu.memory_space<vmem>>)
        %run_scoped3A_134 = arith.constant 0 : i32
        "tpu.region"() ({
          %run_scoped3A_235 = tpu.sem_alloc : memref<!tpu.dma_semaphore, #tpu.memory_space<semaphore_mem>>
          %dma_start3A_236 = arith.constant 0 : i32
          %dma_start3A_237 = arith.constant 0 : i32
          %dma_start3A_238 = tpu.memref_slice %arg10[%run_scoped3A_134, %dma_start3A_236, %dma_start3A_237] : memref<4x128x64xf32, #tpu.memory_space<vmem>> -> memref<1x128x64xf32, #tpu.memory_space<vmem>>
          %dma_start3A_239 = tpu.memref_squeeze %dma_start3A_238 : memref<1x128x64xf32, #tpu.memory_space<vmem>> -> memref<128x64xf32, #tpu.memory_space<vmem>>
          %dma_start3A_240 = arith.constant 0 : i32
          %dma_start3A_241 = tpu.memref_slice %arg9[%add3A_122, %dma_start3A_240] : memref<160x128xi32, #tpu.memory_space<vmem>> -> memref<1x128xi32, #tpu.memory_space<vmem>>
          %dma_start3A_242 = tpu.memref_squeeze %dma_start3A_241 : memref<1x128xi32, #tpu.memory_space<vmem>> -> memref<128xi32, #tpu.memory_space<vmem>>
          %dma_start3A_243 = arith.constant 0 : i32
          %dma_start3A_244 = arith.constant 0 : i32
          %dma_start3A_245 = tpu.memref_slice %arg11[%dma_start3A_243, %dma_start3A_244] : memref<10240x64xf32, #tpu.memory_space<vmem_shared>> -> memref<10240x64xf32, #tpu.memory_space<vmem_shared>>
          tpu.enqueue_indirect_dma source(%dma_start3A_239 : memref<128x64xf32, #tpu.memory_space<vmem>>) target(%dma_start3A_245 : memref<10240x64xf32, #tpu.memory_space<vmem_shared>>) offsets(%dma_start3A_242 : memref<128xi32, #tpu.memory_space<vmem>>) semaphore(%run_scoped3A_235 : memref<!tpu.dma_semaphore, #tpu.memory_space<semaphore_mem>>) {add = true}
          %dma_wait3A_246 = arith.constant 0 : i32
          %dma_wait3A_247 = arith.constant 0 : i32
          %dma_wait3A_248 = tpu.memref_slice %arg10[%run_scoped3A_134, %dma_wait3A_246, %dma_wait3A_247] : memref<4x128x64xf32, #tpu.memory_space<vmem>> -> memref<1x128x64xf32, #tpu.memory_space<vmem>>
          %dma_wait3A_249 = tpu.memref_squeeze %dma_wait3A_248 : memref<1x128x64xf32, #tpu.memory_space<vmem>> -> memref<128x64xf32, #tpu.memory_space<vmem>>
          %dma_wait3A_250 = arith.constant 0 : i32
          %dma_wait3A_251 = tpu.memref_slice %arg9[%add3A_122, %dma_wait3A_250] : memref<160x128xi32, #tpu.memory_space<vmem>> -> memref<1x128xi32, #tpu.memory_space<vmem>>
          %dma_wait3A_252 = tpu.memref_squeeze %dma_wait3A_251 : memref<1x128xi32, #tpu.memory_space<vmem>> -> memref<128xi32, #tpu.memory_space<vmem>>
          %dma_wait3A_253 = arith.constant 0 : i32
          %dma_wait3A_254 = arith.constant 0 : i32
          %dma_wait3A_255 = tpu.memref_slice %arg11[%dma_wait3A_253, %dma_wait3A_254] : memref<10240x64xf32, #tpu.memory_space<vmem_shared>> -> memref<10240x64xf32, #tpu.memory_space<vmem_shared>>
          tpu.wait_indirect_dma semaphore(%run_scoped3A_235 : memref<!tpu.dma_semaphore, #tpu.memory_space<semaphore_mem>>) src(%dma_wait3A_249 : memref<128x64xf32, #tpu.memory_space<vmem>>) dst(%dma_wait3A_255 : memref<10240x64xf32, #tpu.memory_space<vmem_shared>>)
          tpu.yield
        }) : () -> ()
        %add3A_135 = arith.constant 4 : i32
        %add3A_136 = arith.addi %add3A_122, %add3A_135 : i32
        %dma_start3A_137 = arith.constant 0 : i32
        %dma_start3A_138 = arith.constant 0 : i32
        %dma_start3A_139 = arith.constant 0 : i32
        %dma_start3A_140 = tpu.memref_slice %arg10[%dma_start3A_137, %dma_start3A_138, %dma_start3A_139] : memref<4x128x64xf32, #tpu.memory_space<vmem>> -> memref<1x128x64xf32, #tpu.memory_space<vmem>>
        %dma_start3A_141 = tpu.memref_squeeze %dma_start3A_140 : memref<1x128x64xf32, #tpu.memory_space<vmem>> -> memref<128x64xf32, #tpu.memory_space<vmem>>
        %dma_start3A_142 = arith.constant 0 : i32
        %dma_start3A_143 = tpu.memref_slice %arg8[%add3A_136, %dma_start3A_142] : memref<160x128xi32, #tpu.memory_space<vmem>> -> memref<1x128xi32, #tpu.memory_space<vmem>>
        %dma_start3A_144 = tpu.memref_squeeze %dma_start3A_143 : memref<1x128xi32, #tpu.memory_space<vmem>> -> memref<128xi32, #tpu.memory_space<vmem>>
        %dma_start3A_145 = arith.constant 0 : i32
        %dma_start3A_146 = arith.constant 0 : i32
        %dma_start3A_147 = tpu.memref_slice %arg3[%dma_start3A_145, %dma_start3A_146] : memref<10240x64xf32, #tpu.memory_space<hbm>> -> memref<10240x64xf32, #tpu.memory_space<hbm>>
        tpu.enqueue_indirect_dma source(%dma_start3A_147 : memref<10240x64xf32, #tpu.memory_space<hbm>>) target(%dma_start3A_141 : memref<128x64xf32, #tpu.memory_space<vmem>>) offsets(%dma_start3A_144 : memref<128xi32, #tpu.memory_space<vmem>>) semaphore(%arg12 : memref<!tpu.dma_semaphore, #tpu.memory_space<semaphore_mem>>)
        %mul3A_148 = arith.constant 4 : i32
        %mul3A_149 = arith.muli %scan3A_119, %mul3A_148 : i32
        %add3A_150 = arith.constant 1 : i32
        %add3A_151 = arith.addi %mul3A_149, %add3A_150 : i32
        %dma_wait3A_152 = arith.constant 1 : i32
        %dma_wait3A_153 = arith.constant 0 : i32
        %dma_wait3A_154 = arith.constant 0 : i32
        %dma_wait3A_155 = tpu.memref_slice %arg10[%dma_wait3A_152, %dma_wait3A_153, %dma_wait3A_154] : memref<4x128x64xf32, #tpu.memory_space<vmem>> -> memref<1x128x64xf32, #tpu.memory_space<vmem>>
        %dma_wait3A_156 = tpu.memref_squeeze %dma_wait3A_155 : memref<1x128x64xf32, #tpu.memory_space<vmem>> -> memref<128x64xf32, #tpu.memory_space<vmem>>
        %dma_wait3A_157 = arith.constant 0 : i32
        %dma_wait3A_158 = tpu.memref_slice %arg8[%add3A_151, %dma_wait3A_157] : memref<160x128xi32, #tpu.memory_space<vmem>> -> memref<1x128xi32, #tpu.memory_space<vmem>>
        %dma_wait3A_159 = tpu.memref_squeeze %dma_wait3A_158 : memref<1x128xi32, #tpu.memory_space<vmem>> -> memref<128xi32, #tpu.memory_space<vmem>>
        %dma_wait3A_160 = arith.constant 0 : i32
        %dma_wait3A_161 = arith.constant 0 : i32
        %dma_wait3A_162 = tpu.memref_slice %arg3[%dma_wait3A_160, %dma_wait3A_161] : memref<10240x64xf32, #tpu.memory_space<hbm>> -> memref<10240x64xf32, #tpu.memory_space<hbm>>
        tpu.wait_indirect_dma semaphore(%arg13 : memref<!tpu.dma_semaphore, #tpu.memory_space<semaphore_mem>>) src(%dma_wait3A_162 : memref<10240x64xf32, #tpu.memory_space<hbm>>) dst(%dma_wait3A_156 : memref<128x64xf32, #tpu.memory_space<vmem>>)
        %run_scoped3A_163 = arith.constant 1 : i32
        "tpu.region"() ({
          %run_scoped3A_235 = tpu.sem_alloc : memref<!tpu.dma_semaphore, #tpu.memory_space<semaphore_mem>>
          %dma_start3A_236 = arith.constant 0 : i32
          %dma_start3A_237 = arith.constant 0 : i32
          %dma_start3A_238 = tpu.memref_slice %arg10[%run_scoped3A_163, %dma_start3A_236, %dma_start3A_237] : memref<4x128x64xf32, #tpu.memory_space<vmem>> -> memref<1x128x64xf32, #tpu.memory_space<vmem>>
          %dma_start3A_239 = tpu.memref_squeeze %dma_start3A_238 : memref<1x128x64xf32, #tpu.memory_space<vmem>> -> memref<128x64xf32, #tpu.memory_space<vmem>>
          %dma_start3A_240 = arith.constant 0 : i32
          %dma_start3A_241 = tpu.memref_slice %arg9[%add3A_151, %dma_start3A_240] : memref<160x128xi32, #tpu.memory_space<vmem>> -> memref<1x128xi32, #tpu.memory_space<vmem>>
          %dma_start3A_242 = tpu.memref_squeeze %dma_start3A_241 : memref<1x128xi32, #tpu.memory_space<vmem>> -> memref<128xi32, #tpu.memory_space<vmem>>
          %dma_start3A_243 = arith.constant 0 : i32
          %dma_start3A_244 = arith.constant 0 : i32
          %dma_start3A_245 = tpu.memref_slice %arg11[%dma_start3A_243, %dma_start3A_244] : memref<10240x64xf32, #tpu.memory_space<vmem_shared>> -> memref<10240x64xf32, #tpu.memory_space<vmem_shared>>
          tpu.enqueue_indirect_dma source(%dma_start3A_239 : memref<128x64xf32, #tpu.memory_space<vmem>>) target(%dma_start3A_245 : memref<10240x64xf32, #tpu.memory_space<vmem_shared>>) offsets(%dma_start3A_242 : memref<128xi32, #tpu.memory_space<vmem>>) semaphore(%run_scoped3A_235 : memref<!tpu.dma_semaphore, #tpu.memory_space<semaphore_mem>>) {add = true}
          %dma_wait3A_246 = arith.constant 0 : i32
          %dma_wait3A_247 = arith.constant 0 : i32
          %dma_wait3A_248 = tpu.memref_slice %arg10[%run_scoped3A_163, %dma_wait3A_246, %dma_wait3A_247] : memref<4x128x64xf32, #tpu.memory_space<vmem>> -> memref<1x128x64xf32, #tpu.memory_space<vmem>>
          %dma_wait3A_249 = tpu.memref_squeeze %dma_wait3A_248 : memref<1x128x64xf32, #tpu.memory_space<vmem>> -> memref<128x64xf32, #tpu.memory_space<vmem>>
          %dma_wait3A_250 = arith.constant 0 : i32
          %dma_wait3A_251 = tpu.memref_slice %arg9[%add3A_151, %dma_wait3A_250] : memref<160x128xi32, #tpu.memory_space<vmem>> -> memref<1x128xi32, #tpu.memory_space<vmem>>
          %dma_wait3A_252 = tpu.memref_squeeze %dma_wait3A_251 : memref<1x128xi32, #tpu.memory_space<vmem>> -> memref<128xi32, #tpu.memory_space<vmem>>
          %dma_wait3A_253 = arith.constant 0 : i32
          %dma_wait3A_254 = arith.constant 0 : i32
          %dma_wait3A_255 = tpu.memref_slice %arg11[%dma_wait3A_253, %dma_wait3A_254] : memref<10240x64xf32, #tpu.memory_space<vmem_shared>> -> memref<10240x64xf32, #tpu.memory_space<vmem_shared>>
          tpu.wait_indirect_dma semaphore(%run_scoped3A_235 : memref<!tpu.dma_semaphore, #tpu.memory_space<semaphore_mem>>) src(%dma_wait3A_249 : memref<128x64xf32, #tpu.memory_space<vmem>>) dst(%dma_wait3A_255 : memref<10240x64xf32, #tpu.memory_space<vmem_shared>>)
          tpu.yield
        }) : () -> ()
        %add3A_164 = arith.constant 4 : i32
        %add3A_165 = arith.addi %add3A_151, %add3A_164 : i32
        %dma_start3A_166 = arith.constant 1 : i32
        %dma_start3A_167 = arith.constant 0 : i32
        %dma_start3A_168 = arith.constant 0 : i32
        %dma_start3A_169 = tpu.memref_slice %arg10[%dma_start3A_166, %dma_start3A_167, %dma_start3A_168] : memref<4x128x64xf32, #tpu.memory_space<vmem>> -> memref<1x128x64xf32, #tpu.memory_space<vmem>>
        %dma_start3A_170 = tpu.memref_squeeze %dma_start3A_169 : memref<1x128x64xf32, #tpu.memory_space<vmem>> -> memref<128x64xf32, #tpu.memory_space<vmem>>
        %dma_start3A_171 = arith.constant 0 : i32
        %dma_start3A_172 = tpu.memref_slice %arg8[%add3A_165, %dma_start3A_171] : memref<160x128xi32, #tpu.memory_space<vmem>> -> memref<1x128xi32, #tpu.memory_space<vmem>>
        %dma_start3A_173 = tpu.memref_squeeze %dma_start3A_172 : memref<1x128xi32, #tpu.memory_space<vmem>> -> memref<128xi32, #tpu.memory_space<vmem>>
        %dma_start3A_174 = arith.constant 0 : i32
        %dma_start3A_175 = arith.constant 0 : i32
        %dma_start3A_176 = tpu.memref_slice %arg3[%dma_start3A_174, %dma_start3A_175] : memref<10240x64xf32, #tpu.memory_space<hbm>> -> memref<10240x64xf32, #tpu.memory_space<hbm>>
        tpu.enqueue_indirect_dma source(%dma_start3A_176 : memref<10240x64xf32, #tpu.memory_space<hbm>>) target(%dma_start3A_170 : memref<128x64xf32, #tpu.memory_space<vmem>>) offsets(%dma_start3A_173 : memref<128xi32, #tpu.memory_space<vmem>>) semaphore(%arg13 : memref<!tpu.dma_semaphore, #tpu.memory_space<semaphore_mem>>)
        %mul3A_177 = arith.constant 4 : i32
        %mul3A_178 = arith.muli %scan3A_119, %mul3A_177 : i32
        %add3A_179 = arith.constant 2 : i32
        %add3A_180 = arith.addi %mul3A_178, %add3A_179 : i32
        %dma_wait3A_181 = arith.constant 2 : i32
        %dma_wait3A_182 = arith.constant 0 : i32
        %dma_wait3A_183 = arith.constant 0 : i32
        %dma_wait3A_184 = tpu.memref_slice %arg10[%dma_wait3A_181, %dma_wait3A_182, %dma_wait3A_183] : memref<4x128x64xf32, #tpu.memory_space<vmem>> -> memref<1x128x64xf32, #tpu.memory_space<vmem>>
        %dma_wait3A_185 = tpu.memref_squeeze %dma_wait3A_184 : memref<1x128x64xf32, #tpu.memory_space<vmem>> -> memref<128x64xf32, #tpu.memory_space<vmem>>
        %dma_wait3A_186 = arith.constant 0 : i32
        %dma_wait3A_187 = tpu.memref_slice %arg8[%add3A_180, %dma_wait3A_186] : memref<160x128xi32, #tpu.memory_space<vmem>> -> memref<1x128xi32, #tpu.memory_space<vmem>>
        %dma_wait3A_188 = tpu.memref_squeeze %dma_wait3A_187 : memref<1x128xi32, #tpu.memory_space<vmem>> -> memref<128xi32, #tpu.memory_space<vmem>>
        %dma_wait3A_189 = arith.constant 0 : i32
        %dma_wait3A_190 = arith.constant 0 : i32
        %dma_wait3A_191 = tpu.memref_slice %arg3[%dma_wait3A_189, %dma_wait3A_190] : memref<10240x64xf32, #tpu.memory_space<hbm>> -> memref<10240x64xf32, #tpu.memory_space<hbm>>
        tpu.wait_indirect_dma semaphore(%arg14 : memref<!tpu.dma_semaphore, #tpu.memory_space<semaphore_mem>>) src(%dma_wait3A_191 : memref<10240x64xf32, #tpu.memory_space<hbm>>) dst(%dma_wait3A_185 : memref<128x64xf32, #tpu.memory_space<vmem>>)
        %run_scoped3A_192 = arith.constant 2 : i32
        "tpu.region"() ({
          %run_scoped3A_235 = tpu.sem_alloc : memref<!tpu.dma_semaphore, #tpu.memory_space<semaphore_mem>>
          %dma_start3A_236 = arith.constant 0 : i32
          %dma_start3A_237 = arith.constant 0 : i32
          %dma_start3A_238 = tpu.memref_slice %arg10[%run_scoped3A_192, %dma_start3A_236, %dma_start3A_237] : memref<4x128x64xf32, #tpu.memory_space<vmem>> -> memref<1x128x64xf32, #tpu.memory_space<vmem>>
          %dma_start3A_239 = tpu.memref_squeeze %dma_start3A_238 : memref<1x128x64xf32, #tpu.memory_space<vmem>> -> memref<128x64xf32, #tpu.memory_space<vmem>>
          %dma_start3A_240 = arith.constant 0 : i32
          %dma_start3A_241 = tpu.memref_slice %arg9[%add3A_180, %dma_start3A_240] : memref<160x128xi32, #tpu.memory_space<vmem>> -> memref<1x128xi32, #tpu.memory_space<vmem>>
          %dma_start3A_242 = tpu.memref_squeeze %dma_start3A_241 : memref<1x128xi32, #tpu.memory_space<vmem>> -> memref<128xi32, #tpu.memory_space<vmem>>
          %dma_start3A_243 = arith.constant 0 : i32
          %dma_start3A_244 = arith.constant 0 : i32
          %dma_start3A_245 = tpu.memref_slice %arg11[%dma_start3A_243, %dma_start3A_244] : memref<10240x64xf32, #tpu.memory_space<vmem_shared>> -> memref<10240x64xf32, #tpu.memory_space<vmem_shared>>
          tpu.enqueue_indirect_dma source(%dma_start3A_239 : memref<128x64xf32, #tpu.memory_space<vmem>>) target(%dma_start3A_245 : memref<10240x64xf32, #tpu.memory_space<vmem_shared>>) offsets(%dma_start3A_242 : memref<128xi32, #tpu.memory_space<vmem>>) semaphore(%run_scoped3A_235 : memref<!tpu.dma_semaphore, #tpu.memory_space<semaphore_mem>>) {add = true}
          %dma_wait3A_246 = arith.constant 0 : i32
          %dma_wait3A_247 = arith.constant 0 : i32
          %dma_wait3A_248 = tpu.memref_slice %arg10[%run_scoped3A_192, %dma_wait3A_246, %dma_wait3A_247] : memref<4x128x64xf32, #tpu.memory_space<vmem>> -> memref<1x128x64xf32, #tpu.memory_space<vmem>>
          %dma_wait3A_249 = tpu.memref_squeeze %dma_wait3A_248 : memref<1x128x64xf32, #tpu.memory_space<vmem>> -> memref<128x64xf32, #tpu.memory_space<vmem>>
          %dma_wait3A_250 = arith.constant 0 : i32
          %dma_wait3A_251 = tpu.memref_slice %arg9[%add3A_180, %dma_wait3A_250] : memref<160x128xi32, #tpu.memory_space<vmem>> -> memref<1x128xi32, #tpu.memory_space<vmem>>
          %dma_wait3A_252 = tpu.memref_squeeze %dma_wait3A_251 : memref<1x128xi32, #tpu.memory_space<vmem>> -> memref<128xi32, #tpu.memory_space<vmem>>
          %dma_wait3A_253 = arith.constant 0 : i32
          %dma_wait3A_254 = arith.constant 0 : i32
          %dma_wait3A_255 = tpu.memref_slice %arg11[%dma_wait3A_253, %dma_wait3A_254] : memref<10240x64xf32, #tpu.memory_space<vmem_shared>> -> memref<10240x64xf32, #tpu.memory_space<vmem_shared>>
          tpu.wait_indirect_dma semaphore(%run_scoped3A_235 : memref<!tpu.dma_semaphore, #tpu.memory_space<semaphore_mem>>) src(%dma_wait3A_249 : memref<128x64xf32, #tpu.memory_space<vmem>>) dst(%dma_wait3A_255 : memref<10240x64xf32, #tpu.memory_space<vmem_shared>>)
          tpu.yield
        }) : () -> ()
        %add3A_193 = arith.constant 4 : i32
        %add3A_194 = arith.addi %add3A_180, %add3A_193 : i32
        %dma_start3A_195 = arith.constant 2 : i32
        %dma_start3A_196 = arith.constant 0 : i32
        %dma_start3A_197 = arith.constant 0 : i32
        %dma_start3A_198 = tpu.memref_slice %arg10[%dma_start3A_195, %dma_start3A_196, %dma_start3A_197] : memref<4x128x64xf32, #tpu.memory_space<vmem>> -> memref<1x128x64xf32, #tpu.memory_space<vmem>>
        %dma_start3A_199 = tpu.memref_squeeze %dma_start3A_198 : memref<1x128x64xf32, #tpu.memory_space<vmem>> -> memref<128x64xf32, #tpu.memory_space<vmem>>
        %dma_start3A_200 = arith.constant 0 : i32
        %dma_start3A_201 = tpu.memref_slice %arg8[%add3A_194, %dma_start3A_200] : memref<160x128xi32, #tpu.memory_space<vmem>> -> memref<1x128xi32, #tpu.memory_space<vmem>>
        %dma_start3A_202 = tpu.memref_squeeze %dma_start3A_201 : memref<1x128xi32, #tpu.memory_space<vmem>> -> memref<128xi32, #tpu.memory_space<vmem>>
        %dma_start3A_203 = arith.constant 0 : i32
        %dma_start3A_204 = arith.constant 0 : i32
        %dma_start3A_205 = tpu.memref_slice %arg3[%dma_start3A_203, %dma_start3A_204] : memref<10240x64xf32, #tpu.memory_space<hbm>> -> memref<10240x64xf32, #tpu.memory_space<hbm>>
        tpu.enqueue_indirect_dma source(%dma_start3A_205 : memref<10240x64xf32, #tpu.memory_space<hbm>>) target(%dma_start3A_199 : memref<128x64xf32, #tpu.memory_space<vmem>>) offsets(%dma_start3A_202 : memref<128xi32, #tpu.memory_space<vmem>>) semaphore(%arg14 : memref<!tpu.dma_semaphore, #tpu.memory_space<semaphore_mem>>)
        %mul3A_206 = arith.constant 4 : i32
        %mul3A_207 = arith.muli %scan3A_119, %mul3A_206 : i32
        %add3A_208 = arith.constant 3 : i32
        %add3A_209 = arith.addi %mul3A_207, %add3A_208 : i32
        %dma_wait3A_210 = arith.constant 3 : i32
        %dma_wait3A_211 = arith.constant 0 : i32
        %dma_wait3A_212 = arith.constant 0 : i32
        %dma_wait3A_213 = tpu.memref_slice %arg10[%dma_wait3A_210, %dma_wait3A_211, %dma_wait3A_212] : memref<4x128x64xf32, #tpu.memory_space<vmem>> -> memref<1x128x64xf32, #tpu.memory_space<vmem>>
        %dma_wait3A_214 = tpu.memref_squeeze %dma_wait3A_213 : memref<1x128x64xf32, #tpu.memory_space<vmem>> -> memref<128x64xf32, #tpu.memory_space<vmem>>
        %dma_wait3A_215 = arith.constant 0 : i32
        %dma_wait3A_216 = tpu.memref_slice %arg8[%add3A_209, %dma_wait3A_215] : memref<160x128xi32, #tpu.memory_space<vmem>> -> memref<1x128xi32, #tpu.memory_space<vmem>>
        %dma_wait3A_217 = tpu.memref_squeeze %dma_wait3A_216 : memref<1x128xi32, #tpu.memory_space<vmem>> -> memref<128xi32, #tpu.memory_space<vmem>>
        %dma_wait3A_218 = arith.constant 0 : i32
        %dma_wait3A_219 = arith.constant 0 : i32
        %dma_wait3A_220 = tpu.memref_slice %arg3[%dma_wait3A_218, %dma_wait3A_219] : memref<10240x64xf32, #tpu.memory_space<hbm>> -> memref<10240x64xf32, #tpu.memory_space<hbm>>
        tpu.wait_indirect_dma semaphore(%arg15 : memref<!tpu.dma_semaphore, #tpu.memory_space<semaphore_mem>>) src(%dma_wait3A_220 : memref<10240x64xf32, #tpu.memory_space<hbm>>) dst(%dma_wait3A_214 : memref<128x64xf32, #tpu.memory_space<vmem>>)
        %run_scoped3A_221 = arith.constant 3 : i32
        "tpu.region"() ({
          %run_scoped3A_235 = tpu.sem_alloc : memref<!tpu.dma_semaphore, #tpu.memory_space<semaphore_mem>>
          %dma_start3A_236 = arith.constant 0 : i32
          %dma_start3A_237 = arith.constant 0 : i32
          %dma_start3A_238 = tpu.memref_slice %arg10[%run_scoped3A_221, %dma_start3A_236, %dma_start3A_237] : memref<4x128x64xf32, #tpu.memory_space<vmem>> -> memref<1x128x64xf32, #tpu.memory_space<vmem>>
          %dma_start3A_239 = tpu.memref_squeeze %dma_start3A_238 : memref<1x128x64xf32, #tpu.memory_space<vmem>> -> memref<128x64xf32, #tpu.memory_space<vmem>>
          %dma_start3A_240 = arith.constant 0 : i32
          %dma_start3A_241 = tpu.memref_slice %arg9[%add3A_209, %dma_start3A_240] : memref<160x128xi32, #tpu.memory_space<vmem>> -> memref<1x128xi32, #tpu.memory_space<vmem>>
          %dma_start3A_242 = tpu.memref_squeeze %dma_start3A_241 : memref<1x128xi32, #tpu.memory_space<vmem>> -> memref<128xi32, #tpu.memory_space<vmem>>
          %dma_start3A_243 = arith.constant 0 : i32
          %dma_start3A_244 = arith.constant 0 : i32
          %dma_start3A_245 = tpu.memref_slice %arg11[%dma_start3A_243, %dma_start3A_244] : memref<10240x64xf32, #tpu.memory_space<vmem_shared>> -> memref<10240x64xf32, #tpu.memory_space<vmem_shared>>
          tpu.enqueue_indirect_dma source(%dma_start3A_239 : memref<128x64xf32, #tpu.memory_space<vmem>>) target(%dma_start3A_245 : memref<10240x64xf32, #tpu.memory_space<vmem_shared>>) offsets(%dma_start3A_242 : memref<128xi32, #tpu.memory_space<vmem>>) semaphore(%run_scoped3A_235 : memref<!tpu.dma_semaphore, #tpu.memory_space<semaphore_mem>>) {add = true}
          %dma_wait3A_246 = arith.constant 0 : i32
          %dma_wait3A_247 = arith.constant 0 : i32
          %dma_wait3A_248 = tpu.memref_slice %arg10[%run_scoped3A_221, %dma_wait3A_246, %dma_wait3A_247] : memref<4x128x64xf32, #tpu.memory_space<vmem>> -> memref<1x128x64xf32, #tpu.memory_space<vmem>>
          %dma_wait3A_249 = tpu.memref_squeeze %dma_wait3A_248 : memref<1x128x64xf32, #tpu.memory_space<vmem>> -> memref<128x64xf32, #tpu.memory_space<vmem>>
          %dma_wait3A_250 = arith.constant 0 : i32
          %dma_wait3A_251 = tpu.memref_slice %arg9[%add3A_209, %dma_wait3A_250] : memref<160x128xi32, #tpu.memory_space<vmem>> -> memref<1x128xi32, #tpu.memory_space<vmem>>
          %dma_wait3A_252 = tpu.memref_squeeze %dma_wait3A_251 : memref<1x128xi32, #tpu.memory_space<vmem>> -> memref<128xi32, #tpu.memory_space<vmem>>
          %dma_wait3A_253 = arith.constant 0 : i32
          %dma_wait3A_254 = arith.constant 0 : i32
          %dma_wait3A_255 = tpu.memref_slice %arg11[%dma_wait3A_253, %dma_wait3A_254] : memref<10240x64xf32, #tpu.memory_space<vmem_shared>> -> memref<10240x64xf32, #tpu.memory_space<vmem_shared>>
          tpu.wait_indirect_dma semaphore(%run_scoped3A_235 : memref<!tpu.dma_semaphore, #tpu.memory_space<semaphore_mem>>) src(%dma_wait3A_249 : memref<128x64xf32, #tpu.memory_space<vmem>>) dst(%dma_wait3A_255 : memref<10240x64xf32, #tpu.memory_space<vmem_shared>>)
          tpu.yield
        }) : () -> ()
        %add3A_222 = arith.constant 4 : i32
        %add3A_223 = arith.addi %add3A_209, %add3A_222 : i32
        %dma_start3A_224 = arith.constant 3 : i32
        %dma_start3A_225 = arith.constant 0 : i32
        %dma_start3A_226 = arith.constant 0 : i32
        %dma_start3A_227 = tpu.memref_slice %arg10[%dma_start3A_224, %dma_start3A_225, %dma_start3A_226] : memref<4x128x64xf32, #tpu.memory_space<vmem>> -> memref<1x128x64xf32, #tpu.memory_space<vmem>>
        %dma_start3A_228 = tpu.memref_squeeze %dma_start3A_227 : memref<1x128x64xf32, #tpu.memory_space<vmem>> -> memref<128x64xf32, #tpu.memory_space<vmem>>
        %dma_start3A_229 = arith.constant 0 : i32
        %dma_start3A_230 = tpu.memref_slice %arg8[%add3A_223, %dma_start3A_229] : memref<160x128xi32, #tpu.memory_space<vmem>> -> memref<1x128xi32, #tpu.memory_space<vmem>>
        %dma_start3A_231 = tpu.memref_squeeze %dma_start3A_230 : memref<1x128xi32, #tpu.memory_space<vmem>> -> memref<128xi32, #tpu.memory_space<vmem>>
        %dma_start3A_232 = arith.constant 0 : i32
        %dma_start3A_233 = arith.constant 0 : i32
        %dma_start3A_234 = tpu.memref_slice %arg3[%dma_start3A_232, %dma_start3A_233] : memref<10240x64xf32, #tpu.memory_space<hbm>> -> memref<10240x64xf32, #tpu.memory_space<hbm>>
        tpu.enqueue_indirect_dma source(%dma_start3A_234 : memref<10240x64xf32, #tpu.memory_space<hbm>>) target(%dma_start3A_228 : memref<128x64xf32, #tpu.memory_space<vmem>>) offsets(%dma_start3A_231 : memref<128xi32, #tpu.memory_space<vmem>>) semaphore(%arg15 : memref<!tpu.dma_semaphore, #tpu.memory_space<semaphore_mem>>)
      }
      %scan3A_64 = arith.constant 39 : i32
      %dma_wait3A = arith.constant 156 : i32
      %dma_wait3A_65 = arith.constant 0 : i32
      %dma_wait3A_66 = arith.constant 0 : i32
      %dma_wait3A_67 = arith.constant 0 : i32
      %dma_wait3A_68 = tpu.memref_slice %arg10[%dma_wait3A_65, %dma_wait3A_66, %dma_wait3A_67] : memref<4x128x64xf32, #tpu.memory_space<vmem>> -> memref<1x128x64xf32, #tpu.memory_space<vmem>>
      %dma_wait3A_69 = tpu.memref_squeeze %dma_wait3A_68 : memref<1x128x64xf32, #tpu.memory_space<vmem>> -> memref<128x64xf32, #tpu.memory_space<vmem>>
      %dma_wait3A_70 = arith.constant 0 : i32
      %dma_wait3A_71 = tpu.memref_slice %arg8[%dma_wait3A, %dma_wait3A_70] : memref<160x128xi32, #tpu.memory_space<vmem>> -> memref<1x128xi32, #tpu.memory_space<vmem>>
      %dma_wait3A_72 = tpu.memref_squeeze %dma_wait3A_71 : memref<1x128xi32, #tpu.memory_space<vmem>> -> memref<128xi32, #tpu.memory_space<vmem>>
      %dma_wait3A_73 = arith.constant 0 : i32
      %dma_wait3A_74 = arith.constant 0 : i32
      %dma_wait3A_75 = tpu.memref_slice %arg3[%dma_wait3A_73, %dma_wait3A_74] : memref<10240x64xf32, #tpu.memory_space<hbm>> -> memref<10240x64xf32, #tpu.memory_space<hbm>>
      tpu.wait_indirect_dma semaphore(%arg12 : memref<!tpu.dma_semaphore, #tpu.memory_space<semaphore_mem>>) src(%dma_wait3A_75 : memref<10240x64xf32, #tpu.memory_space<hbm>>) dst(%dma_wait3A_69 : memref<128x64xf32, #tpu.memory_space<vmem>>)
      %run_scoped3A = arith.constant 0 : i32
      %run_scoped3A_76 = arith.constant 156 : i32
      "tpu.region"() ({
        %run_scoped3A_119 = tpu.sem_alloc : memref<!tpu.dma_semaphore, #tpu.memory_space<semaphore_mem>>
        %dma_start3A_120 = arith.constant 0 : i32
        %dma_start3A_121 = arith.constant 0 : i32
        %dma_start3A_122 = tpu.memref_slice %arg10[%run_scoped3A, %dma_start3A_120, %dma_start3A_121] : memref<4x128x64xf32, #tpu.memory_space<vmem>> -> memref<1x128x64xf32, #tpu.memory_space<vmem>>
        %dma_start3A_123 = tpu.memref_squeeze %dma_start3A_122 : memref<1x128x64xf32, #tpu.memory_space<vmem>> -> memref<128x64xf32, #tpu.memory_space<vmem>>
        %dma_start3A_124 = arith.constant 0 : i32
        %dma_start3A_125 = tpu.memref_slice %arg9[%run_scoped3A_76, %dma_start3A_124] : memref<160x128xi32, #tpu.memory_space<vmem>> -> memref<1x128xi32, #tpu.memory_space<vmem>>
        %dma_start3A_126 = tpu.memref_squeeze %dma_start3A_125 : memref<1x128xi32, #tpu.memory_space<vmem>> -> memref<128xi32, #tpu.memory_space<vmem>>
        %dma_start3A_127 = arith.constant 0 : i32
        %dma_start3A_128 = arith.constant 0 : i32
        %dma_start3A_129 = tpu.memref_slice %arg11[%dma_start3A_127, %dma_start3A_128] : memref<10240x64xf32, #tpu.memory_space<vmem_shared>> -> memref<10240x64xf32, #tpu.memory_space<vmem_shared>>
        tpu.enqueue_indirect_dma source(%dma_start3A_123 : memref<128x64xf32, #tpu.memory_space<vmem>>) target(%dma_start3A_129 : memref<10240x64xf32, #tpu.memory_space<vmem_shared>>) offsets(%dma_start3A_126 : memref<128xi32, #tpu.memory_space<vmem>>) semaphore(%run_scoped3A_119 : memref<!tpu.dma_semaphore, #tpu.memory_space<semaphore_mem>>) {add = true}
        %dma_wait3A_130 = arith.constant 0 : i32
        %dma_wait3A_131 = arith.constant 0 : i32
        %dma_wait3A_132 = tpu.memref_slice %arg10[%run_scoped3A, %dma_wait3A_130, %dma_wait3A_131] : memref<4x128x64xf32, #tpu.memory_space<vmem>> -> memref<1x128x64xf32, #tpu.memory_space<vmem>>
        %dma_wait3A_133 = tpu.memref_squeeze %dma_wait3A_132 : memref<1x128x64xf32, #tpu.memory_space<vmem>> -> memref<128x64xf32, #tpu.memory_space<vmem>>
        %dma_wait3A_134 = arith.constant 0 : i32
        %dma_wait3A_135 = tpu.memref_slice %arg9[%run_scoped3A_76, %dma_wait3A_134] : memref<160x128xi32, #tpu.memory_space<vmem>> -> memref<1x128xi32, #tpu.memory_space<vmem>>
        %dma_wait3A_136 = tpu.memref_squeeze %dma_wait3A_135 : memref<1x128xi32, #tpu.memory_space<vmem>> -> memref<128xi32, #tpu.memory_space<vmem>>
        %dma_wait3A_137 = arith.constant 0 : i32
        %dma_wait3A_138 = arith.constant 0 : i32
        %dma_wait3A_139 = tpu.memref_slice %arg11[%dma_wait3A_137, %dma_wait3A_138] : memref<10240x64xf32, #tpu.memory_space<vmem_shared>> -> memref<10240x64xf32, #tpu.memory_space<vmem_shared>>
        tpu.wait_indirect_dma semaphore(%run_scoped3A_119 : memref<!tpu.dma_semaphore, #tpu.memory_space<semaphore_mem>>) src(%dma_wait3A_133 : memref<128x64xf32, #tpu.memory_space<vmem>>) dst(%dma_wait3A_139 : memref<10240x64xf32, #tpu.memory_space<vmem_shared>>)
        tpu.yield
      }) : () -> ()
      %dma_wait3A_77 = arith.constant 157 : i32
      %dma_wait3A_78 = arith.constant 1 : i32
      %dma_wait3A_79 = arith.constant 0 : i32
      %dma_wait3A_80 = arith.constant 0 : i32
      %dma_wait3A_81 = tpu.memref_slice %arg10[%dma_wait3A_78, %dma_wait3A_79, %dma_wait3A_80] : memref<4x128x64xf32, #tpu.memory_space<vmem>> -> memref<1x128x64xf32, #tpu.memory_space<vmem>>
      %dma_wait3A_82 = tpu.memref_squeeze %dma_wait3A_81 : memref<1x128x64xf32, #tpu.memory_space<vmem>> -> memref<128x64xf32, #tpu.memory_space<vmem>>
      %dma_wait3A_83 = arith.constant 0 : i32
      %dma_wait3A_84 = tpu.memref_slice %arg8[%dma_wait3A_77, %dma_wait3A_83] : memref<160x128xi32, #tpu.memory_space<vmem>> -> memref<1x128xi32, #tpu.memory_space<vmem>>
      %dma_wait3A_85 = tpu.memref_squeeze %dma_wait3A_84 : memref<1x128xi32, #tpu.memory_space<vmem>> -> memref<128xi32, #tpu.memory_space<vmem>>
      %dma_wait3A_86 = arith.constant 0 : i32
      %dma_wait3A_87 = arith.constant 0 : i32
      %dma_wait3A_88 = tpu.memref_slice %arg3[%dma_wait3A_86, %dma_wait3A_87] : memref<10240x64xf32, #tpu.memory_space<hbm>> -> memref<10240x64xf32, #tpu.memory_space<hbm>>
      tpu.wait_indirect_dma semaphore(%arg13 : memref<!tpu.dma_semaphore, #tpu.memory_space<semaphore_mem>>) src(%dma_wait3A_88 : memref<10240x64xf32, #tpu.memory_space<hbm>>) dst(%dma_wait3A_82 : memref<128x64xf32, #tpu.memory_space<vmem>>)
      %run_scoped3A_89 = arith.constant 1 : i32
      %run_scoped3A_90 = arith.constant 157 : i32
      "tpu.region"() ({
        %run_scoped3A_119 = tpu.sem_alloc : memref<!tpu.dma_semaphore, #tpu.memory_space<semaphore_mem>>
        %dma_start3A_120 = arith.constant 0 : i32
        %dma_start3A_121 = arith.constant 0 : i32
        %dma_start3A_122 = tpu.memref_slice %arg10[%run_scoped3A_89, %dma_start3A_120, %dma_start3A_121] : memref<4x128x64xf32, #tpu.memory_space<vmem>> -> memref<1x128x64xf32, #tpu.memory_space<vmem>>
        %dma_start3A_123 = tpu.memref_squeeze %dma_start3A_122 : memref<1x128x64xf32, #tpu.memory_space<vmem>> -> memref<128x64xf32, #tpu.memory_space<vmem>>
        %dma_start3A_124 = arith.constant 0 : i32
        %dma_start3A_125 = tpu.memref_slice %arg9[%run_scoped3A_90, %dma_start3A_124] : memref<160x128xi32, #tpu.memory_space<vmem>> -> memref<1x128xi32, #tpu.memory_space<vmem>>
        %dma_start3A_126 = tpu.memref_squeeze %dma_start3A_125 : memref<1x128xi32, #tpu.memory_space<vmem>> -> memref<128xi32, #tpu.memory_space<vmem>>
        %dma_start3A_127 = arith.constant 0 : i32
        %dma_start3A_128 = arith.constant 0 : i32
        %dma_start3A_129 = tpu.memref_slice %arg11[%dma_start3A_127, %dma_start3A_128] : memref<10240x64xf32, #tpu.memory_space<vmem_shared>> -> memref<10240x64xf32, #tpu.memory_space<vmem_shared>>
        tpu.enqueue_indirect_dma source(%dma_start3A_123 : memref<128x64xf32, #tpu.memory_space<vmem>>) target(%dma_start3A_129 : memref<10240x64xf32, #tpu.memory_space<vmem_shared>>) offsets(%dma_start3A_126 : memref<128xi32, #tpu.memory_space<vmem>>) semaphore(%run_scoped3A_119 : memref<!tpu.dma_semaphore, #tpu.memory_space<semaphore_mem>>) {add = true}
        %dma_wait3A_130 = arith.constant 0 : i32
        %dma_wait3A_131 = arith.constant 0 : i32
        %dma_wait3A_132 = tpu.memref_slice %arg10[%run_scoped3A_89, %dma_wait3A_130, %dma_wait3A_131] : memref<4x128x64xf32, #tpu.memory_space<vmem>> -> memref<1x128x64xf32, #tpu.memory_space<vmem>>
        %dma_wait3A_133 = tpu.memref_squeeze %dma_wait3A_132 : memref<1x128x64xf32, #tpu.memory_space<vmem>> -> memref<128x64xf32, #tpu.memory_space<vmem>>
        %dma_wait3A_134 = arith.constant 0 : i32
        %dma_wait3A_135 = tpu.memref_slice %arg9[%run_scoped3A_90, %dma_wait3A_134] : memref<160x128xi32, #tpu.memory_space<vmem>> -> memref<1x128xi32, #tpu.memory_space<vmem>>
        %dma_wait3A_136 = tpu.memref_squeeze %dma_wait3A_135 : memref<1x128xi32, #tpu.memory_space<vmem>> -> memref<128xi32, #tpu.memory_space<vmem>>
        %dma_wait3A_137 = arith.constant 0 : i32
        %dma_wait3A_138 = arith.constant 0 : i32
        %dma_wait3A_139 = tpu.memref_slice %arg11[%dma_wait3A_137, %dma_wait3A_138] : memref<10240x64xf32, #tpu.memory_space<vmem_shared>> -> memref<10240x64xf32, #tpu.memory_space<vmem_shared>>
        tpu.wait_indirect_dma semaphore(%run_scoped3A_119 : memref<!tpu.dma_semaphore, #tpu.memory_space<semaphore_mem>>) src(%dma_wait3A_133 : memref<128x64xf32, #tpu.memory_space<vmem>>) dst(%dma_wait3A_139 : memref<10240x64xf32, #tpu.memory_space<vmem_shared>>)
        tpu.yield
      }) : () -> ()
      %dma_wait3A_91 = arith.constant 158 : i32
      %dma_wait3A_92 = arith.constant 2 : i32
      %dma_wait3A_93 = arith.constant 0 : i32
      %dma_wait3A_94 = arith.constant 0 : i32
      %dma_wait3A_95 = tpu.memref_slice %arg10[%dma_wait3A_92, %dma_wait3A_93, %dma_wait3A_94] : memref<4x128x64xf32, #tpu.memory_space<vmem>> -> memref<1x128x64xf32, #tpu.memory_space<vmem>>
      %dma_wait3A_96 = tpu.memref_squeeze %dma_wait3A_95 : memref<1x128x64xf32, #tpu.memory_space<vmem>> -> memref<128x64xf32, #tpu.memory_space<vmem>>
      %dma_wait3A_97 = arith.constant 0 : i32
      %dma_wait3A_98 = tpu.memref_slice %arg8[%dma_wait3A_91, %dma_wait3A_97] : memref<160x128xi32, #tpu.memory_space<vmem>> -> memref<1x128xi32, #tpu.memory_space<vmem>>
      %dma_wait3A_99 = tpu.memref_squeeze %dma_wait3A_98 : memref<1x128xi32, #tpu.memory_space<vmem>> -> memref<128xi32, #tpu.memory_space<vmem>>
      %dma_wait3A_100 = arith.constant 0 : i32
      %dma_wait3A_101 = arith.constant 0 : i32
      %dma_wait3A_102 = tpu.memref_slice %arg3[%dma_wait3A_100, %dma_wait3A_101] : memref<10240x64xf32, #tpu.memory_space<hbm>> -> memref<10240x64xf32, #tpu.memory_space<hbm>>
      tpu.wait_indirect_dma semaphore(%arg14 : memref<!tpu.dma_semaphore, #tpu.memory_space<semaphore_mem>>) src(%dma_wait3A_102 : memref<10240x64xf32, #tpu.memory_space<hbm>>) dst(%dma_wait3A_96 : memref<128x64xf32, #tpu.memory_space<vmem>>)
      %run_scoped3A_103 = arith.constant 2 : i32
      %run_scoped3A_104 = arith.constant 158 : i32
      "tpu.region"() ({
        %run_scoped3A_119 = tpu.sem_alloc : memref<!tpu.dma_semaphore, #tpu.memory_space<semaphore_mem>>
        %dma_start3A_120 = arith.constant 0 : i32
        %dma_start3A_121 = arith.constant 0 : i32
        %dma_start3A_122 = tpu.memref_slice %arg10[%run_scoped3A_103, %dma_start3A_120, %dma_start3A_121] : memref<4x128x64xf32, #tpu.memory_space<vmem>> -> memref<1x128x64xf32, #tpu.memory_space<vmem>>
        %dma_start3A_123 = tpu.memref_squeeze %dma_start3A_122 : memref<1x128x64xf32, #tpu.memory_space<vmem>> -> memref<128x64xf32, #tpu.memory_space<vmem>>
        %dma_start3A_124 = arith.constant 0 : i32
        %dma_start3A_125 = tpu.memref_slice %arg9[%run_scoped3A_104, %dma_start3A_124] : memref<160x128xi32, #tpu.memory_space<vmem>> -> memref<1x128xi32, #tpu.memory_space<vmem>>
        %dma_start3A_126 = tpu.memref_squeeze %dma_start3A_125 : memref<1x128xi32, #tpu.memory_space<vmem>> -> memref<128xi32, #tpu.memory_space<vmem>>
        %dma_start3A_127 = arith.constant 0 : i32
        %dma_start3A_128 = arith.constant 0 : i32
        %dma_start3A_129 = tpu.memref_slice %arg11[%dma_start3A_127, %dma_start3A_128] : memref<10240x64xf32, #tpu.memory_space<vmem_shared>> -> memref<10240x64xf32, #tpu.memory_space<vmem_shared>>
        tpu.enqueue_indirect_dma source(%dma_start3A_123 : memref<128x64xf32, #tpu.memory_space<vmem>>) target(%dma_start3A_129 : memref<10240x64xf32, #tpu.memory_space<vmem_shared>>) offsets(%dma_start3A_126 : memref<128xi32, #tpu.memory_space<vmem>>) semaphore(%run_scoped3A_119 : memref<!tpu.dma_semaphore, #tpu.memory_space<semaphore_mem>>) {add = true}
        %dma_wait3A_130 = arith.constant 0 : i32
        %dma_wait3A_131 = arith.constant 0 : i32
        %dma_wait3A_132 = tpu.memref_slice %arg10[%run_scoped3A_103, %dma_wait3A_130, %dma_wait3A_131] : memref<4x128x64xf32, #tpu.memory_space<vmem>> -> memref<1x128x64xf32, #tpu.memory_space<vmem>>
        %dma_wait3A_133 = tpu.memref_squeeze %dma_wait3A_132 : memref<1x128x64xf32, #tpu.memory_space<vmem>> -> memref<128x64xf32, #tpu.memory_space<vmem>>
        %dma_wait3A_134 = arith.constant 0 : i32
        %dma_wait3A_135 = tpu.memref_slice %arg9[%run_scoped3A_104, %dma_wait3A_134] : memref<160x128xi32, #tpu.memory_space<vmem>> -> memref<1x128xi32, #tpu.memory_space<vmem>>
        %dma_wait3A_136 = tpu.memref_squeeze %dma_wait3A_135 : memref<1x128xi32, #tpu.memory_space<vmem>> -> memref<128xi32, #tpu.memory_space<vmem>>
        %dma_wait3A_137 = arith.constant 0 : i32
        %dma_wait3A_138 = arith.constant 0 : i32
        %dma_wait3A_139 = tpu.memref_slice %arg11[%dma_wait3A_137, %dma_wait3A_138] : memref<10240x64xf32, #tpu.memory_space<vmem_shared>> -> memref<10240x64xf32, #tpu.memory_space<vmem_shared>>
        tpu.wait_indirect_dma semaphore(%run_scoped3A_119 : memref<!tpu.dma_semaphore, #tpu.memory_space<semaphore_mem>>) src(%dma_wait3A_133 : memref<128x64xf32, #tpu.memory_space<vmem>>) dst(%dma_wait3A_139 : memref<10240x64xf32, #tpu.memory_space<vmem_shared>>)
        tpu.yield
      }) : () -> ()
      %dma_wait3A_105 = arith.constant 159 : i32
      %dma_wait3A_106 = arith.constant 3 : i32
      %dma_wait3A_107 = arith.constant 0 : i32
      %dma_wait3A_108 = arith.constant 0 : i32
      %dma_wait3A_109 = tpu.memref_slice %arg10[%dma_wait3A_106, %dma_wait3A_107, %dma_wait3A_108] : memref<4x128x64xf32, #tpu.memory_space<vmem>> -> memref<1x128x64xf32, #tpu.memory_space<vmem>>
      %dma_wait3A_110 = tpu.memref_squeeze %dma_wait3A_109 : memref<1x128x64xf32, #tpu.memory_space<vmem>> -> memref<128x64xf32, #tpu.memory_space<vmem>>
      %dma_wait3A_111 = arith.constant 0 : i32
      %dma_wait3A_112 = tpu.memref_slice %arg8[%dma_wait3A_105, %dma_wait3A_111] : memref<160x128xi32, #tpu.memory_space<vmem>> -> memref<1x128xi32, #tpu.memory_space<vmem>>
      %dma_wait3A_113 = tpu.memref_squeeze %dma_wait3A_112 : memref<1x128xi32, #tpu.memory_space<vmem>> -> memref<128xi32, #tpu.memory_space<vmem>>
      %dma_wait3A_114 = arith.constant 0 : i32
      %dma_wait3A_115 = arith.constant 0 : i32
      %dma_wait3A_116 = tpu.memref_slice %arg3[%dma_wait3A_114, %dma_wait3A_115] : memref<10240x64xf32, #tpu.memory_space<hbm>> -> memref<10240x64xf32, #tpu.memory_space<hbm>>
      tpu.wait_indirect_dma semaphore(%arg15 : memref<!tpu.dma_semaphore, #tpu.memory_space<semaphore_mem>>) src(%dma_wait3A_116 : memref<10240x64xf32, #tpu.memory_space<hbm>>) dst(%dma_wait3A_110 : memref<128x64xf32, #tpu.memory_space<vmem>>)
      %run_scoped3A_117 = arith.constant 3 : i32
      %run_scoped3A_118 = arith.constant 159 : i32
      "tpu.region"() ({
        %run_scoped3A_119 = tpu.sem_alloc : memref<!tpu.dma_semaphore, #tpu.memory_space<semaphore_mem>>
        %dma_start3A_120 = arith.constant 0 : i32
        %dma_start3A_121 = arith.constant 0 : i32
        %dma_start3A_122 = tpu.memref_slice %arg10[%run_scoped3A_117, %dma_start3A_120, %dma_start3A_121] : memref<4x128x64xf32, #tpu.memory_space<vmem>> -> memref<1x128x64xf32, #tpu.memory_space<vmem>>
        %dma_start3A_123 = tpu.memref_squeeze %dma_start3A_122 : memref<1x128x64xf32, #tpu.memory_space<vmem>> -> memref<128x64xf32, #tpu.memory_space<vmem>>
        %dma_start3A_124 = arith.constant 0 : i32
        %dma_start3A_125 = tpu.memref_slice %arg9[%run_scoped3A_118, %dma_start3A_124] : memref<160x128xi32, #tpu.memory_space<vmem>> -> memref<1x128xi32, #tpu.memory_space<vmem>>
        %dma_start3A_126 = tpu.memref_squeeze %dma_start3A_125 : memref<1x128xi32, #tpu.memory_space<vmem>> -> memref<128xi32, #tpu.memory_space<vmem>>
        %dma_start3A_127 = arith.constant 0 : i32
        %dma_start3A_128 = arith.constant 0 : i32
        %dma_start3A_129 = tpu.memref_slice %arg11[%dma_start3A_127, %dma_start3A_128] : memref<10240x64xf32, #tpu.memory_space<vmem_shared>> -> memref<10240x64xf32, #tpu.memory_space<vmem_shared>>
        tpu.enqueue_indirect_dma source(%dma_start3A_123 : memref<128x64xf32, #tpu.memory_space<vmem>>) target(%dma_start3A_129 : memref<10240x64xf32, #tpu.memory_space<vmem_shared>>) offsets(%dma_start3A_126 : memref<128xi32, #tpu.memory_space<vmem>>) semaphore(%run_scoped3A_119 : memref<!tpu.dma_semaphore, #tpu.memory_space<semaphore_mem>>) {add = true}
        %dma_wait3A_130 = arith.constant 0 : i32
        %dma_wait3A_131 = arith.constant 0 : i32
        %dma_wait3A_132 = tpu.memref_slice %arg10[%run_scoped3A_117, %dma_wait3A_130, %dma_wait3A_131] : memref<4x128x64xf32, #tpu.memory_space<vmem>> -> memref<1x128x64xf32, #tpu.memory_space<vmem>>
        %dma_wait3A_133 = tpu.memref_squeeze %dma_wait3A_132 : memref<1x128x64xf32, #tpu.memory_space<vmem>> -> memref<128x64xf32, #tpu.memory_space<vmem>>
        %dma_wait3A_134 = arith.constant 0 : i32
        %dma_wait3A_135 = tpu.memref_slice %arg9[%run_scoped3A_118, %dma_wait3A_134] : memref<160x128xi32, #tpu.memory_space<vmem>> -> memref<1x128xi32, #tpu.memory_space<vmem>>
        %dma_wait3A_136 = tpu.memref_squeeze %dma_wait3A_135 : memref<1x128xi32, #tpu.memory_space<vmem>> -> memref<128xi32, #tpu.memory_space<vmem>>
        %dma_wait3A_137 = arith.constant 0 : i32
        %dma_wait3A_138 = arith.constant 0 : i32
        %dma_wait3A_139 = tpu.memref_slice %arg11[%dma_wait3A_137, %dma_wait3A_138] : memref<10240x64xf32, #tpu.memory_space<vmem_shared>> -> memref<10240x64xf32, #tpu.memory_space<vmem_shared>>
        tpu.wait_indirect_dma semaphore(%run_scoped3A_119 : memref<!tpu.dma_semaphore, #tpu.memory_space<semaphore_mem>>) src(%dma_wait3A_133 : memref<128x64xf32, #tpu.memory_space<vmem>>) dst(%dma_wait3A_139 : memref<10240x64xf32, #tpu.memory_space<vmem_shared>>)
        tpu.yield
      }) : () -> ()
    } else {
    }
    %barrier3A_12 = arith.constant 0 : index
    tpu.barrier barrier_id(%barrier3A_12)
    "tpu.region"() ({
      %run_scoped3A = tpu.sem_alloc : memref<!tpu.dma_semaphore, #tpu.memory_space<semaphore_mem>>
      %dma_start3A = arith.constant 0 : i32
      %dma_start3A_13 = tpu.memref_slice %arg7[%arg0, %mul3A_0, %dma_start3A] : memref<2x10240x64xf32, #tpu.memory_space<hbm>> -> memref<1x640x64xf32, #tpu.memory_space<hbm>>
      %dma_start3A_14 = tpu.memref_squeeze %dma_start3A_13 : memref<1x640x64xf32, #tpu.memory_space<hbm>> -> memref<640x64xf32, #tpu.memory_space<hbm>>
      %dma_start3A_15 = arith.constant 0 : i32
      %dma_start3A_16 = tpu.memref_slice %arg11[%mul3A_0, %dma_start3A_15] : memref<10240x64xf32, #tpu.memory_space<vmem_shared>> -> memref<640x64xf32, #tpu.memory_space<vmem_shared>>
      tpu.enqueue_dma source(%dma_start3A_16 : memref<640x64xf32, #tpu.memory_space<vmem_shared>>) target(%dma_start3A_14 : memref<640x64xf32, #tpu.memory_space<hbm>>) target_semaphore(%run_scoped3A : memref<!tpu.dma_semaphore, #tpu.memory_space<semaphore_mem>>)
      %dma_wait3A = arith.constant 0 : i32
      %dma_wait3A_17 = tpu.memref_slice %arg7[%arg0, %mul3A_0, %dma_wait3A] : memref<2x10240x64xf32, #tpu.memory_space<hbm>> -> memref<1x640x64xf32, #tpu.memory_space<hbm>>
      %dma_wait3A_18 = tpu.memref_squeeze %dma_wait3A_17 : memref<1x640x64xf32, #tpu.memory_space<hbm>> -> memref<640x64xf32, #tpu.memory_space<hbm>>
      %dma_wait3A_19 = arith.constant 0 : i32
      %dma_wait3A_20 = tpu.memref_slice %arg11[%mul3A_0, %dma_wait3A_19] : memref<10240x64xf32, #tpu.memory_space<vmem_shared>> -> memref<640x64xf32, #tpu.memory_space<vmem_shared>>
      tpu.wait_dma2 semaphore(%run_scoped3A : memref<!tpu.dma_semaphore, #tpu.memory_space<semaphore_mem>>) src(%dma_wait3A_20 : memref<640x64xf32, #tpu.memory_space<vmem_shared>>) dst(%dma_wait3A_18 : memref<640x64xf32, #tpu.memory_space<hbm>>)
      tpu.yield
    }) : () -> ()
    return
  }
}

#map = affine_map<(d0, d1) -> (0, 0)>
#map1 = affine_map<(d0, d1) -> (0, 0, 0)>
module attributes {stable_mosaic.version = 14 : i64} {
  func.func @_sweep_kernel(%arg0: i32, %arg1: i32, %arg2: memref<10240x64xf32, #tpu.memory_space<hbm>>, %arg3: memref<10240x64xf32, #tpu.memory_space<hbm>>, %arg4: memref<2560x128xi32, #tpu.memory_space<hbm>>, %arg5: memref<2560x128xi32, #tpu.memory_space<hbm>>, %arg6: memref<10240x64xf32, #tpu.memory_space<hbm>>, %arg7: memref<2x10240x64xf32, #tpu.memory_space<hbm>>, %arg8: memref<160x128xi32, #tpu.memory_space<vmem>>, %arg9: memref<160x128xi32, #tpu.memory_space<vmem>>, %arg10: memref<4x128x64xf32, #tpu.memory_space<vmem>>, %arg11: memref<10240x64xf32, #tpu.memory_space<vmem_shared>>, %arg12: memref<!tpu.dma_semaphore, #tpu.memory_space<semaphore_mem>>, %arg13: memref<!tpu.dma_semaphore, #tpu.memory_space<semaphore_mem>>, %arg14: memref<!tpu.dma_semaphore, #tpu.memory_space<semaphore_mem>>, %arg15: memref<!tpu.dma_semaphore, #tpu.memory_space<semaphore_mem>>) attributes {dimension_semantics = [#tpu.dimension_semantics<core_parallel>, #tpu.dimension_semantics<subcore_parallel>], iteration_bounds = array<i64: 2, 16>, scalar_prefetch = 0 : i64, scratch_operands = 8 : i64, tpu.core_type = #tpu.core_type<sc_vector_subcore>, window_params = [{transform_indices = #map}, {transform_indices = #map}, {transform_indices = #map}, {transform_indices = #map}, {transform_indices = #map}, {transform_indices = #map1}]} {
    %mul3A = arith.constant 640 : i32
    %mul3A_0 = arith.muli %arg1, %mul3A : i32
    "tpu.region"() ({
      %run_scoped3A = tpu.sem_alloc : memref<!tpu.dma_semaphore, #tpu.memory_space<semaphore_mem>>
      %dma_start3A = arith.constant 0 : i32
      %dma_start3A_13 = tpu.memref_slice %arg11[%mul3A_0, %dma_start3A] : memref<10240x64xf32, #tpu.memory_space<vmem_shared>> -> memref<640x64xf32, #tpu.memory_space<vmem_shared>>
      %dma_start3A_14 = arith.constant 0 : i32
      %dma_start3A_15 = tpu.memref_slice %arg6[%mul3A_0, %dma_start3A_14] : memref<10240x64xf32, #tpu.memory_space<hbm>> -> memref<640x64xf32, #tpu.memory_space<hbm>>
      tpu.enqueue_dma source(%dma_start3A_15 : memref<640x64xf32, #tpu.memory_space<hbm>>) target(%dma_start3A_13 : memref<640x64xf32, #tpu.memory_space<vmem_shared>>) target_semaphore(%run_scoped3A : memref<!tpu.dma_semaphore, #tpu.memory_space<semaphore_mem>>)
      %dma_wait3A = arith.constant 0 : i32
      %dma_wait3A_16 = tpu.memref_slice %arg11[%mul3A_0, %dma_wait3A] : memref<10240x64xf32, #tpu.memory_space<vmem_shared>> -> memref<640x64xf32, #tpu.memory_space<vmem_shared>>
      %dma_wait3A_17 = arith.constant 0 : i32
      %dma_wait3A_18 = tpu.memref_slice %arg6[%mul3A_0, %dma_wait3A_17] : memref<10240x64xf32, #tpu.memory_space<hbm>> -> memref<640x64xf32, #tpu.memory_space<hbm>>
      tpu.wait_dma2 semaphore(%run_scoped3A : memref<!tpu.dma_semaphore, #tpu.memory_space<semaphore_mem>>) src(%dma_wait3A_18 : memref<640x64xf32, #tpu.memory_space<hbm>>) dst(%dma_wait3A_16 : memref<640x64xf32, #tpu.memory_space<vmem_shared>>)
      tpu.yield
    }) : () -> ()
    %mul3A_1 = arith.constant 160 : i32
    %mul3A_2 = arith.muli %arg1, %mul3A_1 : i32
    "tpu.region"() ({
      %run_scoped3A = tpu.sem_alloc : memref<!tpu.dma_semaphore, #tpu.memory_space<semaphore_mem>>
      %dma_start3A = arith.constant 0 : i32
      %dma_start3A_13 = tpu.memref_slice %arg4[%mul3A_2, %dma_start3A] : memref<2560x128xi32, #tpu.memory_space<hbm>> -> memref<160x128xi32, #tpu.memory_space<hbm>>
      %dma_start3A_14 = arith.constant 0 : i32
      %dma_start3A_15 = tpu.memref_slice %arg4[%mul3A_2, %dma_start3A_14] : memref<2560x128xi32, #tpu.memory_space<hbm>> -> memref<160x128xi32, #tpu.memory_space<hbm>>
      tpu.enqueue_dma source(%dma_start3A_15 : memref<160x128xi32, #tpu.memory_space<hbm>>) target(%arg8 : memref<160x128xi32, #tpu.memory_space<vmem>>) target_semaphore(%run_scoped3A : memref<!tpu.dma_semaphore, #tpu.memory_space<semaphore_mem>>)
      %dma_wait3A = arith.constant 0 : i32
      %dma_wait3A_16 = tpu.memref_slice %arg4[%mul3A_2, %dma_wait3A] : memref<2560x128xi32, #tpu.memory_space<hbm>> -> memref<160x128xi32, #tpu.memory_space<hbm>>
      %dma_wait3A_17 = arith.constant 0 : i32
      %dma_wait3A_18 = tpu.memref_slice %arg4[%mul3A_2, %dma_wait3A_17] : memref<2560x128xi32, #tpu.memory_space<hbm>> -> memref<160x128xi32, #tpu.memory_space<hbm>>
      tpu.wait_dma2 semaphore(%run_scoped3A : memref<!tpu.dma_semaphore, #tpu.memory_space<semaphore_mem>>) src(%dma_wait3A_18 : memref<160x128xi32, #tpu.memory_space<hbm>>) dst(%arg8 : memref<160x128xi32, #tpu.memory_space<vmem>>)
      tpu.yield
    }) : () -> ()
    %mul3A_3 = arith.constant 160 : i32
    %mul3A_4 = arith.muli %arg1, %mul3A_3 : i32
    "tpu.region"() ({
      %run_scoped3A = tpu.sem_alloc : memref<!tpu.dma_semaphore, #tpu.memory_space<semaphore_mem>>
      %dma_start3A = arith.constant 0 : i32
      %dma_start3A_13 = tpu.memref_slice %arg5[%mul3A_4, %dma_start3A] : memref<2560x128xi32, #tpu.memory_space<hbm>> -> memref<160x128xi32, #tpu.memory_space<hbm>>
      %dma_start3A_14 = arith.constant 0 : i32
      %dma_start3A_15 = tpu.memref_slice %arg5[%mul3A_4, %dma_start3A_14] : memref<2560x128xi32, #tpu.memory_space<hbm>> -> memref<160x128xi32, #tpu.memory_space<hbm>>
      tpu.enqueue_dma source(%dma_start3A_15 : memref<160x128xi32, #tpu.memory_space<hbm>>) target(%arg9 : memref<160x128xi32, #tpu.memory_space<vmem>>) target_semaphore(%run_scoped3A : memref<!tpu.dma_semaphore, #tpu.memory_space<semaphore_mem>>)
      %dma_wait3A = arith.constant 0 : i32
      %dma_wait3A_16 = tpu.memref_slice %arg5[%mul3A_4, %dma_wait3A] : memref<2560x128xi32, #tpu.memory_space<hbm>> -> memref<160x128xi32, #tpu.memory_space<hbm>>
      %dma_wait3A_17 = arith.constant 0 : i32
      %dma_wait3A_18 = tpu.memref_slice %arg5[%mul3A_4, %dma_wait3A_17] : memref<2560x128xi32, #tpu.memory_space<hbm>> -> memref<160x128xi32, #tpu.memory_space<hbm>>
      tpu.wait_dma2 semaphore(%run_scoped3A : memref<!tpu.dma_semaphore, #tpu.memory_space<semaphore_mem>>) src(%dma_wait3A_18 : memref<160x128xi32, #tpu.memory_space<hbm>>) dst(%arg9 : memref<160x128xi32, #tpu.memory_space<vmem>>)
      tpu.yield
    }) : () -> ()
    %barrier3A = arith.constant 0 : index
    tpu.barrier barrier_id(%barrier3A)
    %eq3A = arith.constant 0 : i32
    %eq3A_5 = arith.cmpi eq, %arg0, %eq3A : i32
    %convert_element_type3A = arith.extui %eq3A_5 : i1 to i32
    %cond3A = arith.constant 0 : i32
    %cond3A_6 = arith.cmpi ne, %convert_element_type3A, %cond3A : i32
    scf.if %cond3A_6 {
      %dma_start3A = arith.constant 0 : i32
      %dma_start3A_13 = arith.constant 0 : i32
      %dma_start3A_14 = arith.constant 0 : i32
      %dma_start3A_15 = arith.constant 0 : i32
      %dma_start3A_16 = tpu.memref_slice %arg10[%dma_start3A_13, %dma_start3A_14, %dma_start3A_15] : memref<4x128x64xf32, #tpu.memory_space<vmem>> -> memref<1x128x64xf32, #tpu.memory_space<vmem>>
      %dma_start3A_17 = tpu.memref_squeeze %dma_start3A_16 : memref<1x128x64xf32, #tpu.memory_space<vmem>> -> memref<128x64xf32, #tpu.memory_space<vmem>>
      %dma_start3A_18 = arith.constant 0 : i32
      %dma_start3A_19 = tpu.memref_slice %arg8[%dma_start3A, %dma_start3A_18] : memref<160x128xi32, #tpu.memory_space<vmem>> -> memref<1x128xi32, #tpu.memory_space<vmem>>
      %dma_start3A_20 = tpu.memref_squeeze %dma_start3A_19 : memref<1x128xi32, #tpu.memory_space<vmem>> -> memref<128xi32, #tpu.memory_space<vmem>>
      %dma_start3A_21 = arith.constant 0 : i32
      %dma_start3A_22 = arith.constant 0 : i32
      %dma_start3A_23 = tpu.memref_slice %arg2[%dma_start3A_21, %dma_start3A_22] : memref<10240x64xf32, #tpu.memory_space<hbm>> -> memref<10240x64xf32, #tpu.memory_space<hbm>>
      tpu.enqueue_indirect_dma source(%dma_start3A_23 : memref<10240x64xf32, #tpu.memory_space<hbm>>) target(%dma_start3A_17 : memref<128x64xf32, #tpu.memory_space<vmem>>) offsets(%dma_start3A_20 : memref<128xi32, #tpu.memory_space<vmem>>) semaphore(%arg12 : memref<!tpu.dma_semaphore, #tpu.memory_space<semaphore_mem>>)
      %dma_start3A_24 = arith.constant 1 : i32
      %dma_start3A_25 = arith.constant 1 : i32
      %dma_start3A_26 = arith.constant 0 : i32
      %dma_start3A_27 = arith.constant 0 : i32
      %dma_start3A_28 = tpu.memref_slice %arg10[%dma_start3A_25, %dma_start3A_26, %dma_start3A_27] : memref<4x128x64xf32, #tpu.memory_space<vmem>> -> memref<1x128x64xf32, #tpu.memory_space<vmem>>
      %dma_start3A_29 = tpu.memref_squeeze %dma_start3A_28 : memref<1x128x64xf32, #tpu.memory_space<vmem>> -> memref<128x64xf32, #tpu.memory_space<vmem>>
      %dma_start3A_30 = arith.constant 0 : i32
      %dma_start3A_31 = tpu.memref_slice %arg8[%dma_start3A_24, %dma_start3A_30] : memref<160x128xi32, #tpu.memory_space<vmem>> -> memref<1x128xi32, #tpu.memory_space<vmem>>
      %dma_start3A_32 = tpu.memref_squeeze %dma_start3A_31 : memref<1x128xi32, #tpu.memory_space<vmem>> -> memref<128xi32, #tpu.memory_space<vmem>>
      %dma_start3A_33 = arith.constant 0 : i32
      %dma_start3A_34 = arith.constant 0 : i32
      %dma_start3A_35 = tpu.memref_slice %arg2[%dma_start3A_33, %dma_start3A_34] : memref<10240x64xf32, #tpu.memory_space<hbm>> -> memref<10240x64xf32, #tpu.memory_space<hbm>>
      tpu.enqueue_indirect_dma source(%dma_start3A_35 : memref<10240x64xf32, #tpu.memory_space<hbm>>) target(%dma_start3A_29 : memref<128x64xf32, #tpu.memory_space<vmem>>) offsets(%dma_start3A_32 : memref<128xi32, #tpu.memory_space<vmem>>) semaphore(%arg13 : memref<!tpu.dma_semaphore, #tpu.memory_space<semaphore_mem>>)
      %dma_start3A_36 = arith.constant 2 : i32
      %dma_start3A_37 = arith.constant 2 : i32
      %dma_start3A_38 = arith.constant 0 : i32
      %dma_start3A_39 = arith.constant 0 : i32
      %dma_start3A_40 = tpu.memref_slice %arg10[%dma_start3A_37, %dma_start3A_38, %dma_start3A_39] : memref<4x128x64xf32, #tpu.memory_space<vmem>> -> memref<1x128x64xf32, #tpu.memory_space<vmem>>
      %dma_start3A_41 = tpu.memref_squeeze %dma_start3A_40 : memref<1x128x64xf32, #tpu.memory_space<vmem>> -> memref<128x64xf32, #tpu.memory_space<vmem>>
      %dma_start3A_42 = arith.constant 0 : i32
      %dma_start3A_43 = tpu.memref_slice %arg8[%dma_start3A_36, %dma_start3A_42] : memref<160x128xi32, #tpu.memory_space<vmem>> -> memref<1x128xi32, #tpu.memory_space<vmem>>
      %dma_start3A_44 = tpu.memref_squeeze %dma_start3A_43 : memref<1x128xi32, #tpu.memory_space<vmem>> -> memref<128xi32, #tpu.memory_space<vmem>>
      %dma_start3A_45 = arith.constant 0 : i32
      %dma_start3A_46 = arith.constant 0 : i32
      %dma_start3A_47 = tpu.memref_slice %arg2[%dma_start3A_45, %dma_start3A_46] : memref<10240x64xf32, #tpu.memory_space<hbm>> -> memref<10240x64xf32, #tpu.memory_space<hbm>>
      tpu.enqueue_indirect_dma source(%dma_start3A_47 : memref<10240x64xf32, #tpu.memory_space<hbm>>) target(%dma_start3A_41 : memref<128x64xf32, #tpu.memory_space<vmem>>) offsets(%dma_start3A_44 : memref<128xi32, #tpu.memory_space<vmem>>) semaphore(%arg14 : memref<!tpu.dma_semaphore, #tpu.memory_space<semaphore_mem>>)
      %dma_start3A_48 = arith.constant 3 : i32
      %dma_start3A_49 = arith.constant 3 : i32
      %dma_start3A_50 = arith.constant 0 : i32
      %dma_start3A_51 = arith.constant 0 : i32
      %dma_start3A_52 = tpu.memref_slice %arg10[%dma_start3A_49, %dma_start3A_50, %dma_start3A_51] : memref<4x128x64xf32, #tpu.memory_space<vmem>> -> memref<1x128x64xf32, #tpu.memory_space<vmem>>
      %dma_start3A_53 = tpu.memref_squeeze %dma_start3A_52 : memref<1x128x64xf32, #tpu.memory_space<vmem>> -> memref<128x64xf32, #tpu.memory_space<vmem>>
      %dma_start3A_54 = arith.constant 0 : i32
      %dma_start3A_55 = tpu.memref_slice %arg8[%dma_start3A_48, %dma_start3A_54] : memref<160x128xi32, #tpu.memory_space<vmem>> -> memref<1x128xi32, #tpu.memory_space<vmem>>
      %dma_start3A_56 = tpu.memref_squeeze %dma_start3A_55 : memref<1x128xi32, #tpu.memory_space<vmem>> -> memref<128xi32, #tpu.memory_space<vmem>>
      %dma_start3A_57 = arith.constant 0 : i32
      %dma_start3A_58 = arith.constant 0 : i32
      %dma_start3A_59 = tpu.memref_slice %arg2[%dma_start3A_57, %dma_start3A_58] : memref<10240x64xf32, #tpu.memory_space<hbm>> -> memref<10240x64xf32, #tpu.memory_space<hbm>>
      tpu.enqueue_indirect_dma source(%dma_start3A_59 : memref<10240x64xf32, #tpu.memory_space<hbm>>) target(%dma_start3A_53 : memref<128x64xf32, #tpu.memory_space<vmem>>) offsets(%dma_start3A_56 : memref<128xi32, #tpu.memory_space<vmem>>) semaphore(%arg15 : memref<!tpu.dma_semaphore, #tpu.memory_space<semaphore_mem>>)
      %scan3A = arith.constant 0 : i32
      %scan3A_60 = arith.constant 0 : i32
      %scan3A_61 = arith.constant 39 : i32
      %scan3A_62 = arith.addi %scan3A_60, %scan3A_61 : i32
      %scan3A_63 = arith.constant 1 : i32
      scf.for %scan3A_119 = %scan3A_60 to %scan3A_62 step %scan3A_63  : i32 {
        %mul3A_120 = arith.constant 4 : i32
        %mul3A_121 = arith.muli %scan3A_119, %mul3A_120 : i32
        %add3A = arith.constant 0 : i32
        %add3A_122 = arith.addi %mul3A_121, %add3A : i32
        %dma_wait3A_123 = arith.constant 0 : i32
        %dma_wait3A_124 = arith.constant 0 : i32
        %dma_wait3A_125 = arith.constant 0 : i32
        %dma_wait3A_126 = tpu.memref_slice %arg10[%dma_wait3A_123, %dma_wait3A_124, %dma_wait3A_125] : memref<4x128x64xf32, #tpu.memory_space<vmem>> -> memref<1x128x64xf32, #tpu.memory_space<vmem>>
        %dma_wait3A_127 = tpu.memref_squeeze %dma_wait3A_126 : memref<1x128x64xf32, #tpu.memory_space<vmem>> -> memref<128x64xf32, #tpu.memory_space<vmem>>
        %dma_wait3A_128 = arith.constant 0 : i32
        %dma_wait3A_129 = tpu.memref_slice %arg8[%add3A_122, %dma_wait3A_128] : memref<160x128xi32, #tpu.memory_space<vmem>> -> memref<1x128xi32, #tpu.memory_space<vmem>>
        %dma_wait3A_130 = tpu.memref_squeeze %dma_wait3A_129 : memref<1x128xi32, #tpu.memory_space<vmem>> -> memref<128xi32, #tpu.memory_space<vmem>>
        %dma_wait3A_131 = arith.constant 0 : i32
        %dma_wait3A_132 = arith.constant 0 : i32
        %dma_wait3A_133 = tpu.memref_slice %arg2[%dma_wait3A_131, %dma_wait3A_132] : memref<10240x64xf32, #tpu.memory_space<hbm>> -> memref<10240x64xf32, #tpu.memory_space<hbm>>
        tpu.wait_indirect_dma semaphore(%arg12 : memref<!tpu.dma_semaphore, #tpu.memory_space<semaphore_mem>>) src(%dma_wait3A_133 : memref<10240x64xf32, #tpu.memory_space<hbm>>) dst(%dma_wait3A_127 : memref<128x64xf32, #tpu.memory_space<vmem>>)
        %run_scoped3A_134 = arith.constant 0 : i32
        "tpu.region"() ({
          %run_scoped3A_235 = tpu.sem_alloc : memref<!tpu.dma_semaphore, #tpu.memory_space<semaphore_mem>>
          %dma_start3A_236 = arith.constant 0 : i32
          %dma_start3A_237 = arith.constant 0 : i32
          %dma_start3A_238 = tpu.memref_slice %arg10[%run_scoped3A_134, %dma_start3A_236, %dma_start3A_237] : memref<4x128x64xf32, #tpu.memory_space<vmem>> -> memref<1x128x64xf32, #tpu.memory_space<vmem>>
          %dma_start3A_239 = tpu.memref_squeeze %dma_start3A_238 : memref<1x128x64xf32, #tpu.memory_space<vmem>> -> memref<128x64xf32, #tpu.memory_space<vmem>>
          %dma_start3A_240 = arith.constant 0 : i32
          %dma_start3A_241 = tpu.memref_slice %arg9[%add3A_122, %dma_start3A_240] : memref<160x128xi32, #tpu.memory_space<vmem>> -> memref<1x128xi32, #tpu.memory_space<vmem>>
          %dma_start3A_242 = tpu.memref_squeeze %dma_start3A_241 : memref<1x128xi32, #tpu.memory_space<vmem>> -> memref<128xi32, #tpu.memory_space<vmem>>
          %dma_start3A_243 = arith.constant 0 : i32
          %dma_start3A_244 = arith.constant 0 : i32
          %dma_start3A_245 = tpu.memref_slice %arg11[%dma_start3A_243, %dma_start3A_244] : memref<10240x64xf32, #tpu.memory_space<vmem_shared>> -> memref<10240x64xf32, #tpu.memory_space<vmem_shared>>
          tpu.enqueue_indirect_dma source(%dma_start3A_239 : memref<128x64xf32, #tpu.memory_space<vmem>>) target(%dma_start3A_245 : memref<10240x64xf32, #tpu.memory_space<vmem_shared>>) offsets(%dma_start3A_242 : memref<128xi32, #tpu.memory_space<vmem>>) semaphore(%run_scoped3A_235 : memref<!tpu.dma_semaphore, #tpu.memory_space<semaphore_mem>>) {add = true}
          %dma_wait3A_246 = arith.constant 0 : i32
          %dma_wait3A_247 = arith.constant 0 : i32
          %dma_wait3A_248 = tpu.memref_slice %arg10[%run_scoped3A_134, %dma_wait3A_246, %dma_wait3A_247] : memref<4x128x64xf32, #tpu.memory_space<vmem>> -> memref<1x128x64xf32, #tpu.memory_space<vmem>>
          %dma_wait3A_249 = tpu.memref_squeeze %dma_wait3A_248 : memref<1x128x64xf32, #tpu.memory_space<vmem>> -> memref<128x64xf32, #tpu.memory_space<vmem>>
          %dma_wait3A_250 = arith.constant 0 : i32
          %dma_wait3A_251 = tpu.memref_slice %arg9[%add3A_122, %dma_wait3A_250] : memref<160x128xi32, #tpu.memory_space<vmem>> -> memref<1x128xi32, #tpu.memory_space<vmem>>
          %dma_wait3A_252 = tpu.memref_squeeze %dma_wait3A_251 : memref<1x128xi32, #tpu.memory_space<vmem>> -> memref<128xi32, #tpu.memory_space<vmem>>
          %dma_wait3A_253 = arith.constant 0 : i32
          %dma_wait3A_254 = arith.constant 0 : i32
          %dma_wait3A_255 = tpu.memref_slice %arg11[%dma_wait3A_253, %dma_wait3A_254] : memref<10240x64xf32, #tpu.memory_space<vmem_shared>> -> memref<10240x64xf32, #tpu.memory_space<vmem_shared>>
          tpu.wait_indirect_dma semaphore(%run_scoped3A_235 : memref<!tpu.dma_semaphore, #tpu.memory_space<semaphore_mem>>) src(%dma_wait3A_249 : memref<128x64xf32, #tpu.memory_space<vmem>>) dst(%dma_wait3A_255 : memref<10240x64xf32, #tpu.memory_space<vmem_shared>>)
          tpu.yield
        }) : () -> ()
        %add3A_135 = arith.constant 4 : i32
        %add3A_136 = arith.addi %add3A_122, %add3A_135 : i32
        %dma_start3A_137 = arith.constant 0 : i32
        %dma_start3A_138 = arith.constant 0 : i32
        %dma_start3A_139 = arith.constant 0 : i32
        %dma_start3A_140 = tpu.memref_slice %arg10[%dma_start3A_137, %dma_start3A_138, %dma_start3A_139] : memref<4x128x64xf32, #tpu.memory_space<vmem>> -> memref<1x128x64xf32, #tpu.memory_space<vmem>>
        %dma_start3A_141 = tpu.memref_squeeze %dma_start3A_140 : memref<1x128x64xf32, #tpu.memory_space<vmem>> -> memref<128x64xf32, #tpu.memory_space<vmem>>
        %dma_start3A_142 = arith.constant 0 : i32
        %dma_start3A_143 = tpu.memref_slice %arg8[%add3A_136, %dma_start3A_142] : memref<160x128xi32, #tpu.memory_space<vmem>> -> memref<1x128xi32, #tpu.memory_space<vmem>>
        %dma_start3A_144 = tpu.memref_squeeze %dma_start3A_143 : memref<1x128xi32, #tpu.memory_space<vmem>> -> memref<128xi32, #tpu.memory_space<vmem>>
        %dma_start3A_145 = arith.constant 0 : i32
        %dma_start3A_146 = arith.constant 0 : i32
        %dma_start3A_147 = tpu.memref_slice %arg2[%dma_start3A_145, %dma_start3A_146] : memref<10240x64xf32, #tpu.memory_space<hbm>> -> memref<10240x64xf32, #tpu.memory_space<hbm>>
        tpu.enqueue_indirect_dma source(%dma_start3A_147 : memref<10240x64xf32, #tpu.memory_space<hbm>>) target(%dma_start3A_141 : memref<128x64xf32, #tpu.memory_space<vmem>>) offsets(%dma_start3A_144 : memref<128xi32, #tpu.memory_space<vmem>>) semaphore(%arg12 : memref<!tpu.dma_semaphore, #tpu.memory_space<semaphore_mem>>)
        %mul3A_148 = arith.constant 4 : i32
        %mul3A_149 = arith.muli %scan3A_119, %mul3A_148 : i32
        %add3A_150 = arith.constant 1 : i32
        %add3A_151 = arith.addi %mul3A_149, %add3A_150 : i32
        %dma_wait3A_152 = arith.constant 1 : i32
        %dma_wait3A_153 = arith.constant 0 : i32
        %dma_wait3A_154 = arith.constant 0 : i32
        %dma_wait3A_155 = tpu.memref_slice %arg10[%dma_wait3A_152, %dma_wait3A_153, %dma_wait3A_154] : memref<4x128x64xf32, #tpu.memory_space<vmem>> -> memref<1x128x64xf32, #tpu.memory_space<vmem>>
        %dma_wait3A_156 = tpu.memref_squeeze %dma_wait3A_155 : memref<1x128x64xf32, #tpu.memory_space<vmem>> -> memref<128x64xf32, #tpu.memory_space<vmem>>
        %dma_wait3A_157 = arith.constant 0 : i32
        %dma_wait3A_158 = tpu.memref_slice %arg8[%add3A_151, %dma_wait3A_157] : memref<160x128xi32, #tpu.memory_space<vmem>> -> memref<1x128xi32, #tpu.memory_space<vmem>>
        %dma_wait3A_159 = tpu.memref_squeeze %dma_wait3A_158 : memref<1x128xi32, #tpu.memory_space<vmem>> -> memref<128xi32, #tpu.memory_space<vmem>>
        %dma_wait3A_160 = arith.constant 0 : i32
        %dma_wait3A_161 = arith.constant 0 : i32
        %dma_wait3A_162 = tpu.memref_slice %arg2[%dma_wait3A_160, %dma_wait3A_161] : memref<10240x64xf32, #tpu.memory_space<hbm>> -> memref<10240x64xf32, #tpu.memory_space<hbm>>
        tpu.wait_indirect_dma semaphore(%arg13 : memref<!tpu.dma_semaphore, #tpu.memory_space<semaphore_mem>>) src(%dma_wait3A_162 : memref<10240x64xf32, #tpu.memory_space<hbm>>) dst(%dma_wait3A_156 : memref<128x64xf32, #tpu.memory_space<vmem>>)
        %run_scoped3A_163 = arith.constant 1 : i32
        "tpu.region"() ({
          %run_scoped3A_235 = tpu.sem_alloc : memref<!tpu.dma_semaphore, #tpu.memory_space<semaphore_mem>>
          %dma_start3A_236 = arith.constant 0 : i32
          %dma_start3A_237 = arith.constant 0 : i32
          %dma_start3A_238 = tpu.memref_slice %arg10[%run_scoped3A_163, %dma_start3A_236, %dma_start3A_237] : memref<4x128x64xf32, #tpu.memory_space<vmem>> -> memref<1x128x64xf32, #tpu.memory_space<vmem>>
          %dma_start3A_239 = tpu.memref_squeeze %dma_start3A_238 : memref<1x128x64xf32, #tpu.memory_space<vmem>> -> memref<128x64xf32, #tpu.memory_space<vmem>>
          %dma_start3A_240 = arith.constant 0 : i32
          %dma_start3A_241 = tpu.memref_slice %arg9[%add3A_151, %dma_start3A_240] : memref<160x128xi32, #tpu.memory_space<vmem>> -> memref<1x128xi32, #tpu.memory_space<vmem>>
          %dma_start3A_242 = tpu.memref_squeeze %dma_start3A_241 : memref<1x128xi32, #tpu.memory_space<vmem>> -> memref<128xi32, #tpu.memory_space<vmem>>
          %dma_start3A_243 = arith.constant 0 : i32
          %dma_start3A_244 = arith.constant 0 : i32
          %dma_start3A_245 = tpu.memref_slice %arg11[%dma_start3A_243, %dma_start3A_244] : memref<10240x64xf32, #tpu.memory_space<vmem_shared>> -> memref<10240x64xf32, #tpu.memory_space<vmem_shared>>
          tpu.enqueue_indirect_dma source(%dma_start3A_239 : memref<128x64xf32, #tpu.memory_space<vmem>>) target(%dma_start3A_245 : memref<10240x64xf32, #tpu.memory_space<vmem_shared>>) offsets(%dma_start3A_242 : memref<128xi32, #tpu.memory_space<vmem>>) semaphore(%run_scoped3A_235 : memref<!tpu.dma_semaphore, #tpu.memory_space<semaphore_mem>>) {add = true}
          %dma_wait3A_246 = arith.constant 0 : i32
          %dma_wait3A_247 = arith.constant 0 : i32
          %dma_wait3A_248 = tpu.memref_slice %arg10[%run_scoped3A_163, %dma_wait3A_246, %dma_wait3A_247] : memref<4x128x64xf32, #tpu.memory_space<vmem>> -> memref<1x128x64xf32, #tpu.memory_space<vmem>>
          %dma_wait3A_249 = tpu.memref_squeeze %dma_wait3A_248 : memref<1x128x64xf32, #tpu.memory_space<vmem>> -> memref<128x64xf32, #tpu.memory_space<vmem>>
          %dma_wait3A_250 = arith.constant 0 : i32
          %dma_wait3A_251 = tpu.memref_slice %arg9[%add3A_151, %dma_wait3A_250] : memref<160x128xi32, #tpu.memory_space<vmem>> -> memref<1x128xi32, #tpu.memory_space<vmem>>
          %dma_wait3A_252 = tpu.memref_squeeze %dma_wait3A_251 : memref<1x128xi32, #tpu.memory_space<vmem>> -> memref<128xi32, #tpu.memory_space<vmem>>
          %dma_wait3A_253 = arith.constant 0 : i32
          %dma_wait3A_254 = arith.constant 0 : i32
          %dma_wait3A_255 = tpu.memref_slice %arg11[%dma_wait3A_253, %dma_wait3A_254] : memref<10240x64xf32, #tpu.memory_space<vmem_shared>> -> memref<10240x64xf32, #tpu.memory_space<vmem_shared>>
          tpu.wait_indirect_dma semaphore(%run_scoped3A_235 : memref<!tpu.dma_semaphore, #tpu.memory_space<semaphore_mem>>) src(%dma_wait3A_249 : memref<128x64xf32, #tpu.memory_space<vmem>>) dst(%dma_wait3A_255 : memref<10240x64xf32, #tpu.memory_space<vmem_shared>>)
          tpu.yield
        }) : () -> ()
        %add3A_164 = arith.constant 4 : i32
        %add3A_165 = arith.addi %add3A_151, %add3A_164 : i32
        %dma_start3A_166 = arith.constant 1 : i32
        %dma_start3A_167 = arith.constant 0 : i32
        %dma_start3A_168 = arith.constant 0 : i32
        %dma_start3A_169 = tpu.memref_slice %arg10[%dma_start3A_166, %dma_start3A_167, %dma_start3A_168] : memref<4x128x64xf32, #tpu.memory_space<vmem>> -> memref<1x128x64xf32, #tpu.memory_space<vmem>>
        %dma_start3A_170 = tpu.memref_squeeze %dma_start3A_169 : memref<1x128x64xf32, #tpu.memory_space<vmem>> -> memref<128x64xf32, #tpu.memory_space<vmem>>
        %dma_start3A_171 = arith.constant 0 : i32
        %dma_start3A_172 = tpu.memref_slice %arg8[%add3A_165, %dma_start3A_171] : memref<160x128xi32, #tpu.memory_space<vmem>> -> memref<1x128xi32, #tpu.memory_space<vmem>>
        %dma_start3A_173 = tpu.memref_squeeze %dma_start3A_172 : memref<1x128xi32, #tpu.memory_space<vmem>> -> memref<128xi32, #tpu.memory_space<vmem>>
        %dma_start3A_174 = arith.constant 0 : i32
        %dma_start3A_175 = arith.constant 0 : i32
        %dma_start3A_176 = tpu.memref_slice %arg2[%dma_start3A_174, %dma_start3A_175] : memref<10240x64xf32, #tpu.memory_space<hbm>> -> memref<10240x64xf32, #tpu.memory_space<hbm>>
        tpu.enqueue_indirect_dma source(%dma_start3A_176 : memref<10240x64xf32, #tpu.memory_space<hbm>>) target(%dma_start3A_170 : memref<128x64xf32, #tpu.memory_space<vmem>>) offsets(%dma_start3A_173 : memref<128xi32, #tpu.memory_space<vmem>>) semaphore(%arg13 : memref<!tpu.dma_semaphore, #tpu.memory_space<semaphore_mem>>)
        %mul3A_177 = arith.constant 4 : i32
        %mul3A_178 = arith.muli %scan3A_119, %mul3A_177 : i32
        %add3A_179 = arith.constant 2 : i32
        %add3A_180 = arith.addi %mul3A_178, %add3A_179 : i32
        %dma_wait3A_181 = arith.constant 2 : i32
        %dma_wait3A_182 = arith.constant 0 : i32
        %dma_wait3A_183 = arith.constant 0 : i32
        %dma_wait3A_184 = tpu.memref_slice %arg10[%dma_wait3A_181, %dma_wait3A_182, %dma_wait3A_183] : memref<4x128x64xf32, #tpu.memory_space<vmem>> -> memref<1x128x64xf32, #tpu.memory_space<vmem>>
        %dma_wait3A_185 = tpu.memref_squeeze %dma_wait3A_184 : memref<1x128x64xf32, #tpu.memory_space<vmem>> -> memref<128x64xf32, #tpu.memory_space<vmem>>
        %dma_wait3A_186 = arith.constant 0 : i32
        %dma_wait3A_187 = tpu.memref_slice %arg8[%add3A_180, %dma_wait3A_186] : memref<160x128xi32, #tpu.memory_space<vmem>> -> memref<1x128xi32, #tpu.memory_space<vmem>>
        %dma_wait3A_188 = tpu.memref_squeeze %dma_wait3A_187 : memref<1x128xi32, #tpu.memory_space<vmem>> -> memref<128xi32, #tpu.memory_space<vmem>>
        %dma_wait3A_189 = arith.constant 0 : i32
        %dma_wait3A_190 = arith.constant 0 : i32
        %dma_wait3A_191 = tpu.memref_slice %arg2[%dma_wait3A_189, %dma_wait3A_190] : memref<10240x64xf32, #tpu.memory_space<hbm>> -> memref<10240x64xf32, #tpu.memory_space<hbm>>
        tpu.wait_indirect_dma semaphore(%arg14 : memref<!tpu.dma_semaphore, #tpu.memory_space<semaphore_mem>>) src(%dma_wait3A_191 : memref<10240x64xf32, #tpu.memory_space<hbm>>) dst(%dma_wait3A_185 : memref<128x64xf32, #tpu.memory_space<vmem>>)
        %run_scoped3A_192 = arith.constant 2 : i32
        "tpu.region"() ({
          %run_scoped3A_235 = tpu.sem_alloc : memref<!tpu.dma_semaphore, #tpu.memory_space<semaphore_mem>>
          %dma_start3A_236 = arith.constant 0 : i32
          %dma_start3A_237 = arith.constant 0 : i32
          %dma_start3A_238 = tpu.memref_slice %arg10[%run_scoped3A_192, %dma_start3A_236, %dma_start3A_237] : memref<4x128x64xf32, #tpu.memory_space<vmem>> -> memref<1x128x64xf32, #tpu.memory_space<vmem>>
          %dma_start3A_239 = tpu.memref_squeeze %dma_start3A_238 : memref<1x128x64xf32, #tpu.memory_space<vmem>> -> memref<128x64xf32, #tpu.memory_space<vmem>>
          %dma_start3A_240 = arith.constant 0 : i32
          %dma_start3A_241 = tpu.memref_slice %arg9[%add3A_180, %dma_start3A_240] : memref<160x128xi32, #tpu.memory_space<vmem>> -> memref<1x128xi32, #tpu.memory_space<vmem>>
          %dma_start3A_242 = tpu.memref_squeeze %dma_start3A_241 : memref<1x128xi32, #tpu.memory_space<vmem>> -> memref<128xi32, #tpu.memory_space<vmem>>
          %dma_start3A_243 = arith.constant 0 : i32
          %dma_start3A_244 = arith.constant 0 : i32
          %dma_start3A_245 = tpu.memref_slice %arg11[%dma_start3A_243, %dma_start3A_244] : memref<10240x64xf32, #tpu.memory_space<vmem_shared>> -> memref<10240x64xf32, #tpu.memory_space<vmem_shared>>
          tpu.enqueue_indirect_dma source(%dma_start3A_239 : memref<128x64xf32, #tpu.memory_space<vmem>>) target(%dma_start3A_245 : memref<10240x64xf32, #tpu.memory_space<vmem_shared>>) offsets(%dma_start3A_242 : memref<128xi32, #tpu.memory_space<vmem>>) semaphore(%run_scoped3A_235 : memref<!tpu.dma_semaphore, #tpu.memory_space<semaphore_mem>>) {add = true}
          %dma_wait3A_246 = arith.constant 0 : i32
          %dma_wait3A_247 = arith.constant 0 : i32
          %dma_wait3A_248 = tpu.memref_slice %arg10[%run_scoped3A_192, %dma_wait3A_246, %dma_wait3A_247] : memref<4x128x64xf32, #tpu.memory_space<vmem>> -> memref<1x128x64xf32, #tpu.memory_space<vmem>>
          %dma_wait3A_249 = tpu.memref_squeeze %dma_wait3A_248 : memref<1x128x64xf32, #tpu.memory_space<vmem>> -> memref<128x64xf32, #tpu.memory_space<vmem>>
          %dma_wait3A_250 = arith.constant 0 : i32
          %dma_wait3A_251 = tpu.memref_slice %arg9[%add3A_180, %dma_wait3A_250] : memref<160x128xi32, #tpu.memory_space<vmem>> -> memref<1x128xi32, #tpu.memory_space<vmem>>
          %dma_wait3A_252 = tpu.memref_squeeze %dma_wait3A_251 : memref<1x128xi32, #tpu.memory_space<vmem>> -> memref<128xi32, #tpu.memory_space<vmem>>
          %dma_wait3A_253 = arith.constant 0 : i32
          %dma_wait3A_254 = arith.constant 0 : i32
          %dma_wait3A_255 = tpu.memref_slice %arg11[%dma_wait3A_253, %dma_wait3A_254] : memref<10240x64xf32, #tpu.memory_space<vmem_shared>> -> memref<10240x64xf32, #tpu.memory_space<vmem_shared>>
          tpu.wait_indirect_dma semaphore(%run_scoped3A_235 : memref<!tpu.dma_semaphore, #tpu.memory_space<semaphore_mem>>) src(%dma_wait3A_249 : memref<128x64xf32, #tpu.memory_space<vmem>>) dst(%dma_wait3A_255 : memref<10240x64xf32, #tpu.memory_space<vmem_shared>>)
          tpu.yield
        }) : () -> ()
        %add3A_193 = arith.constant 4 : i32
        %add3A_194 = arith.addi %add3A_180, %add3A_193 : i32
        %dma_start3A_195 = arith.constant 2 : i32
        %dma_start3A_196 = arith.constant 0 : i32
        %dma_start3A_197 = arith.constant 0 : i32
        %dma_start3A_198 = tpu.memref_slice %arg10[%dma_start3A_195, %dma_start3A_196, %dma_start3A_197] : memref<4x128x64xf32, #tpu.memory_space<vmem>> -> memref<1x128x64xf32, #tpu.memory_space<vmem>>
        %dma_start3A_199 = tpu.memref_squeeze %dma_start3A_198 : memref<1x128x64xf32, #tpu.memory_space<vmem>> -> memref<128x64xf32, #tpu.memory_space<vmem>>
        %dma_start3A_200 = arith.constant 0 : i32
        %dma_start3A_201 = tpu.memref_slice %arg8[%add3A_194, %dma_start3A_200] : memref<160x128xi32, #tpu.memory_space<vmem>> -> memref<1x128xi32, #tpu.memory_space<vmem>>
        %dma_start3A_202 = tpu.memref_squeeze %dma_start3A_201 : memref<1x128xi32, #tpu.memory_space<vmem>> -> memref<128xi32, #tpu.memory_space<vmem>>
        %dma_start3A_203 = arith.constant 0 : i32
        %dma_start3A_204 = arith.constant 0 : i32
        %dma_start3A_205 = tpu.memref_slice %arg2[%dma_start3A_203, %dma_start3A_204] : memref<10240x64xf32, #tpu.memory_space<hbm>> -> memref<10240x64xf32, #tpu.memory_space<hbm>>
        tpu.enqueue_indirect_dma source(%dma_start3A_205 : memref<10240x64xf32, #tpu.memory_space<hbm>>) target(%dma_start3A_199 : memref<128x64xf32, #tpu.memory_space<vmem>>) offsets(%dma_start3A_202 : memref<128xi32, #tpu.memory_space<vmem>>) semaphore(%arg14 : memref<!tpu.dma_semaphore, #tpu.memory_space<semaphore_mem>>)
        %mul3A_206 = arith.constant 4 : i32
        %mul3A_207 = arith.muli %scan3A_119, %mul3A_206 : i32
        %add3A_208 = arith.constant 3 : i32
        %add3A_209 = arith.addi %mul3A_207, %add3A_208 : i32
        %dma_wait3A_210 = arith.constant 3 : i32
        %dma_wait3A_211 = arith.constant 0 : i32
        %dma_wait3A_212 = arith.constant 0 : i32
        %dma_wait3A_213 = tpu.memref_slice %arg10[%dma_wait3A_210, %dma_wait3A_211, %dma_wait3A_212] : memref<4x128x64xf32, #tpu.memory_space<vmem>> -> memref<1x128x64xf32, #tpu.memory_space<vmem>>
        %dma_wait3A_214 = tpu.memref_squeeze %dma_wait3A_213 : memref<1x128x64xf32, #tpu.memory_space<vmem>> -> memref<128x64xf32, #tpu.memory_space<vmem>>
        %dma_wait3A_215 = arith.constant 0 : i32
        %dma_wait3A_216 = tpu.memref_slice %arg8[%add3A_209, %dma_wait3A_215] : memref<160x128xi32, #tpu.memory_space<vmem>> -> memref<1x128xi32, #tpu.memory_space<vmem>>
        %dma_wait3A_217 = tpu.memref_squeeze %dma_wait3A_216 : memref<1x128xi32, #tpu.memory_space<vmem>> -> memref<128xi32, #tpu.memory_space<vmem>>
        %dma_wait3A_218 = arith.constant 0 : i32
        %dma_wait3A_219 = arith.constant 0 : i32
        %dma_wait3A_220 = tpu.memref_slice %arg2[%dma_wait3A_218, %dma_wait3A_219] : memref<10240x64xf32, #tpu.memory_space<hbm>> -> memref<10240x64xf32, #tpu.memory_space<hbm>>
        tpu.wait_indirect_dma semaphore(%arg15 : memref<!tpu.dma_semaphore, #tpu.memory_space<semaphore_mem>>) src(%dma_wait3A_220 : memref<10240x64xf32, #tpu.memory_space<hbm>>) dst(%dma_wait3A_214 : memref<128x64xf32, #tpu.memory_space<vmem>>)
        %run_scoped3A_221 = arith.constant 3 : i32
        "tpu.region"() ({
          %run_scoped3A_235 = tpu.sem_alloc : memref<!tpu.dma_semaphore, #tpu.memory_space<semaphore_mem>>
          %dma_start3A_236 = arith.constant 0 : i32
          %dma_start3A_237 = arith.constant 0 : i32
          %dma_start3A_238 = tpu.memref_slice %arg10[%run_scoped3A_221, %dma_start3A_236, %dma_start3A_237] : memref<4x128x64xf32, #tpu.memory_space<vmem>> -> memref<1x128x64xf32, #tpu.memory_space<vmem>>
          %dma_start3A_239 = tpu.memref_squeeze %dma_start3A_238 : memref<1x128x64xf32, #tpu.memory_space<vmem>> -> memref<128x64xf32, #tpu.memory_space<vmem>>
          %dma_start3A_240 = arith.constant 0 : i32
          %dma_start3A_241 = tpu.memref_slice %arg9[%add3A_209, %dma_start3A_240] : memref<160x128xi32, #tpu.memory_space<vmem>> -> memref<1x128xi32, #tpu.memory_space<vmem>>
          %dma_start3A_242 = tpu.memref_squeeze %dma_start3A_241 : memref<1x128xi32, #tpu.memory_space<vmem>> -> memref<128xi32, #tpu.memory_space<vmem>>
          %dma_start3A_243 = arith.constant 0 : i32
          %dma_start3A_244 = arith.constant 0 : i32
          %dma_start3A_245 = tpu.memref_slice %arg11[%dma_start3A_243, %dma_start3A_244] : memref<10240x64xf32, #tpu.memory_space<vmem_shared>> -> memref<10240x64xf32, #tpu.memory_space<vmem_shared>>
          tpu.enqueue_indirect_dma source(%dma_start3A_239 : memref<128x64xf32, #tpu.memory_space<vmem>>) target(%dma_start3A_245 : memref<10240x64xf32, #tpu.memory_space<vmem_shared>>) offsets(%dma_start3A_242 : memref<128xi32, #tpu.memory_space<vmem>>) semaphore(%run_scoped3A_235 : memref<!tpu.dma_semaphore, #tpu.memory_space<semaphore_mem>>) {add = true}
          %dma_wait3A_246 = arith.constant 0 : i32
          %dma_wait3A_247 = arith.constant 0 : i32
          %dma_wait3A_248 = tpu.memref_slice %arg10[%run_scoped3A_221, %dma_wait3A_246, %dma_wait3A_247] : memref<4x128x64xf32, #tpu.memory_space<vmem>> -> memref<1x128x64xf32, #tpu.memory_space<vmem>>
          %dma_wait3A_249 = tpu.memref_squeeze %dma_wait3A_248 : memref<1x128x64xf32, #tpu.memory_space<vmem>> -> memref<128x64xf32, #tpu.memory_space<vmem>>
          %dma_wait3A_250 = arith.constant 0 : i32
          %dma_wait3A_251 = tpu.memref_slice %arg9[%add3A_209, %dma_wait3A_250] : memref<160x128xi32, #tpu.memory_space<vmem>> -> memref<1x128xi32, #tpu.memory_space<vmem>>
          %dma_wait3A_252 = tpu.memref_squeeze %dma_wait3A_251 : memref<1x128xi32, #tpu.memory_space<vmem>> -> memref<128xi32, #tpu.memory_space<vmem>>
          %dma_wait3A_253 = arith.constant 0 : i32
          %dma_wait3A_254 = arith.constant 0 : i32
          %dma_wait3A_255 = tpu.memref_slice %arg11[%dma_wait3A_253, %dma_wait3A_254] : memref<10240x64xf32, #tpu.memory_space<vmem_shared>> -> memref<10240x64xf32, #tpu.memory_space<vmem_shared>>
          tpu.wait_indirect_dma semaphore(%run_scoped3A_235 : memref<!tpu.dma_semaphore, #tpu.memory_space<semaphore_mem>>) src(%dma_wait3A_249 : memref<128x64xf32, #tpu.memory_space<vmem>>) dst(%dma_wait3A_255 : memref<10240x64xf32, #tpu.memory_space<vmem_shared>>)
          tpu.yield
        }) : () -> ()
        %add3A_222 = arith.constant 4 : i32
        %add3A_223 = arith.addi %add3A_209, %add3A_222 : i32
        %dma_start3A_224 = arith.constant 3 : i32
        %dma_start3A_225 = arith.constant 0 : i32
        %dma_start3A_226 = arith.constant 0 : i32
        %dma_start3A_227 = tpu.memref_slice %arg10[%dma_start3A_224, %dma_start3A_225, %dma_start3A_226] : memref<4x128x64xf32, #tpu.memory_space<vmem>> -> memref<1x128x64xf32, #tpu.memory_space<vmem>>
        %dma_start3A_228 = tpu.memref_squeeze %dma_start3A_227 : memref<1x128x64xf32, #tpu.memory_space<vmem>> -> memref<128x64xf32, #tpu.memory_space<vmem>>
        %dma_start3A_229 = arith.constant 0 : i32
        %dma_start3A_230 = tpu.memref_slice %arg8[%add3A_223, %dma_start3A_229] : memref<160x128xi32, #tpu.memory_space<vmem>> -> memref<1x128xi32, #tpu.memory_space<vmem>>
        %dma_start3A_231 = tpu.memref_squeeze %dma_start3A_230 : memref<1x128xi32, #tpu.memory_space<vmem>> -> memref<128xi32, #tpu.memory_space<vmem>>
        %dma_start3A_232 = arith.constant 0 : i32
        %dma_start3A_233 = arith.constant 0 : i32
        %dma_start3A_234 = tpu.memref_slice %arg2[%dma_start3A_232, %dma_start3A_233] : memref<10240x64xf32, #tpu.memory_space<hbm>> -> memref<10240x64xf32, #tpu.memory_space<hbm>>
        tpu.enqueue_indirect_dma source(%dma_start3A_234 : memref<10240x64xf32, #tpu.memory_space<hbm>>) target(%dma_start3A_228 : memref<128x64xf32, #tpu.memory_space<vmem>>) offsets(%dma_start3A_231 : memref<128xi32, #tpu.memory_space<vmem>>) semaphore(%arg15 : memref<!tpu.dma_semaphore, #tpu.memory_space<semaphore_mem>>)
      }
      %scan3A_64 = arith.constant 39 : i32
      %dma_wait3A = arith.constant 156 : i32
      %dma_wait3A_65 = arith.constant 0 : i32
      %dma_wait3A_66 = arith.constant 0 : i32
      %dma_wait3A_67 = arith.constant 0 : i32
      %dma_wait3A_68 = tpu.memref_slice %arg10[%dma_wait3A_65, %dma_wait3A_66, %dma_wait3A_67] : memref<4x128x64xf32, #tpu.memory_space<vmem>> -> memref<1x128x64xf32, #tpu.memory_space<vmem>>
      %dma_wait3A_69 = tpu.memref_squeeze %dma_wait3A_68 : memref<1x128x64xf32, #tpu.memory_space<vmem>> -> memref<128x64xf32, #tpu.memory_space<vmem>>
      %dma_wait3A_70 = arith.constant 0 : i32
      %dma_wait3A_71 = tpu.memref_slice %arg8[%dma_wait3A, %dma_wait3A_70] : memref<160x128xi32, #tpu.memory_space<vmem>> -> memref<1x128xi32, #tpu.memory_space<vmem>>
      %dma_wait3A_72 = tpu.memref_squeeze %dma_wait3A_71 : memref<1x128xi32, #tpu.memory_space<vmem>> -> memref<128xi32, #tpu.memory_space<vmem>>
      %dma_wait3A_73 = arith.constant 0 : i32
      %dma_wait3A_74 = arith.constant 0 : i32
      %dma_wait3A_75 = tpu.memref_slice %arg2[%dma_wait3A_73, %dma_wait3A_74] : memref<10240x64xf32, #tpu.memory_space<hbm>> -> memref<10240x64xf32, #tpu.memory_space<hbm>>
      tpu.wait_indirect_dma semaphore(%arg12 : memref<!tpu.dma_semaphore, #tpu.memory_space<semaphore_mem>>) src(%dma_wait3A_75 : memref<10240x64xf32, #tpu.memory_space<hbm>>) dst(%dma_wait3A_69 : memref<128x64xf32, #tpu.memory_space<vmem>>)
      %run_scoped3A = arith.constant 0 : i32
      %run_scoped3A_76 = arith.constant 156 : i32
      "tpu.region"() ({
        %run_scoped3A_119 = tpu.sem_alloc : memref<!tpu.dma_semaphore, #tpu.memory_space<semaphore_mem>>
        %dma_start3A_120 = arith.constant 0 : i32
        %dma_start3A_121 = arith.constant 0 : i32
        %dma_start3A_122 = tpu.memref_slice %arg10[%run_scoped3A, %dma_start3A_120, %dma_start3A_121] : memref<4x128x64xf32, #tpu.memory_space<vmem>> -> memref<1x128x64xf32, #tpu.memory_space<vmem>>
        %dma_start3A_123 = tpu.memref_squeeze %dma_start3A_122 : memref<1x128x64xf32, #tpu.memory_space<vmem>> -> memref<128x64xf32, #tpu.memory_space<vmem>>
        %dma_start3A_124 = arith.constant 0 : i32
        %dma_start3A_125 = tpu.memref_slice %arg9[%run_scoped3A_76, %dma_start3A_124] : memref<160x128xi32, #tpu.memory_space<vmem>> -> memref<1x128xi32, #tpu.memory_space<vmem>>
        %dma_start3A_126 = tpu.memref_squeeze %dma_start3A_125 : memref<1x128xi32, #tpu.memory_space<vmem>> -> memref<128xi32, #tpu.memory_space<vmem>>
        %dma_start3A_127 = arith.constant 0 : i32
        %dma_start3A_128 = arith.constant 0 : i32
        %dma_start3A_129 = tpu.memref_slice %arg11[%dma_start3A_127, %dma_start3A_128] : memref<10240x64xf32, #tpu.memory_space<vmem_shared>> -> memref<10240x64xf32, #tpu.memory_space<vmem_shared>>
        tpu.enqueue_indirect_dma source(%dma_start3A_123 : memref<128x64xf32, #tpu.memory_space<vmem>>) target(%dma_start3A_129 : memref<10240x64xf32, #tpu.memory_space<vmem_shared>>) offsets(%dma_start3A_126 : memref<128xi32, #tpu.memory_space<vmem>>) semaphore(%run_scoped3A_119 : memref<!tpu.dma_semaphore, #tpu.memory_space<semaphore_mem>>) {add = true}
        %dma_wait3A_130 = arith.constant 0 : i32
        %dma_wait3A_131 = arith.constant 0 : i32
        %dma_wait3A_132 = tpu.memref_slice %arg10[%run_scoped3A, %dma_wait3A_130, %dma_wait3A_131] : memref<4x128x64xf32, #tpu.memory_space<vmem>> -> memref<1x128x64xf32, #tpu.memory_space<vmem>>
        %dma_wait3A_133 = tpu.memref_squeeze %dma_wait3A_132 : memref<1x128x64xf32, #tpu.memory_space<vmem>> -> memref<128x64xf32, #tpu.memory_space<vmem>>
        %dma_wait3A_134 = arith.constant 0 : i32
        %dma_wait3A_135 = tpu.memref_slice %arg9[%run_scoped3A_76, %dma_wait3A_134] : memref<160x128xi32, #tpu.memory_space<vmem>> -> memref<1x128xi32, #tpu.memory_space<vmem>>
        %dma_wait3A_136 = tpu.memref_squeeze %dma_wait3A_135 : memref<1x128xi32, #tpu.memory_space<vmem>> -> memref<128xi32, #tpu.memory_space<vmem>>
        %dma_wait3A_137 = arith.constant 0 : i32
        %dma_wait3A_138 = arith.constant 0 : i32
        %dma_wait3A_139 = tpu.memref_slice %arg11[%dma_wait3A_137, %dma_wait3A_138] : memref<10240x64xf32, #tpu.memory_space<vmem_shared>> -> memref<10240x64xf32, #tpu.memory_space<vmem_shared>>
        tpu.wait_indirect_dma semaphore(%run_scoped3A_119 : memref<!tpu.dma_semaphore, #tpu.memory_space<semaphore_mem>>) src(%dma_wait3A_133 : memref<128x64xf32, #tpu.memory_space<vmem>>) dst(%dma_wait3A_139 : memref<10240x64xf32, #tpu.memory_space<vmem_shared>>)
        tpu.yield
      }) : () -> ()
      %dma_wait3A_77 = arith.constant 157 : i32
      %dma_wait3A_78 = arith.constant 1 : i32
      %dma_wait3A_79 = arith.constant 0 : i32
      %dma_wait3A_80 = arith.constant 0 : i32
      %dma_wait3A_81 = tpu.memref_slice %arg10[%dma_wait3A_78, %dma_wait3A_79, %dma_wait3A_80] : memref<4x128x64xf32, #tpu.memory_space<vmem>> -> memref<1x128x64xf32, #tpu.memory_space<vmem>>
      %dma_wait3A_82 = tpu.memref_squeeze %dma_wait3A_81 : memref<1x128x64xf32, #tpu.memory_space<vmem>> -> memref<128x64xf32, #tpu.memory_space<vmem>>
      %dma_wait3A_83 = arith.constant 0 : i32
      %dma_wait3A_84 = tpu.memref_slice %arg8[%dma_wait3A_77, %dma_wait3A_83] : memref<160x128xi32, #tpu.memory_space<vmem>> -> memref<1x128xi32, #tpu.memory_space<vmem>>
      %dma_wait3A_85 = tpu.memref_squeeze %dma_wait3A_84 : memref<1x128xi32, #tpu.memory_space<vmem>> -> memref<128xi32, #tpu.memory_space<vmem>>
      %dma_wait3A_86 = arith.constant 0 : i32
      %dma_wait3A_87 = arith.constant 0 : i32
      %dma_wait3A_88 = tpu.memref_slice %arg2[%dma_wait3A_86, %dma_wait3A_87] : memref<10240x64xf32, #tpu.memory_space<hbm>> -> memref<10240x64xf32, #tpu.memory_space<hbm>>
      tpu.wait_indirect_dma semaphore(%arg13 : memref<!tpu.dma_semaphore, #tpu.memory_space<semaphore_mem>>) src(%dma_wait3A_88 : memref<10240x64xf32, #tpu.memory_space<hbm>>) dst(%dma_wait3A_82 : memref<128x64xf32, #tpu.memory_space<vmem>>)
      %run_scoped3A_89 = arith.constant 1 : i32
      %run_scoped3A_90 = arith.constant 157 : i32
      "tpu.region"() ({
        %run_scoped3A_119 = tpu.sem_alloc : memref<!tpu.dma_semaphore, #tpu.memory_space<semaphore_mem>>
        %dma_start3A_120 = arith.constant 0 : i32
        %dma_start3A_121 = arith.constant 0 : i32
        %dma_start3A_122 = tpu.memref_slice %arg10[%run_scoped3A_89, %dma_start3A_120, %dma_start3A_121] : memref<4x128x64xf32, #tpu.memory_space<vmem>> -> memref<1x128x64xf32, #tpu.memory_space<vmem>>
        %dma_start3A_123 = tpu.memref_squeeze %dma_start3A_122 : memref<1x128x64xf32, #tpu.memory_space<vmem>> -> memref<128x64xf32, #tpu.memory_space<vmem>>
        %dma_start3A_124 = arith.constant 0 : i32
        %dma_start3A_125 = tpu.memref_slice %arg9[%run_scoped3A_90, %dma_start3A_124] : memref<160x128xi32, #tpu.memory_space<vmem>> -> memref<1x128xi32, #tpu.memory_space<vmem>>
        %dma_start3A_126 = tpu.memref_squeeze %dma_start3A_125 : memref<1x128xi32, #tpu.memory_space<vmem>> -> memref<128xi32, #tpu.memory_space<vmem>>
        %dma_start3A_127 = arith.constant 0 : i32
        %dma_start3A_128 = arith.constant 0 : i32
        %dma_start3A_129 = tpu.memref_slice %arg11[%dma_start3A_127, %dma_start3A_128] : memref<10240x64xf32, #tpu.memory_space<vmem_shared>> -> memref<10240x64xf32, #tpu.memory_space<vmem_shared>>
        tpu.enqueue_indirect_dma source(%dma_start3A_123 : memref<128x64xf32, #tpu.memory_space<vmem>>) target(%dma_start3A_129 : memref<10240x64xf32, #tpu.memory_space<vmem_shared>>) offsets(%dma_start3A_126 : memref<128xi32, #tpu.memory_space<vmem>>) semaphore(%run_scoped3A_119 : memref<!tpu.dma_semaphore, #tpu.memory_space<semaphore_mem>>) {add = true}
        %dma_wait3A_130 = arith.constant 0 : i32
        %dma_wait3A_131 = arith.constant 0 : i32
        %dma_wait3A_132 = tpu.memref_slice %arg10[%run_scoped3A_89, %dma_wait3A_130, %dma_wait3A_131] : memref<4x128x64xf32, #tpu.memory_space<vmem>> -> memref<1x128x64xf32, #tpu.memory_space<vmem>>
        %dma_wait3A_133 = tpu.memref_squeeze %dma_wait3A_132 : memref<1x128x64xf32, #tpu.memory_space<vmem>> -> memref<128x64xf32, #tpu.memory_space<vmem>>
        %dma_wait3A_134 = arith.constant 0 : i32
        %dma_wait3A_135 = tpu.memref_slice %arg9[%run_scoped3A_90, %dma_wait3A_134] : memref<160x128xi32, #tpu.memory_space<vmem>> -> memref<1x128xi32, #tpu.memory_space<vmem>>
        %dma_wait3A_136 = tpu.memref_squeeze %dma_wait3A_135 : memref<1x128xi32, #tpu.memory_space<vmem>> -> memref<128xi32, #tpu.memory_space<vmem>>
        %dma_wait3A_137 = arith.constant 0 : i32
        %dma_wait3A_138 = arith.constant 0 : i32
        %dma_wait3A_139 = tpu.memref_slice %arg11[%dma_wait3A_137, %dma_wait3A_138] : memref<10240x64xf32, #tpu.memory_space<vmem_shared>> -> memref<10240x64xf32, #tpu.memory_space<vmem_shared>>
        tpu.wait_indirect_dma semaphore(%run_scoped3A_119 : memref<!tpu.dma_semaphore, #tpu.memory_space<semaphore_mem>>) src(%dma_wait3A_133 : memref<128x64xf32, #tpu.memory_space<vmem>>) dst(%dma_wait3A_139 : memref<10240x64xf32, #tpu.memory_space<vmem_shared>>)
        tpu.yield
      }) : () -> ()
      %dma_wait3A_91 = arith.constant 158 : i32
      %dma_wait3A_92 = arith.constant 2 : i32
      %dma_wait3A_93 = arith.constant 0 : i32
      %dma_wait3A_94 = arith.constant 0 : i32
      %dma_wait3A_95 = tpu.memref_slice %arg10[%dma_wait3A_92, %dma_wait3A_93, %dma_wait3A_94] : memref<4x128x64xf32, #tpu.memory_space<vmem>> -> memref<1x128x64xf32, #tpu.memory_space<vmem>>
      %dma_wait3A_96 = tpu.memref_squeeze %dma_wait3A_95 : memref<1x128x64xf32, #tpu.memory_space<vmem>> -> memref<128x64xf32, #tpu.memory_space<vmem>>
      %dma_wait3A_97 = arith.constant 0 : i32
      %dma_wait3A_98 = tpu.memref_slice %arg8[%dma_wait3A_91, %dma_wait3A_97] : memref<160x128xi32, #tpu.memory_space<vmem>> -> memref<1x128xi32, #tpu.memory_space<vmem>>
      %dma_wait3A_99 = tpu.memref_squeeze %dma_wait3A_98 : memref<1x128xi32, #tpu.memory_space<vmem>> -> memref<128xi32, #tpu.memory_space<vmem>>
      %dma_wait3A_100 = arith.constant 0 : i32
      %dma_wait3A_101 = arith.constant 0 : i32
      %dma_wait3A_102 = tpu.memref_slice %arg2[%dma_wait3A_100, %dma_wait3A_101] : memref<10240x64xf32, #tpu.memory_space<hbm>> -> memref<10240x64xf32, #tpu.memory_space<hbm>>
      tpu.wait_indirect_dma semaphore(%arg14 : memref<!tpu.dma_semaphore, #tpu.memory_space<semaphore_mem>>) src(%dma_wait3A_102 : memref<10240x64xf32, #tpu.memory_space<hbm>>) dst(%dma_wait3A_96 : memref<128x64xf32, #tpu.memory_space<vmem>>)
      %run_scoped3A_103 = arith.constant 2 : i32
      %run_scoped3A_104 = arith.constant 158 : i32
      "tpu.region"() ({
        %run_scoped3A_119 = tpu.sem_alloc : memref<!tpu.dma_semaphore, #tpu.memory_space<semaphore_mem>>
        %dma_start3A_120 = arith.constant 0 : i32
        %dma_start3A_121 = arith.constant 0 : i32
        %dma_start3A_122 = tpu.memref_slice %arg10[%run_scoped3A_103, %dma_start3A_120, %dma_start3A_121] : memref<4x128x64xf32, #tpu.memory_space<vmem>> -> memref<1x128x64xf32, #tpu.memory_space<vmem>>
        %dma_start3A_123 = tpu.memref_squeeze %dma_start3A_122 : memref<1x128x64xf32, #tpu.memory_space<vmem>> -> memref<128x64xf32, #tpu.memory_space<vmem>>
        %dma_start3A_124 = arith.constant 0 : i32
        %dma_start3A_125 = tpu.memref_slice %arg9[%run_scoped3A_104, %dma_start3A_124] : memref<160x128xi32, #tpu.memory_space<vmem>> -> memref<1x128xi32, #tpu.memory_space<vmem>>
        %dma_start3A_126 = tpu.memref_squeeze %dma_start3A_125 : memref<1x128xi32, #tpu.memory_space<vmem>> -> memref<128xi32, #tpu.memory_space<vmem>>
        %dma_start3A_127 = arith.constant 0 : i32
        %dma_start3A_128 = arith.constant 0 : i32
        %dma_start3A_129 = tpu.memref_slice %arg11[%dma_start3A_127, %dma_start3A_128] : memref<10240x64xf32, #tpu.memory_space<vmem_shared>> -> memref<10240x64xf32, #tpu.memory_space<vmem_shared>>
        tpu.enqueue_indirect_dma source(%dma_start3A_123 : memref<128x64xf32, #tpu.memory_space<vmem>>) target(%dma_start3A_129 : memref<10240x64xf32, #tpu.memory_space<vmem_shared>>) offsets(%dma_start3A_126 : memref<128xi32, #tpu.memory_space<vmem>>) semaphore(%run_scoped3A_119 : memref<!tpu.dma_semaphore, #tpu.memory_space<semaphore_mem>>) {add = true}
        %dma_wait3A_130 = arith.constant 0 : i32
        %dma_wait3A_131 = arith.constant 0 : i32
        %dma_wait3A_132 = tpu.memref_slice %arg10[%run_scoped3A_103, %dma_wait3A_130, %dma_wait3A_131] : memref<4x128x64xf32, #tpu.memory_space<vmem>> -> memref<1x128x64xf32, #tpu.memory_space<vmem>>
        %dma_wait3A_133 = tpu.memref_squeeze %dma_wait3A_132 : memref<1x128x64xf32, #tpu.memory_space<vmem>> -> memref<128x64xf32, #tpu.memory_space<vmem>>
        %dma_wait3A_134 = arith.constant 0 : i32
        %dma_wait3A_135 = tpu.memref_slice %arg9[%run_scoped3A_104, %dma_wait3A_134] : memref<160x128xi32, #tpu.memory_space<vmem>> -> memref<1x128xi32, #tpu.memory_space<vmem>>
        %dma_wait3A_136 = tpu.memref_squeeze %dma_wait3A_135 : memref<1x128xi32, #tpu.memory_space<vmem>> -> memref<128xi32, #tpu.memory_space<vmem>>
        %dma_wait3A_137 = arith.constant 0 : i32
        %dma_wait3A_138 = arith.constant 0 : i32
        %dma_wait3A_139 = tpu.memref_slice %arg11[%dma_wait3A_137, %dma_wait3A_138] : memref<10240x64xf32, #tpu.memory_space<vmem_shared>> -> memref<10240x64xf32, #tpu.memory_space<vmem_shared>>
        tpu.wait_indirect_dma semaphore(%run_scoped3A_119 : memref<!tpu.dma_semaphore, #tpu.memory_space<semaphore_mem>>) src(%dma_wait3A_133 : memref<128x64xf32, #tpu.memory_space<vmem>>) dst(%dma_wait3A_139 : memref<10240x64xf32, #tpu.memory_space<vmem_shared>>)
        tpu.yield
      }) : () -> ()
      %dma_wait3A_105 = arith.constant 159 : i32
      %dma_wait3A_106 = arith.constant 3 : i32
      %dma_wait3A_107 = arith.constant 0 : i32
      %dma_wait3A_108 = arith.constant 0 : i32
      %dma_wait3A_109 = tpu.memref_slice %arg10[%dma_wait3A_106, %dma_wait3A_107, %dma_wait3A_108] : memref<4x128x64xf32, #tpu.memory_space<vmem>> -> memref<1x128x64xf32, #tpu.memory_space<vmem>>
      %dma_wait3A_110 = tpu.memref_squeeze %dma_wait3A_109 : memref<1x128x64xf32, #tpu.memory_space<vmem>> -> memref<128x64xf32, #tpu.memory_space<vmem>>
      %dma_wait3A_111 = arith.constant 0 : i32
      %dma_wait3A_112 = tpu.memref_slice %arg8[%dma_wait3A_105, %dma_wait3A_111] : memref<160x128xi32, #tpu.memory_space<vmem>> -> memref<1x128xi32, #tpu.memory_space<vmem>>
      %dma_wait3A_113 = tpu.memref_squeeze %dma_wait3A_112 : memref<1x128xi32, #tpu.memory_space<vmem>> -> memref<128xi32, #tpu.memory_space<vmem>>
      %dma_wait3A_114 = arith.constant 0 : i32
      %dma_wait3A_115 = arith.constant 0 : i32
      %dma_wait3A_116 = tpu.memref_slice %arg2[%dma_wait3A_114, %dma_wait3A_115] : memref<10240x64xf32, #tpu.memory_space<hbm>> -> memref<10240x64xf32, #tpu.memory_space<hbm>>
      tpu.wait_indirect_dma semaphore(%arg15 : memref<!tpu.dma_semaphore, #tpu.memory_space<semaphore_mem>>) src(%dma_wait3A_116 : memref<10240x64xf32, #tpu.memory_space<hbm>>) dst(%dma_wait3A_110 : memref<128x64xf32, #tpu.memory_space<vmem>>)
      %run_scoped3A_117 = arith.constant 3 : i32
      %run_scoped3A_118 = arith.constant 159 : i32
      "tpu.region"() ({
        %run_scoped3A_119 = tpu.sem_alloc : memref<!tpu.dma_semaphore, #tpu.memory_space<semaphore_mem>>
        %dma_start3A_120 = arith.constant 0 : i32
        %dma_start3A_121 = arith.constant 0 : i32
        %dma_start3A_122 = tpu.memref_slice %arg10[%run_scoped3A_117, %dma_start3A_120, %dma_start3A_121] : memref<4x128x64xf32, #tpu.memory_space<vmem>> -> memref<1x128x64xf32, #tpu.memory_space<vmem>>
        %dma_start3A_123 = tpu.memref_squeeze %dma_start3A_122 : memref<1x128x64xf32, #tpu.memory_space<vmem>> -> memref<128x64xf32, #tpu.memory_space<vmem>>
        %dma_start3A_124 = arith.constant 0 : i32
        %dma_start3A_125 = tpu.memref_slice %arg9[%run_scoped3A_118, %dma_start3A_124] : memref<160x128xi32, #tpu.memory_space<vmem>> -> memref<1x128xi32, #tpu.memory_space<vmem>>
        %dma_start3A_126 = tpu.memref_squeeze %dma_start3A_125 : memref<1x128xi32, #tpu.memory_space<vmem>> -> memref<128xi32, #tpu.memory_space<vmem>>
        %dma_start3A_127 = arith.constant 0 : i32
        %dma_start3A_128 = arith.constant 0 : i32
        %dma_start3A_129 = tpu.memref_slice %arg11[%dma_start3A_127, %dma_start3A_128] : memref<10240x64xf32, #tpu.memory_space<vmem_shared>> -> memref<10240x64xf32, #tpu.memory_space<vmem_shared>>
        tpu.enqueue_indirect_dma source(%dma_start3A_123 : memref<128x64xf32, #tpu.memory_space<vmem>>) target(%dma_start3A_129 : memref<10240x64xf32, #tpu.memory_space<vmem_shared>>) offsets(%dma_start3A_126 : memref<128xi32, #tpu.memory_space<vmem>>) semaphore(%run_scoped3A_119 : memref<!tpu.dma_semaphore, #tpu.memory_space<semaphore_mem>>) {add = true}
        %dma_wait3A_130 = arith.constant 0 : i32
        %dma_wait3A_131 = arith.constant 0 : i32
        %dma_wait3A_132 = tpu.memref_slice %arg10[%run_scoped3A_117, %dma_wait3A_130, %dma_wait3A_131] : memref<4x128x64xf32, #tpu.memory_space<vmem>> -> memref<1x128x64xf32, #tpu.memory_space<vmem>>
        %dma_wait3A_133 = tpu.memref_squeeze %dma_wait3A_132 : memref<1x128x64xf32, #tpu.memory_space<vmem>> -> memref<128x64xf32, #tpu.memory_space<vmem>>
        %dma_wait3A_134 = arith.constant 0 : i32
        %dma_wait3A_135 = tpu.memref_slice %arg9[%run_scoped3A_118, %dma_wait3A_134] : memref<160x128xi32, #tpu.memory_space<vmem>> -> memref<1x128xi32, #tpu.memory_space<vmem>>
        %dma_wait3A_136 = tpu.memref_squeeze %dma_wait3A_135 : memref<1x128xi32, #tpu.memory_space<vmem>> -> memref<128xi32, #tpu.memory_space<vmem>>
        %dma_wait3A_137 = arith.constant 0 : i32
        %dma_wait3A_138 = arith.constant 0 : i32
        %dma_wait3A_139 = tpu.memref_slice %arg11[%dma_wait3A_137, %dma_wait3A_138] : memref<10240x64xf32, #tpu.memory_space<vmem_shared>> -> memref<10240x64xf32, #tpu.memory_space<vmem_shared>>
        tpu.wait_indirect_dma semaphore(%run_scoped3A_119 : memref<!tpu.dma_semaphore, #tpu.memory_space<semaphore_mem>>) src(%dma_wait3A_133 : memref<128x64xf32, #tpu.memory_space<vmem>>) dst(%dma_wait3A_139 : memref<10240x64xf32, #tpu.memory_space<vmem_shared>>)
        tpu.yield
      }) : () -> ()
    } else {
    }
    %eq3A_7 = arith.constant 1 : i32
    %eq3A_8 = arith.cmpi eq, %arg0, %eq3A_7 : i32
    %convert_element_type3A_9 = arith.extui %eq3A_8 : i1 to i32
    %cond3A_10 = arith.constant 0 : i32
    %cond3A_11 = arith.cmpi ne, %convert_element_type3A_9, %cond3A_10 : i32
    scf.if %cond3A_11 {
      %dma_start3A = arith.constant 0 : i32
      %dma_start3A_13 = arith.constant 0 : i32
      %dma_start3A_14 = arith.constant 0 : i32
      %dma_start3A_15 = arith.constant 0 : i32
      %dma_start3A_16 = tpu.memref_slice %arg10[%dma_start3A_13, %dma_start3A_14, %dma_start3A_15] : memref<4x128x64xf32, #tpu.memory_space<vmem>> -> memref<1x128x64xf32, #tpu.memory_space<vmem>>
      %dma_start3A_17 = tpu.memref_squeeze %dma_start3A_16 : memref<1x128x64xf32, #tpu.memory_space<vmem>> -> memref<128x64xf32, #tpu.memory_space<vmem>>
      %dma_start3A_18 = arith.constant 0 : i32
      %dma_start3A_19 = tpu.memref_slice %arg8[%dma_start3A, %dma_start3A_18] : memref<160x128xi32, #tpu.memory_space<vmem>> -> memref<1x128xi32, #tpu.memory_space<vmem>>
      %dma_start3A_20 = tpu.memref_squeeze %dma_start3A_19 : memref<1x128xi32, #tpu.memory_space<vmem>> -> memref<128xi32, #tpu.memory_space<vmem>>
      %dma_start3A_21 = arith.constant 0 : i32
      %dma_start3A_22 = arith.constant 0 : i32
      %dma_start3A_23 = tpu.memref_slice %arg3[%dma_start3A_21, %dma_start3A_22] : memref<10240x64xf32, #tpu.memory_space<hbm>> -> memref<10240x64xf32, #tpu.memory_space<hbm>>
      tpu.enqueue_indirect_dma source(%dma_start3A_23 : memref<10240x64xf32, #tpu.memory_space<hbm>>) target(%dma_start3A_17 : memref<128x64xf32, #tpu.memory_space<vmem>>) offsets(%dma_start3A_20 : memref<128xi32, #tpu.memory_space<vmem>>) semaphore(%arg12 : memref<!tpu.dma_semaphore, #tpu.memory_space<semaphore_mem>>)
      %dma_start3A_24 = arith.constant 1 : i32
      %dma_start3A_25 = arith.constant 1 : i32
      %dma_start3A_26 = arith.constant 0 : i32
      %dma_start3A_27 = arith.constant 0 : i32
      %dma_start3A_28 = tpu.memref_slice %arg10[%dma_start3A_25, %dma_start3A_26, %dma_start3A_27] : memref<4x128x64xf32, #tpu.memory_space<vmem>> -> memref<1x128x64xf32, #tpu.memory_space<vmem>>
      %dma_start3A_29 = tpu.memref_squeeze %dma_start3A_28 : memref<1x128x64xf32, #tpu.memory_space<vmem>> -> memref<128x64xf32, #tpu.memory_space<vmem>>
      %dma_start3A_30 = arith.constant 0 : i32
      %dma_start3A_31 = tpu.memref_slice %arg8[%dma_start3A_24, %dma_start3A_30] : memref<160x128xi32, #tpu.memory_space<vmem>> -> memref<1x128xi32, #tpu.memory_space<vmem>>
      %dma_start3A_32 = tpu.memref_squeeze %dma_start3A_31 : memref<1x128xi32, #tpu.memory_space<vmem>> -> memref<128xi32, #tpu.memory_space<vmem>>
      %dma_start3A_33 = arith.constant 0 : i32
      %dma_start3A_34 = arith.constant 0 : i32
      %dma_start3A_35 = tpu.memref_slice %arg3[%dma_start3A_33, %dma_start3A_34] : memref<10240x64xf32, #tpu.memory_space<hbm>> -> memref<10240x64xf32, #tpu.memory_space<hbm>>
      tpu.enqueue_indirect_dma source(%dma_start3A_35 : memref<10240x64xf32, #tpu.memory_space<hbm>>) target(%dma_start3A_29 : memref<128x64xf32, #tpu.memory_space<vmem>>) offsets(%dma_start3A_32 : memref<128xi32, #tpu.memory_space<vmem>>) semaphore(%arg13 : memref<!tpu.dma_semaphore, #tpu.memory_space<semaphore_mem>>)
      %dma_start3A_36 = arith.constant 2 : i32
      %dma_start3A_37 = arith.constant 2 : i32
      %dma_start3A_38 = arith.constant 0 : i32
      %dma_start3A_39 = arith.constant 0 : i32
      %dma_start3A_40 = tpu.memref_slice %arg10[%dma_start3A_37, %dma_start3A_38, %dma_start3A_39] : memref<4x128x64xf32, #tpu.memory_space<vmem>> -> memref<1x128x64xf32, #tpu.memory_space<vmem>>
      %dma_start3A_41 = tpu.memref_squeeze %dma_start3A_40 : memref<1x128x64xf32, #tpu.memory_space<vmem>> -> memref<128x64xf32, #tpu.memory_space<vmem>>
      %dma_start3A_42 = arith.constant 0 : i32
      %dma_start3A_43 = tpu.memref_slice %arg8[%dma_start3A_36, %dma_start3A_42] : memref<160x128xi32, #tpu.memory_space<vmem>> -> memref<1x128xi32, #tpu.memory_space<vmem>>
      %dma_start3A_44 = tpu.memref_squeeze %dma_start3A_43 : memref<1x128xi32, #tpu.memory_space<vmem>> -> memref<128xi32, #tpu.memory_space<vmem>>
      %dma_start3A_45 = arith.constant 0 : i32
      %dma_start3A_46 = arith.constant 0 : i32
      %dma_start3A_47 = tpu.memref_slice %arg3[%dma_start3A_45, %dma_start3A_46] : memref<10240x64xf32, #tpu.memory_space<hbm>> -> memref<10240x64xf32, #tpu.memory_space<hbm>>
      tpu.enqueue_indirect_dma source(%dma_start3A_47 : memref<10240x64xf32, #tpu.memory_space<hbm>>) target(%dma_start3A_41 : memref<128x64xf32, #tpu.memory_space<vmem>>) offsets(%dma_start3A_44 : memref<128xi32, #tpu.memory_space<vmem>>) semaphore(%arg14 : memref<!tpu.dma_semaphore, #tpu.memory_space<semaphore_mem>>)
      %dma_start3A_48 = arith.constant 3 : i32
      %dma_start3A_49 = arith.constant 3 : i32
      %dma_start3A_50 = arith.constant 0 : i32
      %dma_start3A_51 = arith.constant 0 : i32
      %dma_start3A_52 = tpu.memref_slice %arg10[%dma_start3A_49, %dma_start3A_50, %dma_start3A_51] : memref<4x128x64xf32, #tpu.memory_space<vmem>> -> memref<1x128x64xf32, #tpu.memory_space<vmem>>
      %dma_start3A_53 = tpu.memref_squeeze %dma_start3A_52 : memref<1x128x64xf32, #tpu.memory_space<vmem>> -> memref<128x64xf32, #tpu.memory_space<vmem>>
      %dma_start3A_54 = arith.constant 0 : i32
      %dma_start3A_55 = tpu.memref_slice %arg8[%dma_start3A_48, %dma_start3A_54] : memref<160x128xi32, #tpu.memory_space<vmem>> -> memref<1x128xi32, #tpu.memory_space<vmem>>
      %dma_start3A_56 = tpu.memref_squeeze %dma_start3A_55 : memref<1x128xi32, #tpu.memory_space<vmem>> -> memref<128xi32, #tpu.memory_space<vmem>>
      %dma_start3A_57 = arith.constant 0 : i32
      %dma_start3A_58 = arith.constant 0 : i32
      %dma_start3A_59 = tpu.memref_slice %arg3[%dma_start3A_57, %dma_start3A_58] : memref<10240x64xf32, #tpu.memory_space<hbm>> -> memref<10240x64xf32, #tpu.memory_space<hbm>>
      tpu.enqueue_indirect_dma source(%dma_start3A_59 : memref<10240x64xf32, #tpu.memory_space<hbm>>) target(%dma_start3A_53 : memref<128x64xf32, #tpu.memory_space<vmem>>) offsets(%dma_start3A_56 : memref<128xi32, #tpu.memory_space<vmem>>) semaphore(%arg15 : memref<!tpu.dma_semaphore, #tpu.memory_space<semaphore_mem>>)
      %scan3A = arith.constant 0 : i32
      %scan3A_60 = arith.constant 0 : i32
      %scan3A_61 = arith.constant 39 : i32
      %scan3A_62 = arith.addi %scan3A_60, %scan3A_61 : i32
      %scan3A_63 = arith.constant 1 : i32
      scf.for %scan3A_119 = %scan3A_60 to %scan3A_62 step %scan3A_63  : i32 {
        %mul3A_120 = arith.constant 4 : i32
        %mul3A_121 = arith.muli %scan3A_119, %mul3A_120 : i32
        %add3A = arith.constant 0 : i32
        %add3A_122 = arith.addi %mul3A_121, %add3A : i32
        %dma_wait3A_123 = arith.constant 0 : i32
        %dma_wait3A_124 = arith.constant 0 : i32
        %dma_wait3A_125 = arith.constant 0 : i32
        %dma_wait3A_126 = tpu.memref_slice %arg10[%dma_wait3A_123, %dma_wait3A_124, %dma_wait3A_125] : memref<4x128x64xf32, #tpu.memory_space<vmem>> -> memref<1x128x64xf32, #tpu.memory_space<vmem>>
        %dma_wait3A_127 = tpu.memref_squeeze %dma_wait3A_126 : memref<1x128x64xf32, #tpu.memory_space<vmem>> -> memref<128x64xf32, #tpu.memory_space<vmem>>
        %dma_wait3A_128 = arith.constant 0 : i32
        %dma_wait3A_129 = tpu.memref_slice %arg8[%add3A_122, %dma_wait3A_128] : memref<160x128xi32, #tpu.memory_space<vmem>> -> memref<1x128xi32, #tpu.memory_space<vmem>>
        %dma_wait3A_130 = tpu.memref_squeeze %dma_wait3A_129 : memref<1x128xi32, #tpu.memory_space<vmem>> -> memref<128xi32, #tpu.memory_space<vmem>>
        %dma_wait3A_131 = arith.constant 0 : i32
        %dma_wait3A_132 = arith.constant 0 : i32
        %dma_wait3A_133 = tpu.memref_slice %arg3[%dma_wait3A_131, %dma_wait3A_132] : memref<10240x64xf32, #tpu.memory_space<hbm>> -> memref<10240x64xf32, #tpu.memory_space<hbm>>
        tpu.wait_indirect_dma semaphore(%arg12 : memref<!tpu.dma_semaphore, #tpu.memory_space<semaphore_mem>>) src(%dma_wait3A_133 : memref<10240x64xf32, #tpu.memory_space<hbm>>) dst(%dma_wait3A_127 : memref<128x64xf32, #tpu.memory_space<vmem>>)
        %run_scoped3A_134 = arith.constant 0 : i32
        "tpu.region"() ({
          %run_scoped3A_235 = tpu.sem_alloc : memref<!tpu.dma_semaphore, #tpu.memory_space<semaphore_mem>>
          %dma_start3A_236 = arith.constant 0 : i32
          %dma_start3A_237 = arith.constant 0 : i32
          %dma_start3A_238 = tpu.memref_slice %arg10[%run_scoped3A_134, %dma_start3A_236, %dma_start3A_237] : memref<4x128x64xf32, #tpu.memory_space<vmem>> -> memref<1x128x64xf32, #tpu.memory_space<vmem>>
          %dma_start3A_239 = tpu.memref_squeeze %dma_start3A_238 : memref<1x128x64xf32, #tpu.memory_space<vmem>> -> memref<128x64xf32, #tpu.memory_space<vmem>>
          %dma_start3A_240 = arith.constant 0 : i32
          %dma_start3A_241 = tpu.memref_slice %arg9[%add3A_122, %dma_start3A_240] : memref<160x128xi32, #tpu.memory_space<vmem>> -> memref<1x128xi32, #tpu.memory_space<vmem>>
          %dma_start3A_242 = tpu.memref_squeeze %dma_start3A_241 : memref<1x128xi32, #tpu.memory_space<vmem>> -> memref<128xi32, #tpu.memory_space<vmem>>
          %dma_start3A_243 = arith.constant 0 : i32
          %dma_start3A_244 = arith.constant 0 : i32
          %dma_start3A_245 = tpu.memref_slice %arg11[%dma_start3A_243, %dma_start3A_244] : memref<10240x64xf32, #tpu.memory_space<vmem_shared>> -> memref<10240x64xf32, #tpu.memory_space<vmem_shared>>
          tpu.enqueue_indirect_dma source(%dma_start3A_239 : memref<128x64xf32, #tpu.memory_space<vmem>>) target(%dma_start3A_245 : memref<10240x64xf32, #tpu.memory_space<vmem_shared>>) offsets(%dma_start3A_242 : memref<128xi32, #tpu.memory_space<vmem>>) semaphore(%run_scoped3A_235 : memref<!tpu.dma_semaphore, #tpu.memory_space<semaphore_mem>>) {add = true}
          %dma_wait3A_246 = arith.constant 0 : i32
          %dma_wait3A_247 = arith.constant 0 : i32
          %dma_wait3A_248 = tpu.memref_slice %arg10[%run_scoped3A_134, %dma_wait3A_246, %dma_wait3A_247] : memref<4x128x64xf32, #tpu.memory_space<vmem>> -> memref<1x128x64xf32, #tpu.memory_space<vmem>>
          %dma_wait3A_249 = tpu.memref_squeeze %dma_wait3A_248 : memref<1x128x64xf32, #tpu.memory_space<vmem>> -> memref<128x64xf32, #tpu.memory_space<vmem>>
          %dma_wait3A_250 = arith.constant 0 : i32
          %dma_wait3A_251 = tpu.memref_slice %arg9[%add3A_122, %dma_wait3A_250] : memref<160x128xi32, #tpu.memory_space<vmem>> -> memref<1x128xi32, #tpu.memory_space<vmem>>
          %dma_wait3A_252 = tpu.memref_squeeze %dma_wait3A_251 : memref<1x128xi32, #tpu.memory_space<vmem>> -> memref<128xi32, #tpu.memory_space<vmem>>
          %dma_wait3A_253 = arith.constant 0 : i32
          %dma_wait3A_254 = arith.constant 0 : i32
          %dma_wait3A_255 = tpu.memref_slice %arg11[%dma_wait3A_253, %dma_wait3A_254] : memref<10240x64xf32, #tpu.memory_space<vmem_shared>> -> memref<10240x64xf32, #tpu.memory_space<vmem_shared>>
          tpu.wait_indirect_dma semaphore(%run_scoped3A_235 : memref<!tpu.dma_semaphore, #tpu.memory_space<semaphore_mem>>) src(%dma_wait3A_249 : memref<128x64xf32, #tpu.memory_space<vmem>>) dst(%dma_wait3A_255 : memref<10240x64xf32, #tpu.memory_space<vmem_shared>>)
          tpu.yield
        }) : () -> ()
        %add3A_135 = arith.constant 4 : i32
        %add3A_136 = arith.addi %add3A_122, %add3A_135 : i32
        %dma_start3A_137 = arith.constant 0 : i32
        %dma_start3A_138 = arith.constant 0 : i32
        %dma_start3A_139 = arith.constant 0 : i32
        %dma_start3A_140 = tpu.memref_slice %arg10[%dma_start3A_137, %dma_start3A_138, %dma_start3A_139] : memref<4x128x64xf32, #tpu.memory_space<vmem>> -> memref<1x128x64xf32, #tpu.memory_space<vmem>>
        %dma_start3A_141 = tpu.memref_squeeze %dma_start3A_140 : memref<1x128x64xf32, #tpu.memory_space<vmem>> -> memref<128x64xf32, #tpu.memory_space<vmem>>
        %dma_start3A_142 = arith.constant 0 : i32
        %dma_start3A_143 = tpu.memref_slice %arg8[%add3A_136, %dma_start3A_142] : memref<160x128xi32, #tpu.memory_space<vmem>> -> memref<1x128xi32, #tpu.memory_space<vmem>>
        %dma_start3A_144 = tpu.memref_squeeze %dma_start3A_143 : memref<1x128xi32, #tpu.memory_space<vmem>> -> memref<128xi32, #tpu.memory_space<vmem>>
        %dma_start3A_145 = arith.constant 0 : i32
        %dma_start3A_146 = arith.constant 0 : i32
        %dma_start3A_147 = tpu.memref_slice %arg3[%dma_start3A_145, %dma_start3A_146] : memref<10240x64xf32, #tpu.memory_space<hbm>> -> memref<10240x64xf32, #tpu.memory_space<hbm>>
        tpu.enqueue_indirect_dma source(%dma_start3A_147 : memref<10240x64xf32, #tpu.memory_space<hbm>>) target(%dma_start3A_141 : memref<128x64xf32, #tpu.memory_space<vmem>>) offsets(%dma_start3A_144 : memref<128xi32, #tpu.memory_space<vmem>>) semaphore(%arg12 : memref<!tpu.dma_semaphore, #tpu.memory_space<semaphore_mem>>)
        %mul3A_148 = arith.constant 4 : i32
        %mul3A_149 = arith.muli %scan3A_119, %mul3A_148 : i32
        %add3A_150 = arith.constant 1 : i32
        %add3A_151 = arith.addi %mul3A_149, %add3A_150 : i32
        %dma_wait3A_152 = arith.constant 1 : i32
        %dma_wait3A_153 = arith.constant 0 : i32
        %dma_wait3A_154 = arith.constant 0 : i32
        %dma_wait3A_155 = tpu.memref_slice %arg10[%dma_wait3A_152, %dma_wait3A_153, %dma_wait3A_154] : memref<4x128x64xf32, #tpu.memory_space<vmem>> -> memref<1x128x64xf32, #tpu.memory_space<vmem>>
        %dma_wait3A_156 = tpu.memref_squeeze %dma_wait3A_155 : memref<1x128x64xf32, #tpu.memory_space<vmem>> -> memref<128x64xf32, #tpu.memory_space<vmem>>
        %dma_wait3A_157 = arith.constant 0 : i32
        %dma_wait3A_158 = tpu.memref_slice %arg8[%add3A_151, %dma_wait3A_157] : memref<160x128xi32, #tpu.memory_space<vmem>> -> memref<1x128xi32, #tpu.memory_space<vmem>>
        %dma_wait3A_159 = tpu.memref_squeeze %dma_wait3A_158 : memref<1x128xi32, #tpu.memory_space<vmem>> -> memref<128xi32, #tpu.memory_space<vmem>>
        %dma_wait3A_160 = arith.constant 0 : i32
        %dma_wait3A_161 = arith.constant 0 : i32
        %dma_wait3A_162 = tpu.memref_slice %arg3[%dma_wait3A_160, %dma_wait3A_161] : memref<10240x64xf32, #tpu.memory_space<hbm>> -> memref<10240x64xf32, #tpu.memory_space<hbm>>
        tpu.wait_indirect_dma semaphore(%arg13 : memref<!tpu.dma_semaphore, #tpu.memory_space<semaphore_mem>>) src(%dma_wait3A_162 : memref<10240x64xf32, #tpu.memory_space<hbm>>) dst(%dma_wait3A_156 : memref<128x64xf32, #tpu.memory_space<vmem>>)
        %run_scoped3A_163 = arith.constant 1 : i32
        "tpu.region"() ({
          %run_scoped3A_235 = tpu.sem_alloc : memref<!tpu.dma_semaphore, #tpu.memory_space<semaphore_mem>>
          %dma_start3A_236 = arith.constant 0 : i32
          %dma_start3A_237 = arith.constant 0 : i32
          %dma_start3A_238 = tpu.memref_slice %arg10[%run_scoped3A_163, %dma_start3A_236, %dma_start3A_237] : memref<4x128x64xf32, #tpu.memory_space<vmem>> -> memref<1x128x64xf32, #tpu.memory_space<vmem>>
          %dma_start3A_239 = tpu.memref_squeeze %dma_start3A_238 : memref<1x128x64xf32, #tpu.memory_space<vmem>> -> memref<128x64xf32, #tpu.memory_space<vmem>>
          %dma_start3A_240 = arith.constant 0 : i32
          %dma_start3A_241 = tpu.memref_slice %arg9[%add3A_151, %dma_start3A_240] : memref<160x128xi32, #tpu.memory_space<vmem>> -> memref<1x128xi32, #tpu.memory_space<vmem>>
          %dma_start3A_242 = tpu.memref_squeeze %dma_start3A_241 : memref<1x128xi32, #tpu.memory_space<vmem>> -> memref<128xi32, #tpu.memory_space<vmem>>
          %dma_start3A_243 = arith.constant 0 : i32
          %dma_start3A_244 = arith.constant 0 : i32
          %dma_start3A_245 = tpu.memref_slice %arg11[%dma_start3A_243, %dma_start3A_244] : memref<10240x64xf32, #tpu.memory_space<vmem_shared>> -> memref<10240x64xf32, #tpu.memory_space<vmem_shared>>
          tpu.enqueue_indirect_dma source(%dma_start3A_239 : memref<128x64xf32, #tpu.memory_space<vmem>>) target(%dma_start3A_245 : memref<10240x64xf32, #tpu.memory_space<vmem_shared>>) offsets(%dma_start3A_242 : memref<128xi32, #tpu.memory_space<vmem>>) semaphore(%run_scoped3A_235 : memref<!tpu.dma_semaphore, #tpu.memory_space<semaphore_mem>>) {add = true}
          %dma_wait3A_246 = arith.constant 0 : i32
          %dma_wait3A_247 = arith.constant 0 : i32
          %dma_wait3A_248 = tpu.memref_slice %arg10[%run_scoped3A_163, %dma_wait3A_246, %dma_wait3A_247] : memref<4x128x64xf32, #tpu.memory_space<vmem>> -> memref<1x128x64xf32, #tpu.memory_space<vmem>>
          %dma_wait3A_249 = tpu.memref_squeeze %dma_wait3A_248 : memref<1x128x64xf32, #tpu.memory_space<vmem>> -> memref<128x64xf32, #tpu.memory_space<vmem>>
          %dma_wait3A_250 = arith.constant 0 : i32
          %dma_wait3A_251 = tpu.memref_slice %arg9[%add3A_151, %dma_wait3A_250] : memref<160x128xi32, #tpu.memory_space<vmem>> -> memref<1x128xi32, #tpu.memory_space<vmem>>
          %dma_wait3A_252 = tpu.memref_squeeze %dma_wait3A_251 : memref<1x128xi32, #tpu.memory_space<vmem>> -> memref<128xi32, #tpu.memory_space<vmem>>
          %dma_wait3A_253 = arith.constant 0 : i32
          %dma_wait3A_254 = arith.constant 0 : i32
          %dma_wait3A_255 = tpu.memref_slice %arg11[%dma_wait3A_253, %dma_wait3A_254] : memref<10240x64xf32, #tpu.memory_space<vmem_shared>> -> memref<10240x64xf32, #tpu.memory_space<vmem_shared>>
          tpu.wait_indirect_dma semaphore(%run_scoped3A_235 : memref<!tpu.dma_semaphore, #tpu.memory_space<semaphore_mem>>) src(%dma_wait3A_249 : memref<128x64xf32, #tpu.memory_space<vmem>>) dst(%dma_wait3A_255 : memref<10240x64xf32, #tpu.memory_space<vmem_shared>>)
          tpu.yield
        }) : () -> ()
        %add3A_164 = arith.constant 4 : i32
        %add3A_165 = arith.addi %add3A_151, %add3A_164 : i32
        %dma_start3A_166 = arith.constant 1 : i32
        %dma_start3A_167 = arith.constant 0 : i32
        %dma_start3A_168 = arith.constant 0 : i32
        %dma_start3A_169 = tpu.memref_slice %arg10[%dma_start3A_166, %dma_start3A_167, %dma_start3A_168] : memref<4x128x64xf32, #tpu.memory_space<vmem>> -> memref<1x128x64xf32, #tpu.memory_space<vmem>>
        %dma_start3A_170 = tpu.memref_squeeze %dma_start3A_169 : memref<1x128x64xf32, #tpu.memory_space<vmem>> -> memref<128x64xf32, #tpu.memory_space<vmem>>
        %dma_start3A_171 = arith.constant 0 : i32
        %dma_start3A_172 = tpu.memref_slice %arg8[%add3A_165, %dma_start3A_171] : memref<160x128xi32, #tpu.memory_space<vmem>> -> memref<1x128xi32, #tpu.memory_space<vmem>>
        %dma_start3A_173 = tpu.memref_squeeze %dma_start3A_172 : memref<1x128xi32, #tpu.memory_space<vmem>> -> memref<128xi32, #tpu.memory_space<vmem>>
        %dma_start3A_174 = arith.constant 0 : i32
        %dma_start3A_175 = arith.constant 0 : i32
        %dma_start3A_176 = tpu.memref_slice %arg3[%dma_start3A_174, %dma_start3A_175] : memref<10240x64xf32, #tpu.memory_space<hbm>> -> memref<10240x64xf32, #tpu.memory_space<hbm>>
        tpu.enqueue_indirect_dma source(%dma_start3A_176 : memref<10240x64xf32, #tpu.memory_space<hbm>>) target(%dma_start3A_170 : memref<128x64xf32, #tpu.memory_space<vmem>>) offsets(%dma_start3A_173 : memref<128xi32, #tpu.memory_space<vmem>>) semaphore(%arg13 : memref<!tpu.dma_semaphore, #tpu.memory_space<semaphore_mem>>)
        %mul3A_177 = arith.constant 4 : i32
        %mul3A_178 = arith.muli %scan3A_119, %mul3A_177 : i32
        %add3A_179 = arith.constant 2 : i32
        %add3A_180 = arith.addi %mul3A_178, %add3A_179 : i32
        %dma_wait3A_181 = arith.constant 2 : i32
        %dma_wait3A_182 = arith.constant 0 : i32
        %dma_wait3A_183 = arith.constant 0 : i32
        %dma_wait3A_184 = tpu.memref_slice %arg10[%dma_wait3A_181, %dma_wait3A_182, %dma_wait3A_183] : memref<4x128x64xf32, #tpu.memory_space<vmem>> -> memref<1x128x64xf32, #tpu.memory_space<vmem>>
        %dma_wait3A_185 = tpu.memref_squeeze %dma_wait3A_184 : memref<1x128x64xf32, #tpu.memory_space<vmem>> -> memref<128x64xf32, #tpu.memory_space<vmem>>
        %dma_wait3A_186 = arith.constant 0 : i32
        %dma_wait3A_187 = tpu.memref_slice %arg8[%add3A_180, %dma_wait3A_186] : memref<160x128xi32, #tpu.memory_space<vmem>> -> memref<1x128xi32, #tpu.memory_space<vmem>>
        %dma_wait3A_188 = tpu.memref_squeeze %dma_wait3A_187 : memref<1x128xi32, #tpu.memory_space<vmem>> -> memref<128xi32, #tpu.memory_space<vmem>>
        %dma_wait3A_189 = arith.constant 0 : i32
        %dma_wait3A_190 = arith.constant 0 : i32
        %dma_wait3A_191 = tpu.memref_slice %arg3[%dma_wait3A_189, %dma_wait3A_190] : memref<10240x64xf32, #tpu.memory_space<hbm>> -> memref<10240x64xf32, #tpu.memory_space<hbm>>
        tpu.wait_indirect_dma semaphore(%arg14 : memref<!tpu.dma_semaphore, #tpu.memory_space<semaphore_mem>>) src(%dma_wait3A_191 : memref<10240x64xf32, #tpu.memory_space<hbm>>) dst(%dma_wait3A_185 : memref<128x64xf32, #tpu.memory_space<vmem>>)
        %run_scoped3A_192 = arith.constant 2 : i32
        "tpu.region"() ({
          %run_scoped3A_235 = tpu.sem_alloc : memref<!tpu.dma_semaphore, #tpu.memory_space<semaphore_mem>>
          %dma_start3A_236 = arith.constant 0 : i32
          %dma_start3A_237 = arith.constant 0 : i32
          %dma_start3A_238 = tpu.memref_slice %arg10[%run_scoped3A_192, %dma_start3A_236, %dma_start3A_237] : memref<4x128x64xf32, #tpu.memory_space<vmem>> -> memref<1x128x64xf32, #tpu.memory_space<vmem>>
          %dma_start3A_239 = tpu.memref_squeeze %dma_start3A_238 : memref<1x128x64xf32, #tpu.memory_space<vmem>> -> memref<128x64xf32, #tpu.memory_space<vmem>>
          %dma_start3A_240 = arith.constant 0 : i32
          %dma_start3A_241 = tpu.memref_slice %arg9[%add3A_180, %dma_start3A_240] : memref<160x128xi32, #tpu.memory_space<vmem>> -> memref<1x128xi32, #tpu.memory_space<vmem>>
          %dma_start3A_242 = tpu.memref_squeeze %dma_start3A_241 : memref<1x128xi32, #tpu.memory_space<vmem>> -> memref<128xi32, #tpu.memory_space<vmem>>
          %dma_start3A_243 = arith.constant 0 : i32
          %dma_start3A_244 = arith.constant 0 : i32
          %dma_start3A_245 = tpu.memref_slice %arg11[%dma_start3A_243, %dma_start3A_244] : memref<10240x64xf32, #tpu.memory_space<vmem_shared>> -> memref<10240x64xf32, #tpu.memory_space<vmem_shared>>
          tpu.enqueue_indirect_dma source(%dma_start3A_239 : memref<128x64xf32, #tpu.memory_space<vmem>>) target(%dma_start3A_245 : memref<10240x64xf32, #tpu.memory_space<vmem_shared>>) offsets(%dma_start3A_242 : memref<128xi32, #tpu.memory_space<vmem>>) semaphore(%run_scoped3A_235 : memref<!tpu.dma_semaphore, #tpu.memory_space<semaphore_mem>>) {add = true}
          %dma_wait3A_246 = arith.constant 0 : i32
          %dma_wait3A_247 = arith.constant 0 : i32
          %dma_wait3A_248 = tpu.memref_slice %arg10[%run_scoped3A_192, %dma_wait3A_246, %dma_wait3A_247] : memref<4x128x64xf32, #tpu.memory_space<vmem>> -> memref<1x128x64xf32, #tpu.memory_space<vmem>>
          %dma_wait3A_249 = tpu.memref_squeeze %dma_wait3A_248 : memref<1x128x64xf32, #tpu.memory_space<vmem>> -> memref<128x64xf32, #tpu.memory_space<vmem>>
          %dma_wait3A_250 = arith.constant 0 : i32
          %dma_wait3A_251 = tpu.memref_slice %arg9[%add3A_180, %dma_wait3A_250] : memref<160x128xi32, #tpu.memory_space<vmem>> -> memref<1x128xi32, #tpu.memory_space<vmem>>
          %dma_wait3A_252 = tpu.memref_squeeze %dma_wait3A_251 : memref<1x128xi32, #tpu.memory_space<vmem>> -> memref<128xi32, #tpu.memory_space<vmem>>
          %dma_wait3A_253 = arith.constant 0 : i32
          %dma_wait3A_254 = arith.constant 0 : i32
          %dma_wait3A_255 = tpu.memref_slice %arg11[%dma_wait3A_253, %dma_wait3A_254] : memref<10240x64xf32, #tpu.memory_space<vmem_shared>> -> memref<10240x64xf32, #tpu.memory_space<vmem_shared>>
          tpu.wait_indirect_dma semaphore(%run_scoped3A_235 : memref<!tpu.dma_semaphore, #tpu.memory_space<semaphore_mem>>) src(%dma_wait3A_249 : memref<128x64xf32, #tpu.memory_space<vmem>>) dst(%dma_wait3A_255 : memref<10240x64xf32, #tpu.memory_space<vmem_shared>>)
          tpu.yield
        }) : () -> ()
        %add3A_193 = arith.constant 4 : i32
        %add3A_194 = arith.addi %add3A_180, %add3A_193 : i32
        %dma_start3A_195 = arith.constant 2 : i32
        %dma_start3A_196 = arith.constant 0 : i32
        %dma_start3A_197 = arith.constant 0 : i32
        %dma_start3A_198 = tpu.memref_slice %arg10[%dma_start3A_195, %dma_start3A_196, %dma_start3A_197] : memref<4x128x64xf32, #tpu.memory_space<vmem>> -> memref<1x128x64xf32, #tpu.memory_space<vmem>>
        %dma_start3A_199 = tpu.memref_squeeze %dma_start3A_198 : memref<1x128x64xf32, #tpu.memory_space<vmem>> -> memref<128x64xf32, #tpu.memory_space<vmem>>
        %dma_start3A_200 = arith.constant 0 : i32
        %dma_start3A_201 = tpu.memref_slice %arg8[%add3A_194, %dma_start3A_200] : memref<160x128xi32, #tpu.memory_space<vmem>> -> memref<1x128xi32, #tpu.memory_space<vmem>>
        %dma_start3A_202 = tpu.memref_squeeze %dma_start3A_201 : memref<1x128xi32, #tpu.memory_space<vmem>> -> memref<128xi32, #tpu.memory_space<vmem>>
        %dma_start3A_203 = arith.constant 0 : i32
        %dma_start3A_204 = arith.constant 0 : i32
        %dma_start3A_205 = tpu.memref_slice %arg3[%dma_start3A_203, %dma_start3A_204] : memref<10240x64xf32, #tpu.memory_space<hbm>> -> memref<10240x64xf32, #tpu.memory_space<hbm>>
        tpu.enqueue_indirect_dma source(%dma_start3A_205 : memref<10240x64xf32, #tpu.memory_space<hbm>>) target(%dma_start3A_199 : memref<128x64xf32, #tpu.memory_space<vmem>>) offsets(%dma_start3A_202 : memref<128xi32, #tpu.memory_space<vmem>>) semaphore(%arg14 : memref<!tpu.dma_semaphore, #tpu.memory_space<semaphore_mem>>)
        %mul3A_206 = arith.constant 4 : i32
        %mul3A_207 = arith.muli %scan3A_119, %mul3A_206 : i32
        %add3A_208 = arith.constant 3 : i32
        %add3A_209 = arith.addi %mul3A_207, %add3A_208 : i32
        %dma_wait3A_210 = arith.constant 3 : i32
        %dma_wait3A_211 = arith.constant 0 : i32
        %dma_wait3A_212 = arith.constant 0 : i32
        %dma_wait3A_213 = tpu.memref_slice %arg10[%dma_wait3A_210, %dma_wait3A_211, %dma_wait3A_212] : memref<4x128x64xf32, #tpu.memory_space<vmem>> -> memref<1x128x64xf32, #tpu.memory_space<vmem>>
        %dma_wait3A_214 = tpu.memref_squeeze %dma_wait3A_213 : memref<1x128x64xf32, #tpu.memory_space<vmem>> -> memref<128x64xf32, #tpu.memory_space<vmem>>
        %dma_wait3A_215 = arith.constant 0 : i32
        %dma_wait3A_216 = tpu.memref_slice %arg8[%add3A_209, %dma_wait3A_215] : memref<160x128xi32, #tpu.memory_space<vmem>> -> memref<1x128xi32, #tpu.memory_space<vmem>>
        %dma_wait3A_217 = tpu.memref_squeeze %dma_wait3A_216 : memref<1x128xi32, #tpu.memory_space<vmem>> -> memref<128xi32, #tpu.memory_space<vmem>>
        %dma_wait3A_218 = arith.constant 0 : i32
        %dma_wait3A_219 = arith.constant 0 : i32
        %dma_wait3A_220 = tpu.memref_slice %arg3[%dma_wait3A_218, %dma_wait3A_219] : memref<10240x64xf32, #tpu.memory_space<hbm>> -> memref<10240x64xf32, #tpu.memory_space<hbm>>
        tpu.wait_indirect_dma semaphore(%arg15 : memref<!tpu.dma_semaphore, #tpu.memory_space<semaphore_mem>>) src(%dma_wait3A_220 : memref<10240x64xf32, #tpu.memory_space<hbm>>) dst(%dma_wait3A_214 : memref<128x64xf32, #tpu.memory_space<vmem>>)
        %run_scoped3A_221 = arith.constant 3 : i32
        "tpu.region"() ({
          %run_scoped3A_235 = tpu.sem_alloc : memref<!tpu.dma_semaphore, #tpu.memory_space<semaphore_mem>>
          %dma_start3A_236 = arith.constant 0 : i32
          %dma_start3A_237 = arith.constant 0 : i32
          %dma_start3A_238 = tpu.memref_slice %arg10[%run_scoped3A_221, %dma_start3A_236, %dma_start3A_237] : memref<4x128x64xf32, #tpu.memory_space<vmem>> -> memref<1x128x64xf32, #tpu.memory_space<vmem>>
          %dma_start3A_239 = tpu.memref_squeeze %dma_start3A_238 : memref<1x128x64xf32, #tpu.memory_space<vmem>> -> memref<128x64xf32, #tpu.memory_space<vmem>>
          %dma_start3A_240 = arith.constant 0 : i32
          %dma_start3A_241 = tpu.memref_slice %arg9[%add3A_209, %dma_start3A_240] : memref<160x128xi32, #tpu.memory_space<vmem>> -> memref<1x128xi32, #tpu.memory_space<vmem>>
          %dma_start3A_242 = tpu.memref_squeeze %dma_start3A_241 : memref<1x128xi32, #tpu.memory_space<vmem>> -> memref<128xi32, #tpu.memory_space<vmem>>
          %dma_start3A_243 = arith.constant 0 : i32
          %dma_start3A_244 = arith.constant 0 : i32
          %dma_start3A_245 = tpu.memref_slice %arg11[%dma_start3A_243, %dma_start3A_244] : memref<10240x64xf32, #tpu.memory_space<vmem_shared>> -> memref<10240x64xf32, #tpu.memory_space<vmem_shared>>
          tpu.enqueue_indirect_dma source(%dma_start3A_239 : memref<128x64xf32, #tpu.memory_space<vmem>>) target(%dma_start3A_245 : memref<10240x64xf32, #tpu.memory_space<vmem_shared>>) offsets(%dma_start3A_242 : memref<128xi32, #tpu.memory_space<vmem>>) semaphore(%run_scoped3A_235 : memref<!tpu.dma_semaphore, #tpu.memory_space<semaphore_mem>>) {add = true}
          %dma_wait3A_246 = arith.constant 0 : i32
          %dma_wait3A_247 = arith.constant 0 : i32
          %dma_wait3A_248 = tpu.memref_slice %arg10[%run_scoped3A_221, %dma_wait3A_246, %dma_wait3A_247] : memref<4x128x64xf32, #tpu.memory_space<vmem>> -> memref<1x128x64xf32, #tpu.memory_space<vmem>>
          %dma_wait3A_249 = tpu.memref_squeeze %dma_wait3A_248 : memref<1x128x64xf32, #tpu.memory_space<vmem>> -> memref<128x64xf32, #tpu.memory_space<vmem>>
          %dma_wait3A_250 = arith.constant 0 : i32
          %dma_wait3A_251 = tpu.memref_slice %arg9[%add3A_209, %dma_wait3A_250] : memref<160x128xi32, #tpu.memory_space<vmem>> -> memref<1x128xi32, #tpu.memory_space<vmem>>
          %dma_wait3A_252 = tpu.memref_squeeze %dma_wait3A_251 : memref<1x128xi32, #tpu.memory_space<vmem>> -> memref<128xi32, #tpu.memory_space<vmem>>
          %dma_wait3A_253 = arith.constant 0 : i32
          %dma_wait3A_254 = arith.constant 0 : i32
          %dma_wait3A_255 = tpu.memref_slice %arg11[%dma_wait3A_253, %dma_wait3A_254] : memref<10240x64xf32, #tpu.memory_space<vmem_shared>> -> memref<10240x64xf32, #tpu.memory_space<vmem_shared>>
          tpu.wait_indirect_dma semaphore(%run_scoped3A_235 : memref<!tpu.dma_semaphore, #tpu.memory_space<semaphore_mem>>) src(%dma_wait3A_249 : memref<128x64xf32, #tpu.memory_space<vmem>>) dst(%dma_wait3A_255 : memref<10240x64xf32, #tpu.memory_space<vmem_shared>>)
          tpu.yield
        }) : () -> ()
        %add3A_222 = arith.constant 4 : i32
        %add3A_223 = arith.addi %add3A_209, %add3A_222 : i32
        %dma_start3A_224 = arith.constant 3 : i32
        %dma_start3A_225 = arith.constant 0 : i32
        %dma_start3A_226 = arith.constant 0 : i32
        %dma_start3A_227 = tpu.memref_slice %arg10[%dma_start3A_224, %dma_start3A_225, %dma_start3A_226] : memref<4x128x64xf32, #tpu.memory_space<vmem>> -> memref<1x128x64xf32, #tpu.memory_space<vmem>>
        %dma_start3A_228 = tpu.memref_squeeze %dma_start3A_227 : memref<1x128x64xf32, #tpu.memory_space<vmem>> -> memref<128x64xf32, #tpu.memory_space<vmem>>
        %dma_start3A_229 = arith.constant 0 : i32
        %dma_start3A_230 = tpu.memref_slice %arg8[%add3A_223, %dma_start3A_229] : memref<160x128xi32, #tpu.memory_space<vmem>> -> memref<1x128xi32, #tpu.memory_space<vmem>>
        %dma_start3A_231 = tpu.memref_squeeze %dma_start3A_230 : memref<1x128xi32, #tpu.memory_space<vmem>> -> memref<128xi32, #tpu.memory_space<vmem>>
        %dma_start3A_232 = arith.constant 0 : i32
        %dma_start3A_233 = arith.constant 0 : i32
        %dma_start3A_234 = tpu.memref_slice %arg3[%dma_start3A_232, %dma_start3A_233] : memref<10240x64xf32, #tpu.memory_space<hbm>> -> memref<10240x64xf32, #tpu.memory_space<hbm>>
        tpu.enqueue_indirect_dma source(%dma_start3A_234 : memref<10240x64xf32, #tpu.memory_space<hbm>>) target(%dma_start3A_228 : memref<128x64xf32, #tpu.memory_space<vmem>>) offsets(%dma_start3A_231 : memref<128xi32, #tpu.memory_space<vmem>>) semaphore(%arg15 : memref<!tpu.dma_semaphore, #tpu.memory_space<semaphore_mem>>)
      }
      %scan3A_64 = arith.constant 39 : i32
      %dma_wait3A = arith.constant 156 : i32
      %dma_wait3A_65 = arith.constant 0 : i32
      %dma_wait3A_66 = arith.constant 0 : i32
      %dma_wait3A_67 = arith.constant 0 : i32
      %dma_wait3A_68 = tpu.memref_slice %arg10[%dma_wait3A_65, %dma_wait3A_66, %dma_wait3A_67] : memref<4x128x64xf32, #tpu.memory_space<vmem>> -> memref<1x128x64xf32, #tpu.memory_space<vmem>>
      %dma_wait3A_69 = tpu.memref_squeeze %dma_wait3A_68 : memref<1x128x64xf32, #tpu.memory_space<vmem>> -> memref<128x64xf32, #tpu.memory_space<vmem>>
      %dma_wait3A_70 = arith.constant 0 : i32
      %dma_wait3A_71 = tpu.memref_slice %arg8[%dma_wait3A, %dma_wait3A_70] : memref<160x128xi32, #tpu.memory_space<vmem>> -> memref<1x128xi32, #tpu.memory_space<vmem>>
      %dma_wait3A_72 = tpu.memref_squeeze %dma_wait3A_71 : memref<1x128xi32, #tpu.memory_space<vmem>> -> memref<128xi32, #tpu.memory_space<vmem>>
      %dma_wait3A_73 = arith.constant 0 : i32
      %dma_wait3A_74 = arith.constant 0 : i32
      %dma_wait3A_75 = tpu.memref_slice %arg3[%dma_wait3A_73, %dma_wait3A_74] : memref<10240x64xf32, #tpu.memory_space<hbm>> -> memref<10240x64xf32, #tpu.memory_space<hbm>>
      tpu.wait_indirect_dma semaphore(%arg12 : memref<!tpu.dma_semaphore, #tpu.memory_space<semaphore_mem>>) src(%dma_wait3A_75 : memref<10240x64xf32, #tpu.memory_space<hbm>>) dst(%dma_wait3A_69 : memref<128x64xf32, #tpu.memory_space<vmem>>)
      %run_scoped3A = arith.constant 0 : i32
      %run_scoped3A_76 = arith.constant 156 : i32
      "tpu.region"() ({
        %run_scoped3A_119 = tpu.sem_alloc : memref<!tpu.dma_semaphore, #tpu.memory_space<semaphore_mem>>
        %dma_start3A_120 = arith.constant 0 : i32
        %dma_start3A_121 = arith.constant 0 : i32
        %dma_start3A_122 = tpu.memref_slice %arg10[%run_scoped3A, %dma_start3A_120, %dma_start3A_121] : memref<4x128x64xf32, #tpu.memory_space<vmem>> -> memref<1x128x64xf32, #tpu.memory_space<vmem>>
        %dma_start3A_123 = tpu.memref_squeeze %dma_start3A_122 : memref<1x128x64xf32, #tpu.memory_space<vmem>> -> memref<128x64xf32, #tpu.memory_space<vmem>>
        %dma_start3A_124 = arith.constant 0 : i32
        %dma_start3A_125 = tpu.memref_slice %arg9[%run_scoped3A_76, %dma_start3A_124] : memref<160x128xi32, #tpu.memory_space<vmem>> -> memref<1x128xi32, #tpu.memory_space<vmem>>
        %dma_start3A_126 = tpu.memref_squeeze %dma_start3A_125 : memref<1x128xi32, #tpu.memory_space<vmem>> -> memref<128xi32, #tpu.memory_space<vmem>>
        %dma_start3A_127 = arith.constant 0 : i32
        %dma_start3A_128 = arith.constant 0 : i32
        %dma_start3A_129 = tpu.memref_slice %arg11[%dma_start3A_127, %dma_start3A_128] : memref<10240x64xf32, #tpu.memory_space<vmem_shared>> -> memref<10240x64xf32, #tpu.memory_space<vmem_shared>>
        tpu.enqueue_indirect_dma source(%dma_start3A_123 : memref<128x64xf32, #tpu.memory_space<vmem>>) target(%dma_start3A_129 : memref<10240x64xf32, #tpu.memory_space<vmem_shared>>) offsets(%dma_start3A_126 : memref<128xi32, #tpu.memory_space<vmem>>) semaphore(%run_scoped3A_119 : memref<!tpu.dma_semaphore, #tpu.memory_space<semaphore_mem>>) {add = true}
        %dma_wait3A_130 = arith.constant 0 : i32
        %dma_wait3A_131 = arith.constant 0 : i32
        %dma_wait3A_132 = tpu.memref_slice %arg10[%run_scoped3A, %dma_wait3A_130, %dma_wait3A_131] : memref<4x128x64xf32, #tpu.memory_space<vmem>> -> memref<1x128x64xf32, #tpu.memory_space<vmem>>
        %dma_wait3A_133 = tpu.memref_squeeze %dma_wait3A_132 : memref<1x128x64xf32, #tpu.memory_space<vmem>> -> memref<128x64xf32, #tpu.memory_space<vmem>>
        %dma_wait3A_134 = arith.constant 0 : i32
        %dma_wait3A_135 = tpu.memref_slice %arg9[%run_scoped3A_76, %dma_wait3A_134] : memref<160x128xi32, #tpu.memory_space<vmem>> -> memref<1x128xi32, #tpu.memory_space<vmem>>
        %dma_wait3A_136 = tpu.memref_squeeze %dma_wait3A_135 : memref<1x128xi32, #tpu.memory_space<vmem>> -> memref<128xi32, #tpu.memory_space<vmem>>
        %dma_wait3A_137 = arith.constant 0 : i32
        %dma_wait3A_138 = arith.constant 0 : i32
        %dma_wait3A_139 = tpu.memref_slice %arg11[%dma_wait3A_137, %dma_wait3A_138] : memref<10240x64xf32, #tpu.memory_space<vmem_shared>> -> memref<10240x64xf32, #tpu.memory_space<vmem_shared>>
        tpu.wait_indirect_dma semaphore(%run_scoped3A_119 : memref<!tpu.dma_semaphore, #tpu.memory_space<semaphore_mem>>) src(%dma_wait3A_133 : memref<128x64xf32, #tpu.memory_space<vmem>>) dst(%dma_wait3A_139 : memref<10240x64xf32, #tpu.memory_space<vmem_shared>>)
        tpu.yield
      }) : () -> ()
      %dma_wait3A_77 = arith.constant 157 : i32
      %dma_wait3A_78 = arith.constant 1 : i32
      %dma_wait3A_79 = arith.constant 0 : i32
      %dma_wait3A_80 = arith.constant 0 : i32
      %dma_wait3A_81 = tpu.memref_slice %arg10[%dma_wait3A_78, %dma_wait3A_79, %dma_wait3A_80] : memref<4x128x64xf32, #tpu.memory_space<vmem>> -> memref<1x128x64xf32, #tpu.memory_space<vmem>>
      %dma_wait3A_82 = tpu.memref_squeeze %dma_wait3A_81 : memref<1x128x64xf32, #tpu.memory_space<vmem>> -> memref<128x64xf32, #tpu.memory_space<vmem>>
      %dma_wait3A_83 = arith.constant 0 : i32
      %dma_wait3A_84 = tpu.memref_slice %arg8[%dma_wait3A_77, %dma_wait3A_83] : memref<160x128xi32, #tpu.memory_space<vmem>> -> memref<1x128xi32, #tpu.memory_space<vmem>>
      %dma_wait3A_85 = tpu.memref_squeeze %dma_wait3A_84 : memref<1x128xi32, #tpu.memory_space<vmem>> -> memref<128xi32, #tpu.memory_space<vmem>>
      %dma_wait3A_86 = arith.constant 0 : i32
      %dma_wait3A_87 = arith.constant 0 : i32
      %dma_wait3A_88 = tpu.memref_slice %arg3[%dma_wait3A_86, %dma_wait3A_87] : memref<10240x64xf32, #tpu.memory_space<hbm>> -> memref<10240x64xf32, #tpu.memory_space<hbm>>
      tpu.wait_indirect_dma semaphore(%arg13 : memref<!tpu.dma_semaphore, #tpu.memory_space<semaphore_mem>>) src(%dma_wait3A_88 : memref<10240x64xf32, #tpu.memory_space<hbm>>) dst(%dma_wait3A_82 : memref<128x64xf32, #tpu.memory_space<vmem>>)
      %run_scoped3A_89 = arith.constant 1 : i32
      %run_scoped3A_90 = arith.constant 157 : i32
      "tpu.region"() ({
        %run_scoped3A_119 = tpu.sem_alloc : memref<!tpu.dma_semaphore, #tpu.memory_space<semaphore_mem>>
        %dma_start3A_120 = arith.constant 0 : i32
        %dma_start3A_121 = arith.constant 0 : i32
        %dma_start3A_122 = tpu.memref_slice %arg10[%run_scoped3A_89, %dma_start3A_120, %dma_start3A_121] : memref<4x128x64xf32, #tpu.memory_space<vmem>> -> memref<1x128x64xf32, #tpu.memory_space<vmem>>
        %dma_start3A_123 = tpu.memref_squeeze %dma_start3A_122 : memref<1x128x64xf32, #tpu.memory_space<vmem>> -> memref<128x64xf32, #tpu.memory_space<vmem>>
        %dma_start3A_124 = arith.constant 0 : i32
        %dma_start3A_125 = tpu.memref_slice %arg9[%run_scoped3A_90, %dma_start3A_124] : memref<160x128xi32, #tpu.memory_space<vmem>> -> memref<1x128xi32, #tpu.memory_space<vmem>>
        %dma_start3A_126 = tpu.memref_squeeze %dma_start3A_125 : memref<1x128xi32, #tpu.memory_space<vmem>> -> memref<128xi32, #tpu.memory_space<vmem>>
        %dma_start3A_127 = arith.constant 0 : i32
        %dma_start3A_128 = arith.constant 0 : i32
        %dma_start3A_129 = tpu.memref_slice %arg11[%dma_start3A_127, %dma_start3A_128] : memref<10240x64xf32, #tpu.memory_space<vmem_shared>> -> memref<10240x64xf32, #tpu.memory_space<vmem_shared>>
        tpu.enqueue_indirect_dma source(%dma_start3A_123 : memref<128x64xf32, #tpu.memory_space<vmem>>) target(%dma_start3A_129 : memref<10240x64xf32, #tpu.memory_space<vmem_shared>>) offsets(%dma_start3A_126 : memref<128xi32, #tpu.memory_space<vmem>>) semaphore(%run_scoped3A_119 : memref<!tpu.dma_semaphore, #tpu.memory_space<semaphore_mem>>) {add = true}
        %dma_wait3A_130 = arith.constant 0 : i32
        %dma_wait3A_131 = arith.constant 0 : i32
        %dma_wait3A_132 = tpu.memref_slice %arg10[%run_scoped3A_89, %dma_wait3A_130, %dma_wait3A_131] : memref<4x128x64xf32, #tpu.memory_space<vmem>> -> memref<1x128x64xf32, #tpu.memory_space<vmem>>
        %dma_wait3A_133 = tpu.memref_squeeze %dma_wait3A_132 : memref<1x128x64xf32, #tpu.memory_space<vmem>> -> memref<128x64xf32, #tpu.memory_space<vmem>>
        %dma_wait3A_134 = arith.constant 0 : i32
        %dma_wait3A_135 = tpu.memref_slice %arg9[%run_scoped3A_90, %dma_wait3A_134] : memref<160x128xi32, #tpu.memory_space<vmem>> -> memref<1x128xi32, #tpu.memory_space<vmem>>
        %dma_wait3A_136 = tpu.memref_squeeze %dma_wait3A_135 : memref<1x128xi32, #tpu.memory_space<vmem>> -> memref<128xi32, #tpu.memory_space<vmem>>
        %dma_wait3A_137 = arith.constant 0 : i32
        %dma_wait3A_138 = arith.constant 0 : i32
        %dma_wait3A_139 = tpu.memref_slice %arg11[%dma_wait3A_137, %dma_wait3A_138] : memref<10240x64xf32, #tpu.memory_space<vmem_shared>> -> memref<10240x64xf32, #tpu.memory_space<vmem_shared>>
        tpu.wait_indirect_dma semaphore(%run_scoped3A_119 : memref<!tpu.dma_semaphore, #tpu.memory_space<semaphore_mem>>) src(%dma_wait3A_133 : memref<128x64xf32, #tpu.memory_space<vmem>>) dst(%dma_wait3A_139 : memref<10240x64xf32, #tpu.memory_space<vmem_shared>>)
        tpu.yield
      }) : () -> ()
      %dma_wait3A_91 = arith.constant 158 : i32
      %dma_wait3A_92 = arith.constant 2 : i32
      %dma_wait3A_93 = arith.constant 0 : i32
      %dma_wait3A_94 = arith.constant 0 : i32
      %dma_wait3A_95 = tpu.memref_slice %arg10[%dma_wait3A_92, %dma_wait3A_93, %dma_wait3A_94] : memref<4x128x64xf32, #tpu.memory_space<vmem>> -> memref<1x128x64xf32, #tpu.memory_space<vmem>>
      %dma_wait3A_96 = tpu.memref_squeeze %dma_wait3A_95 : memref<1x128x64xf32, #tpu.memory_space<vmem>> -> memref<128x64xf32, #tpu.memory_space<vmem>>
      %dma_wait3A_97 = arith.constant 0 : i32
      %dma_wait3A_98 = tpu.memref_slice %arg8[%dma_wait3A_91, %dma_wait3A_97] : memref<160x128xi32, #tpu.memory_space<vmem>> -> memref<1x128xi32, #tpu.memory_space<vmem>>
      %dma_wait3A_99 = tpu.memref_squeeze %dma_wait3A_98 : memref<1x128xi32, #tpu.memory_space<vmem>> -> memref<128xi32, #tpu.memory_space<vmem>>
      %dma_wait3A_100 = arith.constant 0 : i32
      %dma_wait3A_101 = arith.constant 0 : i32
      %dma_wait3A_102 = tpu.memref_slice %arg3[%dma_wait3A_100, %dma_wait3A_101] : memref<10240x64xf32, #tpu.memory_space<hbm>> -> memref<10240x64xf32, #tpu.memory_space<hbm>>
      tpu.wait_indirect_dma semaphore(%arg14 : memref<!tpu.dma_semaphore, #tpu.memory_space<semaphore_mem>>) src(%dma_wait3A_102 : memref<10240x64xf32, #tpu.memory_space<hbm>>) dst(%dma_wait3A_96 : memref<128x64xf32, #tpu.memory_space<vmem>>)
      %run_scoped3A_103 = arith.constant 2 : i32
      %run_scoped3A_104 = arith.constant 158 : i32
      "tpu.region"() ({
        %run_scoped3A_119 = tpu.sem_alloc : memref<!tpu.dma_semaphore, #tpu.memory_space<semaphore_mem>>
        %dma_start3A_120 = arith.constant 0 : i32
        %dma_start3A_121 = arith.constant 0 : i32
        %dma_start3A_122 = tpu.memref_slice %arg10[%run_scoped3A_103, %dma_start3A_120, %dma_start3A_121] : memref<4x128x64xf32, #tpu.memory_space<vmem>> -> memref<1x128x64xf32, #tpu.memory_space<vmem>>
        %dma_start3A_123 = tpu.memref_squeeze %dma_start3A_122 : memref<1x128x64xf32, #tpu.memory_space<vmem>> -> memref<128x64xf32, #tpu.memory_space<vmem>>
        %dma_start3A_124 = arith.constant 0 : i32
        %dma_start3A_125 = tpu.memref_slice %arg9[%run_scoped3A_104, %dma_start3A_124] : memref<160x128xi32, #tpu.memory_space<vmem>> -> memref<1x128xi32, #tpu.memory_space<vmem>>
        %dma_start3A_126 = tpu.memref_squeeze %dma_start3A_125 : memref<1x128xi32, #tpu.memory_space<vmem>> -> memref<128xi32, #tpu.memory_space<vmem>>
        %dma_start3A_127 = arith.constant 0 : i32
        %dma_start3A_128 = arith.constant 0 : i32
        %dma_start3A_129 = tpu.memref_slice %arg11[%dma_start3A_127, %dma_start3A_128] : memref<10240x64xf32, #tpu.memory_space<vmem_shared>> -> memref<10240x64xf32, #tpu.memory_space<vmem_shared>>
        tpu.enqueue_indirect_dma source(%dma_start3A_123 : memref<128x64xf32, #tpu.memory_space<vmem>>) target(%dma_start3A_129 : memref<10240x64xf32, #tpu.memory_space<vmem_shared>>) offsets(%dma_start3A_126 : memref<128xi32, #tpu.memory_space<vmem>>) semaphore(%run_scoped3A_119 : memref<!tpu.dma_semaphore, #tpu.memory_space<semaphore_mem>>) {add = true}
        %dma_wait3A_130 = arith.constant 0 : i32
        %dma_wait3A_131 = arith.constant 0 : i32
        %dma_wait3A_132 = tpu.memref_slice %arg10[%run_scoped3A_103, %dma_wait3A_130, %dma_wait3A_131] : memref<4x128x64xf32, #tpu.memory_space<vmem>> -> memref<1x128x64xf32, #tpu.memory_space<vmem>>
        %dma_wait3A_133 = tpu.memref_squeeze %dma_wait3A_132 : memref<1x128x64xf32, #tpu.memory_space<vmem>> -> memref<128x64xf32, #tpu.memory_space<vmem>>
        %dma_wait3A_134 = arith.constant 0 : i32
        %dma_wait3A_135 = tpu.memref_slice %arg9[%run_scoped3A_104, %dma_wait3A_134] : memref<160x128xi32, #tpu.memory_space<vmem>> -> memref<1x128xi32, #tpu.memory_space<vmem>>
        %dma_wait3A_136 = tpu.memref_squeeze %dma_wait3A_135 : memref<1x128xi32, #tpu.memory_space<vmem>> -> memref<128xi32, #tpu.memory_space<vmem>>
        %dma_wait3A_137 = arith.constant 0 : i32
        %dma_wait3A_138 = arith.constant 0 : i32
        %dma_wait3A_139 = tpu.memref_slice %arg11[%dma_wait3A_137, %dma_wait3A_138] : memref<10240x64xf32, #tpu.memory_space<vmem_shared>> -> memref<10240x64xf32, #tpu.memory_space<vmem_shared>>
        tpu.wait_indirect_dma semaphore(%run_scoped3A_119 : memref<!tpu.dma_semaphore, #tpu.memory_space<semaphore_mem>>) src(%dma_wait3A_133 : memref<128x64xf32, #tpu.memory_space<vmem>>) dst(%dma_wait3A_139 : memref<10240x64xf32, #tpu.memory_space<vmem_shared>>)
        tpu.yield
      }) : () -> ()
      %dma_wait3A_105 = arith.constant 159 : i32
      %dma_wait3A_106 = arith.constant 3 : i32
      %dma_wait3A_107 = arith.constant 0 : i32
      %dma_wait3A_108 = arith.constant 0 : i32
      %dma_wait3A_109 = tpu.memref_slice %arg10[%dma_wait3A_106, %dma_wait3A_107, %dma_wait3A_108] : memref<4x128x64xf32, #tpu.memory_space<vmem>> -> memref<1x128x64xf32, #tpu.memory_space<vmem>>
      %dma_wait3A_110 = tpu.memref_squeeze %dma_wait3A_109 : memref<1x128x64xf32, #tpu.memory_space<vmem>> -> memref<128x64xf32, #tpu.memory_space<vmem>>
      %dma_wait3A_111 = arith.constant 0 : i32
      %dma_wait3A_112 = tpu.memref_slice %arg8[%dma_wait3A_105, %dma_wait3A_111] : memref<160x128xi32, #tpu.memory_space<vmem>> -> memref<1x128xi32, #tpu.memory_space<vmem>>
      %dma_wait3A_113 = tpu.memref_squeeze %dma_wait3A_112 : memref<1x128xi32, #tpu.memory_space<vmem>> -> memref<128xi32, #tpu.memory_space<vmem>>
      %dma_wait3A_114 = arith.constant 0 : i32
      %dma_wait3A_115 = arith.constant 0 : i32
      %dma_wait3A_116 = tpu.memref_slice %arg3[%dma_wait3A_114, %dma_wait3A_115] : memref<10240x64xf32, #tpu.memory_space<hbm>> -> memref<10240x64xf32, #tpu.memory_space<hbm>>
      tpu.wait_indirect_dma semaphore(%arg15 : memref<!tpu.dma_semaphore, #tpu.memory_space<semaphore_mem>>) src(%dma_wait3A_116 : memref<10240x64xf32, #tpu.memory_space<hbm>>) dst(%dma_wait3A_110 : memref<128x64xf32, #tpu.memory_space<vmem>>)
      %run_scoped3A_117 = arith.constant 3 : i32
      %run_scoped3A_118 = arith.constant 159 : i32
      "tpu.region"() ({
        %run_scoped3A_119 = tpu.sem_alloc : memref<!tpu.dma_semaphore, #tpu.memory_space<semaphore_mem>>
        %dma_start3A_120 = arith.constant 0 : i32
        %dma_start3A_121 = arith.constant 0 : i32
        %dma_start3A_122 = tpu.memref_slice %arg10[%run_scoped3A_117, %dma_start3A_120, %dma_start3A_121] : memref<4x128x64xf32, #tpu.memory_space<vmem>> -> memref<1x128x64xf32, #tpu.memory_space<vmem>>
        %dma_start3A_123 = tpu.memref_squeeze %dma_start3A_122 : memref<1x128x64xf32, #tpu.memory_space<vmem>> -> memref<128x64xf32, #tpu.memory_space<vmem>>
        %dma_start3A_124 = arith.constant 0 : i32
        %dma_start3A_125 = tpu.memref_slice %arg9[%run_scoped3A_118, %dma_start3A_124] : memref<160x128xi32, #tpu.memory_space<vmem>> -> memref<1x128xi32, #tpu.memory_space<vmem>>
        %dma_start3A_126 = tpu.memref_squeeze %dma_start3A_125 : memref<1x128xi32, #tpu.memory_space<vmem>> -> memref<128xi32, #tpu.memory_space<vmem>>
        %dma_start3A_127 = arith.constant 0 : i32
        %dma_start3A_128 = arith.constant 0 : i32
        %dma_start3A_129 = tpu.memref_slice %arg11[%dma_start3A_127, %dma_start3A_128] : memref<10240x64xf32, #tpu.memory_space<vmem_shared>> -> memref<10240x64xf32, #tpu.memory_space<vmem_shared>>
        tpu.enqueue_indirect_dma source(%dma_start3A_123 : memref<128x64xf32, #tpu.memory_space<vmem>>) target(%dma_start3A_129 : memref<10240x64xf32, #tpu.memory_space<vmem_shared>>) offsets(%dma_start3A_126 : memref<128xi32, #tpu.memory_space<vmem>>) semaphore(%run_scoped3A_119 : memref<!tpu.dma_semaphore, #tpu.memory_space<semaphore_mem>>) {add = true}
        %dma_wait3A_130 = arith.constant 0 : i32
        %dma_wait3A_131 = arith.constant 0 : i32
        %dma_wait3A_132 = tpu.memref_slice %arg10[%run_scoped3A_117, %dma_wait3A_130, %dma_wait3A_131] : memref<4x128x64xf32, #tpu.memory_space<vmem>> -> memref<1x128x64xf32, #tpu.memory_space<vmem>>
        %dma_wait3A_133 = tpu.memref_squeeze %dma_wait3A_132 : memref<1x128x64xf32, #tpu.memory_space<vmem>> -> memref<128x64xf32, #tpu.memory_space<vmem>>
        %dma_wait3A_134 = arith.constant 0 : i32
        %dma_wait3A_135 = tpu.memref_slice %arg9[%run_scoped3A_118, %dma_wait3A_134] : memref<160x128xi32, #tpu.memory_space<vmem>> -> memref<1x128xi32, #tpu.memory_space<vmem>>
        %dma_wait3A_136 = tpu.memref_squeeze %dma_wait3A_135 : memref<1x128xi32, #tpu.memory_space<vmem>> -> memref<128xi32, #tpu.memory_space<vmem>>
        %dma_wait3A_137 = arith.constant 0 : i32
        %dma_wait3A_138 = arith.constant 0 : i32
        %dma_wait3A_139 = tpu.memref_slice %arg11[%dma_wait3A_137, %dma_wait3A_138] : memref<10240x64xf32, #tpu.memory_space<vmem_shared>> -> memref<10240x64xf32, #tpu.memory_space<vmem_shared>>
        tpu.wait_indirect_dma semaphore(%run_scoped3A_119 : memref<!tpu.dma_semaphore, #tpu.memory_space<semaphore_mem>>) src(%dma_wait3A_133 : memref<128x64xf32, #tpu.memory_space<vmem>>) dst(%dma_wait3A_139 : memref<10240x64xf32, #tpu.memory_space<vmem_shared>>)
        tpu.yield
      }) : () -> ()
    } else {
    }
    %barrier3A_12 = arith.constant 0 : index
    tpu.barrier barrier_id(%barrier3A_12)
    "tpu.region"() ({
      %run_scoped3A = tpu.sem_alloc : memref<!tpu.dma_semaphore, #tpu.memory_space<semaphore_mem>>
      %dma_start3A = arith.constant 0 : i32
      %dma_start3A_13 = tpu.memref_slice %arg7[%arg0, %mul3A_0, %dma_start3A] : memref<2x10240x64xf32, #tpu.memory_space<hbm>> -> memref<1x640x64xf32, #tpu.memory_space<hbm>>
      %dma_start3A_14 = tpu.memref_squeeze %dma_start3A_13 : memref<1x640x64xf32, #tpu.memory_space<hbm>> -> memref<640x64xf32, #tpu.memory_space<hbm>>
      %dma_start3A_15 = arith.constant 0 : i32
      %dma_start3A_16 = tpu.memref_slice %arg11[%mul3A_0, %dma_start3A_15] : memref<10240x64xf32, #tpu.memory_space<vmem_shared>> -> memref<640x64xf32, #tpu.memory_space<vmem_shared>>
      tpu.enqueue_dma source(%dma_start3A_16 : memref<640x64xf32, #tpu.memory_space<vmem_shared>>) target(%dma_start3A_14 : memref<640x64xf32, #tpu.memory_space<hbm>>) target_semaphore(%run_scoped3A : memref<!tpu.dma_semaphore, #tpu.memory_space<semaphore_mem>>)
      %dma_wait3A = arith.constant 0 : i32
      %dma_wait3A_17 = tpu.memref_slice %arg7[%arg0, %mul3A_0, %dma_wait3A] : memref<2x10240x64xf32, #tpu.memory_space<hbm>> -> memref<1x640x64xf32, #tpu.memory_space<hbm>>
      %dma_wait3A_18 = tpu.memref_squeeze %dma_wait3A_17 : memref<1x640x64xf32, #tpu.memory_space<hbm>> -> memref<640x64xf32, #tpu.memory_space<hbm>>
      %dma_wait3A_19 = arith.constant 0 : i32
      %dma_wait3A_20 = tpu.memref_slice %arg11[%mul3A_0, %dma_wait3A_19] : memref<10240x64xf32, #tpu.memory_space<vmem_shared>> -> memref<640x64xf32, #tpu.memory_space<vmem_shared>>
      tpu.wait_dma2 semaphore(%run_scoped3A : memref<!tpu.dma_semaphore, #tpu.memory_space<semaphore_mem>>) src(%dma_wait3A_20 : memref<640x64xf32, #tpu.memory_space<vmem_shared>>) dst(%dma_wait3A_18 : memref<640x64xf32, #tpu.memory_space<hbm>>)
      tpu.yield
    }) : () -> ()
    return
  }
}

module attributes {stable_mosaic.version = 14 : i64} {
  func.func @_tc1_body(%arg0: i32, %arg1: memref<1024x128xf32, #tpu.memory_space<vmem>>, %arg2: memref<1024x128xf32, #tpu.memory_space<vmem>>, %arg3: memref<128x128xf32, #tpu.memory_space<vmem>>, %arg4: memref<128x128xf32, #tpu.memory_space<vmem>>, %arg5: memref<1024x1xf32, #tpu.memory_space<vmem>>, %arg6: memref<1024x1xf32, #tpu.memory_space<vmem>>, %arg7: memref<1024x64xf32, #tpu.memory_space<vmem>>, %arg8: memref<1024x64xf32, #tpu.memory_space<vmem>>, %arg9: memref<1024x64xf32, #tpu.memory_space<vmem>>, %arg10: memref<1024x64xf32, #tpu.memory_space<vmem>>, %arg11: memref<1024x1xf32, #tpu.memory_space<vmem>>) attributes {dimension_semantics = [#tpu.dimension_semantics<arbitrary>], iteration_bounds = array<i64: 10>, scalar_prefetch = 0 : i64, scratch_operands = 0 : i64, tpu.core_type = #tpu.core_type<tc>, window_params = [{transform_indices = @transform_0, window_bounds = array<i64: 1024, 128>}, {transform_indices = @transform_1, window_bounds = array<i64: 1024, 128>}, {pipeline_mode = #tpu.pipeline_mode<synchronous>, transform_indices = @transform_2, window_bounds = array<i64: 128, 128>}, {pipeline_mode = #tpu.pipeline_mode<synchronous>, transform_indices = @transform_3, window_bounds = array<i64: 128, 128>}, {transform_indices = @transform_4, window_bounds = array<i64: 1024, 1>}, {transform_indices = @transform_5, window_bounds = array<i64: 1024, 1>}, {transform_indices = @transform_6, window_bounds = array<i64: 1024, 64>}, {transform_indices = @transform_7, window_bounds = array<i64: 1024, 64>}, {transform_indices = @transform_8, window_bounds = array<i64: 1024, 64>}, {transform_indices = @transform_9, window_bounds = array<i64: 1024, 64>}, {transform_indices = @transform_10, window_bounds = array<i64: 1024, 1>}]} {
    %get3A = arith.constant 0 : index
    %get3A_0 = arith.constant 0 : index
    %get3A_1 = vector.load %arg5[%get3A, %get3A_0] : memref<1024x1xf32, #tpu.memory_space<vmem>>, vector<1024x1xf32>
    %get3A_2 = arith.constant 0 : index
    %get3A_3 = arith.constant 0 : index
    %get3A_4 = vector.load %arg6[%get3A_2, %get3A_3] : memref<1024x1xf32, #tpu.memory_space<vmem>>, vector<1024x1xf32>
    %add3A = arith.addf %get3A_1, %get3A_4 : vector<1024x1xf32>
    %add3A_5 = arith.constant 1.000000e+00 : f32
    %add3A_6 = vector.broadcast %add3A_5 : f32 to vector<1024x1xf32>
    %add3A_7 = arith.addf %add3A, %add3A_6 : vector<1024x1xf32>
    %rsqrt3A = math.rsqrt %add3A_7 : vector<1024x1xf32>
    %get3A_8 = arith.constant 0 : index
    %get3A_9 = arith.constant 0 : index
    %get3A_10 = vector.load %arg1[%get3A_8, %get3A_9] : memref<1024x128xf32, #tpu.memory_space<vmem>>, vector<1024x128xf32>
    %get3A_11 = arith.constant 0 : index
    %get3A_12 = arith.constant 0 : index
    %get3A_13 = vector.load %arg3[%get3A_11, %get3A_12] : memref<128x128xf32, #tpu.memory_space<vmem>>, vector<128x128xf32>
    %dot_general3A = arith.constant dense<0.000000e+00> : vector<1024x128xf32>
    %dot_general3A_14 = tpu.matmul %get3A_10, %get3A_13, %dot_general3A {dimension_numbers = #tpu.dot_dimension_numbers<[1], [1], [0], [0], [0, 0, 1, 0], [], []>, transpose_lhs_hint = false} : vector<1024x128xf32>, vector<128x128xf32>, vector<1024x128xf32> -> vector<1024x128xf32>
    %mul3A = vector.broadcast %rsqrt3A : vector<1024x1xf32> to vector<1024x128xf32>
    %mul3A_15 = arith.mulf %dot_general3A_14, %mul3A : vector<1024x128xf32>
    %get3A_16 = arith.constant 0 : index
    %get3A_17 = arith.constant 0 : index
    %get3A_18 = vector.load %arg2[%get3A_16, %get3A_17] : memref<1024x128xf32, #tpu.memory_space<vmem>>, vector<1024x128xf32>
    %get3A_19 = arith.constant 0 : index
    %get3A_20 = arith.constant 0 : index
    %get3A_21 = vector.load %arg4[%get3A_19, %get3A_20] : memref<128x128xf32, #tpu.memory_space<vmem>>, vector<128x128xf32>
    %dot_general3A_22 = arith.constant dense<0.000000e+00> : vector<1024x128xf32>
    %dot_general3A_23 = tpu.matmul %get3A_18, %get3A_21, %dot_general3A_22 {dimension_numbers = #tpu.dot_dimension_numbers<[1], [1], [0], [0], [0, 0, 1, 0], [], []>, transpose_lhs_hint = false} : vector<1024x128xf32>, vector<128x128xf32>, vector<1024x128xf32> -> vector<1024x128xf32>
    %mul3A_24 = vector.broadcast %rsqrt3A : vector<1024x1xf32> to vector<1024x128xf32>
    %mul3A_25 = arith.mulf %dot_general3A_23, %mul3A_24 : vector<1024x128xf32>
    %slice3A = vector.extract_strided_slice %mul3A_15 {offsets = [0, 0], sizes = [1024, 64], strides = [1, 1]} : vector<1024x128xf32> to vector<1024x64xf32>
    %swap3A = arith.constant 0 : index
    %swap3A_26 = arith.constant 0 : index
    %swap3A_27 = vector.load %arg7[%swap3A, %swap3A_26] : memref<1024x64xf32, #tpu.memory_space<vmem>>, vector<1024x64xf32>
    tpu.vector_store %arg7[%swap3A, %swap3A_26], %slice3A {strides = array<i32>} : memref<1024x64xf32, #tpu.memory_space<vmem>>, vector<1024x64xf32>,
    %slice3A_28 = vector.extract_strided_slice %mul3A_15 {offsets = [0, 64], sizes = [1024, 64], strides = [1, 1]} : vector<1024x128xf32> to vector<1024x64xf32>
    %swap3A_29 = arith.constant 0 : index
    %swap3A_30 = arith.constant 0 : index
    %swap3A_31 = vector.load %arg8[%swap3A_29, %swap3A_30] : memref<1024x64xf32, #tpu.memory_space<vmem>>, vector<1024x64xf32>
    tpu.vector_store %arg8[%swap3A_29, %swap3A_30], %slice3A_28 {strides = array<i32>} : memref<1024x64xf32, #tpu.memory_space<vmem>>, vector<1024x64xf32>,
    %slice3A_32 = vector.extract_strided_slice %mul3A_25 {offsets = [0, 0], sizes = [1024, 64], strides = [1, 1]} : vector<1024x128xf32> to vector<1024x64xf32>
    %swap3A_33 = arith.constant 0 : index
    %swap3A_34 = arith.constant 0 : index
    %swap3A_35 = vector.load %arg9[%swap3A_33, %swap3A_34] : memref<1024x64xf32, #tpu.memory_space<vmem>>, vector<1024x64xf32>
    tpu.vector_store %arg9[%swap3A_33, %swap3A_34], %slice3A_32 {strides = array<i32>} : memref<1024x64xf32, #tpu.memory_space<vmem>>, vector<1024x64xf32>,
    %slice3A_36 = vector.extract_strided_slice %mul3A_25 {offsets = [0, 64], sizes = [1024, 64], strides = [1, 1]} : vector<1024x128xf32> to vector<1024x64xf32>
    %swap3A_37 = arith.constant 0 : index
    %swap3A_38 = arith.constant 0 : index
    %swap3A_39 = vector.load %arg10[%swap3A_37, %swap3A_38] : memref<1024x64xf32, #tpu.memory_space<vmem>>, vector<1024x64xf32>
    tpu.vector_store %arg10[%swap3A_37, %swap3A_38], %slice3A_36 {strides = array<i32>} : memref<1024x64xf32, #tpu.memory_space<vmem>>, vector<1024x64xf32>,
    %swap3A_40 = arith.constant 0 : index
    %swap3A_41 = arith.constant 0 : index
    %swap3A_42 = vector.load %arg11[%swap3A_40, %swap3A_41] : memref<1024x1xf32, #tpu.memory_space<vmem>>, vector<1024x1xf32>
    tpu.vector_store %arg11[%swap3A_40, %swap3A_41], %rsqrt3A {strides = array<i32>} : memref<1024x1xf32, #tpu.memory_space<vmem>>, vector<1024x1xf32>,
    return
  }
  func.func @transform_0(%arg0: i32) -> (i32, i32) {
    %c0_i32 = arith.constant 0 : i32
    %c0_i32_0 = arith.constant 0 : i32
    return %arg0, %c0_i32 : i32, i32
  }
  func.func @transform_1(%arg0: i32) -> (i32, i32) {
    %c0_i32 = arith.constant 0 : i32
    %c0_i32_0 = arith.constant 0 : i32
    return %arg0, %c0_i32 : i32, i32
  }
  func.func @transform_2(%arg0: i32) -> (i32, i32) {
    %c0_i32 = arith.constant 0 : i32
    %c0_i32_0 = arith.constant 0 : i32
    %c0_i32_1 = arith.constant 0 : i32
    return %c0_i32, %c0_i32_0 : i32, i32
  }
  func.func @transform_3(%arg0: i32) -> (i32, i32) {
    %c0_i32 = arith.constant 0 : i32
    %c0_i32_0 = arith.constant 0 : i32
    %c0_i32_1 = arith.constant 0 : i32
    return %c0_i32, %c0_i32_0 : i32, i32
  }
  func.func @transform_4(%arg0: i32) -> (i32, i32) {
    %c0_i32 = arith.constant 0 : i32
    %c0_i32_0 = arith.constant 0 : i32
    return %arg0, %c0_i32 : i32, i32
  }
  func.func @transform_5(%arg0: i32) -> (i32, i32) {
    %c0_i32 = arith.constant 0 : i32
    %c0_i32_0 = arith.constant 0 : i32
    return %arg0, %c0_i32 : i32, i32
  }
  func.func @transform_6(%arg0: i32) -> (i32, i32) {
    %c0_i32 = arith.constant 0 : i32
    %c0_i32_0 = arith.constant 0 : i32
    return %arg0, %c0_i32 : i32, i32
  }
  func.func @transform_7(%arg0: i32) -> (i32, i32) {
    %c0_i32 = arith.constant 0 : i32
    %c0_i32_0 = arith.constant 0 : i32
    return %arg0, %c0_i32 : i32, i32
  }
  func.func @transform_8(%arg0: i32) -> (i32, i32) {
    %c0_i32 = arith.constant 0 : i32
    %c0_i32_0 = arith.constant 0 : i32
    return %arg0, %c0_i32 : i32, i32
  }
  func.func @transform_9(%arg0: i32) -> (i32, i32) {
    %c0_i32 = arith.constant 0 : i32
    %c0_i32_0 = arith.constant 0 : i32
    return %arg0, %c0_i32 : i32, i32
  }
  func.func @transform_10(%arg0: i32) -> (i32, i32) {
    %c0_i32 = arith.constant 0 : i32
    %c0_i32_0 = arith.constant 0 : i32
    return %arg0, %c0_i32 : i32, i32
  }
}

module attributes {stable_mosaic.version = 14 : i64} {
  func.func @_tc2_body(%arg0: i32, %arg1: memref<1024x64xf32, #tpu.memory_space<vmem>>, %arg2: memref<1024x64xf32, #tpu.memory_space<vmem>>, %arg3: memref<1024x64xf32, #tpu.memory_space<vmem>>, %arg4: memref<1024x64xf32, #tpu.memory_space<vmem>>, %arg5: memref<1024x64xf32, #tpu.memory_space<vmem>>, %arg6: memref<1024x64xf32, #tpu.memory_space<vmem>>, %arg7: memref<1024x64xf32, #tpu.memory_space<vmem>>, %arg8: memref<1024x64xf32, #tpu.memory_space<vmem>>, %arg9: memref<1024x1xf32, #tpu.memory_space<vmem>>, %arg10: memref<1x128xf32, #tpu.memory_space<vmem>>, %arg11: memref<1x128xf32, #tpu.memory_space<vmem>>, %arg12: memref<128x256xf32, #tpu.memory_space<vmem>>, %arg13: memref<1024x64xf32, #tpu.memory_space<vmem>>, %arg14: memref<1024x64xf32, #tpu.memory_space<vmem>>) attributes {dimension_semantics = [#tpu.dimension_semantics<arbitrary>], iteration_bounds = array<i64: 10>, scalar_prefetch = 0 : i64, scratch_operands = 0 : i64, tpu.core_type = #tpu.core_type<tc>, window_params = [{transform_indices = @transform_0, window_bounds = array<i64: 1024, 64>}, {transform_indices = @transform_1, window_bounds = array<i64: 1024, 64>}, {transform_indices = @transform_2, window_bounds = array<i64: 1024, 64>}, {transform_indices = @transform_3, window_bounds = array<i64: 1024, 64>}, {transform_indices = @transform_4, window_bounds = array<i64: 1024, 64>}, {transform_indices = @transform_5, window_bounds = array<i64: 1024, 64>}, {transform_indices = @transform_6, window_bounds = array<i64: 1024, 64>}, {transform_indices = @transform_7, window_bounds = array<i64: 1024, 64>}, {transform_indices = @transform_8, window_bounds = array<i64: 1024, 1>}, {pipeline_mode = #tpu.pipeline_mode<synchronous>, transform_indices = @transform_9, window_bounds = array<i64: 1, 128>}, {pipeline_mode = #tpu.pipeline_mode<synchronous>, transform_indices = @transform_10, window_bounds = array<i64: 1, 128>}, {pipeline_mode = #tpu.pipeline_mode<synchronous>, transform_indices = @transform_11, window_bounds = array<i64: 128, 256>}, {transform_indices = @transform_12, window_bounds = array<i64: 1024, 64>}, {transform_indices = @transform_13, window_bounds = array<i64: 1024, 64>}]} {
    %get3A = arith.constant 0 : index
    %get3A_0 = arith.constant 0 : index
    %get3A_1 = vector.load %arg9[%get3A, %get3A_0] : memref<1024x1xf32, #tpu.memory_space<vmem>>, vector<1024x1xf32>
    %get3A_2 = arith.constant 0 : index
    %get3A_3 = arith.constant 0 : index
    %get3A_4 = vector.load %arg1[%get3A_2, %get3A_3] : memref<1024x64xf32, #tpu.memory_space<vmem>>, vector<1024x64xf32>
    %get3A_5 = arith.constant 0 : index
    %get3A_6 = arith.constant 0 : index
    %get3A_7 = vector.load %arg5[%get3A_5, %get3A_6] : memref<1024x64xf32, #tpu.memory_space<vmem>>, vector<1024x64xf32>
    %add3A = arith.addf %get3A_4, %get3A_7 : vector<1024x64xf32>
    %get3A_8 = arith.constant 0 : index
    %get3A_9 = arith.constant 0 : index
    %get3A_10 = vector.load %arg2[%get3A_8, %get3A_9] : memref<1024x64xf32, #tpu.memory_space<vmem>>, vector<1024x64xf32>
    %get3A_11 = arith.constant 0 : index
    %get3A_12 = arith.constant 0 : index
    %get3A_13 = vector.load %arg6[%get3A_11, %get3A_12] : memref<1024x64xf32, #tpu.memory_space<vmem>>, vector<1024x64xf32>
    %add3A_14 = arith.addf %get3A_10, %get3A_13 : vector<1024x64xf32>
    %concatenate3A = tpu.concatenate %add3A, %add3A_14 in 1 : vector<1024x64xf32>, vector<1024x64xf32> -> vector<1024x128xf32>
    %get3A_15 = arith.constant 0 : index
    %get3A_16 = arith.constant 0 : index
    %get3A_17 = vector.load %arg3[%get3A_15, %get3A_16] : memref<1024x64xf32, #tpu.memory_space<vmem>>, vector<1024x64xf32>
    %get3A_18 = arith.constant 0 : index
    %get3A_19 = arith.constant 0 : index
    %get3A_20 = vector.load %arg7[%get3A_18, %get3A_19] : memref<1024x64xf32, #tpu.memory_space<vmem>>, vector<1024x64xf32>
    %add3A_21 = arith.addf %get3A_17, %get3A_20 : vector<1024x64xf32>
    %get3A_22 = arith.constant 0 : index
    %get3A_23 = arith.constant 0 : index
    %get3A_24 = vector.load %arg4[%get3A_22, %get3A_23] : memref<1024x64xf32, #tpu.memory_space<vmem>>, vector<1024x64xf32>
    %get3A_25 = arith.constant 0 : index
    %get3A_26 = arith.constant 0 : index
    %get3A_27 = vector.load %arg8[%get3A_25, %get3A_26] : memref<1024x64xf32, #tpu.memory_space<vmem>>, vector<1024x64xf32>
    %add3A_28 = arith.addf %get3A_24, %get3A_27 : vector<1024x64xf32>
    %concatenate3A_29 = tpu.concatenate %add3A_21, %add3A_28 in 1 : vector<1024x64xf32>, vector<1024x64xf32> -> vector<1024x128xf32>
    %mul3A = vector.broadcast %get3A_1 : vector<1024x1xf32> to vector<1024x128xf32>
    %mul3A_30 = arith.mulf %concatenate3A, %mul3A : vector<1024x128xf32>
    %get3A_31 = arith.constant 0 : index
    %get3A_32 = arith.constant 0 : index
    %get3A_33 = vector.load %arg10[%get3A_31, %get3A_32] : memref<1x128xf32, #tpu.memory_space<vmem>>, vector<1x128xf32>
    %add3A_34 = vector.broadcast %get3A_33 : vector<1x128xf32> to vector<1024x128xf32>
    %add3A_35 = arith.addf %mul3A_30, %add3A_34 : vector<1024x128xf32>
    %tanh3A = math.tanh %add3A_35 : vector<1024x128xf32>
    %mul3A_36 = vector.broadcast %get3A_1 : vector<1024x1xf32> to vector<1024x128xf32>
    %mul3A_37 = arith.mulf %concatenate3A_29, %mul3A_36 : vector<1024x128xf32>
    %get3A_38 = arith.constant 0 : index
    %get3A_39 = arith.constant 0 : index
    %get3A_40 = vector.load %arg11[%get3A_38, %get3A_39] : memref<1x128xf32, #tpu.memory_space<vmem>>, vector<1x128xf32>
    %add3A_41 = vector.broadcast %get3A_40 : vector<1x128xf32> to vector<1024x128xf32>
    %add3A_42 = arith.addf %mul3A_37, %add3A_41 : vector<1024x128xf32>
    %tanh3A_43 = math.tanh %add3A_42 : vector<1024x128xf32>
    %get3A_44 = arith.constant 0 : index
    %get3A_45 = arith.constant 0 : index
    %get3A_46 = vector.load %arg12[%get3A_44, %get3A_45] : memref<128x256xf32, #tpu.memory_space<vmem>>, vector<128x256xf32>
    %slice3A = vector.extract_strided_slice %get3A_46 {offsets = [0, 0], sizes = [128, 128], strides = [1, 1]} : vector<128x256xf32> to vector<128x128xf32>
    %dot_general3A = arith.constant dense<0.000000e+00> : vector<1024x128xf32>
    %dot_general3A_47 = tpu.matmul %tanh3A, %slice3A, %dot_general3A {dimension_numbers = #tpu.dot_dimension_numbers<[1], [1], [0], [0], [0, 0, 1, 0], [], []>, transpose_lhs_hint = false} : vector<1024x128xf32>, vector<128x128xf32>, vector<1024x128xf32> -> vector<1024x128xf32>
    %slice3A_48 = vector.extract_strided_slice %get3A_46 {offsets = [0, 128], sizes = [128, 128], strides = [1, 1]} : vector<128x256xf32> to vector<128x128xf32>
    %dot_general3A_49 = arith.constant dense<0.000000e+00> : vector<1024x128xf32>
    %dot_general3A_50 = tpu.matmul %tanh3A_43, %slice3A_48, %dot_general3A_49 {dimension_numbers = #tpu.dot_dimension_numbers<[1], [1], [0], [0], [0, 0, 1, 0], [], []>, transpose_lhs_hint = false} : vector<1024x128xf32>, vector<128x128xf32>, vector<1024x128xf32> -> vector<1024x128xf32>
    %add3A_51 = arith.addf %dot_general3A_47, %dot_general3A_50 : vector<1024x128xf32>
    %mul3A_52 = vector.broadcast %get3A_1 : vector<1024x1xf32> to vector<1024x128xf32>
    %mul3A_53 = arith.mulf %add3A_51, %mul3A_52 : vector<1024x128xf32>
    %slice3A_54 = vector.extract_strided_slice %mul3A_53 {offsets = [0, 0], sizes = [1024, 64], strides = [1, 1]} : vector<1024x128xf32> to vector<1024x64xf32>
    %swap3A = arith.constant 0 : index
    %swap3A_55 = arith.constant 0 : index
    %swap3A_56 = vector.load %arg13[%swap3A, %swap3A_55] : memref<1024x64xf32, #tpu.memory_space<vmem>>, vector<1024x64xf32>
    tpu.vector_store %arg13[%swap3A, %swap3A_55], %slice3A_54 {strides = array<i32>} : memref<1024x64xf32, #tpu.memory_space<vmem>>, vector<1024x64xf32>,
    %slice3A_57 = vector.extract_strided_slice %mul3A_53 {offsets = [0, 64], sizes = [1024, 64], strides = [1, 1]} : vector<1024x128xf32> to vector<1024x64xf32>
    %swap3A_58 = arith.constant 0 : index
    %swap3A_59 = arith.constant 0 : index
    %swap3A_60 = vector.load %arg14[%swap3A_58, %swap3A_59] : memref<1024x64xf32, #tpu.memory_space<vmem>>, vector<1024x64xf32>
    tpu.vector_store %arg14[%swap3A_58, %swap3A_59], %slice3A_57 {strides = array<i32>} : memref<1024x64xf32, #tpu.memory_space<vmem>>, vector<1024x64xf32>,
    return
  }
  func.func @transform_0(%arg0: i32) -> (i32, i32) {
    %c0_i32 = arith.constant 0 : i32
    %c0_i32_0 = arith.constant 0 : i32
    return %arg0, %c0_i32 : i32, i32
  }
  func.func @transform_1(%arg0: i32) -> (i32, i32) {
    %c0_i32 = arith.constant 0 : i32
    %c0_i32_0 = arith.constant 0 : i32
    return %arg0, %c0_i32 : i32, i32
  }
  func.func @transform_2(%arg0: i32) -> (i32, i32) {
    %c0_i32 = arith.constant 0 : i32
    %c0_i32_0 = arith.constant 0 : i32
    return %arg0, %c0_i32 : i32, i32
  }
  func.func @transform_3(%arg0: i32) -> (i32, i32) {
    %c0_i32 = arith.constant 0 : i32
    %c0_i32_0 = arith.constant 0 : i32
    return %arg0, %c0_i32 : i32, i32
  }
  func.func @transform_4(%arg0: i32) -> (i32, i32) {
    %c0_i32 = arith.constant 0 : i32
    %c0_i32_0 = arith.constant 0 : i32
    return %arg0, %c0_i32 : i32, i32
  }
  func.func @transform_5(%arg0: i32) -> (i32, i32) {
    %c0_i32 = arith.constant 0 : i32
    %c0_i32_0 = arith.constant 0 : i32
    return %arg0, %c0_i32 : i32, i32
  }
  func.func @transform_6(%arg0: i32) -> (i32, i32) {
    %c0_i32 = arith.constant 0 : i32
    %c0_i32_0 = arith.constant 0 : i32
    return %arg0, %c0_i32 : i32, i32
  }
  func.func @transform_7(%arg0: i32) -> (i32, i32) {
    %c0_i32 = arith.constant 0 : i32
    %c0_i32_0 = arith.constant 0 : i32
    return %arg0, %c0_i32 : i32, i32
  }
  func.func @transform_8(%arg0: i32) -> (i32, i32) {
    %c0_i32 = arith.constant 0 : i32
    %c0_i32_0 = arith.constant 0 : i32
    return %arg0, %c0_i32 : i32, i32
  }
  func.func @transform_9(%arg0: i32) -> (i32, i32) {
    %c0_i32 = arith.constant 0 : i32
    %c0_i32_0 = arith.constant 0 : i32
    %c0_i32_1 = arith.constant 0 : i32
    return %c0_i32, %c0_i32_0 : i32, i32
  }
  func.func @transform_10(%arg0: i32) -> (i32, i32) {
    %c0_i32 = arith.constant 0 : i32
    %c0_i32_0 = arith.constant 0 : i32
    %c0_i32_1 = arith.constant 0 : i32
    return %c0_i32, %c0_i32_0 : i32, i32
  }
  func.func @transform_11(%arg0: i32) -> (i32, i32) {
    %c0_i32 = arith.constant 0 : i32
    %c0_i32_0 = arith.constant 0 : i32
    %c0_i32_1 = arith.constant 0 : i32
    return %c0_i32, %c0_i32_0 : i32, i32
  }
  func.func @transform_12(%arg0: i32) -> (i32, i32) {
    %c0_i32 = arith.constant 0 : i32
    %c0_i32_0 = arith.constant 0 : i32
    return %arg0, %c0_i32 : i32, i32
  }
  func.func @transform_13(%arg0: i32) -> (i32, i32) {
    %c0_i32 = arith.constant 0 : i32
    %c0_i32_0 = arith.constant 0 : i32
    return %arg0, %c0_i32 : i32, i32
  }
}

module attributes {stable_mosaic.version = 14 : i64} {
  func.func @_tc3_body(%arg0: i32, %arg1: memref<1024x64xf32, #tpu.memory_space<vmem>>, %arg2: memref<1024x64xf32, #tpu.memory_space<vmem>>, %arg3: memref<1024x64xf32, #tpu.memory_space<vmem>>, %arg4: memref<1024x64xf32, #tpu.memory_space<vmem>>, %arg5: memref<1024x1xf32, #tpu.memory_space<vmem>>, %arg6: memref<1x128xf32, #tpu.memory_space<vmem>>, %arg7: memref<1024x128xf32, #tpu.memory_space<vmem>>) attributes {dimension_semantics = [#tpu.dimension_semantics<arbitrary>], iteration_bounds = array<i64: 10>, scalar_prefetch = 0 : i64, scratch_operands = 0 : i64, tpu.core_type = #tpu.core_type<tc>, window_params = [{transform_indices = @transform_0, window_bounds = array<i64: 1024, 64>}, {transform_indices = @transform_1, window_bounds = array<i64: 1024, 64>}, {transform_indices = @transform_2, window_bounds = array<i64: 1024, 64>}, {transform_indices = @transform_3, window_bounds = array<i64: 1024, 64>}, {transform_indices = @transform_4, window_bounds = array<i64: 1024, 1>}, {pipeline_mode = #tpu.pipeline_mode<synchronous>, transform_indices = @transform_5, window_bounds = array<i64: 1, 128>}, {transform_indices = @transform_6, window_bounds = array<i64: 1024, 128>}]} {
    %get3A = arith.constant 0 : index
    %get3A_0 = arith.constant 0 : index
    %get3A_1 = vector.load %arg5[%get3A, %get3A_0] : memref<1024x1xf32, #tpu.memory_space<vmem>>, vector<1024x1xf32>
    %get3A_2 = arith.constant 0 : index
    %get3A_3 = arith.constant 0 : index
    %get3A_4 = vector.load %arg1[%get3A_2, %get3A_3] : memref<1024x64xf32, #tpu.memory_space<vmem>>, vector<1024x64xf32>
    %get3A_5 = arith.constant 0 : index
    %get3A_6 = arith.constant 0 : index
    %get3A_7 = vector.load %arg3[%get3A_5, %get3A_6] : memref<1024x64xf32, #tpu.memory_space<vmem>>, vector<1024x64xf32>
    %add3A = arith.addf %get3A_4, %get3A_7 : vector<1024x64xf32>
    %get3A_8 = arith.constant 0 : index
    %get3A_9 = arith.constant 0 : index
    %get3A_10 = vector.load %arg2[%get3A_8, %get3A_9] : memref<1024x64xf32, #tpu.memory_space<vmem>>, vector<1024x64xf32>
    %get3A_11 = arith.constant 0 : index
    %get3A_12 = arith.constant 0 : index
    %get3A_13 = vector.load %arg4[%get3A_11, %get3A_12] : memref<1024x64xf32, #tpu.memory_space<vmem>>, vector<1024x64xf32>
    %add3A_14 = arith.addf %get3A_10, %get3A_13 : vector<1024x64xf32>
    %concatenate3A = tpu.concatenate %add3A, %add3A_14 in 1 : vector<1024x64xf32>, vector<1024x64xf32> -> vector<1024x128xf32>
    %mul3A = vector.broadcast %get3A_1 : vector<1024x1xf32> to vector<1024x128xf32>
    %mul3A_15 = arith.mulf %concatenate3A, %mul3A : vector<1024x128xf32>
    %get3A_16 = arith.constant 0 : index
    %get3A_17 = arith.constant 0 : index
    %get3A_18 = vector.load %arg6[%get3A_16, %get3A_17] : memref<1x128xf32, #tpu.memory_space<vmem>>, vector<1x128xf32>
    %add3A_19 = vector.broadcast %get3A_18 : vector<1x128xf32> to vector<1024x128xf32>
    %add3A_20 = arith.addf %mul3A_15, %add3A_19 : vector<1024x128xf32>
    %swap3A = arith.constant 0 : index
    %swap3A_21 = arith.constant 0 : index
    %swap3A_22 = vector.load %arg7[%swap3A, %swap3A_21] : memref<1024x128xf32, #tpu.memory_space<vmem>>, vector<1024x128xf32>
    tpu.vector_store %arg7[%swap3A, %swap3A_21], %add3A_20 {strides = array<i32>} : memref<1024x128xf32, #tpu.memory_space<vmem>>, vector<1024x128xf32>,
    return
  }
  func.func @transform_0(%arg0: i32) -> (i32, i32) {
    %c0_i32 = arith.constant 0 : i32
    %c0_i32_0 = arith.constant 0 : i32
    return %arg0, %c0_i32 : i32, i32
  }
  func.func @transform_1(%arg0: i32) -> (i32, i32) {
    %c0_i32 = arith.constant 0 : i32
    %c0_i32_0 = arith.constant 0 : i32
    return %arg0, %c0_i32 : i32, i32
  }
  func.func @transform_2(%arg0: i32) -> (i32, i32) {
    %c0_i32 = arith.constant 0 : i32
    %c0_i32_0 = arith.constant 0 : i32
    return %arg0, %c0_i32 : i32, i32
  }
  func.func @transform_3(%arg0: i32) -> (i32, i32) {
    %c0_i32 = arith.constant 0 : i32
    %c0_i32_0 = arith.constant 0 : i32
    return %arg0, %c0_i32 : i32, i32
  }
  func.func @transform_4(%arg0: i32) -> (i32, i32) {
    %c0_i32 = arith.constant 0 : i32
    %c0_i32_0 = arith.constant 0 : i32
    return %arg0, %c0_i32 : i32, i32
  }
  func.func @transform_5(%arg0: i32) -> (i32, i32) {
    %c0_i32 = arith.constant 0 : i32
    %c0_i32_0 = arith.constant 0 : i32
    %c0_i32_1 = arith.constant 0 : i32
    return %c0_i32, %c0_i32_0 : i32, i32
  }
  func.func @transform_6(%arg0: i32) -> (i32, i32) {
    %c0_i32 = arith.constant 0 : i32
    %c0_i32_0 = arith.constant 0 : i32
    return %arg0, %c0_i32 : i32, i32
  }
}

</mosaic_0001>

<sc_bundles>
// kernel: kernel.12.cloned.1.call-start
scs
__scs_entry_jumppad:
0x0: {  	(pc) =	sbr.rel $0x88, $3  }
0x1: {  	(tag) =	ssettag $0x0;
	lr =	simm.s32 $0x1  }
0x2: {  	[smem:$0x3F98] =	sst lr;
	_ =	strace $0xD0000000  }
0x3: {  	_ = 	snop  }
0x4: {  	_ = 	snop  }
0x5: {  	_ = 	snop  }
0x6: {  	_ = 	snop  }
0x7: {  	_ = 	snop  }
__scs_overlays_trampoline_lowered:
0x8: {  	[smem:$0x3FA7] =	sst s0  }
0x9: {  	[smem:$0x3FA8] =	sst s1  }
0xa: {  	[smem:$0x3FA9] =	sst s2  }
0xb: {  	[smem:$0x3FAA] =	sst s3  }
0xc: {  	[smem:$0x3FAB] =	sst s4  }
0xd: {  	[smem:$0x3FAC] =	sst s5  }
0xe: {  	[smem:$0x3FAD] =	sst s6  }
0xf: {  	[smem:$0x3FAE] =	sst s7  }
0x10: {  	[smem:$0x3FAF] =	sst s8  }
0x11: {  	[smem:$0x3FB0] =	sst s9;
	s0 =	simm.s32 @!p0 $0x0  }
0x12: {  	s1 =	sld [smem:$0x3F96];
	s0 =	simm.s32 @p0 $0x1  }
0x13: {  	[smem:$0x3FB1] =	sst s0;
	s0 =	simm.s32 @!p1 $0x0  }
0x14: {  	s2 =	sld [smem:$0x3F95];
	s0 =	simm.s32 @p1 $0x1  }
0x15: {  	[smem:$0x3FB2] =	sst s0;
	s0 =	simm.s32 @!p2 $0x0  }
0x16: {  	s3 =	sld [smem:$0x3FDB];
	s0 =	simm.s32 @p2 $0x1  }
0x17: {  	s4 =	simm.s32 $0x1BF5;
	[smem:$0x3FB4] =	sst s0  }
0x18: {  	s0 =	sld [smem:$0x3F97];
	_ =	swait.ge [sflag:s4], $0x0  }
0x19: {  	s7 =	sld [smem:$0x3F98]  }
0x1a: {  	s8 =	sadd.s32 $0xFFFFE003, lr  }
0x1b: {  	s9 =	sadd.s32 $0xFFFFFEF7, lr;
	s5 =	simm.s32 $0xFFFFFFFF;
	p2 =	slt.u32 s8, $0xFFFFF086  }
0x1c: {  	p1 =	slt.u32 s9, $0xF7A;
	s5 =	simm.s32 @!p2 $0x0  }
0x1d: {  	s5 =	simm.s32 @p1 $0x1;
	p0 =	seq.s32 s7, s2  }
0x1e: {  	s7 =	smul.u32 @!p0 $0xF7A, s2;
	p2 =	seq.s32 @!p0 s5, $0x0  }
0x1f: {  	s9 =	smul.u32 $0xF7A, s1;
	s8 =	simm.s32 @!p0 $0x1BF5;
	p2 =	por !p2, p0  }
0x20: {  	[sflag:s8] =	ssyncset.s32 @!p0 $0xFFFFF086;
	s6 =	sadd.s32 @!p0 s3, s7;
	s7 =	simm.s32 @!p0 $0x108  }
0x21: {  	s3 =	sadd.s32 s3, s9;
	s6 =	sadd.s32 @!p0 $0x88, s6;
	s7 =	simm.s32 @p2 $0x1082  }
0x22: {  	[simem:s7], [sflag:s8] =	dma.local @!p0 [hbm:s6], $0xF7A  }
0x23: {  	s9 =	sor.u32 $0xD0000000, s2;
	s6 =	simm.s32 $0x108;
	_ =	swait.ge @!p0 [sflag:s8], $0x0  }
0x24: {  	s3 =	sadd.s32 $0x88, s3;
	s6 =	simm.s32 @!p1 $0x1082;
	[sflag:s4] =	ssyncset.s32 $0xFFFFF086  }
0x25: {  	[simem:s6], [sflag:s4] =	dma.local [hbm:s3], $0xF7A  }
0x26: {  	[smem:$0x3F98] =	sst s1;
	(tag) =	ssettag s2;
	_ =	strace s9  }
0x27: {  	s1 =	sld [smem:$0x3FA8]  }
0x28: {  	s2 =	sld [smem:$0x3FA9]  }
0x29: {  	s4 =	sld [smem:$0x3FAB]  }
0x2a: {  	p0 =	seq.s32 s5, $0x0;
	s5 =	sld [smem:$0x3FAC]  }
0x2b: {  	s6 =	sld [smem:$0x3FAD]  }
0x2c: {  	s7 =	sld [smem:$0x3FAE]  }
0x2d: {  	s3 =	simm.s32 $0x108;
	s8 =	sld [smem:$0x3FAF]  }
0x2e: {  	s3 =	simm.s32 @!p0 $0x1082;
	s9 =	sld [smem:$0x3FB0]  }
0x2f: {  	lr =	sadd.s32 s0, s3;
	s0 =	sld [smem:$0x3FA7]  }
0x30: {  	s3 =	sld [smem:$0x3FAA]  }
0x31: {  	[smem:$0x3FB3] =	sst s10  }
0x32: {  	s10 =	sld [smem:$0x3FB1];
	_ =	sdelay $0x3  }
0x33: {  	p0 =	seq.s32 s10, $0x1;
	s10 =	sld [smem:$0x3FB3];
	_ =	sdelay $0x3  }
0x34: {  	[smem:$0x3FB3] =	sst s10  }
0x35: {  	s10 =	sld [smem:$0x3FB2];
	_ =	sdelay $0x3  }
0x36: {  	p1 =	seq.s32 s10, $0x1;
	s10 =	sld [smem:$0x3FB3];
	_ =	sdelay $0x3  }
0x37: {  	[smem:$0x3FB3] =	sst s10  }
0x38: {  	s10 =	sld [smem:$0x3FB4]  }
0x39: {  	_ = 	snop;
	(pc) =	sbr.ind lr, $3  }
0x3a: {  	_ = 	snop  }
0x3b: {  	_ = 	snop  }
0x3c: {  	p2 =	seq.s32 s10, $0x1;
	s10 =	sld [smem:$0x3FB3]  }
0x3d: {  	_ =	shalt  }
0x3e: {  	_ =	shalt  }
0x3f: {  	_ =	shalt  }
0x40: {  	_ =	shalt  }
0x41: {  	_ =	shalt  }
0x42: {  	_ =	shalt  }
0x43: {  	_ =	shalt  }
0x44: {  	_ =	shalt  }
0x45: {  	_ =	shalt  }
0x46: {  	_ =	shalt  }
0x47: {  	_ =	shalt  }
0x48: {  	_ =	shalt  }
0x49: {  	_ =	shalt  }
0x4a: {  	_ =	shalt  }
0x4b: {  	_ =	shalt  }
0x4c: {  	_ =	shalt  }
0x4d: {  	_ =	shalt  }
0x4e: {  	_ =	shalt  }
0x4f: {  	_ =	shalt  }
0x50: {  	_ =	shalt  }
0x51: {  	_ =	shalt  }
0x52: {  	_ =	shalt  }
0x53: {  	_ =	shalt  }
0x54: {  	_ =	shalt  }
0x55: {  	_ =	shalt  }
0x56: {  	_ =	shalt  }
0x57: {  	_ =	shalt  }
0x58: {  	_ =	shalt  }
0x59: {  	_ =	shalt  }
0x5a: {  	_ =	shalt  }
0x5b: {  	_ =	shalt  }
0x5c: {  	_ =	shalt  }
0x5d: {  	_ =	shalt  }
0x5e: {  	_ =	shalt  }
0x5f: {  	_ =	shalt  }
0x60: {  	_ =	shalt  }
0x61: {  	_ =	shalt  }
0x62: {  	_ =	shalt  }
0x63: {  	_ =	shalt  }
0x64: {  	_ =	shalt  }
0x65: {  	_ =	shalt  }
0x66: {  	_ =	shalt  }
0x67: {  	_ =	shalt  }
0x68: {  	_ =	shalt  }
0x69: {  	_ =	shalt  }
0x6a: {  	_ =	shalt  }
0x6b: {  	_ =	shalt  }
0x6c: {  	_ =	shalt  }
0x6d: {  	_ =	shalt  }
0x6e: {  	_ =	shalt  }
0x6f: {  	_ =	shalt  }
0x70: {  	_ =	shalt  }
0x71: {  	_ =	shalt  }
0x72: {  	_ =	shalt  }
0x73: {  	_ =	shalt  }
0x74: {  	_ =	shalt  }
0x75: {  	_ =	shalt  }
0x76: {  	_ =	shalt  }
0x77: {  	_ =	shalt  }
0x78: {  	_ =	shalt  }
0x79: {  	_ =	shalt  }
0x7a: {  	_ =	shalt  }
0x7b: {  	_ =	shalt  }
0x7c: {  	_ =	shalt  }
0x7d: {  	_ =	shalt  }
0x7e: {  	_ =	shalt  }
0x7f: {  	_ =	shalt  }
0x80: {  	_ =	shalt  }
0x81: {  	_ =	shalt  }
0x82: {  	_ =	shalt  }
0x83: {  	_ =	shalt  }
0x84: {  	_ =	shalt  }
0x85: {  	_ =	shalt  }
0x86: {  	_ =	shalt  }
0x87: {  	_ =	shalt  }
.Lfunc_end0:
.L_simem_size_0:
called_computation.1_lowered:
.L_overlay_start_0:
0x88: {  	s2 =	sld [smem:$0x3FD9]  }
0x89: {  	s3 =	sld [smem:$0x3FFE];
	_ =	sdelay $0x1  }
0x8a: {  	s1 =	srdreg.scid  }
0x8b: {  	s0 =	sand.u32 $0x1, s1  }
0x8c: {  	s17 =	sshll.u32 s0, $0xA;
	s2 =	sadd.s32 s3, s2  }
0x8d: {  	s2 =	sadd.s32 s2, s17  }
0x8e: {  	[smem:$0x3FBF] =	sst s2  }
0x8f: {  	_ = 	snop  }
0x90: {  	(tm) =	ssettm $0x1  }
0x91: {  	s18 =	sld [smem:$0x3FFB];
	_ =	sdelay $0x3  }
0x92: {  	_ =	strace s18  }
0x93: {  	s2 =	sld [smem:$0x3FFC];
	_ =	sdelay $0x3  }
0x94: {  	_ =	strace s2  }
0x95: {  	s2 =	sld [smem:$0x3FFD];
	_ =	sdelay $0x3  }
0x96: {  	_ =	strace s2  }
0x97: {  	_ =	strace $0x8FFFFFFF  }
0x98: {  	s19 =	sld [smem:$0x3FDB];
	_ =	sdelay $0x1  }
0x99: {  	s20 =	simm.s32 $_scs_section_size  }
0x9a: {  	s4 =	simm.s32 $_size__tile_overlayer_lowered;
	s5 =	simm.s32 $_tile_overlayer_lowered  }
0x9b: {  	s6 =	simm.s32 $0x1BFF;
	s21 =	sshll.u32 s5, $0x1;
	s3 =	sadd.s32 s20, s19  }
0x9c: {  	s22 =	simm.s32 $0x0;
	s4 =	sshll.u32 s4, $0x1;
	s5 =	sadd.s32 s21, s3  }
0x9d: {  	[timem:s22], [sflag:s6] =	dma.local [hbm:s5], s4  }
0x9e: {  	_ =	swait.ge [sflag:s6], s4  }
0x9f: {  	s4 =	ssub.s32 $0x0, s4;
	[sflag:s6] =	ssyncset.done $0x0  }
0xa0: {  	[sflag:s6] =	ssyncadd.s32 s4;
	_ =	sdelay $0x1  }
0xa1: {  	s23 =	simm.s32 $0x1B8B  }
0xa2: {  	_ =	swait.ge [sflag:s23], $0x1  }
0xa3: {  	[sflag:s23] =	ssyncset.done $0x0  }
0xa4: {  	[sflag:s23] =	ssyncadd.s32 $0xFFFFFFFF  }
0xa5: {  	s4 =	sld [smem:$0x0]  }
0xa6: {  	s5 =	sand.u32 $0xFFFFFFFE, s1  }
0xa7: {  	p0 =	sne.s32 s1, s5  }
0xa8: {  	s5 =	sshll.u32 @p0 s5, $0xE  }
0xa9: {  	s5 =	sadd.s32 @p0 $0x11B8D, s5;
	s6 =	sshll.u32 @p0 s4, $0x11  }
0xaa: {  	s5 =	sor.u32 @p0 s6, s5  }
0xab: {  	[sflag:s5] =	ssyncadd.remote.s32 @p0 $0x1;
	_ =	sdelay $0x1  }
0xac: {  	s5 =	simm.s32 @p0 $0x1B8D  }
0xad: {  	_ =	swait.eq @p0 [sflag:s5], $0x1  }
0xae: {  	[sflag:s5] =	ssyncadd.s32 @p0 $0xFFFFFFFF  }
0xaf: {  	s6 =	sshll.u32 @!p0 s1, $0xE  }
0xb0: {  	s6 =	sor.u32 @!p0 $0x4000, s6;
	s5 =	simm.s32 @!p0 $0x1B8D  }
0xb1: {  	s4 =	sshll.u32 @!p0 s4, $0x11;
	s6 =	sadd.s32 @!p0 $0x11B8D, s6;
	_ =	swait.eq @!p0 [sflag:s5], $0x1  }
0xb2: {  	s4 =	sor.u32 @!p0 s4, s6;
	[sflag:s5] =	ssyncadd.s32 @!p0 $0xFFFFFFFF  }
0xb3: {  	s25 =	simm.s32 $0x1B8E;
	s24 =	sld [smem:$0x3FFE];
	[sflag:s4] =	ssyncadd.remote.s32 @!p0 $0x1  }
0xb4: {  	s26 =	simm.s32 $execute0_lowered;
	[smem:$0x3FD2] =	sst s25  }
0xb5: {  	s5 =	sshll.u32 s26, $0x1;
	_ =	strace $0x8000004C;
	[dreg:$0x1] =	wrdreg $0xFFFFFFFF  }
0xb6: {  	s28 =	simm.s32 $_size_execute0_lowered;
	s3 =	sadd.s32 s3, s5;
	[dreg:$0x0] =	wrdreg $0x0  }
0xb7: {  	s5 =	sshll.u32 s28, $0x1;
	[dreg:$0x2] =	wrdreg s3  }
0xb8: {  	[dreg:$0x3] =	wrdreg s5  }
0xb9: {  	[dreg:$0x4] =	wrdreg $0xC0  }
0xba: {  	_ =	task [dreg:s22], $0x5FFFF  }
0xbb: {  	[dreg:$0x1] =	wrdreg $0xFFFFFFFF  }
0xbc: {  	[dreg:$0x0] =	wrdreg $0x60  }
0xbd: {  	[dreg:$0x2] =	wrdreg s24  }
0xbe: {  	[dreg:$0x3] =	wrdreg $0x120000  }
0xbf: {  	[dreg:$0x4] =	wrdreg $0x9  }
0xc0: {  	_ =	task.clear_ibuf [dreg:s22], $0x5FFFF;
	_ =	strace $0x9000004C  }
0xc1: {  	s29 =	simm.s32 $0x9;
	_ =	strace $0x8000004E  }
0xc2: {  	_ =	swait.ge [sflag:s29], $0x1  }
0xc3: {  	[sflag:s29] =	ssyncadd.s32 $0xFFFFFFFF  }
0xc4: {  	_ =	strace $0x9000004E  }
0xc5: {  	_ =	sfence  }
0xc6: {  	s30 =	sld [smem:$0x0];
	_ =	sdelay $0x2  }
0xc7: {  	s31 =	sshll.u32 s1, $0xD;
	s1 =	sshrl.u32 s1, $0x2  }
0xc8: {  	s4 =	sand.u32 $0x4000, s31;
	s1 =	sadd.s32 s1, s30  }
0xc9: {  	s0 =	sor.u32 s4, s0;
	s1 =	sshll.u32 s1, $0x11  }
0xca: {  	s0 =	sor.u32 s1, s0  }
0xcb: {  	s0 =	sadd.s32 $0x8F2B, s0  }
0xcc: {  	[sflag:s0] =	ssyncadd.remote.s32 $0x1  }
0xcd: {  	_ =	sfence.sel $0xFFFF  }
0xce: {  	[dreg:$0x0] =	wrdreg $0xFFFFFFFF;
	(pc) =	sbr.abs _section_cstart, $3  }
0xcf: {  	[dreg:$0x1] =	wrdreg $0xFFFFFFFF  }
0xd0: {  	_ =	task.clear_ibuf [dreg:s22], $0x2FFFF;
	_ =	strace $0x9FFFFFFF  }
0xd1: {  	(tm) =	ssettm $0x7FFFFFFF  }
tec
execute0_lowered:
.L_overlay_start_1:
0x0: {  	(tag) =	ssettag $0x1  }
0x1: {  	s0 =	rddreg [dreg:$0x0]  }
0x2: {  	s2 =	rddreg [dreg:$0x1]  }
0x3: {  	s12 =	stileid.u32;
	s3 =	simm.s32 $0x0;
	s4 =	srdreg.scid  }
0x4: {  	s13 =	simm.s32 $0x5;
	s15 =	simm.s32 $0x80;
	s16 =	simm.s32 $0xA000  }
0x5: {  	s17 =	simm.s32 $0xC000;
	s18 =	simm.s32 $0x100;
	s19 =	simm.s32 $0xE000  }
0x6: {  	s20 =	simm.s32 $0x180;
	s21 =	simm.s32 $0x10000;
	s22 =	simm.s32 $0x1  }
0x7: {  	s23 =	simm.s32 $0x2;
	s24 =	simm.s32 $0x3;
	s28 =	simm.s32 $0x9E80  }
0x8: {  	s29 =	simm.s32 $0x9F00;
	s30 =	simm.s32 $0x9F80;
	s1 =	smul.u32 $0xA00, s12  }
0x9: {  	s31 =	simm.s32 $0x0;
	[smem:$0x7FF] =	sst s3;
	s6 =	smul.u32 $0xA000, s12  }
0xa: {  	s10 =	sand.u32 $0x1, s4;
	s4 =	sadd.s32 $0x130400, s0;
	s5 =	sadd.s32 $0x144400, s0  }
0xb: {  	s25 =	sshll.u32 s12, $0x6;
	_ =	strace $0x8000004D;
	s7 =	smul.u32 $0xA0000, s10  }
0xc: {  	s9 =	ssub.s32 $0x2, s10;
	p0 =	seq.s32 s10, $0x1;
	s1 =	sadd.s32 s1, s0  }
0xd: {  	s8 =	sshrl.u32 s6, $0x3;
	s11 =	sshrl.u32 s9, $0x1;
	s26 =	sadd.s32 s6, s2  }
.Ltmp0:
0xe: {  	s7 =	sadd.s32 s6, s7;
	s8 =	sadd.s32 s8, s0;
	(pc) =	sbr.rel .LBB2_1-.Ltmp0, $4  }
0xf: {  	s11 =	ssub.s32 s9, s11;
	s9 =	sadd.s32 $0x3A00, s1;
	s12 =	sshrl.u32 s26, $0x3  }
0x10: {  	s26 =	simm.s32 $0x9E00;
	s7 =	sshrl.u32 s7, $0x3;
	s6 =	sadd.s32 $0xF4400, s8  }
0x11: {  	s8 =	sadd.s32 $0x5E400, s1;
	s11 =	smax.u32 s11, $0x1;
	s0 =	sadd.s32 s7, s0  }
0x12: {  	s7 =	sor.u32 $0x1C05, s25;
	s25 =	simm.s32 $0x4;
	s10 =	sadd.s32 $0x158400, s0  }
.LBB2_7:
0x13: {  	[tilespmem:s21], [sflag:$0x4] =	stream.indirect.gather [hbm4b:s5+s15], $0x40, s1, s15, $0xb8;
	[tilespmem:$0x1C000] =	vst v63  }
.LBB2_8:
0x14: {  	_ =	swait.ge [sflag:s22], $0x2000  }
0x15: {  	[sflag:s22] =	ssyncset.done $0x0  }
0x16: {  	[sflag:s22] =	ssyncadd.s32 $0xFFFFE000  }
0x17: {  	[spmem:s2] =	stream.indirect.scatter.add.f32 [tilespmem:s16], [sflag:$0x5], $0x40, s26, s15, $0xb8;
	[tilespmem:$0x1C000] =	vst v63  }
0x18: {  	_ =	swait.ge [sflag:s13], $0x2000  }
0x19: {  	[sflag:s13] =	ssyncset.done $0x0  }
0x1a: {  	[sflag:s13] =	ssyncadd.s32 $0xFFFFE000  }
0x1b: {  	_ =	swait.ge [sflag:s23], $0x2000  }
0x1c: {  	[sflag:s23] =	ssyncset.done $0x0  }
0x1d: {  	[sflag:s23] =	ssyncadd.s32 $0xFFFFE000  }
0x1e: {  	[spmem:s2] =	stream.indirect.scatter.add.f32 [tilespmem:s17], [sflag:$0x5], $0x40, s28, s15, $0xb8;
	[tilespmem:$0x1C000] =	vst v63  }
0x1f: {  	_ =	swait.ge [sflag:s13], $0x2000  }
0x20: {  	[sflag:s13] =	ssyncset.done $0x0  }
0x21: {  	[sflag:s13] =	ssyncadd.s32 $0xFFFFE000  }
0x22: {  	_ =	swait.ge [sflag:s24], $0x2000  }
0x23: {  	[sflag:s24] =	ssyncset.done $0x0  }
0x24: {  	[sflag:s24] =	ssyncadd.s32 $0xFFFFE000  }
0x25: {  	[spmem:s2] =	stream.indirect.scatter.add.f32 [tilespmem:s19], [sflag:$0x5], $0x40, s29, s15, $0xb8;
	[tilespmem:$0x1C000] =	vst v63  }
0x26: {  	_ =	swait.ge [sflag:s13], $0x2000  }
0x27: {  	[sflag:s13] =	ssyncset.done $0x0  }
0x28: {  	[sflag:s13] =	ssyncadd.s32 $0xFFFFE000  }
0x29: {  	_ =	swait.ge [sflag:s25], $0x2000  }
0x2a: {  	[sflag:s25] =	ssyncset.done $0x0  }
0x2b: {  	[sflag:s25] =	ssyncadd.s32 $0xFFFFE000  }
0x2c: {  	[spmem:s2] =	stream.indirect.scatter.add.f32 [tilespmem:s21], [sflag:$0x5], $0x40, s30, s15, $0xb8;
	[tilespmem:$0x1C000] =	vst v63  }
0x2d: {  	_ =	swait.ge [sflag:s13], $0x2000  }
0x2e: {  	s31 =	sadd.s32 $0x1, s31;
	[sflag:s13] =	ssyncset.done $0x0  }
0x2f: {  	p1 =	sne.s32 s31, s11;
	[sflag:s13] =	ssyncadd.s32 $0xFFFFE000  }
.Ltmp1:
0x30: {  	[bflag:$0x0] =	sbarrier.arrive $0xFFFF;
	(pc) =	sbr.rel @!p1 .LBB2_9-.Ltmp1, $4  }
0x31: {  	[hbm:s10], [sflag:s7] =	dma.local [spmem:s12], $0x1400  }
0x32: {  	_ =	swait.ge [sflag:s13], $0x1400  }
0x33: {  	[sflag:s13] =	ssyncset.done $0x0  }
0x34: {  	[sflag:s13] =	ssyncadd.s32 $0xFFFFEC00  }
.LBB2_1:
0x35: {  	[spmem:s12], [sflag:s7] =	dma.local [hbm:s6], $0x1400  }
0x36: {  	_ =	swait.ge [sflag:s13], $0x1400  }
0x37: {  	[sflag:s13] =	ssyncset.done $0x0  }
0x38: {  	[sflag:s13] =	ssyncadd.s32 $0xFFFFEC00  }
0x39: {  	[tilespmem:s3], [sflag:$0x5] =	stream.linear.gather [hbm4b:s8+s3], $0x5000, $0x38;
	[tilespmem:$0x1C000] =	vst v63  }
0x3a: {  	_ =	swait.ge [sflag:s13], $0x5000  }
0x3b: {  	[sflag:s13] =	ssyncset.done $0x0  }
0x3c: {  	s0 =	simm.s32 $0x5000;
	[sflag:s13] =	ssyncadd.s32 $0xFFFFB000  }
0x3d: {  	[tilespmem:s0], [sflag:$0x5] =	stream.linear.gather [hbm4b:s9+s3], $0x5000, $0x38;
	[tilespmem:$0x1C000] =	vst v63  }
.Ltmp2:
0x3e: {  	_ =	swait.ge [sflag:s13], $0x5000;
	(pc) =	sbr.rel @!p0 .LBB2_2-.Ltmp2, $4  }
0x3f: {  	[sflag:s13] =	ssyncset.done $0x0  }
0x40: {  	[sflag:s13] =	ssyncadd.s32 $0xFFFFB000  }
0x41: {  	[bflag:$0x0] =	sbarrier.arrive $0xFFFF  }
0x42: {  	s0 =	simm.s32 $0x0  }
0x43: {  	[tilespmem:s16], [sflag:$0x1] =	stream.indirect.gather [hbm4b:s5+s15], $0x40, s0, s15, $0xb8;
	[tilespmem:$0x1C000] =	vst v63  }
0x44: {  	_ = 	snop  }
0x45: {  	[tilespmem:s17], [sflag:$0x2] =	stream.indirect.gather [hbm4b:s5+s15], $0x40, s15, s15, $0xb8;
	[tilespmem:$0x1C000] =	vst v63  }
0x46: {  	_ = 	snop  }
0x47: {  	[tilespmem:s19], [sflag:$0x3] =	stream.indirect.gather [hbm4b:s5+s15], $0x40, s18, s15, $0xb8;
	[tilespmem:$0x1C000] =	vst v63  }
0x48: {  	_ = 	snop  }
0x49: {  	[tilespmem:s21], [sflag:$0x4] =	stream.indirect.gather [hbm4b:s5+s15], $0x40, s20, s15, $0xb8;
	[tilespmem:$0x1C000] =	vst v63  }
0x4a: {  	_ =	swait.ge [sflag:s22], $0x2000  }
0x4b: {  	[sflag:s22] =	ssyncset.done $0x0  }
0x4c: {  	s14 =	simm.s32 $0x5000;
	[sflag:s22] =	ssyncadd.s32 $0xFFFFE000  }
0x4d: {  	[spmem:s2] =	stream.indirect.scatter.add.f32 [tilespmem:s16], [sflag:$0x5], $0x40, s14, s15, $0xb8;
	[tilespmem:$0x1C000] =	vst v63  }
0x4e: {  	_ =	swait.ge [sflag:s13], $0x2000  }
0x4f: {  	[sflag:s13] =	ssyncset.done $0x0  }
0x50: {  	s1 =	simm.s32 $0x200;
	[sflag:s13] =	ssyncadd.s32 $0xFFFFE000  }
0x51: {  	[tilespmem:s16], [sflag:$0x1] =	stream.indirect.gather [hbm4b:s5+s15], $0x40, s1, s15, $0xb8;
	[tilespmem:$0x1C000] =	vst v63  }
0x52: {  	_ =	swait.ge [sflag:s23], $0x2000  }
0x53: {  	[sflag:s23] =	ssyncset.done $0x0  }
0x54: {  	s14 =	simm.s32 $0x5080;
	[sflag:s23] =	ssyncadd.s32 $0xFFFFE000  }
0x55: {  	[spmem:s2] =	stream.indirect.scatter.add.f32 [tilespmem:s17], [sflag:$0x5], $0x40, s14, s15, $0xb8;
	[tilespmem:$0x1C000] =	vst v63  }
0x56: {  	_ =	swait.ge [sflag:s13], $0x2000  }
0x57: {  	[sflag:s13] =	ssyncset.done $0x0  }
0x58: {  	s1 =	simm.s32 $0x280;
	[sflag:s13] =	ssyncadd.s32 $0xFFFFE000  }
0x59: {  	[tilespmem:s17], [sflag:$0x2] =	stream.indirect.gather [hbm4b:s5+s15], $0x40, s1, s15, $0xb8;
	[tilespmem:$0x1C000] =	vst v63  }
0x5a: {  	_ =	swait.ge [sflag:s24], $0x2000  }
0x5b: {  	[sflag:s24] =	ssyncset.done $0x0  }
0x5c: {  	s14 =	simm.s32 $0x5100;
	[sflag:s24] =	ssyncadd.s32 $0xFFFFE000  }
0x5d: {  	[spmem:s2] =	stream.indirect.scatter.add.f32 [tilespmem:s19], [sflag:$0x5], $0x40, s14, s15, $0xb8;
	[tilespmem:$0x1C000] =	vst v63  }
0x5e: {  	_ =	swait.ge [sflag:s13], $0x2000  }
0x5f: {  	[sflag:s13] =	ssyncset.done $0x0  }
0x60: {  	s1 =	simm.s32 $0x300;
	[sflag:s13] =	ssyncadd.s32 $0xFFFFE000  }
0x61: {  	[tilespmem:s19], [sflag:$0x3] =	stream.indirect.gather [hbm4b:s5+s15], $0x40, s1, s15, $0xb8;
	[tilespmem:$0x1C000] =	vst v63  }
0x62: {  	_ =	swait.ge [sflag:s25], $0x2000  }
0x63: {  	[sflag:s25] =	ssyncset.done $0x0  }
0x64: {  	s14 =	simm.s32 $0x5180;
	[sflag:s25] =	ssyncadd.s32 $0xFFFFE000  }
0x65: {  	[spmem:s2] =	stream.indirect.scatter.add.f32 [tilespmem:s21], [sflag:$0x5], $0x40, s14, s15, $0xb8;
	[tilespmem:$0x1C000] =	vst v63  }
0x66: {  	_ =	swait.ge [sflag:s13], $0x2000  }
0x67: {  	[sflag:s13] =	ssyncset.done $0x0  }
0x68: {  	s0 =	simm.s32 $0x800;
	s1 =	simm.s32 $0x380;
	[sflag:s13] =	ssyncadd.s32 $0xFFFFE000  }
.LBB2_6:
0x69: {  	[tilespmem:s21], [sflag:$0x4] =	stream.indirect.gather [hbm4b:s5+s15], $0x40, s1, s15, $0xb8;
	[tilespmem:$0x1C000] =	vst v63  }
0x6a: {  	s1 =	smov.u32 s0  }
0x6b: {  	p1 =	sne.s32 s0, $0x13000;
	s0 =	sadd.s32 $0x800, s0;
	_ =	swait.ge [sflag:s22], $0x2000  }
0x6c: {  	s1 =	sshra.s32 s1, $0x2;
	[sflag:s22] =	ssyncset.done $0x0  }
0x6d: {  	s14 =	sadd.s32 $0x5000, s1;
	[sflag:s22] =	ssyncadd.s32 $0xFFFFE000  }
0x6e: {  	[spmem:s2] =	stream.indirect.scatter.add.f32 [tilespmem:s16], [sflag:$0x5], $0x40, s14, s15, $0xb8;
	[tilespmem:$0x1C000] =	vst v63  }
0x6f: {  	_ =	swait.ge [sflag:s13], $0x2000  }
0x70: {  	[sflag:s13] =	ssyncset.done $0x0  }
0x71: {  	s14 =	sadd.s32 $0x200, s1;
	[sflag:s13] =	ssyncadd.s32 $0xFFFFE000  }
0x72: {  	[tilespmem:s16], [sflag:$0x1] =	stream.indirect.gather [hbm4b:s5+s15], $0x40, s14, s15, $0xb8;
	[tilespmem:$0x1C000] =	vst v63  }
0x73: {  	_ =	swait.ge [sflag:s23], $0x2000  }
0x74: {  	[sflag:s23] =	ssyncset.done $0x0  }
0x75: {  	s14 =	sadd.s32 $0x5080, s1;
	[sflag:s23] =	ssyncadd.s32 $0xFFFFE000  }
0x76: {  	[spmem:s2] =	stream.indirect.scatter.add.f32 [tilespmem:s17], [sflag:$0x5], $0x40, s14, s15, $0xb8;
	[tilespmem:$0x1C000] =	vst v63  }
0x77: {  	_ =	swait.ge [sflag:s13], $0x2000  }
0x78: {  	[sflag:s13] =	ssyncset.done $0x0  }
0x79: {  	s14 =	sadd.s32 $0x280, s1;
	[sflag:s13] =	ssyncadd.s32 $0xFFFFE000  }
0x7a: {  	[tilespmem:s17], [sflag:$0x2] =	stream.indirect.gather [hbm4b:s5+s15], $0x40, s14, s15, $0xb8;
	[tilespmem:$0x1C000] =	vst v63  }
0x7b: {  	_ =	swait.ge [sflag:s24], $0x2000  }
0x7c: {  	[sflag:s24] =	ssyncset.done $0x0  }
0x7d: {  	s14 =	sadd.s32 $0x5100, s1;
	[sflag:s24] =	ssyncadd.s32 $0xFFFFE000  }
0x7e: {  	[spmem:s2] =	stream.indirect.scatter.add.f32 [tilespmem:s19], [sflag:$0x5], $0x40, s14, s15, $0xb8;
	[tilespmem:$0x1C000] =	vst v63  }
0x7f: {  	_ =	swait.ge [sflag:s13], $0x2000  }
0x80: {  	[sflag:s13] =	ssyncset.done $0x0  }
0x81: {  	s14 =	sadd.s32 $0x300, s1;
	[sflag:s13] =	ssyncadd.s32 $0xFFFFE000  }
0x82: {  	[tilespmem:s19], [sflag:$0x3] =	stream.indirect.gather [hbm4b:s5+s15], $0x40, s14, s15, $0xb8;
	[tilespmem:$0x1C000] =	vst v63  }
0x83: {  	_ =	swait.ge [sflag:s25], $0x2000  }
0x84: {  	[sflag:s25] =	ssyncset.done $0x0  }
.Ltmp3:
0x85: {  	s14 =	sadd.s32 $0x5180, s1;
	[sflag:s25] =	ssyncadd.s32 $0xFFFFE000;
	(pc) =	sbr.rel @p1 .LBB2_6-.Ltmp3, $4  }
0x86: {  	[spmem:s2] =	stream.indirect.scatter.add.f32 [tilespmem:s21], [sflag:$0x5], $0x40, s14, s15, $0xb8;
	[tilespmem:$0x1C000] =	vst v63  }
0x87: {  	_ =	swait.ge [sflag:s13], $0x2000  }
0x88: {  	[sflag:s13] =	ssyncset.done $0x0  }
0x89: {  	s1 =	sadd.s32 $0x380, s1;
	[sflag:s13] =	ssyncadd.s32 $0xFFFFE000  }
.Ltmp4:
0x8a: {  	_ = 	snop;
	(pc) =	sbr.rel .LBB2_7-.Ltmp4, $1  }
0x8b: {  	_ =	sdelay $0x3  }
.LBB2_2:
0x8c: {  	[tilespmem:s16], [sflag:$0x1] =	stream.indirect.gather [hbm4b:s4+s15], $0x40, s0, s15, $0xb8;
	[tilespmem:$0x1C000] =	vst v63  }
0x8d: {  	_ = 	snop  }
0x8e: {  	[tilespmem:s17], [sflag:$0x2] =	stream.indirect.gather [hbm4b:s4+s15], $0x40, s15, s15, $0xb8;
	[tilespmem:$0x1C000] =	vst v63  }
0x8f: {  	_ = 	snop  }
0x90: {  	[tilespmem:s19], [sflag:$0x3] =	stream.indirect.gather [hbm4b:s4+s15], $0x40, s18, s15, $0xb8;
	[tilespmem:$0x1C000] =	vst v63  }
0x91: {  	_ = 	snop  }
0x92: {  	[tilespmem:s21], [sflag:$0x4] =	stream.indirect.gather [hbm4b:s4+s15], $0x40, s20, s15, $0xb8;
	[tilespmem:$0x1C000] =	vst v63  }
0x93: {  	_ =	swait.ge [sflag:s22], $0x2000  }
0x94: {  	[sflag:s22] =	ssyncset.done $0x0  }
0x95: {  	s14 =	simm.s32 $0x5000;
	[sflag:s22] =	ssyncadd.s32 $0xFFFFE000  }
0x96: {  	[spmem:s2] =	stream.indirect.scatter.add.f32 [tilespmem:s16], [sflag:$0x5], $0x40, s14, s15, $0xb8;
	[tilespmem:$0x1C000] =	vst v63  }
0x97: {  	_ =	swait.ge [sflag:s13], $0x2000  }
0x98: {  	[sflag:s13] =	ssyncset.done $0x0  }
0x99: {  	s1 =	simm.s32 $0x200;
	[sflag:s13] =	ssyncadd.s32 $0xFFFFE000  }
0x9a: {  	[tilespmem:s16], [sflag:$0x1] =	stream.indirect.gather [hbm4b:s4+s15], $0x40, s1, s15, $0xb8;
	[tilespmem:$0x1C000] =	vst v63  }
0x9b: {  	_ =	swait.ge [sflag:s23], $0x2000  }
0x9c: {  	[sflag:s23] =	ssyncset.done $0x0  }
0x9d: {  	s14 =	simm.s32 $0x5080;
	[sflag:s23] =	ssyncadd.s32 $0xFFFFE000  }
0x9e: {  	[spmem:s2] =	stream.indirect.scatter.add.f32 [tilespmem:s17], [sflag:$0x5], $0x40, s14, s15, $0xb8;
	[tilespmem:$0x1C000] =	vst v63  }
0x9f: {  	_ =	swait.ge [sflag:s13], $0x2000  }
0xa0: {  	[sflag:s13] =	ssyncset.done $0x0  }
0xa1: {  	s1 =	simm.s32 $0x280;
	[sflag:s13] =	ssyncadd.s32 $0xFFFFE000  }
0xa2: {  	[tilespmem:s17], [sflag:$0x2] =	stream.indirect.gather [hbm4b:s4+s15], $0x40, s1, s15, $0xb8;
	[tilespmem:$0x1C000] =	vst v63  }
0xa3: {  	_ =	swait.ge [sflag:s24], $0x2000  }
0xa4: {  	[sflag:s24] =	ssyncset.done $0x0  }
0xa5: {  	s14 =	simm.s32 $0x5100;
	[sflag:s24] =	ssyncadd.s32 $0xFFFFE000  }
0xa6: {  	[spmem:s2] =	stream.indirect.scatter.add.f32 [tilespmem:s19], [sflag:$0x5], $0x40, s14, s15, $0xb8;
	[tilespmem:$0x1C000] =	vst v63  }
0xa7: {  	_ =	swait.ge [sflag:s13], $0x2000  }
0xa8: {  	[sflag:s13] =	ssyncset.done $0x0  }
0xa9: {  	s1 =	simm.s32 $0x300;
	[sflag:s13] =	ssyncadd.s32 $0xFFFFE000  }
0xaa: {  	[tilespmem:s19], [sflag:$0x3] =	stream.indirect.gather [hbm4b:s4+s15], $0x40, s1, s15, $0xb8;
	[tilespmem:$0x1C000] =	vst v63  }
0xab: {  	_ =	swait.ge [sflag:s25], $0x2000  }
0xac: {  	[sflag:s25] =	ssyncset.done $0x0  }
0xad: {  	s14 =	simm.s32 $0x5180;
	[sflag:s25] =	ssyncadd.s32 $0xFFFFE000  }
0xae: {  	[spmem:s2] =	stream.indirect.scatter.add.f32 [tilespmem:s21], [sflag:$0x5], $0x40, s14, s15, $0xb8;
	[tilespmem:$0x1C000] =	vst v63  }
0xaf: {  	_ =	swait.ge [sflag:s13], $0x2000  }
0xb0: {  	[sflag:s13] =	ssyncset.done $0x0  }
0xb1: {  	s0 =	simm.s32 $0x800;
	s1 =	simm.s32 $0x380;
	[sflag:s13] =	ssyncadd.s32 $0xFFFFE000  }
.LBB2_3:
0xb2: {  	[tilespmem:s21], [sflag:$0x4] =	stream.indirect.gather [hbm4b:s4+s15], $0x40, s1, s15, $0xb8;
	[tilespmem:$0x1C000] =	vst v63  }
0xb3: {  	s1 =	smov.u32 s0  }
0xb4: {  	p1 =	seq.s32 s0, $0x13000;
	s0 =	sadd.s32 $0x800, s0;
	_ =	swait.ge [sflag:s22], $0x2000  }
0xb5: {  	s1 =	sshra.s32 s1, $0x2;
	[sflag:s22] =	ssyncset.done $0x0  }
0xb6: {  	s14 =	sadd.s32 $0x5000, s1;
	[sflag:s22] =	ssyncadd.s32 $0xFFFFE000  }
0xb7: {  	[spmem:s2] =	stream.indirect.scatter.add.f32 [tilespmem:s16], [sflag:$0x5], $0x40, s14, s15, $0xb8;
	[tilespmem:$0x1C000] =	vst v63  }
0xb8: {  	_ =	swait.ge [sflag:s13], $0x2000  }
0xb9: {  	[sflag:s13] =	ssyncset.done $0x0  }
0xba: {  	s14 =	sadd.s32 $0x200, s1;
	[sflag:s13] =	ssyncadd.s32 $0xFFFFE000  }
0xbb: {  	[tilespmem:s16], [sflag:$0x1] =	stream.indirect.gather [hbm4b:s4+s15], $0x40, s14, s15, $0xb8;
	[tilespmem:$0x1C000] =	vst v63  }
0xbc: {  	_ =	swait.ge [sflag:s23], $0x2000  }
0xbd: {  	[sflag:s23] =	ssyncset.done $0x0  }
0xbe: {  	s14 =	sadd.s32 $0x5080, s1;
	[sflag:s23] =	ssyncadd.s32 $0xFFFFE000  }
0xbf: {  	[spmem:s2] =	stream.indirect.scatter.add.f32 [tilespmem:s17], [sflag:$0x5], $0x40, s14, s15, $0xb8;
	[tilespmem:$0x1C000] =	vst v63  }
0xc0: {  	_ =	swait.ge [sflag:s13], $0x2000  }
0xc1: {  	[sflag:s13] =	ssyncset.done $0x0  }
0xc2: {  	s14 =	sadd.s32 $0x280, s1;
	[sflag:s13] =	ssyncadd.s32 $0xFFFFE000  }
0xc3: {  	[tilespmem:s17], [sflag:$0x2] =	stream.indirect.gather [hbm4b:s4+s15], $0x40, s14, s15, $0xb8;
	[tilespmem:$0x1C000] =	vst v63  }
0xc4: {  	_ =	swait.ge [sflag:s24], $0x2000  }
0xc5: {  	[sflag:s24] =	ssyncset.done $0x0  }
0xc6: {  	s14 =	sadd.s32 $0x5100, s1;
	[sflag:s24] =	ssyncadd.s32 $0xFFFFE000  }
0xc7: {  	[spmem:s2] =	stream.indirect.scatter.add.f32 [tilespmem:s19], [sflag:$0x5], $0x40, s14, s15, $0xb8;
	[tilespmem:$0x1C000] =	vst v63  }
0xc8: {  	_ =	swait.ge [sflag:s13], $0x2000  }
0xc9: {  	[sflag:s13] =	ssyncset.done $0x0  }
0xca: {  	s14 =	sadd.s32 $0x300, s1;
	[sflag:s13] =	ssyncadd.s32 $0xFFFFE000  }
0xcb: {  	[tilespmem:s19], [sflag:$0x3] =	stream.indirect.gather [hbm4b:s4+s15], $0x40, s14, s15, $0xb8;
	[tilespmem:$0x1C000] =	vst v63  }
0xcc: {  	_ =	swait.ge [sflag:s25], $0x2000  }
0xcd: {  	[sflag:s25] =	ssyncset.done $0x0  }
.Ltmp5:
0xce: {  	s14 =	sadd.s32 $0x5180, s1;
	[sflag:s25] =	ssyncadd.s32 $0xFFFFE000;
	(pc) =	sbr.rel @!p1 .LBB2_3-.Ltmp5, $4  }
0xcf: {  	[spmem:s2] =	stream.indirect.scatter.add.f32 [tilespmem:s21], [sflag:$0x5], $0x40, s14, s15, $0xb8;
	[tilespmem:$0x1C000] =	vst v63  }
0xd0: {  	_ =	swait.ge [sflag:s13], $0x2000  }
0xd1: {  	[sflag:s13] =	ssyncset.done $0x0  }
0xd2: {  	s1 =	sadd.s32 $0x380, s1;
	[sflag:s13] =	ssyncadd.s32 $0xFFFFE000  }
.Ltmp6:
0xd3: {  	(pc) =	sbr.rel .LBB2_8-.Ltmp6, $2  }
0xd4: {  	_ =	sdelay $0x2  }
0xd5: {  	[tilespmem:s21], [sflag:$0x4] =	stream.indirect.gather [hbm4b:s4+s15], $0x40, s1, s15, $0xb8;
	[tilespmem:$0x1C000] =	vst v63  }
.LBB2_9:
0xd6: {  	_ =	sfence.sel $0x180000  }
0xd7: {  	[bflag:$0x0] =	sbarrier.arrive $0xFFFF  }
0xd8: {  	_ =	strace $0x9000004D  }
0xd9: {  	s0 =	stileid.u32;
	[bflag:$0x2] =	sbarrier.arrive $0xFFFF  }
0xda: {  	p0 =	sne.s32 s0, $0x0;
	s0 =	rddreg [dreg:$0x2]  }
0xdb: {  	s0 =	sadd.s32 @!p0 $0x100000, s0  }
0xdc: {  	[sflag:s0] =	ssyncadd.tile.s32 @!p0 $0x1;
	_ =	shalt  }
.Lfunc_end2:
_tile_overlayer_lowered:
.L_overlay_start_2:
0xdd: {  	(tag) =	ssettag $0x2  }
0xde: {  	s0 =	rddreg [dreg:$0x0];
	s2 =	stileid.u32  }
0xdf: {  	s1 =	rddreg [dreg:$0x1];
	p0 =	sne.s32 s2, $0x0  }
0xe0: {  	s3 =	rddreg [dreg:$0x2];
	[bflag:$0x3] =	sbarrier.arrive $0xFFFF;
	s2 =	simm.s32 @!p0 $0x1C05  }
0xe1: {  	[timem:s3], [sflag:s2] =	dma.local @!p0 [hbm:s0], s1  }
0xe2: {  	s0 =	simm.s32 @!p0 $0x5  }
0xe3: {  	_ =	swait.ge @!p0 [sflag:s0], s1  }
0xe4: {  	s1 =	ssub.s32 @!p0 $0x0, s1;
	[sflag:s0] =	ssyncset.done @!p0 $0x0  }
0xe5: {  	[sflag:s0] =	ssyncadd.s32 @!p0 s1  }
0xe6: {  	[bflag:$0x3] =	sbarrier.arrive $0xFFFF  }
0xe7: {  	_ =	shalt  }

// kernel: kernel.15.cloned.1.call-start
scs
__scs_entry_jumppad:
0x0: {  	(pc) =	sbr.rel $0x88, $3  }
0x1: {  	(tag) =	ssettag $0x0;
	lr =	simm.s32 $0x1  }
0x2: {  	[smem:$0x3F98] =	sst lr;
	_ =	strace $0xD0000000  }
0x3: {  	_ = 	snop  }
0x4: {  	_ = 	snop  }
0x5: {  	_ = 	snop  }
0x6: {  	_ = 	snop  }
0x7: {  	_ = 	snop  }
__scs_overlays_trampoline_lowered:
0x8: {  	[smem:$0x3FA7] =	sst s0  }
0x9: {  	[smem:$0x3FA8] =	sst s1  }
0xa: {  	[smem:$0x3FA9] =	sst s2  }
0xb: {  	[smem:$0x3FAA] =	sst s3  }
0xc: {  	[smem:$0x3FAB] =	sst s4  }
0xd: {  	[smem:$0x3FAC] =	sst s5  }
0xe: {  	[smem:$0x3FAD] =	sst s6  }
0xf: {  	[smem:$0x3FAE] =	sst s7  }
0x10: {  	[smem:$0x3FAF] =	sst s8  }
0x11: {  	[smem:$0x3FB0] =	sst s9;
	s0 =	simm.s32 @!p0 $0x0  }
0x12: {  	s1 =	sld [smem:$0x3F96];
	s0 =	simm.s32 @p0 $0x1  }
0x13: {  	[smem:$0x3FB1] =	sst s0;
	s0 =	simm.s32 @!p1 $0x0  }
0x14: {  	s2 =	sld [smem:$0x3F95];
	s0 =	simm.s32 @p1 $0x1  }
0x15: {  	[smem:$0x3FB2] =	sst s0;
	s0 =	simm.s32 @!p2 $0x0  }
0x16: {  	s3 =	sld [smem:$0x3FDB];
	s0 =	simm.s32 @p2 $0x1  }
0x17: {  	s4 =	simm.s32 $0x1BF5;
	[smem:$0x3FB4] =	sst s0  }
0x18: {  	s0 =	sld [smem:$0x3F97];
	_ =	swait.ge [sflag:s4], $0x0  }
0x19: {  	s7 =	sld [smem:$0x3F98]  }
0x1a: {  	s8 =	sadd.s32 $0xFFFFE003, lr  }
0x1b: {  	s9 =	sadd.s32 $0xFFFFFEF7, lr;
	s5 =	simm.s32 $0xFFFFFFFF;
	p2 =	slt.u32 s8, $0xFFFFF086  }
0x1c: {  	p1 =	slt.u32 s9, $0xF7A;
	s5 =	simm.s32 @!p2 $0x0  }
0x1d: {  	s5 =	simm.s32 @p1 $0x1;
	p0 =	seq.s32 s7, s2  }
0x1e: {  	s7 =	smul.u32 @!p0 $0xF7A, s2;
	p2 =	seq.s32 @!p0 s5, $0x0  }
0x1f: {  	s9 =	smul.u32 $0xF7A, s1;
	s8 =	simm.s32 @!p0 $0x1BF5;
	p2 =	por !p2, p0  }
0x20: {  	[sflag:s8] =	ssyncset.s32 @!p0 $0xFFFFF086;
	s6 =	sadd.s32 @!p0 s3, s7;
	s7 =	simm.s32 @!p0 $0x108  }
0x21: {  	s3 =	sadd.s32 s3, s9;
	s6 =	sadd.s32 @!p0 $0x88, s6;
	s7 =	simm.s32 @p2 $0x1082  }
0x22: {  	[simem:s7], [sflag:s8] =	dma.local @!p0 [hbm:s6], $0xF7A  }
0x23: {  	s9 =	sor.u32 $0xD0000000, s2;
	s6 =	simm.s32 $0x108;
	_ =	swait.ge @!p0 [sflag:s8], $0x0  }
0x24: {  	s3 =	sadd.s32 $0x88, s3;
	s6 =	simm.s32 @!p1 $0x1082;
	[sflag:s4] =	ssyncset.s32 $0xFFFFF086  }
0x25: {  	[simem:s6], [sflag:s4] =	dma.local [hbm:s3], $0xF7A  }
0x26: {  	[smem:$0x3F98] =	sst s1;
	(tag) =	ssettag s2;
	_ =	strace s9  }
0x27: {  	s1 =	sld [smem:$0x3FA8]  }
0x28: {  	s2 =	sld [smem:$0x3FA9]  }
0x29: {  	s4 =	sld [smem:$0x3FAB]  }
0x2a: {  	p0 =	seq.s32 s5, $0x0;
	s5 =	sld [smem:$0x3FAC]  }
0x2b: {  	s6 =	sld [smem:$0x3FAD]  }
0x2c: {  	s7 =	sld [smem:$0x3FAE]  }
0x2d: {  	s3 =	simm.s32 $0x108;
	s8 =	sld [smem:$0x3FAF]  }
0x2e: {  	s3 =	simm.s32 @!p0 $0x1082;
	s9 =	sld [smem:$0x3FB0]  }
0x2f: {  	lr =	sadd.s32 s0, s3;
	s0 =	sld [smem:$0x3FA7]  }
0x30: {  	s3 =	sld [smem:$0x3FAA]  }
0x31: {  	[smem:$0x3FB3] =	sst s10  }
0x32: {  	s10 =	sld [smem:$0x3FB1];
	_ =	sdelay $0x3  }
0x33: {  	p0 =	seq.s32 s10, $0x1;
	s10 =	sld [smem:$0x3FB3];
	_ =	sdelay $0x3  }
0x34: {  	[smem:$0x3FB3] =	sst s10  }
0x35: {  	s10 =	sld [smem:$0x3FB2];
	_ =	sdelay $0x3  }
0x36: {  	p1 =	seq.s32 s10, $0x1;
	s10 =	sld [smem:$0x3FB3];
	_ =	sdelay $0x3  }
0x37: {  	[smem:$0x3FB3] =	sst s10  }
0x38: {  	s10 =	sld [smem:$0x3FB4]  }
0x39: {  	_ = 	snop;
	(pc) =	sbr.ind lr, $3  }
0x3a: {  	_ = 	snop  }
0x3b: {  	_ = 	snop  }
0x3c: {  	p2 =	seq.s32 s10, $0x1;
	s10 =	sld [smem:$0x3FB3]  }
0x3d: {  	_ =	shalt  }
0x3e: {  	_ =	shalt  }
0x3f: {  	_ =	shalt  }
0x40: {  	_ =	shalt  }
0x41: {  	_ =	shalt  }
0x42: {  	_ =	shalt  }
0x43: {  	_ =	shalt  }
0x44: {  	_ =	shalt  }
0x45: {  	_ =	shalt  }
0x46: {  	_ =	shalt  }
0x47: {  	_ =	shalt  }
0x48: {  	_ =	shalt  }
0x49: {  	_ =	shalt  }
0x4a: {  	_ =	shalt  }
0x4b: {  	_ =	shalt  }
0x4c: {  	_ =	shalt  }
0x4d: {  	_ =	shalt  }
0x4e: {  	_ =	shalt  }
0x4f: {  	_ =	shalt  }
0x50: {  	_ =	shalt  }
0x51: {  	_ =	shalt  }
0x52: {  	_ =	shalt  }
0x53: {  	_ =	shalt  }
0x54: {  	_ =	shalt  }
0x55: {  	_ =	shalt  }
0x56: {  	_ =	shalt  }
0x57: {  	_ =	shalt  }
0x58: {  	_ =	shalt  }
0x59: {  	_ =	shalt  }
0x5a: {  	_ =	shalt  }
0x5b: {  	_ =	shalt  }
0x5c: {  	_ =	shalt  }
0x5d: {  	_ =	shalt  }
0x5e: {  	_ =	shalt  }
0x5f: {  	_ =	shalt  }
0x60: {  	_ =	shalt  }
0x61: {  	_ =	shalt  }
0x62: {  	_ =	shalt  }
0x63: {  	_ =	shalt  }
0x64: {  	_ =	shalt  }
0x65: {  	_ =	shalt  }
0x66: {  	_ =	shalt  }
0x67: {  	_ =	shalt  }
0x68: {  	_ =	shalt  }
0x69: {  	_ =	shalt  }
0x6a: {  	_ =	shalt  }
0x6b: {  	_ =	shalt  }
0x6c: {  	_ =	shalt  }
0x6d: {  	_ =	shalt  }
0x6e: {  	_ =	shalt  }
0x6f: {  	_ =	shalt  }
0x70: {  	_ =	shalt  }
0x71: {  	_ =	shalt  }
0x72: {  	_ =	shalt  }
0x73: {  	_ =	shalt  }
0x74: {  	_ =	shalt  }
0x75: {  	_ =	shalt  }
0x76: {  	_ =	shalt  }
0x77: {  	_ =	shalt  }
0x78: {  	_ =	shalt  }
0x79: {  	_ =	shalt  }
0x7a: {  	_ =	shalt  }
0x7b: {  	_ =	shalt  }
0x7c: {  	_ =	shalt  }
0x7d: {  	_ =	shalt  }
0x7e: {  	_ =	shalt  }
0x7f: {  	_ =	shalt  }
0x80: {  	_ =	shalt  }
0x81: {  	_ =	shalt  }
0x82: {  	_ =	shalt  }
0x83: {  	_ =	shalt  }
0x84: {  	_ =	shalt  }
0x85: {  	_ =	shalt  }
0x86: {  	_ =	shalt  }
0x87: {  	_ =	shalt  }
.Lfunc_end0:
.L_simem_size_0:
called_computation.2_lowered:
.L_overlay_start_0:
0x88: {  	s2 =	sld [smem:$0x3FD9]  }
0x89: {  	s3 =	sld [smem:$0x3FFE];
	_ =	sdelay $0x1  }
0x8a: {  	s1 =	srdreg.scid  }
0x8b: {  	s0 =	sand.u32 $0x1, s1  }
0x8c: {  	s17 =	sshll.u32 s0, $0xA;
	s2 =	sadd.s32 s3, s2  }
0x8d: {  	s2 =	sadd.s32 s2, s17  }
0x8e: {  	[smem:$0x3FBF] =	sst s2  }
0x8f: {  	_ = 	snop  }
0x90: {  	s2 =	sld [smem:$0x3FD0];
	(tm) =	ssettm $0x1  }
0x91: {  	s18 =	sld [smem:$0x3FFB];
	_ =	sdelay $0x3  }
0x92: {  	_ =	strace s18  }
0x93: {  	s3 =	sld [smem:$0x3FFC];
	_ =	sdelay $0x3  }
0x94: {  	_ =	strace s3  }
0x95: {  	s3 =	sld [smem:$0x3FFD];
	_ =	sdelay $0x3  }
0x96: {  	_ =	strace s3  }
0x97: {  	_ =	strace $0x8FFFFFFF  }
0x98: {  	s19 =	sld [smem:$0x3FDB];
	_ =	sdelay $0x1  }
0x99: {  	s4 =	simm.s32 $_scs_section_size  }
0x9a: {  	s5 =	simm.s32 $_size__tile_overlayer_lowered;
	s6 =	simm.s32 $_tile_overlayer_lowered  }
0x9b: {  	s22 =	simm.s32 $0x1BFF;
	s21 =	sshll.u32 s6, $0x1;
	s3 =	sadd.s32 s4, s19  }
0x9c: {  	s7 =	simm.s32 $0x0;
	s20 =	sshll.u32 s5, $0x1;
	s5 =	sadd.s32 s21, s3  }
0x9d: {  	[timem:s7], [sflag:s22] =	dma.local [hbm:s5], s20  }
0x9e: {  	_ =	swait.ge [sflag:s22], s20  }
0x9f: {  	s4 =	ssub.s32 $0x0, s20;
	[sflag:s22] =	ssyncset.done $0x0  }
0xa0: {  	[sflag:s22] =	ssyncadd.s32 s4;
	_ =	sdelay $0x1  }
0xa1: {  	s23 =	simm.s32 $0x1B8B  }
0xa2: {  	_ =	swait.ge [sflag:s23], $0x1  }
0xa3: {  	[sflag:s23] =	ssyncset.done $0x0  }
0xa4: {  	s25 =	simm.s32 $0x1B8E;
	s24 =	sld [smem:$0x3FFE];
	[sflag:s23] =	ssyncadd.s32 $0xFFFFFFFF  }
0xa5: {  	s26 =	simm.s32 $execute0_lowered;
	[smem:$0x3FD2] =	sst s25  }
0xa6: {  	s5 =	sshll.u32 s26, $0x1;
	_ =	strace $0x80000049;
	[dreg:$0x1] =	wrdreg $0xFFFFFFFF  }
0xa7: {  	s28 =	simm.s32 $_size_execute0_lowered;
	s3 =	sadd.s32 s3, s5;
	[dreg:$0x0] =	wrdreg $0x0  }
0xa8: {  	s5 =	sshll.u32 s28, $0x1;
	[dreg:$0x2] =	wrdreg s3  }
0xa9: {  	[dreg:$0x3] =	wrdreg s5  }
0xaa: {  	[dreg:$0x4] =	wrdreg $0xC0  }
0xab: {  	_ =	task [dreg:s7], $0x5FFFF  }
0xac: {  	[dreg:$0x1] =	wrdreg $0xFFFFFFFF  }
0xad: {  	[dreg:$0x0] =	wrdreg $0x60  }
0xae: {  	[dreg:$0x2] =	wrdreg s2  }
0xaf: {  	[dreg:$0x3] =	wrdreg s24  }
0xb0: {  	[dreg:$0x4] =	wrdreg $0x120000  }
0xb1: {  	[dreg:$0x5] =	wrdreg $0xA  }
0xb2: {  	_ =	task.clear_ibuf [dreg:s7], $0x6FFFF;
	_ =	strace $0x90000049  }
0xb3: {  	s29 =	simm.s32 $0xA;
	_ =	strace $0x8000004B  }
0xb4: {  	_ =	swait.ge [sflag:s29], $0x1  }
0xb5: {  	[sflag:s29] =	ssyncadd.s32 $0xFFFFFFFF  }
0xb6: {  	_ =	strace $0x9000004B  }
0xb7: {  	_ =	sfence  }
0xb8: {  	s30 =	sld [smem:$0x0];
	_ =	sdelay $0x2  }
0xb9: {  	s31 =	sshll.u32 s1, $0xD;
	s1 =	sshrl.u32 s1, $0x2  }
0xba: {  	s3 =	sand.u32 $0x4000, s31;
	s1 =	sadd.s32 s1, s30  }
0xbb: {  	s0 =	sor.u32 s3, s0;
	s1 =	sshll.u32 s1, $0x11  }
0xbc: {  	s0 =	sor.u32 s1, s0  }
0xbd: {  	s0 =	sadd.s32 $0x8F2B, s0  }
0xbe: {  	[sflag:s0] =	ssyncadd.remote.s32 $0x1  }
0xbf: {  	_ =	sfence.sel $0xFFFF  }
0xc0: {  	[dreg:$0x0] =	wrdreg $0xFFFFFFFF;
	(pc) =	sbr.abs _section_cstart, $3  }
0xc1: {  	[dreg:$0x1] =	wrdreg $0xFFFFFFFF  }
0xc2: {  	_ =	task.clear_ibuf [dreg:s7], $0x2FFFF;
	_ =	strace $0x9FFFFFFF  }
0xc3: {  	(tm) =	ssettm $0x7FFFFFFF  }
tec
execute0_lowered:
.L_overlay_start_1:
0x0: {  	(tag) =	ssettag $0x1  }
0x1: {  	s2 =	rddreg [dreg:$0x0]  }
0x2: {  	s0 =	rddreg [dreg:$0x1]  }
0x3: {  	s3 =	rddreg [dreg:$0x2]  }
0x4: {  	s12 =	stileid.u32;
	s5 =	srdreg.scid  }
0x5: {  	s4 =	simm.s32 $0x0;
	s13 =	simm.s32 $0x5;
	s15 =	simm.s32 $0x80  }
0x6: {  	s16 =	simm.s32 $0xA000;
	s17 =	simm.s32 $0xC000;
	s18 =	simm.s32 $0x100  }
0x7: {  	s19 =	simm.s32 $0xE000;
	s20 =	simm.s32 $0x180;
	s21 =	simm.s32 $0x10000  }
0x8: {  	s22 =	simm.s32 $0x1;
	s23 =	simm.s32 $0x2;
	s24 =	simm.s32 $0x3  }
0x9: {  	s28 =	simm.s32 $0x9E80;
	s29 =	simm.s32 $0x9F00;
	s1 =	smul.u32 $0xA00, s12  }
0xa: {  	s30 =	simm.s32 $0x9F80;
	s31 =	simm.s32 $0x0;
	s6 =	smul.u32 $0xA000, s12  }
0xb: {  	s10 =	sand.u32 $0x1, s5;
	[smem:$0x7FF] =	sst s4;
	s5 =	sadd.s32 $0xE0400, s0  }
0xc: {  	s25 =	sshll.u32 s12, $0x6;
	s7 =	smul.u32 $0xA0000, s10;
	_ =	strace $0x8000004A  }
0xd: {  	s9 =	ssub.s32 $0x2, s10;
	p0 =	seq.s32 s10, $0x1;
	s1 =	sadd.s32 s1, s0  }
0xe: {  	s8 =	sshrl.u32 s6, $0x3;
	s11 =	sshrl.u32 s9, $0x1;
	s26 =	sadd.s32 s6, s3  }
.Ltmp0:
0xf: {  	s7 =	sadd.s32 s6, s7;
	s8 =	sadd.s32 s8, s0;
	(pc) =	sbr.rel .LBB2_1-.Ltmp0, $4  }
0x10: {  	s11 =	ssub.s32 s9, s11;
	s9 =	sadd.s32 $0x3A00, s1;
	s12 =	sshrl.u32 s26, $0x3  }
0x11: {  	s26 =	simm.s32 $0x9E00;
	s7 =	sshrl.u32 s7, $0x3;
	s6 =	sadd.s32 $0xF4400, s8  }
0x12: {  	s8 =	sadd.s32 $0x5E400, s1;
	s11 =	smax.u32 s11, $0x1;
	s0 =	sadd.s32 s7, s0  }
0x13: {  	s7 =	sor.u32 $0x1C05, s25;
	s25 =	simm.s32 $0x4;
	s10 =	sadd.s32 $0x108400, s0  }
.LBB2_7:
0x14: {  	[tilespmem:s21], [sflag:$0x4] =	stream.indirect.gather [hbm4b:s5+s15], $0x40, s1, s15, $0xb8;
	[tilespmem:$0x1C000] =	vst v63  }
.LBB2_8:
0x15: {  	_ =	swait.ge [sflag:s22], $0x2000  }
0x16: {  	[sflag:s22] =	ssyncset.done $0x0  }
0x17: {  	[sflag:s22] =	ssyncadd.s32 $0xFFFFE000  }
0x18: {  	[spmem:s3] =	stream.indirect.scatter.add.f32 [tilespmem:s16], [sflag:$0x5], $0x40, s26, s15, $0xb8;
	[tilespmem:$0x1C000] =	vst v63  }
0x19: {  	_ =	swait.ge [sflag:s13], $0x2000  }
0x1a: {  	[sflag:s13] =	ssyncset.done $0x0  }
0x1b: {  	[sflag:s13] =	ssyncadd.s32 $0xFFFFE000  }
0x1c: {  	_ =	swait.ge [sflag:s23], $0x2000  }
0x1d: {  	[sflag:s23] =	ssyncset.done $0x0  }
0x1e: {  	[sflag:s23] =	ssyncadd.s32 $0xFFFFE000  }
0x1f: {  	[spmem:s3] =	stream.indirect.scatter.add.f32 [tilespmem:s17], [sflag:$0x5], $0x40, s28, s15, $0xb8;
	[tilespmem:$0x1C000] =	vst v63  }
0x20: {  	_ =	swait.ge [sflag:s13], $0x2000  }
0x21: {  	[sflag:s13] =	ssyncset.done $0x0  }
0x22: {  	[sflag:s13] =	ssyncadd.s32 $0xFFFFE000  }
0x23: {  	_ =	swait.ge [sflag:s24], $0x2000  }
0x24: {  	[sflag:s24] =	ssyncset.done $0x0  }
0x25: {  	[sflag:s24] =	ssyncadd.s32 $0xFFFFE000  }
0x26: {  	[spmem:s3] =	stream.indirect.scatter.add.f32 [tilespmem:s19], [sflag:$0x5], $0x40, s29, s15, $0xb8;
	[tilespmem:$0x1C000] =	vst v63  }
0x27: {  	_ =	swait.ge [sflag:s13], $0x2000  }
0x28: {  	[sflag:s13] =	ssyncset.done $0x0  }
0x29: {  	[sflag:s13] =	ssyncadd.s32 $0xFFFFE000  }
0x2a: {  	_ =	swait.ge [sflag:s25], $0x2000  }
0x2b: {  	[sflag:s25] =	ssyncset.done $0x0  }
0x2c: {  	[sflag:s25] =	ssyncadd.s32 $0xFFFFE000  }
0x2d: {  	[spmem:s3] =	stream.indirect.scatter.add.f32 [tilespmem:s21], [sflag:$0x5], $0x40, s30, s15, $0xb8;
	[tilespmem:$0x1C000] =	vst v63  }
0x2e: {  	_ =	swait.ge [sflag:s13], $0x2000  }
0x2f: {  	s31 =	sadd.s32 $0x1, s31;
	[sflag:s13] =	ssyncset.done $0x0  }
0x30: {  	p1 =	sne.s32 s31, s11;
	[sflag:s13] =	ssyncadd.s32 $0xFFFFE000  }
.Ltmp1:
0x31: {  	[bflag:$0x0] =	sbarrier.arrive $0xFFFF;
	(pc) =	sbr.rel @!p1 .LBB2_9-.Ltmp1, $4  }
0x32: {  	[hbm:s10], [sflag:s7] =	dma.local [spmem:s12], $0x1400  }
0x33: {  	_ =	swait.ge [sflag:s13], $0x1400  }
0x34: {  	[sflag:s13] =	ssyncset.done $0x0  }
0x35: {  	[sflag:s13] =	ssyncadd.s32 $0xFFFFEC00  }
.LBB2_1:
0x36: {  	[spmem:s12], [sflag:s7] =	dma.local [hbm:s6], $0x1400  }
0x37: {  	_ =	swait.ge [sflag:s13], $0x1400  }
0x38: {  	[sflag:s13] =	ssyncset.done $0x0  }
0x39: {  	[sflag:s13] =	ssyncadd.s32 $0xFFFFEC00  }
0x3a: {  	[tilespmem:s4], [sflag:$0x5] =	stream.linear.gather [hbm4b:s8+s4], $0x5000, $0x38;
	[tilespmem:$0x1C000] =	vst v63  }
0x3b: {  	_ =	swait.ge [sflag:s13], $0x5000  }
0x3c: {  	[sflag:s13] =	ssyncset.done $0x0  }
0x3d: {  	s0 =	simm.s32 $0x5000;
	[sflag:s13] =	ssyncadd.s32 $0xFFFFB000  }
0x3e: {  	[tilespmem:s0], [sflag:$0x5] =	stream.linear.gather [hbm4b:s9+s4], $0x5000, $0x38;
	[tilespmem:$0x1C000] =	vst v63  }
.Ltmp2:
0x3f: {  	_ =	swait.ge [sflag:s13], $0x5000;
	(pc) =	sbr.rel @!p0 .LBB2_2-.Ltmp2, $4  }
0x40: {  	[sflag:s13] =	ssyncset.done $0x0  }
0x41: {  	[sflag:s13] =	ssyncadd.s32 $0xFFFFB000  }
0x42: {  	[bflag:$0x0] =	sbarrier.arrive $0xFFFF  }
0x43: {  	s0 =	simm.s32 $0x0  }
0x44: {  	[tilespmem:s16], [sflag:$0x1] =	stream.indirect.gather [hbm4b:s5+s15], $0x40, s0, s15, $0xb8;
	[tilespmem:$0x1C000] =	vst v63  }
0x45: {  	_ = 	snop  }
0x46: {  	[tilespmem:s17], [sflag:$0x2] =	stream.indirect.gather [hbm4b:s5+s15], $0x40, s15, s15, $0xb8;
	[tilespmem:$0x1C000] =	vst v63  }
0x47: {  	_ = 	snop  }
0x48: {  	[tilespmem:s19], [sflag:$0x3] =	stream.indirect.gather [hbm4b:s5+s15], $0x40, s18, s15, $0xb8;
	[tilespmem:$0x1C000] =	vst v63  }
0x49: {  	_ = 	snop  }
0x4a: {  	[tilespmem:s21], [sflag:$0x4] =	stream.indirect.gather [hbm4b:s5+s15], $0x40, s20, s15, $0xb8;
	[tilespmem:$0x1C000] =	vst v63  }
0x4b: {  	_ =	swait.ge [sflag:s22], $0x2000  }
0x4c: {  	[sflag:s22] =	ssyncset.done $0x0  }
0x4d: {  	s14 =	simm.s32 $0x5000;
	[sflag:s22] =	ssyncadd.s32 $0xFFFFE000  }
0x4e: {  	[spmem:s3] =	stream.indirect.scatter.add.f32 [tilespmem:s16], [sflag:$0x5], $0x40, s14, s15, $0xb8;
	[tilespmem:$0x1C000] =	vst v63  }
0x4f: {  	_ =	swait.ge [sflag:s13], $0x2000  }
0x50: {  	[sflag:s13] =	ssyncset.done $0x0  }
0x51: {  	s1 =	simm.s32 $0x200;
	[sflag:s13] =	ssyncadd.s32 $0xFFFFE000  }
0x52: {  	[tilespmem:s16], [sflag:$0x1] =	stream.indirect.gather [hbm4b:s5+s15], $0x40, s1, s15, $0xb8;
	[tilespmem:$0x1C000] =	vst v63  }
0x53: {  	_ =	swait.ge [sflag:s23], $0x2000  }
0x54: {  	[sflag:s23] =	ssyncset.done $0x0  }
0x55: {  	s14 =	simm.s32 $0x5080;
	[sflag:s23] =	ssyncadd.s32 $0xFFFFE000  }
0x56: {  	[spmem:s3] =	stream.indirect.scatter.add.f32 [tilespmem:s17], [sflag:$0x5], $0x40, s14, s15, $0xb8;
	[tilespmem:$0x1C000] =	vst v63  }
0x57: {  	_ =	swait.ge [sflag:s13], $0x2000  }
0x58: {  	[sflag:s13] =	ssyncset.done $0x0  }
0x59: {  	s1 =	simm.s32 $0x280;
	[sflag:s13] =	ssyncadd.s32 $0xFFFFE000  }
0x5a: {  	[tilespmem:s17], [sflag:$0x2] =	stream.indirect.gather [hbm4b:s5+s15], $0x40, s1, s15, $0xb8;
	[tilespmem:$0x1C000] =	vst v63  }
0x5b: {  	_ =	swait.ge [sflag:s24], $0x2000  }
0x5c: {  	[sflag:s24] =	ssyncset.done $0x0  }
0x5d: {  	s14 =	simm.s32 $0x5100;
	[sflag:s24] =	ssyncadd.s32 $0xFFFFE000  }
0x5e: {  	[spmem:s3] =	stream.indirect.scatter.add.f32 [tilespmem:s19], [sflag:$0x5], $0x40, s14, s15, $0xb8;
	[tilespmem:$0x1C000] =	vst v63  }
0x5f: {  	_ =	swait.ge [sflag:s13], $0x2000  }
0x60: {  	[sflag:s13] =	ssyncset.done $0x0  }
0x61: {  	s1 =	simm.s32 $0x300;
	[sflag:s13] =	ssyncadd.s32 $0xFFFFE000  }
0x62: {  	[tilespmem:s19], [sflag:$0x3] =	stream.indirect.gather [hbm4b:s5+s15], $0x40, s1, s15, $0xb8;
	[tilespmem:$0x1C000] =	vst v63  }
0x63: {  	_ =	swait.ge [sflag:s25], $0x2000  }
0x64: {  	[sflag:s25] =	ssyncset.done $0x0  }
0x65: {  	s14 =	simm.s32 $0x5180;
	[sflag:s25] =	ssyncadd.s32 $0xFFFFE000  }
0x66: {  	[spmem:s3] =	stream.indirect.scatter.add.f32 [tilespmem:s21], [sflag:$0x5], $0x40, s14, s15, $0xb8;
	[tilespmem:$0x1C000] =	vst v63  }
0x67: {  	_ =	swait.ge [sflag:s13], $0x2000  }
0x68: {  	[sflag:s13] =	ssyncset.done $0x0  }
0x69: {  	s0 =	simm.s32 $0x800;
	s1 =	simm.s32 $0x380;
	[sflag:s13] =	ssyncadd.s32 $0xFFFFE000  }
.LBB2_6:
0x6a: {  	[tilespmem:s21], [sflag:$0x4] =	stream.indirect.gather [hbm4b:s5+s15], $0x40, s1, s15, $0xb8;
	[tilespmem:$0x1C000] =	vst v63  }
0x6b: {  	s1 =	smov.u32 s0  }
0x6c: {  	p1 =	sne.s32 s0, $0x13000;
	s0 =	sadd.s32 $0x800, s0;
	_ =	swait.ge [sflag:s22], $0x2000  }
0x6d: {  	s1 =	sshra.s32 s1, $0x2;
	[sflag:s22] =	ssyncset.done $0x0  }
0x6e: {  	s14 =	sadd.s32 $0x5000, s1;
	[sflag:s22] =	ssyncadd.s32 $0xFFFFE000  }
0x6f: {  	[spmem:s3] =	stream.indirect.scatter.add.f32 [tilespmem:s16], [sflag:$0x5], $0x40, s14, s15, $0xb8;
	[tilespmem:$0x1C000] =	vst v63  }
0x70: {  	_ =	swait.ge [sflag:s13], $0x2000  }
0x71: {  	[sflag:s13] =	ssyncset.done $0x0  }
0x72: {  	s14 =	sadd.s32 $0x200, s1;
	[sflag:s13] =	ssyncadd.s32 $0xFFFFE000  }
0x73: {  	[tilespmem:s16], [sflag:$0x1] =	stream.indirect.gather [hbm4b:s5+s15], $0x40, s14, s15, $0xb8;
	[tilespmem:$0x1C000] =	vst v63  }
0x74: {  	_ =	swait.ge [sflag:s23], $0x2000  }
0x75: {  	[sflag:s23] =	ssyncset.done $0x0  }
0x76: {  	s14 =	sadd.s32 $0x5080, s1;
	[sflag:s23] =	ssyncadd.s32 $0xFFFFE000  }
0x77: {  	[spmem:s3] =	stream.indirect.scatter.add.f32 [tilespmem:s17], [sflag:$0x5], $0x40, s14, s15, $0xb8;
	[tilespmem:$0x1C000] =	vst v63  }
0x78: {  	_ =	swait.ge [sflag:s13], $0x2000  }
0x79: {  	[sflag:s13] =	ssyncset.done $0x0  }
0x7a: {  	s14 =	sadd.s32 $0x280, s1;
	[sflag:s13] =	ssyncadd.s32 $0xFFFFE000  }
0x7b: {  	[tilespmem:s17], [sflag:$0x2] =	stream.indirect.gather [hbm4b:s5+s15], $0x40, s14, s15, $0xb8;
	[tilespmem:$0x1C000] =	vst v63  }
0x7c: {  	_ =	swait.ge [sflag:s24], $0x2000  }
0x7d: {  	[sflag:s24] =	ssyncset.done $0x0  }
0x7e: {  	s14 =	sadd.s32 $0x5100, s1;
	[sflag:s24] =	ssyncadd.s32 $0xFFFFE000  }
0x7f: {  	[spmem:s3] =	stream.indirect.scatter.add.f32 [tilespmem:s19], [sflag:$0x5], $0x40, s14, s15, $0xb8;
	[tilespmem:$0x1C000] =	vst v63  }
0x80: {  	_ =	swait.ge [sflag:s13], $0x2000  }
0x81: {  	[sflag:s13] =	ssyncset.done $0x0  }
0x82: {  	s14 =	sadd.s32 $0x300, s1;
	[sflag:s13] =	ssyncadd.s32 $0xFFFFE000  }
0x83: {  	[tilespmem:s19], [sflag:$0x3] =	stream.indirect.gather [hbm4b:s5+s15], $0x40, s14, s15, $0xb8;
	[tilespmem:$0x1C000] =	vst v63  }
0x84: {  	_ =	swait.ge [sflag:s25], $0x2000  }
0x85: {  	[sflag:s25] =	ssyncset.done $0x0  }
.Ltmp3:
0x86: {  	s14 =	sadd.s32 $0x5180, s1;
	[sflag:s25] =	ssyncadd.s32 $0xFFFFE000;
	(pc) =	sbr.rel @p1 .LBB2_6-.Ltmp3, $4  }
0x87: {  	[spmem:s3] =	stream.indirect.scatter.add.f32 [tilespmem:s21], [sflag:$0x5], $0x40, s14, s15, $0xb8;
	[tilespmem:$0x1C000] =	vst v63  }
0x88: {  	_ =	swait.ge [sflag:s13], $0x2000  }
0x89: {  	[sflag:s13] =	ssyncset.done $0x0  }
0x8a: {  	s1 =	sadd.s32 $0x380, s1;
	[sflag:s13] =	ssyncadd.s32 $0xFFFFE000  }
.Ltmp4:
0x8b: {  	_ = 	snop;
	(pc) =	sbr.rel .LBB2_7-.Ltmp4, $1  }
0x8c: {  	_ =	sdelay $0x3  }
.LBB2_2:
0x8d: {  	[tilespmem:s16], [sflag:$0x1] =	stream.indirect.gather [hbm4b:s2+s15], $0x40, s0, s15, $0xb8;
	[tilespmem:$0x1C000] =	vst v63  }
0x8e: {  	_ = 	snop  }
0x8f: {  	[tilespmem:s17], [sflag:$0x2] =	stream.indirect.gather [hbm4b:s2+s15], $0x40, s15, s15, $0xb8;
	[tilespmem:$0x1C000] =	vst v63  }
0x90: {  	_ = 	snop  }
0x91: {  	[tilespmem:s19], [sflag:$0x3] =	stream.indirect.gather [hbm4b:s2+s15], $0x40, s18, s15, $0xb8;
	[tilespmem:$0x1C000] =	vst v63  }
0x92: {  	_ = 	snop  }
0x93: {  	[tilespmem:s21], [sflag:$0x4] =	stream.indirect.gather [hbm4b:s2+s15], $0x40, s20, s15, $0xb8;
	[tilespmem:$0x1C000] =	vst v63  }
0x94: {  	_ =	swait.ge [sflag:s22], $0x2000  }
0x95: {  	[sflag:s22] =	ssyncset.done $0x0  }
0x96: {  	s14 =	simm.s32 $0x5000;
	[sflag:s22] =	ssyncadd.s32 $0xFFFFE000  }
0x97: {  	[spmem:s3] =	stream.indirect.scatter.add.f32 [tilespmem:s16], [sflag:$0x5], $0x40, s14, s15, $0xb8;
	[tilespmem:$0x1C000] =	vst v63  }
0x98: {  	_ =	swait.ge [sflag:s13], $0x2000  }
0x99: {  	[sflag:s13] =	ssyncset.done $0x0  }
0x9a: {  	s1 =	simm.s32 $0x200;
	[sflag:s13] =	ssyncadd.s32 $0xFFFFE000  }
0x9b: {  	[tilespmem:s16], [sflag:$0x1] =	stream.indirect.gather [hbm4b:s2+s15], $0x40, s1, s15, $0xb8;
	[tilespmem:$0x1C000] =	vst v63  }
0x9c: {  	_ =	swait.ge [sflag:s23], $0x2000  }
0x9d: {  	[sflag:s23] =	ssyncset.done $0x0  }
0x9e: {  	s14 =	simm.s32 $0x5080;
	[sflag:s23] =	ssyncadd.s32 $0xFFFFE000  }
0x9f: {  	[spmem:s3] =	stream.indirect.scatter.add.f32 [tilespmem:s17], [sflag:$0x5], $0x40, s14, s15, $0xb8;
	[tilespmem:$0x1C000] =	vst v63  }
0xa0: {  	_ =	swait.ge [sflag:s13], $0x2000  }
0xa1: {  	[sflag:s13] =	ssyncset.done $0x0  }
0xa2: {  	s1 =	simm.s32 $0x280;
	[sflag:s13] =	ssyncadd.s32 $0xFFFFE000  }
0xa3: {  	[tilespmem:s17], [sflag:$0x2] =	stream.indirect.gather [hbm4b:s2+s15], $0x40, s1, s15, $0xb8;
	[tilespmem:$0x1C000] =	vst v63  }
0xa4: {  	_ =	swait.ge [sflag:s24], $0x2000  }
0xa5: {  	[sflag:s24] =	ssyncset.done $0x0  }
0xa6: {  	s14 =	simm.s32 $0x5100;
	[sflag:s24] =	ssyncadd.s32 $0xFFFFE000  }
0xa7: {  	[spmem:s3] =	stream.indirect.scatter.add.f32 [tilespmem:s19], [sflag:$0x5], $0x40, s14, s15, $0xb8;
	[tilespmem:$0x1C000] =	vst v63  }
0xa8: {  	_ =	swait.ge [sflag:s13], $0x2000  }
0xa9: {  	[sflag:s13] =	ssyncset.done $0x0  }
0xaa: {  	s1 =	simm.s32 $0x300;
	[sflag:s13] =	ssyncadd.s32 $0xFFFFE000  }
0xab: {  	[tilespmem:s19], [sflag:$0x3] =	stream.indirect.gather [hbm4b:s2+s15], $0x40, s1, s15, $0xb8;
	[tilespmem:$0x1C000] =	vst v63  }
0xac: {  	_ =	swait.ge [sflag:s25], $0x2000  }
0xad: {  	[sflag:s25] =	ssyncset.done $0x0  }
0xae: {  	s14 =	simm.s32 $0x5180;
	[sflag:s25] =	ssyncadd.s32 $0xFFFFE000  }
0xaf: {  	[spmem:s3] =	stream.indirect.scatter.add.f32 [tilespmem:s21], [sflag:$0x5], $0x40, s14, s15, $0xb8;
	[tilespmem:$0x1C000] =	vst v63  }
0xb0: {  	_ =	swait.ge [sflag:s13], $0x2000  }
0xb1: {  	[sflag:s13] =	ssyncset.done $0x0  }
0xb2: {  	s0 =	simm.s32 $0x800;
	s1 =	simm.s32 $0x380;
	[sflag:s13] =	ssyncadd.s32 $0xFFFFE000  }
.LBB2_3:
0xb3: {  	[tilespmem:s21], [sflag:$0x4] =	stream.indirect.gather [hbm4b:s2+s15], $0x40, s1, s15, $0xb8;
	[tilespmem:$0x1C000] =	vst v63  }
0xb4: {  	s1 =	smov.u32 s0  }
0xb5: {  	p1 =	seq.s32 s0, $0x13000;
	s0 =	sadd.s32 $0x800, s0;
	_ =	swait.ge [sflag:s22], $0x2000  }
0xb6: {  	s1 =	sshra.s32 s1, $0x2;
	[sflag:s22] =	ssyncset.done $0x0  }
0xb7: {  	s14 =	sadd.s32 $0x5000, s1;
	[sflag:s22] =	ssyncadd.s32 $0xFFFFE000  }
0xb8: {  	[spmem:s3] =	stream.indirect.scatter.add.f32 [tilespmem:s16], [sflag:$0x5], $0x40, s14, s15, $0xb8;
	[tilespmem:$0x1C000] =	vst v63  }
0xb9: {  	_ =	swait.ge [sflag:s13], $0x2000  }
0xba: {  	[sflag:s13] =	ssyncset.done $0x0  }
0xbb: {  	s14 =	sadd.s32 $0x200, s1;
	[sflag:s13] =	ssyncadd.s32 $0xFFFFE000  }
0xbc: {  	[tilespmem:s16], [sflag:$0x1] =	stream.indirect.gather [hbm4b:s2+s15], $0x40, s14, s15, $0xb8;
	[tilespmem:$0x1C000] =	vst v63  }
0xbd: {  	_ =	swait.ge [sflag:s23], $0x2000  }
0xbe: {  	[sflag:s23] =	ssyncset.done $0x0  }
0xbf: {  	s14 =	sadd.s32 $0x5080, s1;
	[sflag:s23] =	ssyncadd.s32 $0xFFFFE000  }
0xc0: {  	[spmem:s3] =	stream.indirect.scatter.add.f32 [tilespmem:s17], [sflag:$0x5], $0x40, s14, s15, $0xb8;
	[tilespmem:$0x1C000] =	vst v63  }
0xc1: {  	_ =	swait.ge [sflag:s13], $0x2000  }
0xc2: {  	[sflag:s13] =	ssyncset.done $0x0  }
0xc3: {  	s14 =	sadd.s32 $0x280, s1;
	[sflag:s13] =	ssyncadd.s32 $0xFFFFE000  }
0xc4: {  	[tilespmem:s17], [sflag:$0x2] =	stream.indirect.gather [hbm4b:s2+s15], $0x40, s14, s15, $0xb8;
	[tilespmem:$0x1C000] =	vst v63  }
0xc5: {  	_ =	swait.ge [sflag:s24], $0x2000  }
0xc6: {  	[sflag:s24] =	ssyncset.done $0x0  }
0xc7: {  	s14 =	sadd.s32 $0x5100, s1;
	[sflag:s24] =	ssyncadd.s32 $0xFFFFE000  }
0xc8: {  	[spmem:s3] =	stream.indirect.scatter.add.f32 [tilespmem:s19], [sflag:$0x5], $0x40, s14, s15, $0xb8;
	[tilespmem:$0x1C000] =	vst v63  }
0xc9: {  	_ =	swait.ge [sflag:s13], $0x2000  }
0xca: {  	[sflag:s13] =	ssyncset.done $0x0  }
0xcb: {  	s14 =	sadd.s32 $0x300, s1;
	[sflag:s13] =	ssyncadd.s32 $0xFFFFE000  }
0xcc: {  	[tilespmem:s19], [sflag:$0x3] =	stream.indirect.gather [hbm4b:s2+s15], $0x40, s14, s15, $0xb8;
	[tilespmem:$0x1C000] =	vst v63  }
0xcd: {  	_ =	swait.ge [sflag:s25], $0x2000  }
0xce: {  	[sflag:s25] =	ssyncset.done $0x0  }
.Ltmp5:
0xcf: {  	s14 =	sadd.s32 $0x5180, s1;
	[sflag:s25] =	ssyncadd.s32 $0xFFFFE000;
	(pc) =	sbr.rel @!p1 .LBB2_3-.Ltmp5, $4  }
0xd0: {  	[spmem:s3] =	stream.indirect.scatter.add.f32 [tilespmem:s21], [sflag:$0x5], $0x40, s14, s15, $0xb8;
	[tilespmem:$0x1C000] =	vst v63  }
0xd1: {  	_ =	swait.ge [sflag:s13], $0x2000  }
0xd2: {  	[sflag:s13] =	ssyncset.done $0x0  }
0xd3: {  	s1 =	sadd.s32 $0x380, s1;
	[sflag:s13] =	ssyncadd.s32 $0xFFFFE000  }
.Ltmp6:
0xd4: {  	(pc) =	sbr.rel .LBB2_8-.Ltmp6, $2  }
0xd5: {  	_ =	sdelay $0x2  }
0xd6: {  	[tilespmem:s21], [sflag:$0x4] =	stream.indirect.gather [hbm4b:s2+s15], $0x40, s1, s15, $0xb8;
	[tilespmem:$0x1C000] =	vst v63  }
.LBB2_9:
0xd7: {  	_ =	sfence.sel $0x180000  }
0xd8: {  	[bflag:$0x0] =	sbarrier.arrive $0xFFFF  }
0xd9: {  	_ =	strace $0x9000004A  }
0xda: {  	s0 =	stileid.u32;
	[bflag:$0x2] =	sbarrier.arrive $0xFFFF  }
0xdb: {  	p0 =	sne.s32 s0, $0x0;
	s0 =	rddreg [dreg:$0x3]  }
0xdc: {  	s0 =	sadd.s32 @!p0 $0x100000, s0  }
0xdd: {  	[sflag:s0] =	ssyncadd.tile.s32 @!p0 $0x1;
	_ =	shalt  }
.Lfunc_end2:
_tile_overlayer_lowered:
.L_overlay_start_2:
0xde: {  	(tag) =	ssettag $0x2  }
0xdf: {  	s0 =	rddreg [dreg:$0x0];
	s2 =	stileid.u32  }
0xe0: {  	s1 =	rddreg [dreg:$0x1];
	p0 =	sne.s32 s2, $0x0  }
0xe1: {  	s3 =	rddreg [dreg:$0x2];
	[bflag:$0x3] =	sbarrier.arrive $0xFFFF;
	s2 =	simm.s32 @!p0 $0x1C05  }
0xe2: {  	[timem:s3], [sflag:s2] =	dma.local @!p0 [hbm:s0], s1  }
0xe3: {  	s0 =	simm.s32 @!p0 $0x5  }
0xe4: {  	_ =	swait.ge @!p0 [sflag:s0], s1  }
0xe5: {  	s1 =	ssub.s32 @!p0 $0x0, s1;
	[sflag:s0] =	ssyncset.done @!p0 $0x0  }
0xe6: {  	[sflag:s0] =	ssyncadd.s32 @!p0 s1  }
0xe7: {  	[bflag:$0x3] =	sbarrier.arrive $0xFFFF  }
0xe8: {  	_ =	shalt  }

// kernel: kernel.18.cloned.1.call-start
scs
__scs_entry_jumppad:
0x0: {  	(pc) =	sbr.rel $0x88, $3  }
0x1: {  	(tag) =	ssettag $0x0;
	lr =	simm.s32 $0x1  }
0x2: {  	[smem:$0x3F98] =	sst lr;
	_ =	strace $0xD0000000  }
0x3: {  	_ = 	snop  }
0x4: {  	_ = 	snop  }
0x5: {  	_ = 	snop  }
0x6: {  	_ = 	snop  }
0x7: {  	_ = 	snop  }
__scs_overlays_trampoline_lowered:
0x8: {  	[smem:$0x3FA7] =	sst s0  }
0x9: {  	[smem:$0x3FA8] =	sst s1  }
0xa: {  	[smem:$0x3FA9] =	sst s2  }
0xb: {  	[smem:$0x3FAA] =	sst s3  }
0xc: {  	[smem:$0x3FAB] =	sst s4  }
0xd: {  	[smem:$0x3FAC] =	sst s5  }
0xe: {  	[smem:$0x3FAD] =	sst s6  }
0xf: {  	[smem:$0x3FAE] =	sst s7  }
0x10: {  	[smem:$0x3FAF] =	sst s8  }
0x11: {  	[smem:$0x3FB0] =	sst s9;
	s0 =	simm.s32 @!p0 $0x0  }
0x12: {  	s1 =	sld [smem:$0x3F96];
	s0 =	simm.s32 @p0 $0x1  }
0x13: {  	[smem:$0x3FB1] =	sst s0;
	s0 =	simm.s32 @!p1 $0x0  }
0x14: {  	s2 =	sld [smem:$0x3F95];
	s0 =	simm.s32 @p1 $0x1  }
0x15: {  	[smem:$0x3FB2] =	sst s0;
	s0 =	simm.s32 @!p2 $0x0  }
0x16: {  	s3 =	sld [smem:$0x3FDB];
	s0 =	simm.s32 @p2 $0x1  }
0x17: {  	s4 =	simm.s32 $0x1BF5;
	[smem:$0x3FB4] =	sst s0  }
0x18: {  	s0 =	sld [smem:$0x3F97];
	_ =	swait.ge [sflag:s4], $0x0  }
0x19: {  	s7 =	sld [smem:$0x3F98]  }
0x1a: {  	s8 =	sadd.s32 $0xFFFFE003, lr  }
0x1b: {  	s9 =	sadd.s32 $0xFFFFFEF7, lr;
	s5 =	simm.s32 $0xFFFFFFFF;
	p2 =	slt.u32 s8, $0xFFFFF086  }
0x1c: {  	p1 =	slt.u32 s9, $0xF7A;
	s5 =	simm.s32 @!p2 $0x0  }
0x1d: {  	s5 =	simm.s32 @p1 $0x1;
	p0 =	seq.s32 s7, s2  }
0x1e: {  	s7 =	smul.u32 @!p0 $0xF7A, s2;
	p2 =	seq.s32 @!p0 s5, $0x0  }
0x1f: {  	s9 =	smul.u32 $0xF7A, s1;
	s8 =	simm.s32 @!p0 $0x1BF5;
	p2 =	por !p2, p0  }
0x20: {  	[sflag:s8] =	ssyncset.s32 @!p0 $0xFFFFF086;
	s6 =	sadd.s32 @!p0 s3, s7;
	s7 =	simm.s32 @!p0 $0x108  }
0x21: {  	s3 =	sadd.s32 s3, s9;
	s6 =	sadd.s32 @!p0 $0x88, s6;
	s7 =	simm.s32 @p2 $0x1082  }
0x22: {  	[simem:s7], [sflag:s8] =	dma.local @!p0 [hbm:s6], $0xF7A  }
0x23: {  	s9 =	sor.u32 $0xD0000000, s2;
	s6 =	simm.s32 $0x108;
	_ =	swait.ge @!p0 [sflag:s8], $0x0  }
0x24: {  	s3 =	sadd.s32 $0x88, s3;
	s6 =	simm.s32 @!p1 $0x1082;
	[sflag:s4] =	ssyncset.s32 $0xFFFFF086  }
0x25: {  	[simem:s6], [sflag:s4] =	dma.local [hbm:s3], $0xF7A  }
0x26: {  	[smem:$0x3F98] =	sst s1;
	(tag) =	ssettag s2;
	_ =	strace s9  }
0x27: {  	s1 =	sld [smem:$0x3FA8]  }
0x28: {  	s2 =	sld [smem:$0x3FA9]  }
0x29: {  	s4 =	sld [smem:$0x3FAB]  }
0x2a: {  	p0 =	seq.s32 s5, $0x0;
	s5 =	sld [smem:$0x3FAC]  }
0x2b: {  	s6 =	sld [smem:$0x3FAD]  }
0x2c: {  	s7 =	sld [smem:$0x3FAE]  }
0x2d: {  	s3 =	simm.s32 $0x108;
	s8 =	sld [smem:$0x3FAF]  }
0x2e: {  	s3 =	simm.s32 @!p0 $0x1082;
	s9 =	sld [smem:$0x3FB0]  }
0x2f: {  	lr =	sadd.s32 s0, s3;
	s0 =	sld [smem:$0x3FA7]  }
0x30: {  	s3 =	sld [smem:$0x3FAA]  }
0x31: {  	[smem:$0x3FB3] =	sst s10  }
0x32: {  	s10 =	sld [smem:$0x3FB1];
	_ =	sdelay $0x3  }
0x33: {  	p0 =	seq.s32 s10, $0x1;
	s10 =	sld [smem:$0x3FB3];
	_ =	sdelay $0x3  }
0x34: {  	[smem:$0x3FB3] =	sst s10  }
0x35: {  	s10 =	sld [smem:$0x3FB2];
	_ =	sdelay $0x3  }
0x36: {  	p1 =	seq.s32 s10, $0x1;
	s10 =	sld [smem:$0x3FB3];
	_ =	sdelay $0x3  }
0x37: {  	[smem:$0x3FB3] =	sst s10  }
0x38: {  	s10 =	sld [smem:$0x3FB4]  }
0x39: {  	_ = 	snop;
	(pc) =	sbr.ind lr, $3  }
0x3a: {  	_ = 	snop  }
0x3b: {  	_ = 	snop  }
0x3c: {  	p2 =	seq.s32 s10, $0x1;
	s10 =	sld [smem:$0x3FB3]  }
0x3d: {  	_ =	shalt  }
0x3e: {  	_ =	shalt  }
0x3f: {  	_ =	shalt  }
0x40: {  	_ =	shalt  }
0x41: {  	_ =	shalt  }
0x42: {  	_ =	shalt  }
0x43: {  	_ =	shalt  }
0x44: {  	_ =	shalt  }
0x45: {  	_ =	shalt  }
0x46: {  	_ =	shalt  }
0x47: {  	_ =	shalt  }
0x48: {  	_ =	shalt  }
0x49: {  	_ =	shalt  }
0x4a: {  	_ =	shalt  }
0x4b: {  	_ =	shalt  }
0x4c: {  	_ =	shalt  }
0x4d: {  	_ =	shalt  }
0x4e: {  	_ =	shalt  }
0x4f: {  	_ =	shalt  }
0x50: {  	_ =	shalt  }
0x51: {  	_ =	shalt  }
0x52: {  	_ =	shalt  }
0x53: {  	_ =	shalt  }
0x54: {  	_ =	shalt  }
0x55: {  	_ =	shalt  }
0x56: {  	_ =	shalt  }
0x57: {  	_ =	shalt  }
0x58: {  	_ =	shalt  }
0x59: {  	_ =	shalt  }
0x5a: {  	_ =	shalt  }
0x5b: {  	_ =	shalt  }
0x5c: {  	_ =	shalt  }
0x5d: {  	_ =	shalt  }
0x5e: {  	_ =	shalt  }
0x5f: {  	_ =	shalt  }
0x60: {  	_ =	shalt  }
0x61: {  	_ =	shalt  }
0x62: {  	_ =	shalt  }
0x63: {  	_ =	shalt  }
0x64: {  	_ =	shalt  }
0x65: {  	_ =	shalt  }
0x66: {  	_ =	shalt  }
0x67: {  	_ =	shalt  }
0x68: {  	_ =	shalt  }
0x69: {  	_ =	shalt  }
0x6a: {  	_ =	shalt  }
0x6b: {  	_ =	shalt  }
0x6c: {  	_ =	shalt  }
0x6d: {  	_ =	shalt  }
0x6e: {  	_ =	shalt  }
0x6f: {  	_ =	shalt  }
0x70: {  	_ =	shalt  }
0x71: {  	_ =	shalt  }
0x72: {  	_ =	shalt  }
0x73: {  	_ =	shalt  }
0x74: {  	_ =	shalt  }
0x75: {  	_ =	shalt  }
0x76: {  	_ =	shalt  }
0x77: {  	_ =	shalt  }
0x78: {  	_ =	shalt  }
0x79: {  	_ =	shalt  }
0x7a: {  	_ =	shalt  }
0x7b: {  	_ =	shalt  }
0x7c: {  	_ =	shalt  }
0x7d: {  	_ =	shalt  }
0x7e: {  	_ =	shalt  }
0x7f: {  	_ =	shalt  }
0x80: {  	_ =	shalt  }
0x81: {  	_ =	shalt  }
0x82: {  	_ =	shalt  }
0x83: {  	_ =	shalt  }
0x84: {  	_ =	shalt  }
0x85: {  	_ =	shalt  }
0x86: {  	_ =	shalt  }
0x87: {  	_ =	shalt  }
.Lfunc_end0:
.L_simem_size_0:
called_computation.3_lowered:
.L_overlay_start_0:
0x88: {  	s2 =	sld [smem:$0x3FD9]  }
0x89: {  	s3 =	sld [smem:$0x3FFE];
	_ =	sdelay $0x1  }
0x8a: {  	s1 =	srdreg.scid  }
0x8b: {  	s0 =	sand.u32 $0x1, s1  }
0x8c: {  	s17 =	sshll.u32 s0, $0xA;
	s2 =	sadd.s32 s3, s2  }
0x8d: {  	s2 =	sadd.s32 s2, s17  }
0x8e: {  	[smem:$0x3FBF] =	sst s2  }
0x8f: {  	_ = 	snop  }
0x90: {  	s2 =	sld [smem:$0x3FD0];
	(tm) =	ssettm $0x1  }
0x91: {  	s18 =	sld [smem:$0x3FFB];
	_ =	sdelay $0x3  }
0x92: {  	_ =	strace s18  }
0x93: {  	s3 =	sld [smem:$0x3FFC];
	_ =	sdelay $0x3  }
0x94: {  	_ =	strace s3  }
0x95: {  	s3 =	sld [smem:$0x3FFD];
	_ =	sdelay $0x3  }
0x96: {  	_ =	strace s3  }
0x97: {  	_ =	strace $0x8FFFFFFF  }
0x98: {  	s19 =	sld [smem:$0x3FDB];
	_ =	sdelay $0x1  }
0x99: {  	s4 =	simm.s32 $_scs_section_size  }
0x9a: {  	s5 =	simm.s32 $_size__tile_overlayer_lowered;
	s6 =	simm.s32 $_tile_overlayer_lowered  }
0x9b: {  	s22 =	simm.s32 $0x1BFF;
	s21 =	sshll.u32 s6, $0x1;
	s3 =	sadd.s32 s4, s19  }
0x9c: {  	s7 =	simm.s32 $0x0;
	s20 =	sshll.u32 s5, $0x1;
	s5 =	sadd.s32 s21, s3  }
0x9d: {  	[timem:s7], [sflag:s22] =	dma.local [hbm:s5], s20  }
0x9e: {  	_ =	swait.ge [sflag:s22], s20  }
0x9f: {  	s4 =	ssub.s32 $0x0, s20;
	[sflag:s22] =	ssyncset.done $0x0  }
0xa0: {  	[sflag:s22] =	ssyncadd.s32 s4;
	_ =	sdelay $0x1  }
0xa1: {  	s23 =	simm.s32 $0x1B8B  }
0xa2: {  	_ =	swait.ge [sflag:s23], $0x1  }
0xa3: {  	[sflag:s23] =	ssyncset.done $0x0  }
0xa4: {  	s25 =	simm.s32 $0x1B8E;
	s24 =	sld [smem:$0x3FFE];
	[sflag:s23] =	ssyncadd.s32 $0xFFFFFFFF  }
0xa5: {  	s26 =	simm.s32 $execute0_lowered;
	[smem:$0x3FD2] =	sst s25  }
0xa6: {  	s5 =	sshll.u32 s26, $0x1;
	_ =	strace $0x8000004F;
	[dreg:$0x1] =	wrdreg $0xFFFFFFFF  }
0xa7: {  	s28 =	simm.s32 $_size_execute0_lowered;
	s3 =	sadd.s32 s3, s5;
	[dreg:$0x0] =	wrdreg $0x0  }
0xa8: {  	s5 =	sshll.u32 s28, $0x1;
	[dreg:$0x2] =	wrdreg s3  }
0xa9: {  	[dreg:$0x3] =	wrdreg s5  }
0xaa: {  	[dreg:$0x4] =	wrdreg $0xC0  }
0xab: {  	_ =	task [dreg:s7], $0x5FFFF  }
0xac: {  	[dreg:$0x1] =	wrdreg $0xFFFFFFFF  }
0xad: {  	[dreg:$0x0] =	wrdreg $0x60  }
0xae: {  	[dreg:$0x2] =	wrdreg s2  }
0xaf: {  	[dreg:$0x3] =	wrdreg s24  }
0xb0: {  	[dreg:$0x4] =	wrdreg $0x120000  }
0xb1: {  	[dreg:$0x5] =	wrdreg $0x9  }
0xb2: {  	_ =	task.clear_ibuf [dreg:s7], $0x6FFFF;
	_ =	strace $0x9000004F  }
0xb3: {  	s29 =	simm.s32 $0x9;
	_ =	strace $0x80000051  }
0xb4: {  	_ =	swait.ge [sflag:s29], $0x1  }
0xb5: {  	[sflag:s29] =	ssyncadd.s32 $0xFFFFFFFF  }
0xb6: {  	_ =	strace $0x90000051  }
0xb7: {  	_ =	sfence  }
0xb8: {  	s30 =	sld [smem:$0x0];
	_ =	sdelay $0x2  }
0xb9: {  	s31 =	sshll.u32 s1, $0xD;
	s1 =	sshrl.u32 s1, $0x2  }
0xba: {  	s3 =	sand.u32 $0x4000, s31;
	s1 =	sadd.s32 s1, s30  }
0xbb: {  	s0 =	sor.u32 s3, s0;
	s1 =	sshll.u32 s1, $0x11  }
0xbc: {  	s0 =	sor.u32 s1, s0  }
0xbd: {  	s0 =	sadd.s32 $0x8F2B, s0  }
0xbe: {  	[sflag:s0] =	ssyncadd.remote.s32 $0x1  }
0xbf: {  	_ =	sfence.sel $0xFFFF  }
0xc0: {  	[dreg:$0x0] =	wrdreg $0xFFFFFFFF;
	(pc) =	sbr.abs _section_cstart, $3  }
0xc1: {  	[dreg:$0x1] =	wrdreg $0xFFFFFFFF  }
0xc2: {  	_ =	task.clear_ibuf [dreg:s7], $0x2FFFF;
	_ =	strace $0x9FFFFFFF  }
0xc3: {  	(tm) =	ssettm $0x7FFFFFFF  }
tec
execute0_lowered:
.L_overlay_start_1:
0x0: {  	(tag) =	ssettag $0x1  }
0x1: {  	s2 =	rddreg [dreg:$0x0]  }
0x2: {  	s0 =	rddreg [dreg:$0x1]  }
0x3: {  	s3 =	rddreg [dreg:$0x2]  }
0x4: {  	s12 =	stileid.u32;
	s5 =	srdreg.scid  }
0x5: {  	s4 =	simm.s32 $0x0;
	s13 =	simm.s32 $0x5;
	s15 =	simm.s32 $0x80  }
0x6: {  	s16 =	simm.s32 $0xA000;
	s17 =	simm.s32 $0xC000;
	s18 =	simm.s32 $0x100  }
0x7: {  	s19 =	simm.s32 $0xE000;
	s20 =	simm.s32 $0x180;
	s21 =	simm.s32 $0x10000  }
0x8: {  	s22 =	simm.s32 $0x1;
	s23 =	simm.s32 $0x2;
	s24 =	simm.s32 $0x3  }
0x9: {  	s28 =	simm.s32 $0x9E80;
	s29 =	simm.s32 $0x9F00;
	s1 =	smul.u32 $0xA00, s12  }
0xa: {  	s30 =	simm.s32 $0x9F80;
	s31 =	simm.s32 $0x0;
	s6 =	smul.u32 $0xA000, s12  }
0xb: {  	s10 =	sand.u32 $0x1, s5;
	[smem:$0x7FF] =	sst s4;
	s5 =	sadd.s32 $0xE0400, s0  }
0xc: {  	s25 =	sshll.u32 s12, $0x6;
	s7 =	smul.u32 $0xA0000, s10;
	_ =	strace $0x80000050  }
0xd: {  	s9 =	ssub.s32 $0x2, s10;
	p0 =	seq.s32 s10, $0x1;
	s1 =	sadd.s32 s1, s0  }
0xe: {  	s8 =	sshrl.u32 s6, $0x3;
	s11 =	sshrl.u32 s9, $0x1;
	s26 =	sadd.s32 s6, s3  }
.Ltmp0:
0xf: {  	s7 =	sadd.s32 s6, s7;
	s8 =	sadd.s32 s8, s0;
	(pc) =	sbr.rel .LBB2_1-.Ltmp0, $4  }
0x10: {  	s11 =	ssub.s32 s9, s11;
	s9 =	sadd.s32 $0x3A00, s1;
	s12 =	sshrl.u32 s26, $0x3  }
0x11: {  	s26 =	simm.s32 $0x9E00;
	s7 =	sshrl.u32 s7, $0x3;
	s6 =	sadd.s32 $0xF4400, s8  }
0x12: {  	s8 =	sadd.s32 $0x5E400, s1;
	s11 =	smax.u32 s11, $0x1;
	s0 =	sadd.s32 s7, s0  }
0x13: {  	s7 =	sor.u32 $0x1C05, s25;
	s25 =	simm.s32 $0x4;
	s10 =	sadd.s32 $0x90400, s0  }
.LBB2_7:
0x14: {  	[tilespmem:s21], [sflag:$0x4] =	stream.indirect.gather [hbm4b:s5+s15], $0x40, s1, s15, $0xb8;
	[tilespmem:$0x1C000] =	vst v63  }
.LBB2_8:
0x15: {  	_ =	swait.ge [sflag:s22], $0x2000  }
0x16: {  	[sflag:s22] =	ssyncset.done $0x0  }
0x17: {  	[sflag:s22] =	ssyncadd.s32 $0xFFFFE000  }
0x18: {  	[spmem:s3] =	stream.indirect.scatter.add.f32 [tilespmem:s16], [sflag:$0x5], $0x40, s26, s15, $0xb8;
	[tilespmem:$0x1C000] =	vst v63  }
0x19: {  	_ =	swait.ge [sflag:s13], $0x2000  }
0x1a: {  	[sflag:s13] =	ssyncset.done $0x0  }
0x1b: {  	[sflag:s13] =	ssyncadd.s32 $0xFFFFE000  }
0x1c: {  	_ =	swait.ge [sflag:s23], $0x2000  }
0x1d: {  	[sflag:s23] =	ssyncset.done $0x0  }
0x1e: {  	[sflag:s23] =	ssyncadd.s32 $0xFFFFE000  }
0x1f: {  	[spmem:s3] =	stream.indirect.scatter.add.f32 [tilespmem:s17], [sflag:$0x5], $0x40, s28, s15, $0xb8;
	[tilespmem:$0x1C000] =	vst v63  }
0x20: {  	_ =	swait.ge [sflag:s13], $0x2000  }
0x21: {  	[sflag:s13] =	ssyncset.done $0x0  }
0x22: {  	[sflag:s13] =	ssyncadd.s32 $0xFFFFE000  }
0x23: {  	_ =	swait.ge [sflag:s24], $0x2000  }
0x24: {  	[sflag:s24] =	ssyncset.done $0x0  }
0x25: {  	[sflag:s24] =	ssyncadd.s32 $0xFFFFE000  }
0x26: {  	[spmem:s3] =	stream.indirect.scatter.add.f32 [tilespmem:s19], [sflag:$0x5], $0x40, s29, s15, $0xb8;
	[tilespmem:$0x1C000] =	vst v63  }
0x27: {  	_ =	swait.ge [sflag:s13], $0x2000  }
0x28: {  	[sflag:s13] =	ssyncset.done $0x0  }
0x29: {  	[sflag:s13] =	ssyncadd.s32 $0xFFFFE000  }
0x2a: {  	_ =	swait.ge [sflag:s25], $0x2000  }
0x2b: {  	[sflag:s25] =	ssyncset.done $0x0  }
0x2c: {  	[sflag:s25] =	ssyncadd.s32 $0xFFFFE000  }
0x2d: {  	[spmem:s3] =	stream.indirect.scatter.add.f32 [tilespmem:s21], [sflag:$0x5], $0x40, s30, s15, $0xb8;
	[tilespmem:$0x1C000] =	vst v63  }
0x2e: {  	_ =	swait.ge [sflag:s13], $0x2000  }
0x2f: {  	s31 =	sadd.s32 $0x1, s31;
	[sflag:s13] =	ssyncset.done $0x0  }
0x30: {  	p1 =	sne.s32 s31, s11;
	[sflag:s13] =	ssyncadd.s32 $0xFFFFE000  }
.Ltmp1:
0x31: {  	[bflag:$0x0] =	sbarrier.arrive $0xFFFF;
	(pc) =	sbr.rel @!p1 .LBB2_9-.Ltmp1, $4  }
0x32: {  	[hbm:s10], [sflag:s7] =	dma.local [spmem:s12], $0x1400  }
0x33: {  	_ =	swait.ge [sflag:s13], $0x1400  }
0x34: {  	[sflag:s13] =	ssyncset.done $0x0  }
0x35: {  	[sflag:s13] =	ssyncadd.s32 $0xFFFFEC00  }
.LBB2_1:
0x36: {  	[spmem:s12], [sflag:s7] =	dma.local [hbm:s6], $0x1400  }
0x37: {  	_ =	swait.ge [sflag:s13], $0x1400  }
0x38: {  	[sflag:s13] =	ssyncset.done $0x0  }
0x39: {  	[sflag:s13] =	ssyncadd.s32 $0xFFFFEC00  }
0x3a: {  	[tilespmem:s4], [sflag:$0x5] =	stream.linear.gather [hbm4b:s8+s4], $0x5000, $0x38;
	[tilespmem:$0x1C000] =	vst v63  }
0x3b: {  	_ =	swait.ge [sflag:s13], $0x5000  }
0x3c: {  	[sflag:s13] =	ssyncset.done $0x0  }
0x3d: {  	s0 =	simm.s32 $0x5000;
	[sflag:s13] =	ssyncadd.s32 $0xFFFFB000  }
0x3e: {  	[tilespmem:s0], [sflag:$0x5] =	stream.linear.gather [hbm4b:s9+s4], $0x5000, $0x38;
	[tilespmem:$0x1C000] =	vst v63  }
.Ltmp2:
0x3f: {  	_ =	swait.ge [sflag:s13], $0x5000;
	(pc) =	sbr.rel @!p0 .LBB2_2-.Ltmp2, $4  }
0x40: {  	[sflag:s13] =	ssyncset.done $0x0  }
0x41: {  	[sflag:s13] =	ssyncadd.s32 $0xFFFFB000  }
0x42: {  	[bflag:$0x0] =	sbarrier.arrive $0xFFFF  }
0x43: {  	s0 =	simm.s32 $0x0  }
0x44: {  	[tilespmem:s16], [sflag:$0x1] =	stream.indirect.gather [hbm4b:s5+s15], $0x40, s0, s15, $0xb8;
	[tilespmem:$0x1C000] =	vst v63  }
0x45: {  	_ = 	snop  }
0x46: {  	[tilespmem:s17], [sflag:$0x2] =	stream.indirect.gather [hbm4b:s5+s15], $0x40, s15, s15, $0xb8;
	[tilespmem:$0x1C000] =	vst v63  }
0x47: {  	_ = 	snop  }
0x48: {  	[tilespmem:s19], [sflag:$0x3] =	stream.indirect.gather [hbm4b:s5+s15], $0x40, s18, s15, $0xb8;
	[tilespmem:$0x1C000] =	vst v63  }
0x49: {  	_ = 	snop  }
0x4a: {  	[tilespmem:s21], [sflag:$0x4] =	stream.indirect.gather [hbm4b:s5+s15], $0x40, s20, s15, $0xb8;
	[tilespmem:$0x1C000] =	vst v63  }
0x4b: {  	_ =	swait.ge [sflag:s22], $0x2000  }
0x4c: {  	[sflag:s22] =	ssyncset.done $0x0  }
0x4d: {  	s14 =	simm.s32 $0x5000;
	[sflag:s22] =	ssyncadd.s32 $0xFFFFE000  }
0x4e: {  	[spmem:s3] =	stream.indirect.scatter.add.f32 [tilespmem:s16], [sflag:$0x5], $0x40, s14, s15, $0xb8;
	[tilespmem:$0x1C000] =	vst v63  }
0x4f: {  	_ =	swait.ge [sflag:s13], $0x2000  }
0x50: {  	[sflag:s13] =	ssyncset.done $0x0  }
0x51: {  	s1 =	simm.s32 $0x200;
	[sflag:s13] =	ssyncadd.s32 $0xFFFFE000  }
0x52: {  	[tilespmem:s16], [sflag:$0x1] =	stream.indirect.gather [hbm4b:s5+s15], $0x40, s1, s15, $0xb8;
	[tilespmem:$0x1C000] =	vst v63  }
0x53: {  	_ =	swait.ge [sflag:s23], $0x2000  }
0x54: {  	[sflag:s23] =	ssyncset.done $0x0  }
0x55: {  	s14 =	simm.s32 $0x5080;
	[sflag:s23] =	ssyncadd.s32 $0xFFFFE000  }
0x56: {  	[spmem:s3] =	stream.indirect.scatter.add.f32 [tilespmem:s17], [sflag:$0x5], $0x40, s14, s15, $0xb8;
	[tilespmem:$0x1C000] =	vst v63  }
0x57: {  	_ =	swait.ge [sflag:s13], $0x2000  }
0x58: {  	[sflag:s13] =	ssyncset.done $0x0  }
0x59: {  	s1 =	simm.s32 $0x280;
	[sflag:s13] =	ssyncadd.s32 $0xFFFFE000  }
0x5a: {  	[tilespmem:s17], [sflag:$0x2] =	stream.indirect.gather [hbm4b:s5+s15], $0x40, s1, s15, $0xb8;
	[tilespmem:$0x1C000] =	vst v63  }
0x5b: {  	_ =	swait.ge [sflag:s24], $0x2000  }
0x5c: {  	[sflag:s24] =	ssyncset.done $0x0  }
0x5d: {  	s14 =	simm.s32 $0x5100;
	[sflag:s24] =	ssyncadd.s32 $0xFFFFE000  }
0x5e: {  	[spmem:s3] =	stream.indirect.scatter.add.f32 [tilespmem:s19], [sflag:$0x5], $0x40, s14, s15, $0xb8;
	[tilespmem:$0x1C000] =	vst v63  }
0x5f: {  	_ =	swait.ge [sflag:s13], $0x2000  }
0x60: {  	[sflag:s13] =	ssyncset.done $0x0  }
0x61: {  	s1 =	simm.s32 $0x300;
	[sflag:s13] =	ssyncadd.s32 $0xFFFFE000  }
0x62: {  	[tilespmem:s19], [sflag:$0x3] =	stream.indirect.gather [hbm4b:s5+s15], $0x40, s1, s15, $0xb8;
	[tilespmem:$0x1C000] =	vst v63  }
0x63: {  	_ =	swait.ge [sflag:s25], $0x2000  }
0x64: {  	[sflag:s25] =	ssyncset.done $0x0  }
0x65: {  	s14 =	simm.s32 $0x5180;
	[sflag:s25] =	ssyncadd.s32 $0xFFFFE000  }
0x66: {  	[spmem:s3] =	stream.indirect.scatter.add.f32 [tilespmem:s21], [sflag:$0x5], $0x40, s14, s15, $0xb8;
	[tilespmem:$0x1C000] =	vst v63  }
0x67: {  	_ =	swait.ge [sflag:s13], $0x2000  }
0x68: {  	[sflag:s13] =	ssyncset.done $0x0  }
0x69: {  	s0 =	simm.s32 $0x800;
	s1 =	simm.s32 $0x380;
	[sflag:s13] =	ssyncadd.s32 $0xFFFFE000  }
.LBB2_6:
0x6a: {  	[tilespmem:s21], [sflag:$0x4] =	stream.indirect.gather [hbm4b:s5+s15], $0x40, s1, s15, $0xb8;
	[tilespmem:$0x1C000] =	vst v63  }
0x6b: {  	s1 =	smov.u32 s0  }
0x6c: {  	p1 =	sne.s32 s0, $0x13000;
	s0 =	sadd.s32 $0x800, s0;
	_ =	swait.ge [sflag:s22], $0x2000  }
0x6d: {  	s1 =	sshra.s32 s1, $0x2;
	[sflag:s22] =	ssyncset.done $0x0  }
0x6e: {  	s14 =	sadd.s32 $0x5000, s1;
	[sflag:s22] =	ssyncadd.s32 $0xFFFFE000  }
0x6f: {  	[spmem:s3] =	stream.indirect.scatter.add.f32 [tilespmem:s16], [sflag:$0x5], $0x40, s14, s15, $0xb8;
	[tilespmem:$0x1C000] =	vst v63  }
0x70: {  	_ =	swait.ge [sflag:s13], $0x2000  }
0x71: {  	[sflag:s13] =	ssyncset.done $0x0  }
0x72: {  	s14 =	sadd.s32 $0x200, s1;
	[sflag:s13] =	ssyncadd.s32 $0xFFFFE000  }
0x73: {  	[tilespmem:s16], [sflag:$0x1] =	stream.indirect.gather [hbm4b:s5+s15], $0x40, s14, s15, $0xb8;
	[tilespmem:$0x1C000] =	vst v63  }
0x74: {  	_ =	swait.ge [sflag:s23], $0x2000  }
0x75: {  	[sflag:s23] =	ssyncset.done $0x0  }
0x76: {  	s14 =	sadd.s32 $0x5080, s1;
	[sflag:s23] =	ssyncadd.s32 $0xFFFFE000  }
0x77: {  	[spmem:s3] =	stream.indirect.scatter.add.f32 [tilespmem:s17], [sflag:$0x5], $0x40, s14, s15, $0xb8;
	[tilespmem:$0x1C000] =	vst v63  }
0x78: {  	_ =	swait.ge [sflag:s13], $0x2000  }
0x79: {  	[sflag:s13] =	ssyncset.done $0x0  }
0x7a: {  	s14 =	sadd.s32 $0x280, s1;
	[sflag:s13] =	ssyncadd.s32 $0xFFFFE000  }
0x7b: {  	[tilespmem:s17], [sflag:$0x2] =	stream.indirect.gather [hbm4b:s5+s15], $0x40, s14, s15, $0xb8;
	[tilespmem:$0x1C000] =	vst v63  }
0x7c: {  	_ =	swait.ge [sflag:s24], $0x2000  }
0x7d: {  	[sflag:s24] =	ssyncset.done $0x0  }
0x7e: {  	s14 =	sadd.s32 $0x5100, s1;
	[sflag:s24] =	ssyncadd.s32 $0xFFFFE000  }
0x7f: {  	[spmem:s3] =	stream.indirect.scatter.add.f32 [tilespmem:s19], [sflag:$0x5], $0x40, s14, s15, $0xb8;
	[tilespmem:$0x1C000] =	vst v63  }
0x80: {  	_ =	swait.ge [sflag:s13], $0x2000  }
0x81: {  	[sflag:s13] =	ssyncset.done $0x0  }
0x82: {  	s14 =	sadd.s32 $0x300, s1;
	[sflag:s13] =	ssyncadd.s32 $0xFFFFE000  }
0x83: {  	[tilespmem:s19], [sflag:$0x3] =	stream.indirect.gather [hbm4b:s5+s15], $0x40, s14, s15, $0xb8;
	[tilespmem:$0x1C000] =	vst v63  }
0x84: {  	_ =	swait.ge [sflag:s25], $0x2000  }
0x85: {  	[sflag:s25] =	ssyncset.done $0x0  }
.Ltmp3:
0x86: {  	s14 =	sadd.s32 $0x5180, s1;
	[sflag:s25] =	ssyncadd.s32 $0xFFFFE000;
	(pc) =	sbr.rel @p1 .LBB2_6-.Ltmp3, $4  }
0x87: {  	[spmem:s3] =	stream.indirect.scatter.add.f32 [tilespmem:s21], [sflag:$0x5], $0x40, s14, s15, $0xb8;
	[tilespmem:$0x1C000] =	vst v63  }
0x88: {  	_ =	swait.ge [sflag:s13], $0x2000  }
0x89: {  	[sflag:s13] =	ssyncset.done $0x0  }
0x8a: {  	s1 =	sadd.s32 $0x380, s1;
	[sflag:s13] =	ssyncadd.s32 $0xFFFFE000  }
.Ltmp4:
0x8b: {  	_ = 	snop;
	(pc) =	sbr.rel .LBB2_7-.Ltmp4, $1  }
0x8c: {  	_ =	sdelay $0x3  }
.LBB2_2:
0x8d: {  	[tilespmem:s16], [sflag:$0x1] =	stream.indirect.gather [hbm4b:s2+s15], $0x40, s0, s15, $0xb8;
	[tilespmem:$0x1C000] =	vst v63  }
0x8e: {  	_ = 	snop  }
0x8f: {  	[tilespmem:s17], [sflag:$0x2] =	stream.indirect.gather [hbm4b:s2+s15], $0x40, s15, s15, $0xb8;
	[tilespmem:$0x1C000] =	vst v63  }
0x90: {  	_ = 	snop  }
0x91: {  	[tilespmem:s19], [sflag:$0x3] =	stream.indirect.gather [hbm4b:s2+s15], $0x40, s18, s15, $0xb8;
	[tilespmem:$0x1C000] =	vst v63  }
0x92: {  	_ = 	snop  }
0x93: {  	[tilespmem:s21], [sflag:$0x4] =	stream.indirect.gather [hbm4b:s2+s15], $0x40, s20, s15, $0xb8;
	[tilespmem:$0x1C000] =	vst v63  }
0x94: {  	_ =	swait.ge [sflag:s22], $0x2000  }
0x95: {  	[sflag:s22] =	ssyncset.done $0x0  }
0x96: {  	s14 =	simm.s32 $0x5000;
	[sflag:s22] =	ssyncadd.s32 $0xFFFFE000  }
0x97: {  	[spmem:s3] =	stream.indirect.scatter.add.f32 [tilespmem:s16], [sflag:$0x5], $0x40, s14, s15, $0xb8;
	[tilespmem:$0x1C000] =	vst v63  }
0x98: {  	_ =	swait.ge [sflag:s13], $0x2000  }
0x99: {  	[sflag:s13] =	ssyncset.done $0x0  }
0x9a: {  	s1 =	simm.s32 $0x200;
	[sflag:s13] =	ssyncadd.s32 $0xFFFFE000  }
0x9b: {  	[tilespmem:s16], [sflag:$0x1] =	stream.indirect.gather [hbm4b:s2+s15], $0x40, s1, s15, $0xb8;
	[tilespmem:$0x1C000] =	vst v63  }
0x9c: {  	_ =	swait.ge [sflag:s23], $0x2000  }
0x9d: {  	[sflag:s23] =	ssyncset.done $0x0  }
0x9e: {  	s14 =	simm.s32 $0x5080;
	[sflag:s23] =	ssyncadd.s32 $0xFFFFE000  }
0x9f: {  	[spmem:s3] =	stream.indirect.scatter.add.f32 [tilespmem:s17], [sflag:$0x5], $0x40, s14, s15, $0xb8;
	[tilespmem:$0x1C000] =	vst v63  }
0xa0: {  	_ =	swait.ge [sflag:s13], $0x2000  }
0xa1: {  	[sflag:s13] =	ssyncset.done $0x0  }
0xa2: {  	s1 =	simm.s32 $0x280;
	[sflag:s13] =	ssyncadd.s32 $0xFFFFE000  }
0xa3: {  	[tilespmem:s17], [sflag:$0x2] =	stream.indirect.gather [hbm4b:s2+s15], $0x40, s1, s15, $0xb8;
	[tilespmem:$0x1C000] =	vst v63  }
0xa4: {  	_ =	swait.ge [sflag:s24], $0x2000  }
0xa5: {  	[sflag:s24] =	ssyncset.done $0x0  }
0xa6: {  	s14 =	simm.s32 $0x5100;
	[sflag:s24] =	ssyncadd.s32 $0xFFFFE000  }
0xa7: {  	[spmem:s3] =	stream.indirect.scatter.add.f32 [tilespmem:s19], [sflag:$0x5], $0x40, s14, s15, $0xb8;
	[tilespmem:$0x1C000] =	vst v63  }
0xa8: {  	_ =	swait.ge [sflag:s13], $0x2000  }
0xa9: {  	[sflag:s13] =	ssyncset.done $0x0  }
0xaa: {  	s1 =	simm.s32 $0x300;
	[sflag:s13] =	ssyncadd.s32 $0xFFFFE000  }
0xab: {  	[tilespmem:s19], [sflag:$0x3] =	stream.indirect.gather [hbm4b:s2+s15], $0x40, s1, s15, $0xb8;
	[tilespmem:$0x1C000] =	vst v63  }
0xac: {  	_ =	swait.ge [sflag:s25], $0x2000  }
0xad: {  	[sflag:s25] =	ssyncset.done $0x0  }
0xae: {  	s14 =	simm.s32 $0x5180;
	[sflag:s25] =	ssyncadd.s32 $0xFFFFE000  }
0xaf: {  	[spmem:s3] =	stream.indirect.scatter.add.f32 [tilespmem:s21], [sflag:$0x5], $0x40, s14, s15, $0xb8;
	[tilespmem:$0x1C000] =	vst v63  }
0xb0: {  	_ =	swait.ge [sflag:s13], $0x2000  }
0xb1: {  	[sflag:s13] =	ssyncset.done $0x0  }
0xb2: {  	s0 =	simm.s32 $0x800;
	s1 =	simm.s32 $0x380;
	[sflag:s13] =	ssyncadd.s32 $0xFFFFE000  }
.LBB2_3:
0xb3: {  	[tilespmem:s21], [sflag:$0x4] =	stream.indirect.gather [hbm4b:s2+s15], $0x40, s1, s15, $0xb8;
	[tilespmem:$0x1C000] =	vst v63  }
0xb4: {  	s1 =	smov.u32 s0  }
0xb5: {  	p1 =	seq.s32 s0, $0x13000;
	s0 =	sadd.s32 $0x800, s0;
	_ =	swait.ge [sflag:s22], $0x2000  }
0xb6: {  	s1 =	sshra.s32 s1, $0x2;
	[sflag:s22] =	ssyncset.done $0x0  }
0xb7: {  	s14 =	sadd.s32 $0x5000, s1;
	[sflag:s22] =	ssyncadd.s32 $0xFFFFE000  }
0xb8: {  	[spmem:s3] =	stream.indirect.scatter.add.f32 [tilespmem:s16], [sflag:$0x5], $0x40, s14, s15, $0xb8;
	[tilespmem:$0x1C000] =	vst v63  }
0xb9: {  	_ =	swait.ge [sflag:s13], $0x2000  }
0xba: {  	[sflag:s13] =	ssyncset.done $0x0  }
0xbb: {  	s14 =	sadd.s32 $0x200, s1;
	[sflag:s13] =	ssyncadd.s32 $0xFFFFE000  }
0xbc: {  	[tilespmem:s16], [sflag:$0x1] =	stream.indirect.gather [hbm4b:s2+s15], $0x40, s14, s15, $0xb8;
	[tilespmem:$0x1C000] =	vst v63  }
0xbd: {  	_ =	swait.ge [sflag:s23], $0x2000  }
0xbe: {  	[sflag:s23] =	ssyncset.done $0x0  }
0xbf: {  	s14 =	sadd.s32 $0x5080, s1;
	[sflag:s23] =	ssyncadd.s32 $0xFFFFE000  }
0xc0: {  	[spmem:s3] =	stream.indirect.scatter.add.f32 [tilespmem:s17], [sflag:$0x5], $0x40, s14, s15, $0xb8;
	[tilespmem:$0x1C000] =	vst v63  }
0xc1: {  	_ =	swait.ge [sflag:s13], $0x2000  }
0xc2: {  	[sflag:s13] =	ssyncset.done $0x0  }
0xc3: {  	s14 =	sadd.s32 $0x280, s1;
	[sflag:s13] =	ssyncadd.s32 $0xFFFFE000  }
0xc4: {  	[tilespmem:s17], [sflag:$0x2] =	stream.indirect.gather [hbm4b:s2+s15], $0x40, s14, s15, $0xb8;
	[tilespmem:$0x1C000] =	vst v63  }
0xc5: {  	_ =	swait.ge [sflag:s24], $0x2000  }
0xc6: {  	[sflag:s24] =	ssyncset.done $0x0  }
0xc7: {  	s14 =	sadd.s32 $0x5100, s1;
	[sflag:s24] =	ssyncadd.s32 $0xFFFFE000  }
0xc8: {  	[spmem:s3] =	stream.indirect.scatter.add.f32 [tilespmem:s19], [sflag:$0x5], $0x40, s14, s15, $0xb8;
	[tilespmem:$0x1C000] =	vst v63  }
0xc9: {  	_ =	swait.ge [sflag:s13], $0x2000  }
0xca: {  	[sflag:s13] =	ssyncset.done $0x0  }
0xcb: {  	s14 =	sadd.s32 $0x300, s1;
	[sflag:s13] =	ssyncadd.s32 $0xFFFFE000  }
0xcc: {  	[tilespmem:s19], [sflag:$0x3] =	stream.indirect.gather [hbm4b:s2+s15], $0x40, s14, s15, $0xb8;
	[tilespmem:$0x1C000] =	vst v63  }
0xcd: {  	_ =	swait.ge [sflag:s25], $0x2000  }
0xce: {  	[sflag:s25] =	ssyncset.done $0x0  }
.Ltmp5:
0xcf: {  	s14 =	sadd.s32 $0x5180, s1;
	[sflag:s25] =	ssyncadd.s32 $0xFFFFE000;
	(pc) =	sbr.rel @!p1 .LBB2_3-.Ltmp5, $4  }
0xd0: {  	[spmem:s3] =	stream.indirect.scatter.add.f32 [tilespmem:s21], [sflag:$0x5], $0x40, s14, s15, $0xb8;
	[tilespmem:$0x1C000] =	vst v63  }
0xd1: {  	_ =	swait.ge [sflag:s13], $0x2000  }
0xd2: {  	[sflag:s13] =	ssyncset.done $0x0  }
0xd3: {  	s1 =	sadd.s32 $0x380, s1;
	[sflag:s13] =	ssyncadd.s32 $0xFFFFE000  }
.Ltmp6:
0xd4: {  	(pc) =	sbr.rel .LBB2_8-.Ltmp6, $2  }
0xd5: {  	_ =	sdelay $0x2  }
0xd6: {  	[tilespmem:s21], [sflag:$0x4] =	stream.indirect.gather [hbm4b:s2+s15], $0x40, s1, s15, $0xb8;
	[tilespmem:$0x1C000] =	vst v63  }
.LBB2_9:
0xd7: {  	_ =	sfence.sel $0x180000  }
0xd8: {  	[bflag:$0x0] =	sbarrier.arrive $0xFFFF  }
0xd9: {  	_ =	strace $0x90000050  }
0xda: {  	s0 =	stileid.u32;
	[bflag:$0x2] =	sbarrier.arrive $0xFFFF  }
0xdb: {  	p0 =	sne.s32 s0, $0x0;
	s0 =	rddreg [dreg:$0x3]  }
0xdc: {  	s0 =	sadd.s32 @!p0 $0x100000, s0  }
0xdd: {  	[sflag:s0] =	ssyncadd.tile.s32 @!p0 $0x1;
	_ =	shalt  }
.Lfunc_end2:
_tile_overlayer_lowered:
.L_overlay_start_2:
0xde: {  	(tag) =	ssettag $0x2  }
0xdf: {  	s0 =	rddreg [dreg:$0x0];
	s2 =	stileid.u32  }
0xe0: {  	s1 =	rddreg [dreg:$0x1];
	p0 =	sne.s32 s2, $0x0  }
0xe1: {  	s3 =	rddreg [dreg:$0x2];
	[bflag:$0x3] =	sbarrier.arrive $0xFFFF;
	s2 =	simm.s32 @!p0 $0x1C05  }
0xe2: {  	[timem:s3], [sflag:s2] =	dma.local @!p0 [hbm:s0], s1  }
0xe3: {  	s0 =	simm.s32 @!p0 $0x5  }
0xe4: {  	_ =	swait.ge @!p0 [sflag:s0], s1  }
0xe5: {  	s1 =	ssub.s32 @!p0 $0x0, s1;
	[sflag:s0] =	ssyncset.done @!p0 $0x0  }
0xe6: {  	[sflag:s0] =	ssyncadd.s32 @!p0 s1  }
0xe7: {  	[bflag:$0x3] =	sbarrier.arrive $0xFFFF  }
0xe8: {  	_ =	shalt  }

// kernel: kernel.9.cloned.1.call-start
scs
__scs_entry_jumppad:
0x0: {  	(pc) =	sbr.rel $0x88, $3  }
0x1: {  	(tag) =	ssettag $0x0;
	lr =	simm.s32 $0x1  }
0x2: {  	[smem:$0x3F98] =	sst lr;
	_ =	strace $0xD0000000  }
0x3: {  	_ = 	snop  }
0x4: {  	_ = 	snop  }
0x5: {  	_ = 	snop  }
0x6: {  	_ = 	snop  }
0x7: {  	_ = 	snop  }
__scs_overlays_trampoline_lowered:
0x8: {  	[smem:$0x3FA7] =	sst s0  }
0x9: {  	[smem:$0x3FA8] =	sst s1  }
0xa: {  	[smem:$0x3FA9] =	sst s2  }
0xb: {  	[smem:$0x3FAA] =	sst s3  }
0xc: {  	[smem:$0x3FAB] =	sst s4  }
0xd: {  	[smem:$0x3FAC] =	sst s5  }
0xe: {  	[smem:$0x3FAD] =	sst s6  }
0xf: {  	[smem:$0x3FAE] =	sst s7  }
0x10: {  	[smem:$0x3FAF] =	sst s8  }
0x11: {  	[smem:$0x3FB0] =	sst s9;
	s0 =	simm.s32 @!p0 $0x0  }
0x12: {  	s1 =	sld [smem:$0x3F96];
	s0 =	simm.s32 @p0 $0x1  }
0x13: {  	[smem:$0x3FB1] =	sst s0;
	s0 =	simm.s32 @!p1 $0x0  }
0x14: {  	s2 =	sld [smem:$0x3F95];
	s0 =	simm.s32 @p1 $0x1  }
0x15: {  	[smem:$0x3FB2] =	sst s0;
	s0 =	simm.s32 @!p2 $0x0  }
0x16: {  	s3 =	sld [smem:$0x3FDB];
	s0 =	simm.s32 @p2 $0x1  }
0x17: {  	s4 =	simm.s32 $0x1BF5;
	[smem:$0x3FB4] =	sst s0  }
0x18: {  	s0 =	sld [smem:$0x3F97];
	_ =	swait.ge [sflag:s4], $0x0  }
0x19: {  	s7 =	sld [smem:$0x3F98]  }
0x1a: {  	s8 =	sadd.s32 $0xFFFFE003, lr  }
0x1b: {  	s9 =	sadd.s32 $0xFFFFFEF7, lr;
	s5 =	simm.s32 $0xFFFFFFFF;
	p2 =	slt.u32 s8, $0xFFFFF086  }
0x1c: {  	p1 =	slt.u32 s9, $0xF7A;
	s5 =	simm.s32 @!p2 $0x0  }
0x1d: {  	s5 =	simm.s32 @p1 $0x1;
	p0 =	seq.s32 s7, s2  }
0x1e: {  	s7 =	smul.u32 @!p0 $0xF7A, s2;
	p2 =	seq.s32 @!p0 s5, $0x0  }
0x1f: {  	s9 =	smul.u32 $0xF7A, s1;
	s8 =	simm.s32 @!p0 $0x1BF5;
	p2 =	por !p2, p0  }
0x20: {  	[sflag:s8] =	ssyncset.s32 @!p0 $0xFFFFF086;
	s6 =	sadd.s32 @!p0 s3, s7;
	s7 =	simm.s32 @!p0 $0x108  }
0x21: {  	s3 =	sadd.s32 s3, s9;
	s6 =	sadd.s32 @!p0 $0x88, s6;
	s7 =	simm.s32 @p2 $0x1082  }
0x22: {  	[simem:s7], [sflag:s8] =	dma.local @!p0 [hbm:s6], $0xF7A  }
0x23: {  	s9 =	sor.u32 $0xD0000000, s2;
	s6 =	simm.s32 $0x108;
	_ =	swait.ge @!p0 [sflag:s8], $0x0  }
0x24: {  	s3 =	sadd.s32 $0x88, s3;
	s6 =	simm.s32 @!p1 $0x1082;
	[sflag:s4] =	ssyncset.s32 $0xFFFFF086  }
0x25: {  	[simem:s6], [sflag:s4] =	dma.local [hbm:s3], $0xF7A  }
0x26: {  	[smem:$0x3F98] =	sst s1;
	(tag) =	ssettag s2;
	_ =	strace s9  }
0x27: {  	s1 =	sld [smem:$0x3FA8]  }
0x28: {  	s2 =	sld [smem:$0x3FA9]  }
0x29: {  	s4 =	sld [smem:$0x3FAB]  }
0x2a: {  	p0 =	seq.s32 s5, $0x0;
	s5 =	sld [smem:$0x3FAC]  }
0x2b: {  	s6 =	sld [smem:$0x3FAD]  }
0x2c: {  	s7 =	sld [smem:$0x3FAE]  }
0x2d: {  	s3 =	simm.s32 $0x108;
	s8 =	sld [smem:$0x3FAF]  }
0x2e: {  	s3 =	simm.s32 @!p0 $0x1082;
	s9 =	sld [smem:$0x3FB0]  }
0x2f: {  	lr =	sadd.s32 s0, s3;
	s0 =	sld [smem:$0x3FA7]  }
0x30: {  	s3 =	sld [smem:$0x3FAA]  }
0x31: {  	[smem:$0x3FB3] =	sst s10  }
0x32: {  	s10 =	sld [smem:$0x3FB1];
	_ =	sdelay $0x3  }
0x33: {  	p0 =	seq.s32 s10, $0x1;
	s10 =	sld [smem:$0x3FB3];
	_ =	sdelay $0x3  }
0x34: {  	[smem:$0x3FB3] =	sst s10  }
0x35: {  	s10 =	sld [smem:$0x3FB2];
	_ =	sdelay $0x3  }
0x36: {  	p1 =	seq.s32 s10, $0x1;
	s10 =	sld [smem:$0x3FB3];
	_ =	sdelay $0x3  }
0x37: {  	[smem:$0x3FB3] =	sst s10  }
0x38: {  	s10 =	sld [smem:$0x3FB4]  }
0x39: {  	_ = 	snop;
	(pc) =	sbr.ind lr, $3  }
0x3a: {  	_ = 	snop  }
0x3b: {  	_ = 	snop  }
0x3c: {  	p2 =	seq.s32 s10, $0x1;
	s10 =	sld [smem:$0x3FB3]  }
0x3d: {  	_ =	shalt  }
0x3e: {  	_ =	shalt  }
0x3f: {  	_ =	shalt  }
0x40: {  	_ =	shalt  }
0x41: {  	_ =	shalt  }
0x42: {  	_ =	shalt  }
0x43: {  	_ =	shalt  }
0x44: {  	_ =	shalt  }
0x45: {  	_ =	shalt  }
0x46: {  	_ =	shalt  }
0x47: {  	_ =	shalt  }
0x48: {  	_ =	shalt  }
0x49: {  	_ =	shalt  }
0x4a: {  	_ =	shalt  }
0x4b: {  	_ =	shalt  }
0x4c: {  	_ =	shalt  }
0x4d: {  	_ =	shalt  }
0x4e: {  	_ =	shalt  }
0x4f: {  	_ =	shalt  }
0x50: {  	_ =	shalt  }
0x51: {  	_ =	shalt  }
0x52: {  	_ =	shalt  }
0x53: {  	_ =	shalt  }
0x54: {  	_ =	shalt  }
0x55: {  	_ =	shalt  }
0x56: {  	_ =	shalt  }
0x57: {  	_ =	shalt  }
0x58: {  	_ =	shalt  }
0x59: {  	_ =	shalt  }
0x5a: {  	_ =	shalt  }
0x5b: {  	_ =	shalt  }
0x5c: {  	_ =	shalt  }
0x5d: {  	_ =	shalt  }
0x5e: {  	_ =	shalt  }
0x5f: {  	_ =	shalt  }
0x60: {  	_ =	shalt  }
0x61: {  	_ =	shalt  }
0x62: {  	_ =	shalt  }
0x63: {  	_ =	shalt  }
0x64: {  	_ =	shalt  }
0x65: {  	_ =	shalt  }
0x66: {  	_ =	shalt  }
0x67: {  	_ =	shalt  }
0x68: {  	_ =	shalt  }
0x69: {  	_ =	shalt  }
0x6a: {  	_ =	shalt  }
0x6b: {  	_ =	shalt  }
0x6c: {  	_ =	shalt  }
0x6d: {  	_ =	shalt  }
0x6e: {  	_ =	shalt  }
0x6f: {  	_ =	shalt  }
0x70: {  	_ =	shalt  }
0x71: {  	_ =	shalt  }
0x72: {  	_ =	shalt  }
0x73: {  	_ =	shalt  }
0x74: {  	_ =	shalt  }
0x75: {  	_ =	shalt  }
0x76: {  	_ =	shalt  }
0x77: {  	_ =	shalt  }
0x78: {  	_ =	shalt  }
0x79: {  	_ =	shalt  }
0x7a: {  	_ =	shalt  }
0x7b: {  	_ =	shalt  }
0x7c: {  	_ =	shalt  }
0x7d: {  	_ =	shalt  }
0x7e: {  	_ =	shalt  }
0x7f: {  	_ =	shalt  }
0x80: {  	_ =	shalt  }
0x81: {  	_ =	shalt  }
0x82: {  	_ =	shalt  }
0x83: {  	_ =	shalt  }
0x84: {  	_ =	shalt  }
0x85: {  	_ =	shalt  }
0x86: {  	_ =	shalt  }
0x87: {  	_ =	shalt  }
.Lfunc_end0:
.L_simem_size_0:
called_computation_lowered:
.L_overlay_start_0:
0x88: {  	s2 =	sld [smem:$0x3FD9]  }
0x89: {  	s3 =	sld [smem:$0x3FFE];
	_ =	sdelay $0x1  }
0x8a: {  	s1 =	srdreg.scid  }
0x8b: {  	s0 =	sand.u32 $0x1, s1  }
0x8c: {  	s17 =	sshll.u32 s0, $0xA;
	s2 =	sadd.s32 s3, s2  }
0x8d: {  	s2 =	sadd.s32 s2, s17  }
0x8e: {  	[smem:$0x3FBF] =	sst s2  }
0x8f: {  	_ = 	snop  }
0x90: {  	s2 =	sld [smem:$0x3FD0];
	(tm) =	ssettm $0x1  }
0x91: {  	s18 =	sld [smem:$0x3FFB];
	_ =	sdelay $0x3  }
0x92: {  	_ =	strace s18  }
0x93: {  	s3 =	sld [smem:$0x3FFC];
	_ =	sdelay $0x3  }
0x94: {  	_ =	strace s3  }
0x95: {  	s3 =	sld [smem:$0x3FFD];
	_ =	sdelay $0x3  }
0x96: {  	_ =	strace s3  }
0x97: {  	_ =	strace $0x8FFFFFFF  }
0x98: {  	s19 =	sld [smem:$0x3FDB];
	_ =	sdelay $0x1  }
0x99: {  	s4 =	simm.s32 $_scs_section_size  }
0x9a: {  	s5 =	simm.s32 $_size__tile_overlayer_lowered;
	s6 =	simm.s32 $_tile_overlayer_lowered  }
0x9b: {  	s22 =	simm.s32 $0x1BFF;
	s21 =	sshll.u32 s6, $0x1;
	s3 =	sadd.s32 s4, s19  }
0x9c: {  	s7 =	simm.s32 $0x0;
	s20 =	sshll.u32 s5, $0x1;
	s5 =	sadd.s32 s21, s3  }
0x9d: {  	[timem:s7], [sflag:s22] =	dma.local [hbm:s5], s20  }
0x9e: {  	_ =	swait.ge [sflag:s22], s20  }
0x9f: {  	s4 =	ssub.s32 $0x0, s20;
	[sflag:s22] =	ssyncset.done $0x0  }
0xa0: {  	[sflag:s22] =	ssyncadd.s32 s4;
	_ =	sdelay $0x1  }
0xa1: {  	s23 =	simm.s32 $0x1B8B  }
0xa2: {  	_ =	swait.ge [sflag:s23], $0x1  }
0xa3: {  	[sflag:s23] =	ssyncset.done $0x0  }
0xa4: {  	s25 =	simm.s32 $0x1B8E;
	s24 =	sld [smem:$0x3FFE];
	[sflag:s23] =	ssyncadd.s32 $0xFFFFFFFF  }
0xa5: {  	s26 =	simm.s32 $execute0_lowered;
	[smem:$0x3FD2] =	sst s25  }
0xa6: {  	s5 =	sshll.u32 s26, $0x1;
	_ =	strace $0x80000046;
	[dreg:$0x1] =	wrdreg $0xFFFFFFFF  }
0xa7: {  	s28 =	simm.s32 $_size_execute0_lowered;
	s3 =	sadd.s32 s3, s5;
	[dreg:$0x0] =	wrdreg $0x0  }
0xa8: {  	s5 =	sshll.u32 s28, $0x1;
	[dreg:$0x2] =	wrdreg s3  }
0xa9: {  	[dreg:$0x3] =	wrdreg s5  }
0xaa: {  	[dreg:$0x4] =	wrdreg $0xC0  }
0xab: {  	_ =	task [dreg:s7], $0x5FFFF  }
0xac: {  	[dreg:$0x1] =	wrdreg $0xFFFFFFFF  }
0xad: {  	[dreg:$0x0] =	wrdreg $0x60  }
0xae: {  	[dreg:$0x2] =	wrdreg s2  }
0xaf: {  	[dreg:$0x3] =	wrdreg s24  }
0xb0: {  	[dreg:$0x4] =	wrdreg $0x2B000  }
0xb1: {  	[dreg:$0x5] =	wrdreg $0x9  }
0xb2: {  	_ =	task.clear_ibuf [dreg:s7], $0x6FFFF;
	_ =	strace $0x90000046  }
0xb3: {  	s29 =	simm.s32 $0x9;
	_ =	strace $0x80000048  }
0xb4: {  	_ =	swait.ge [sflag:s29], $0x1  }
0xb5: {  	[sflag:s29] =	ssyncadd.s32 $0xFFFFFFFF  }
0xb6: {  	_ =	strace $0x90000048  }
0xb7: {  	_ =	sfence  }
0xb8: {  	s30 =	sld [smem:$0x0];
	_ =	sdelay $0x2  }
0xb9: {  	s31 =	sshll.u32 s1, $0xD;
	s1 =	sshrl.u32 s1, $0x2  }
0xba: {  	s3 =	sand.u32 $0x4000, s31;
	s1 =	sadd.s32 s1, s30  }
0xbb: {  	s0 =	sor.u32 s3, s0;
	s1 =	sshll.u32 s1, $0x11  }
0xbc: {  	s0 =	sor.u32 s1, s0  }
0xbd: {  	s0 =	sadd.s32 $0x8F2B, s0  }
0xbe: {  	[sflag:s0] =	ssyncadd.remote.s32 $0x1  }
0xbf: {  	_ =	sfence.sel $0xFFFF  }
0xc0: {  	[dreg:$0x0] =	wrdreg $0xFFFFFFFF;
	(pc) =	sbr.abs _section_cstart, $3  }
0xc1: {  	[dreg:$0x1] =	wrdreg $0xFFFFFFFF  }
0xc2: {  	_ =	task.clear_ibuf [dreg:s7], $0x2FFFF;
	_ =	strace $0x9FFFFFFF  }
0xc3: {  	(tm) =	ssettm $0x7FFFFFFF  }
tec
execute0_lowered:
.L_overlay_start_1:
0x0: {  	(tag) =	ssettag $0x1  }
0x1: {  	s5 =	rddreg [dreg:$0x0]  }
0x2: {  	s4 =	rddreg [dreg:$0x1]  }
0x3: {  	s2 =	rddreg [dreg:$0x2]  }
0x4: {  	s0 =	rddreg [dreg:$0x3]  }
0x5: {  	s3 =	simm.s32 $0x0;
	s6 =	srdreg.scid;
	s1 =	stileid.u32  }
0x6: {  	s11 =	simm.s32 $0x2800;
	s14 =	simm.s32 $0x20;
	s15 =	simm.s32 $0x10  }
0x7: {  	s16 =	simm.s32 $0x0;
	[smem:$0x7FF] =	sst s3;
	s7 =	smul.u32 $0x500, s1  }
0x8: {  	s6 =	sand.u32 $0x1, s6;
	s30 =	smul.u32 $0xA00, s1;
	s12 =	sshll.u32 s1, $0x6  }
0x9: {  	_ =	strace $0x80000047;
	s8 =	sshll.u32 s6, $0x7;
	s9 =	sshll.u32 s6, $0x4  }
0xa: {  	s6 =	ssub.s32 $0x2, s6;
	s12 =	sor.u32 $0x1C01, s12;
	s7 =	sor.u32 s8, s7  }
0xb: {  	s29 =	sor.u32 s1, s9;
	s31 =	sshrl.u32 s6, $0x1;
	s9 =	sshrl.u32 s30, $0x2  }
0xc: {  	s7 =	sshrl.u32 s7, $0x3;
	s8 =	smul.u32 $0x500, s29;
	s10 =	ssub.s32 s6, s31  }
0xd: {  	s7 =	sadd.s32 s7, s4;
	s4 =	sadd.s32 s9, s2;
	s9 =	simm.s32 $0x1  }
0xe: {  	s5 =	sadd.s32 s5, s8;
	s6 =	sadd.s32 $0xDA00, s7;
	s7 =	smax.u32 s10, $0x1  }
0xf: {  	v0 =	vimm.f32 $1.000000000e+00;
	v1 =	vimm.f32 $0.0e+00;
	s8 =	simm.s32 $0x2880;
	s10 =	simm.s32 $0x80;
	s13 =	sshrl.u32 s4, $0x3  }
.LBB2_1:
0x10: {  	[tilespmem:$0x2800] =	vst v0  }
0x11: {  	[tilespmem:$0x2810] =	vst v0  }
0x12: {  	[tilespmem:$0x2820] =	vst v0  }
0x13: {  	[tilespmem:$0x2830] =	vst v0  }
0x14: {  	[tilespmem:$0x2840] =	vst v0  }
0x15: {  	[tilespmem:$0x2850] =	vst v0  }
0x16: {  	[tilespmem:$0x2860] =	vst v0  }
0x17: {  	[tilespmem:$0x2870] =	vst v0  }
0x18: {  	[tilespmem:$0x2880] =	vst v1  }
0x19: {  	[tilespmem:$0x2890] =	vst v1  }
0x1a: {  	[tilespmem:$0x28A0] =	vst v1  }
0x1b: {  	[tilespmem:$0x28B0] =	vst v1  }
0x1c: {  	[tilespmem:$0x28C0] =	vst v1  }
0x1d: {  	[tilespmem:$0x28D0] =	vst v1  }
0x1e: {  	[tilespmem:$0x28E0] =	vst v1  }
0x1f: {  	[tilespmem:$0x28F0] =	vst v1  }
0x20: {  	[tilespmem:$0x2900] =	vst v1  }
0x21: {  	[tilespmem:$0x2910] =	vst v1  }
0x22: {  	[tilespmem:$0x2920] =	vst v1  }
0x23: {  	[tilespmem:$0x2930] =	vst v1  }
0x24: {  	[tilespmem:$0x2940] =	vst v1  }
0x25: {  	[tilespmem:$0x2950] =	vst v1  }
0x26: {  	[tilespmem:$0x2960] =	vst v1  }
0x27: {  	[tilespmem:$0x2970] =	vst v1  }
0x28: {  	[tilespmem:$0x2980] =	vst v1  }
0x29: {  	[tilespmem:$0x2990] =	vst v1  }
0x2a: {  	[tilespmem:$0x29A0] =	vst v1  }
0x2b: {  	[tilespmem:$0x29B0] =	vst v1  }
0x2c: {  	[tilespmem:$0x29C0] =	vst v1  }
0x2d: {  	[tilespmem:$0x29D0] =	vst v1  }
0x2e: {  	[tilespmem:$0x29E0] =	vst v1  }
0x2f: {  	[tilespmem:$0x29F0] =	vst v1  }
0x30: {  	[tilespmem:$0x2A00] =	vst v1  }
0x31: {  	[tilespmem:$0x2A10] =	vst v1  }
0x32: {  	[tilespmem:$0x2A20] =	vst v1  }
0x33: {  	[tilespmem:$0x2A30] =	vst v1  }
0x34: {  	[tilespmem:$0x2A40] =	vst v1  }
0x35: {  	[tilespmem:$0x2A50] =	vst v1  }
0x36: {  	[tilespmem:$0x2A60] =	vst v1  }
0x37: {  	[tilespmem:$0x2A70] =	vst v1  }
0x38: {  	[tilespmem:$0x2A80] =	vst v1  }
0x39: {  	[tilespmem:$0x2A90] =	vst v1  }
0x3a: {  	[tilespmem:$0x2AA0] =	vst v1  }
0x3b: {  	[tilespmem:$0x2AB0] =	vst v1  }
0x3c: {  	[tilespmem:$0x2AC0] =	vst v1  }
0x3d: {  	[tilespmem:$0x2AD0] =	vst v1  }
0x3e: {  	[tilespmem:$0x2AE0] =	vst v1  }
0x3f: {  	[tilespmem:$0x2AF0] =	vst v1  }
0x40: {  	[spmem:s4] =	stream.linear.scatter [tilespmem:s8], [sflag:$0x1], $0x280, $0x38;
	[tilespmem:$0x2D80] =	vst v63  }
0x41: {  	_ =	swait.ge [sflag:s9], $0x280  }
0x42: {  	[sflag:s9] =	ssyncset.done $0x0  }
0x43: {  	[sflag:s9] =	ssyncadd.s32 $0xFFFFFD80  }
0x44: {  	[tilespmem:s3], [sflag:$0x1] =	stream.linear.gather [hbm4b:s5+s3], $0x2800, $0x38;
	[tilespmem:$0x2D80] =	vst v63  }
0x45: {  	_ =	swait.ge [sflag:s9], $0x2800  }
0x46: {  	[sflag:s9] =	ssyncset.done $0x0  }
0x47: {  	[sflag:s9] =	ssyncadd.s32 $0xFFFFD800  }
0x48: {  	s17 =	simm.s32 $0x0;
	[bflag:$0x0] =	sbarrier.arrive $0xFFFF  }
0x49: {  	[spmem:s2] =	stream.indirect.scatter.add.f32 [tilespmem:s11], [sflag:$0x1], $0x1, s17, s10, $0xb8;
	[tilespmem:$0x2D80] =	vst v63  }
0x4a: {  	_ =	swait.ge [sflag:s9], $0x80  }
0x4b: {  	s17 =	simm.s32 $0x200;
	[sflag:s9] =	ssyncset.done $0x0  }
.LBB2_2:
0x4c: {  	s18 =	sshra.s32 s17, $0x2;
	[sflag:s9] =	ssyncadd.s32 $0xFFFFFF80;
	p0 =	sne.s32 s17, $0x9E00  }
0x4d: {  	[spmem:s2] =	stream.indirect.scatter.add.f32 [tilespmem:s11], [sflag:$0x1], $0x1, s18, s10, $0xb8;
	[tilespmem:$0x2D80] =	vst v63  }
.Ltmp0:
0x4e: {  	_ = 	snop;
	(pc) =	sbr.rel @p0 .LBB2_2-.Ltmp0, $4  }
0x4f: {  	_ = 	snop  }
0x50: {  	s17 =	sadd.s32 $0x200, s17  }
0x51: {  	_ =	swait.ge [sflag:s9], $0x80  }
0x52: {  	[sflag:s9] =	ssyncset.done $0x0  }
0x53: {  	s16 =	sadd.s32 $0x1, s16  }
0x54: {  	[sflag:s9] =	ssyncadd.s32 $0xFFFFFF80;
	p0 =	sne.s32 s16, s7  }
.Ltmp1:
0x55: {  	[bflag:$0x0] =	sbarrier.arrive $0xFFFF;
	(pc) =	sbr.rel @p0 .LBB2_1-.Ltmp1, $4  }
0x56: {  	[hbm:s6@s14], [sflag:s12] =	dma.strided [spmem:s13@s15], $0x50, s9, $0x10   }
0x57: {  	_ =	swait.ge [sflag:s9], $0x50  }
0x58: {  	[sflag:s9] =	ssyncset.done $0x0  }
0x59: {  	[sflag:s9] =	ssyncadd.s32 $0xFFFFFFB0  }
0x5a: {  	_ =	sfence.sel $0x180000  }
0x5b: {  	[bflag:$0x0] =	sbarrier.arrive $0xFFFF  }
0x5c: {  	p0 =	sne.s32 s1, $0x0;
	_ =	strace $0x90000047  }
0x5d: {  	s0 =	sadd.s32 @!p0 $0x100000, s0;
	[bflag:$0x2] =	sbarrier.arrive $0xFFFF  }
0x5e: {  	[sflag:s0] =	ssyncadd.tile.s32 @!p0 $0x1;
	_ =	shalt  }
.Lfunc_end2:
_tile_overlayer_lowered:
.L_overlay_start_2:
0x5f: {  	(tag) =	ssettag $0x2  }
0x60: {  	s0 =	rddreg [dreg:$0x0];
	s2 =	stileid.u32  }
0x61: {  	s1 =	rddreg [dreg:$0x1];
	p0 =	sne.s32 s2, $0x0  }
0x62: {  	s3 =	rddreg [dreg:$0x2];
	[bflag:$0x3] =	sbarrier.arrive $0xFFFF;
	s2 =	simm.s32 @!p0 $0x1C01  }
0x63: {  	[timem:s3], [sflag:s2] =	dma.local @!p0 [hbm:s0], s1  }
0x64: {  	s0 =	simm.s32 @!p0 $0x1  }
0x65: {  	_ =	swait.ge @!p0 [sflag:s0], s1  }
0x66: {  	s1 =	ssub.s32 @!p0 $0x0, s1;
	[sflag:s0] =	ssyncset.done @!p0 $0x0  }
0x67: {  	[sflag:s0] =	ssyncadd.s32 @!p0 s1  }
0x68: {  	[bflag:$0x3] =	sbarrier.arrive $0xFFFF  }
0x69: {  	_ =	shalt  }

</sc_bundles>
